<compile_context>
chip_gen: v7x
topology: tpu7x:2x2x1
jax: 0.10.2.dev20260603
libtpu: 0.0.44.dev20260713+nightly
codegen_flags: <defaults>
</compile_context>

<pallas_src>
import functools

import jax
import jax.numpy as jnp
from jax import lax
from jax.experimental import pallas as pl
from jax.experimental.pallas import tpu as pltpu
from jax.experimental.pallas import tpu_sc as plsc

N = 10000
NP = 10112
DH = 128
E = 160000
TILES = 16
K = 128
NCHUNK = 80
EPT = NCHUNK * K
GRPS = (48, 32)
GMAX = max(GRPS)
ROWS_PT = NP // TILES


@functools.cache
def _make_sc_agg():
    mesh = plsc.VectorSubcoreMesh(core_axis_name="c", subcore_axis_name="s")
    return pl.kernel(
        _sc_agg_body,
        out_type=(
            jax.ShapeDtypeStruct((NP, DH), jnp.float32),
            jax.ShapeDtypeStruct((NP, DH), jnp.float32),
        ),
        mesh=mesh,
        scratch_types=[
            pltpu.VMEM((EPT,), jnp.int32),
            pltpu.VMEM((GMAX, K), jnp.int32),
            pltpu.VMEM((2 * K, DH), jnp.float32),
            pltpu.VMEM_SHARED((NP, DH), jnp.float32),
            pltpu.SemaphoreType.DMA,
            pltpu.SemaphoreType.DMA,
        ],
    )


def _sc_agg_body(h_lo, h_hi, srcp, dstp, m_lo, m_hi,
                 src_v, dst_v, ring, acc, gs0, gs1):
    gsem = (gs0, gs1)
    c = lax.axis_index("c")
    s = lax.axis_index("s")
    base = s * ROWS_PT

    def first_gather(h_ref):
        pltpu.sync_copy(srcp.at[s], src_v)
        pltpu.async_copy(
            h_ref.at[src_v.at[pl.ds(0, K)]], ring.at[pl.ds(0, K)], gs0)

    @pl.when(c == 0)
    def _():
        first_gather(h_lo)
        pltpu.sync_copy(h_lo.at[pl.ds(base, ROWS_PT)], acc.at[pl.ds(base, ROWS_PT)])

    @pl.when(c == 1)
    def _():
        first_gather(h_hi)
        pltpu.sync_copy(h_hi.at[pl.ds(base, ROWS_PT)], acc.at[pl.ds(base, ROWS_PT)])

    plsc.subcore_barrier()

    def edges(h_ref):
        def slot_buf(slot):
            return ring.at[pl.ds(slot * K, K)]

        def gather(chunk, slot):
            pltpu.async_copy(
                h_ref.at[src_v.at[pl.ds(chunk * K, K)]], slot_buf(slot), gsem[slot])

        def wait_gather(chunk, slot):
            pltpu.make_async_copy(
                h_ref.at[src_v.at[pl.ds(chunk * K, K)]], slot_buf(slot),
                gsem[slot]).wait()

        goff = 0
        for gsize in GRPS:
            pairs = gsize // 2
            pltpu.sync_copy(dstp.at[s, pl.ds(goff, gsize)], dst_v.at[pl.ds(0, gsize)])

            def body(j, carry, goff=goff, pairs=pairs):
                a = goff + 2 * j
                b = a + 1
                gather(b, 1)
                wait_gather(a, 0)
                pltpu.sync_copy(slot_buf(0), acc.at[dst_v.at[2 * j]], add=True)

                @pl.when(a + 2 < NCHUNK)
                def _():
                    gather(a + 2, 0)

                wait_gather(b, 1)
                pltpu.sync_copy(slot_buf(1), acc.at[dst_v.at[2 * j + 1]], add=True)
                return carry

            lax.fori_loop(0, pairs, body, 0)
            goff += gsize

    @pl.when(c == 0)
    def _():
        edges(h_lo)

    @pl.when(c == 1)
    def _():
        edges(h_hi)

    plsc.subcore_barrier()

    @pl.when(c == 0)
    def _():
        pltpu.sync_copy(acc.at[pl.ds(base, ROWS_PT)], m_lo.at[pl.ds(base, ROWS_PT)])

    @pl.when(c == 1)
    def _():
        pltpu.sync_copy(acc.at[pl.ds(base, ROWS_PT)], m_hi.at[pl.ds(base, ROWS_PT)])


def _mlp_body_split(mlo, mhi, w1, b1, w2, b2, olo, ohi):
    m = jnp.concatenate([mlo[...], mhi[...]], axis=1)
    t = jnp.maximum(jnp.dot(m, w1[...], preferred_element_type=jnp.float32) + b1[...], 0.0)
    h = jnp.dot(t, w2[...], preferred_element_type=jnp.float32) + b2[...]
    olo[...] = h[:, :DH]
    ohi[...] = h[:, DH:]


def _mlp_body_final(mlo, mhi, w1, b1, w2, b2, out):
    m = jnp.concatenate([mlo[...], mhi[...]], axis=1)
    t = jnp.maximum(jnp.dot(m, w1[...], preferred_element_type=jnp.float32) + b1[...], 0.0)
    out[...] = jnp.dot(t, w2[...], preferred_element_type=jnp.float32) + b2[...]


_BM = 1264
_W_SPECS = [
    pl.BlockSpec((2 * DH, 2 * DH), lambda i: (0, 0)),
    pl.BlockSpec((1, 2 * DH), lambda i: (0, 0)),
    pl.BlockSpec((2 * DH, 2 * DH), lambda i: (0, 0)),
    pl.BlockSpec((1, 2 * DH), lambda i: (0, 0)),
]

_mlp_split = pl.pallas_call(
    _mlp_body_split,
    grid=(NP // _BM,),
    in_specs=[
        pl.BlockSpec((_BM, DH), lambda i: (i, 0)),
        pl.BlockSpec((_BM, DH), lambda i: (i, 0)),
        *_W_SPECS,
    ],
    out_specs=[
        pl.BlockSpec((_BM, DH), lambda i: (i, 0)),
        pl.BlockSpec((_BM, DH), lambda i: (i, 0)),
    ],
    out_shape=[
        jax.ShapeDtypeStruct((NP, DH), jnp.float32),
        jax.ShapeDtypeStruct((NP, DH), jnp.float32),
    ],
)

_BMF = 1000
_mlp_final = pl.pallas_call(
    _mlp_body_final,
    grid=(N // _BMF,),
    in_specs=[
        pl.BlockSpec((_BMF, DH), lambda i: (i, 0)),
        pl.BlockSpec((_BMF, DH), lambda i: (i, 0)),
        *_W_SPECS,
    ],
    out_specs=pl.BlockSpec((_BMF, 2 * DH), lambda i: (i, 0)),
    out_shape=jax.ShapeDtypeStruct((N, 2 * DH), jnp.float32),
)


def kernel(x, edge_index, W1_0, b1_0, W2_0, b2_0, W1_1, b1_1, W2_1, b2_1,
           W1_2, b1_2, W2_2, b2_2):
    pad = TILES * EPT - E
    srcp = jnp.concatenate(
        [edge_index[0], jnp.zeros((pad,), jnp.int32)]).reshape(TILES, EPT)
    dstp = jnp.concatenate(
        [edge_index[1], jnp.full((pad,), N, jnp.int32)]).reshape(TILES, NCHUNK, K)

    h_lo = jnp.zeros((NP, DH), jnp.float32).at[:N].set(x[:, :DH])
    h_hi = jnp.zeros((NP, DH), jnp.float32).at[:N].set(x[:, DH:])

    params = [
        (W1_0, b1_0.reshape(1, -1), W2_0, b2_0.reshape(1, -1)),
        (W1_1, b1_1.reshape(1, -1), W2_1, b2_1.reshape(1, -1)),
        (W1_2, b1_2.reshape(1, -1), W2_2, b2_2.reshape(1, -1)),
    ]
    for i, (W1, b1, W2, b2) in enumerate(params):
        m_lo, m_hi = _make_sc_agg()(h_lo, h_hi, srcp, dstp)
        if i < 2:
            h_lo, h_hi = _mlp_split(m_lo, m_hi, W1, b1, W2, b2)
        else:
            return _mlp_final(m_lo, m_hi, W1, b1, W2, b2)

# --- scband reference (transcript-rebuilt; emitter-appended) ---
"""Pipeline reference for scband-gin-80719615361179 (READ-ONLY COPY).

The authoritative reference and input builder live on the scoring server;
editing this copy changes nothing except your own understanding.
"""

import jax, jax.numpy as jnp
import numpy as np

N = 10000
E = 160000
D_IN = 256
D_H = 256
NUM_LAYERS = 3


def setup_inputs(seed: int = 0) -> dict:
    key = jax.random.key(seed)
    ks = jax.random.split(key, 2 + 2 * NUM_LAYERS)
    inp = {}
    inp["x"] = jax.random.normal(ks[0], (N, D_IN), dtype=jnp.float32)
    inp["edge_index"] = jax.random.randint(ks[1], (2, E), 0, N, dtype=jnp.int32)
    dims = [D_IN] + [D_H] * NUM_LAYERS
    for i in range(NUM_LAYERS):
        din = dims[i]
        k1 = ks[2 + 2 * i]
        k2 = ks[3 + 2 * i]
        inp[f"W1_{i}"] = jax.random.normal(k1, (din, D_H), dtype=jnp.float32) * (1.0 / np.sqrt(din))
        inp[f"b1_{i}"] = jnp.zeros((D_H,), dtype=jnp.float32)
        inp[f"W2_{i}"] = jax.random.normal(k2, (D_H, D_H), dtype=jnp.float32) * (1.0 / np.sqrt(D_H))
        inp[f"b2_{i}"] = jnp.zeros((D_H,), dtype=jnp.float32)
    return inp


def reference(x, edge_index, W1_0, b1_0, W2_0, b2_0, W1_1, b1_1, W2_1, b2_1, W1_2, b1_2, W2_2, b2_2):
    # GIN with eps=0 (PyG GINConv default): h_i = MLP((1+eps)*x_i + sum_{j->i} x_j)
    # MLP = Linear -> ReLU -> Linear. dropout_rate=0 -> identity between layers.
    params = [(W1_0, b1_0, W2_0, b2_0), (W1_1, b1_1, W2_1, b2_1), (W1_2, b1_2, W2_2, b2_2)]
    src = edge_index[0]
    dst = edge_index[1]
    h = x
    for (W1, b1, W2, b2) in params:
        msg = jnp.take(h, src, axis=0)            # gather source node features
        agg = jnp.zeros_like(h).at[dst].add(msg)  # scatter-add to destination nodes
        m = h + agg                               # (1 + eps) * x + aggregate, eps = 0
        m = jax.nn.relu(m @ W1 + b1)
        h = m @ W2 + b2
    return h

if __name__ == "__main__":
    import jax
    _d = setup_inputs()
    print(jax.jit(kernel)(*tuple(_d.values())))

</pallas_src>

<mosaic_0001>
#map = affine_map<(d0, d1) -> (0, 0)>
#map1 = affine_map<(d0, d1) -> (0, 0, 0)>
module attributes {stable_mosaic.version = 14 : i64} {
  func.func @_sc_agg_body(%arg0: i32, %arg1: i32, %arg2: memref<10112x128xf32, #tpu.memory_space<hbm>>, %arg3: memref<10112x128xf32, #tpu.memory_space<hbm>>, %arg4: memref<16x10240xi32, #tpu.memory_space<hbm>>, %arg5: memref<16x80x128xi32, #tpu.memory_space<hbm>>, %arg6: memref<10112x128xf32, #tpu.memory_space<hbm>>, %arg7: memref<10112x128xf32, #tpu.memory_space<hbm>>, %arg8: memref<10240xi32, #tpu.memory_space<vmem>>, %arg9: memref<48x128xi32, #tpu.memory_space<vmem>>, %arg10: memref<256x128xf32, #tpu.memory_space<vmem>>, %arg11: memref<10112x128xf32, #tpu.memory_space<vmem_shared>>, %arg12: memref<!tpu.dma_semaphore, #tpu.memory_space<semaphore_mem>>, %arg13: memref<!tpu.dma_semaphore, #tpu.memory_space<semaphore_mem>>) attributes {dimension_semantics = [#tpu.dimension_semantics<core_parallel>, #tpu.dimension_semantics<subcore_parallel>], iteration_bounds = array<i64: 2, 16>, scalar_prefetch = 0 : i64, scratch_operands = 6 : i64, tpu.core_type = #tpu.core_type<sc_vector_subcore>, window_params = [{transform_indices = #map}, {transform_indices = #map}, {transform_indices = #map}, {transform_indices = #map1}, {transform_indices = #map}, {transform_indices = #map}]} {
    %mul3A = arith.constant 632 : i32
    %mul3A_0 = arith.muli %arg1, %mul3A : i32
    %eq3A = arith.constant 0 : i32
    %eq3A_1 = arith.cmpi eq, %arg0, %eq3A : i32
    %convert_element_type3A = arith.extui %eq3A_1 : i1 to i32
    %cond3A = arith.constant 0 : i32
    %cond3A_2 = arith.cmpi ne, %convert_element_type3A, %cond3A : i32
    scf.if %cond3A_2 {
      "tpu.region"() ({
        %run_scoped3A = tpu.sem_alloc : memref<!tpu.dma_semaphore, #tpu.memory_space<semaphore_mem>>
        %dma_start3A_36 = arith.constant 0 : i32
        %dma_start3A_37 = tpu.memref_slice %arg4[%arg1, %dma_start3A_36] : memref<16x10240xi32, #tpu.memory_space<hbm>> -> memref<1x10240xi32, #tpu.memory_space<hbm>>
        %dma_start3A_38 = tpu.memref_squeeze %dma_start3A_37 : memref<1x10240xi32, #tpu.memory_space<hbm>> -> memref<10240xi32, #tpu.memory_space<hbm>>
        %dma_start3A_39 = arith.constant 0 : i32
        %dma_start3A_40 = tpu.memref_slice %arg4[%arg1, %dma_start3A_39] : memref<16x10240xi32, #tpu.memory_space<hbm>> -> memref<1x10240xi32, #tpu.memory_space<hbm>>
        %dma_start3A_41 = tpu.memref_squeeze %dma_start3A_40 : memref<1x10240xi32, #tpu.memory_space<hbm>> -> memref<10240xi32, #tpu.memory_space<hbm>>
        tpu.enqueue_dma source(%dma_start3A_41 : memref<10240xi32, #tpu.memory_space<hbm>>) target(%arg8 : memref<10240xi32, #tpu.memory_space<vmem>>) target_semaphore(%run_scoped3A : memref<!tpu.dma_semaphore, #tpu.memory_space<semaphore_mem>>)
        %dma_wait3A = arith.constant 0 : i32
        %dma_wait3A_42 = tpu.memref_slice %arg4[%arg1, %dma_wait3A] : memref<16x10240xi32, #tpu.memory_space<hbm>> -> memref<1x10240xi32, #tpu.memory_space<hbm>>
        %dma_wait3A_43 = tpu.memref_squeeze %dma_wait3A_42 : memref<1x10240xi32, #tpu.memory_space<hbm>> -> memref<10240xi32, #tpu.memory_space<hbm>>
        %dma_wait3A_44 = arith.constant 0 : i32
        %dma_wait3A_45 = tpu.memref_slice %arg4[%arg1, %dma_wait3A_44] : memref<16x10240xi32, #tpu.memory_space<hbm>> -> memref<1x10240xi32, #tpu.memory_space<hbm>>
        %dma_wait3A_46 = tpu.memref_squeeze %dma_wait3A_45 : memref<1x10240xi32, #tpu.memory_space<hbm>> -> memref<10240xi32, #tpu.memory_space<hbm>>
        tpu.wait_dma2 semaphore(%run_scoped3A : memref<!tpu.dma_semaphore, #tpu.memory_space<semaphore_mem>>) src(%dma_wait3A_46 : memref<10240xi32, #tpu.memory_space<hbm>>) dst(%arg8 : memref<10240xi32, #tpu.memory_space<vmem>>)
        tpu.yield
      }) : () -> ()
      %dma_start3A = arith.constant 0 : i32
      %dma_start3A_29 = arith.constant 0 : i32
      %dma_start3A_30 = tpu.memref_slice %arg10[%dma_start3A, %dma_start3A_29] : memref<256x128xf32, #tpu.memory_space<vmem>> -> memref<128x128xf32, #tpu.memory_space<vmem>>
      %dma_start3A_31 = arith.constant 0 : i32
      %dma_start3A_32 = tpu.memref_slice %arg8[%dma_start3A_31] : memref<10240xi32, #tpu.memory_space<vmem>> -> memref<128xi32, #tpu.memory_space<vmem>>
      %dma_start3A_33 = arith.constant 0 : i32
      %dma_start3A_34 = arith.constant 0 : i32
      %dma_start3A_35 = tpu.memref_slice %arg2[%dma_start3A_33, %dma_start3A_34] : memref<10112x128xf32, #tpu.memory_space<hbm>> -> memref<10112x128xf32, #tpu.memory_space<hbm>>
      tpu.enqueue_indirect_dma source(%dma_start3A_35 : memref<10112x128xf32, #tpu.memory_space<hbm>>) target(%dma_start3A_30 : memref<128x128xf32, #tpu.memory_space<vmem>>) offsets(%dma_start3A_32 : memref<128xi32, #tpu.memory_space<vmem>>) semaphore(%arg12 : memref<!tpu.dma_semaphore, #tpu.memory_space<semaphore_mem>>)
      "tpu.region"() ({
        %run_scoped3A = tpu.sem_alloc : memref<!tpu.dma_semaphore, #tpu.memory_space<semaphore_mem>>
        %dma_start3A_36 = arith.constant 0 : i32
        %dma_start3A_37 = tpu.memref_slice %arg11[%mul3A_0, %dma_start3A_36] : memref<10112x128xf32, #tpu.memory_space<vmem_shared>> -> memref<632x128xf32, #tpu.memory_space<vmem_shared>>
        %dma_start3A_38 = arith.constant 0 : i32
        %dma_start3A_39 = tpu.memref_slice %arg2[%mul3A_0, %dma_start3A_38] : memref<10112x128xf32, #tpu.memory_space<hbm>> -> memref<632x128xf32, #tpu.memory_space<hbm>>
        tpu.enqueue_dma source(%dma_start3A_39 : memref<632x128xf32, #tpu.memory_space<hbm>>) target(%dma_start3A_37 : memref<632x128xf32, #tpu.memory_space<vmem_shared>>) target_semaphore(%run_scoped3A : memref<!tpu.dma_semaphore, #tpu.memory_space<semaphore_mem>>)
        %dma_wait3A = arith.constant 0 : i32
        %dma_wait3A_40 = tpu.memref_slice %arg11[%mul3A_0, %dma_wait3A] : memref<10112x128xf32, #tpu.memory_space<vmem_shared>> -> memref<632x128xf32, #tpu.memory_space<vmem_shared>>
        %dma_wait3A_41 = arith.constant 0 : i32
        %dma_wait3A_42 = tpu.memref_slice %arg2[%mul3A_0, %dma_wait3A_41] : memref<10112x128xf32, #tpu.memory_space<hbm>> -> memref<632x128xf32, #tpu.memory_space<hbm>>
        tpu.wait_dma2 semaphore(%run_scoped3A : memref<!tpu.dma_semaphore, #tpu.memory_space<semaphore_mem>>) src(%dma_wait3A_42 : memref<632x128xf32, #tpu.memory_space<hbm>>) dst(%dma_wait3A_40 : memref<632x128xf32, #tpu.memory_space<vmem_shared>>)
        tpu.yield
      }) : () -> ()
    } else {
    }
    %eq3A_3 = arith.constant 1 : i32
    %eq3A_4 = arith.cmpi eq, %arg0, %eq3A_3 : i32
    %convert_element_type3A_5 = arith.extui %eq3A_4 : i1 to i32
    %cond3A_6 = arith.constant 0 : i32
    %cond3A_7 = arith.cmpi ne, %convert_element_type3A_5, %cond3A_6 : i32
    scf.if %cond3A_7 {
      "tpu.region"() ({
        %run_scoped3A = tpu.sem_alloc : memref<!tpu.dma_semaphore, #tpu.memory_space<semaphore_mem>>
        %dma_start3A_36 = arith.constant 0 : i32
        %dma_start3A_37 = tpu.memref_slice %arg4[%arg1, %dma_start3A_36] : memref<16x10240xi32, #tpu.memory_space<hbm>> -> memref<1x10240xi32, #tpu.memory_space<hbm>>
        %dma_start3A_38 = tpu.memref_squeeze %dma_start3A_37 : memref<1x10240xi32, #tpu.memory_space<hbm>> -> memref<10240xi32, #tpu.memory_space<hbm>>
        %dma_start3A_39 = arith.constant 0 : i32
        %dma_start3A_40 = tpu.memref_slice %arg4[%arg1, %dma_start3A_39] : memref<16x10240xi32, #tpu.memory_space<hbm>> -> memref<1x10240xi32, #tpu.memory_space<hbm>>
        %dma_start3A_41 = tpu.memref_squeeze %dma_start3A_40 : memref<1x10240xi32, #tpu.memory_space<hbm>> -> memref<10240xi32, #tpu.memory_space<hbm>>
        tpu.enqueue_dma source(%dma_start3A_41 : memref<10240xi32, #tpu.memory_space<hbm>>) target(%arg8 : memref<10240xi32, #tpu.memory_space<vmem>>) target_semaphore(%run_scoped3A : memref<!tpu.dma_semaphore, #tpu.memory_space<semaphore_mem>>)
        %dma_wait3A = arith.constant 0 : i32
        %dma_wait3A_42 = tpu.memref_slice %arg4[%arg1, %dma_wait3A] : memref<16x10240xi32, #tpu.memory_space<hbm>> -> memref<1x10240xi32, #tpu.memory_space<hbm>>
        %dma_wait3A_43 = tpu.memref_squeeze %dma_wait3A_42 : memref<1x10240xi32, #tpu.memory_space<hbm>> -> memref<10240xi32, #tpu.memory_space<hbm>>
        %dma_wait3A_44 = arith.constant 0 : i32
        %dma_wait3A_45 = tpu.memref_slice %arg4[%arg1, %dma_wait3A_44] : memref<16x10240xi32, #tpu.memory_space<hbm>> -> memref<1x10240xi32, #tpu.memory_space<hbm>>
        %dma_wait3A_46 = tpu.memref_squeeze %dma_wait3A_45 : memref<1x10240xi32, #tpu.memory_space<hbm>> -> memref<10240xi32, #tpu.memory_space<hbm>>
        tpu.wait_dma2 semaphore(%run_scoped3A : memref<!tpu.dma_semaphore, #tpu.memory_space<semaphore_mem>>) src(%dma_wait3A_46 : memref<10240xi32, #tpu.memory_space<hbm>>) dst(%arg8 : memref<10240xi32, #tpu.memory_space<vmem>>)
        tpu.yield
      }) : () -> ()
      %dma_start3A = arith.constant 0 : i32
      %dma_start3A_29 = arith.constant 0 : i32
      %dma_start3A_30 = tpu.memref_slice %arg10[%dma_start3A, %dma_start3A_29] : memref<256x128xf32, #tpu.memory_space<vmem>> -> memref<128x128xf32, #tpu.memory_space<vmem>>
      %dma_start3A_31 = arith.constant 0 : i32
      %dma_start3A_32 = tpu.memref_slice %arg8[%dma_start3A_31] : memref<10240xi32, #tpu.memory_space<vmem>> -> memref<128xi32, #tpu.memory_space<vmem>>
      %dma_start3A_33 = arith.constant 0 : i32
      %dma_start3A_34 = arith.constant 0 : i32
      %dma_start3A_35 = tpu.memref_slice %arg3[%dma_start3A_33, %dma_start3A_34] : memref<10112x128xf32, #tpu.memory_space<hbm>> -> memref<10112x128xf32, #tpu.memory_space<hbm>>
      tpu.enqueue_indirect_dma source(%dma_start3A_35 : memref<10112x128xf32, #tpu.memory_space<hbm>>) target(%dma_start3A_30 : memref<128x128xf32, #tpu.memory_space<vmem>>) offsets(%dma_start3A_32 : memref<128xi32, #tpu.memory_space<vmem>>) semaphore(%arg12 : memref<!tpu.dma_semaphore, #tpu.memory_space<semaphore_mem>>)
      "tpu.region"() ({
        %run_scoped3A = tpu.sem_alloc : memref<!tpu.dma_semaphore, #tpu.memory_space<semaphore_mem>>
        %dma_start3A_36 = arith.constant 0 : i32
        %dma_start3A_37 = tpu.memref_slice %arg11[%mul3A_0, %dma_start3A_36] : memref<10112x128xf32, #tpu.memory_space<vmem_shared>> -> memref<632x128xf32, #tpu.memory_space<vmem_shared>>
        %dma_start3A_38 = arith.constant 0 : i32
        %dma_start3A_39 = tpu.memref_slice %arg3[%mul3A_0, %dma_start3A_38] : memref<10112x128xf32, #tpu.memory_space<hbm>> -> memref<632x128xf32, #tpu.memory_space<hbm>>
        tpu.enqueue_dma source(%dma_start3A_39 : memref<632x128xf32, #tpu.memory_space<hbm>>) target(%dma_start3A_37 : memref<632x128xf32, #tpu.memory_space<vmem_shared>>) target_semaphore(%run_scoped3A : memref<!tpu.dma_semaphore, #tpu.memory_space<semaphore_mem>>)
        %dma_wait3A = arith.constant 0 : i32
        %dma_wait3A_40 = tpu.memref_slice %arg11[%mul3A_0, %dma_wait3A] : memref<10112x128xf32, #tpu.memory_space<vmem_shared>> -> memref<632x128xf32, #tpu.memory_space<vmem_shared>>
        %dma_wait3A_41 = arith.constant 0 : i32
        %dma_wait3A_42 = tpu.memref_slice %arg3[%mul3A_0, %dma_wait3A_41] : memref<10112x128xf32, #tpu.memory_space<hbm>> -> memref<632x128xf32, #tpu.memory_space<hbm>>
        tpu.wait_dma2 semaphore(%run_scoped3A : memref<!tpu.dma_semaphore, #tpu.memory_space<semaphore_mem>>) src(%dma_wait3A_42 : memref<632x128xf32, #tpu.memory_space<hbm>>) dst(%dma_wait3A_40 : memref<632x128xf32, #tpu.memory_space<vmem_shared>>)
        tpu.yield
      }) : () -> ()
    } else {
    }
    %barrier3A = arith.constant 0 : index
    tpu.barrier barrier_id(%barrier3A)
    %eq3A_8 = arith.constant 0 : i32
    %eq3A_9 = arith.cmpi eq, %arg0, %eq3A_8 : i32
    %convert_element_type3A_10 = arith.extui %eq3A_9 : i1 to i32
    %cond3A_11 = arith.constant 0 : i32
    %cond3A_12 = arith.cmpi ne, %convert_element_type3A_10, %cond3A_11 : i32
    scf.if %cond3A_12 {
      "tpu.region"() ({
        %run_scoped3A = tpu.sem_alloc : memref<!tpu.dma_semaphore, #tpu.memory_space<semaphore_mem>>
        %dma_start3A = arith.constant 0 : i32
        %dma_start3A_40 = arith.constant 0 : i32
        %dma_start3A_41 = tpu.memref_slice %arg9[%dma_start3A, %dma_start3A_40] : memref<48x128xi32, #tpu.memory_space<vmem>> -> memref<48x128xi32, #tpu.memory_space<vmem>>
        %dma_start3A_42 = arith.constant 0 : i32
        %dma_start3A_43 = arith.constant 0 : i32
        %dma_start3A_44 = tpu.memref_slice %arg5[%arg1, %dma_start3A_42, %dma_start3A_43] : memref<16x80x128xi32, #tpu.memory_space<hbm>> -> memref<1x48x128xi32, #tpu.memory_space<hbm>>
        %dma_start3A_45 = tpu.memref_squeeze %dma_start3A_44 : memref<1x48x128xi32, #tpu.memory_space<hbm>> -> memref<48x128xi32, #tpu.memory_space<hbm>>
        %dma_start3A_46 = arith.constant 0 : i32
        %dma_start3A_47 = arith.constant 0 : i32
        %dma_start3A_48 = tpu.memref_slice %arg9[%dma_start3A_46, %dma_start3A_47] : memref<48x128xi32, #tpu.memory_space<vmem>> -> memref<48x128xi32, #tpu.memory_space<vmem>>
        %dma_start3A_49 = arith.constant 0 : i32
        %dma_start3A_50 = arith.constant 0 : i32
        %dma_start3A_51 = tpu.memref_slice %arg5[%arg1, %dma_start3A_49, %dma_start3A_50] : memref<16x80x128xi32, #tpu.memory_space<hbm>> -> memref<1x48x128xi32, #tpu.memory_space<hbm>>
        %dma_start3A_52 = tpu.memref_squeeze %dma_start3A_51 : memref<1x48x128xi32, #tpu.memory_space<hbm>> -> memref<48x128xi32, #tpu.memory_space<hbm>>
        tpu.enqueue_dma source(%dma_start3A_52 : memref<48x128xi32, #tpu.memory_space<hbm>>) target(%dma_start3A_48 : memref<48x128xi32, #tpu.memory_space<vmem>>) target_semaphore(%run_scoped3A : memref<!tpu.dma_semaphore, #tpu.memory_space<semaphore_mem>>)
        %dma_wait3A = arith.constant 0 : i32
        %dma_wait3A_53 = arith.constant 0 : i32
        %dma_wait3A_54 = tpu.memref_slice %arg9[%dma_wait3A, %dma_wait3A_53] : memref<48x128xi32, #tpu.memory_space<vmem>> -> memref<48x128xi32, #tpu.memory_space<vmem>>
        %dma_wait3A_55 = arith.constant 0 : i32
        %dma_wait3A_56 = arith.constant 0 : i32
        %dma_wait3A_57 = tpu.memref_slice %arg5[%arg1, %dma_wait3A_55, %dma_wait3A_56] : memref<16x80x128xi32, #tpu.memory_space<hbm>> -> memref<1x48x128xi32, #tpu.memory_space<hbm>>
        %dma_wait3A_58 = tpu.memref_squeeze %dma_wait3A_57 : memref<1x48x128xi32, #tpu.memory_space<hbm>> -> memref<48x128xi32, #tpu.memory_space<hbm>>
        %dma_wait3A_59 = arith.constant 0 : i32
        %dma_wait3A_60 = arith.constant 0 : i32
        %dma_wait3A_61 = tpu.memref_slice %arg9[%dma_wait3A_59, %dma_wait3A_60] : memref<48x128xi32, #tpu.memory_space<vmem>> -> memref<48x128xi32, #tpu.memory_space<vmem>>
        %dma_wait3A_62 = arith.constant 0 : i32
        %dma_wait3A_63 = arith.constant 0 : i32
        %dma_wait3A_64 = tpu.memref_slice %arg5[%arg1, %dma_wait3A_62, %dma_wait3A_63] : memref<16x80x128xi32, #tpu.memory_space<hbm>> -> memref<1x48x128xi32, #tpu.memory_space<hbm>>
        %dma_wait3A_65 = tpu.memref_squeeze %dma_wait3A_64 : memref<1x48x128xi32, #tpu.memory_space<hbm>> -> memref<48x128xi32, #tpu.memory_space<hbm>>
        tpu.wait_dma2 semaphore(%run_scoped3A : memref<!tpu.dma_semaphore, #tpu.memory_space<semaphore_mem>>) src(%dma_wait3A_65 : memref<48x128xi32, #tpu.memory_space<hbm>>) dst(%dma_wait3A_61 : memref<48x128xi32, #tpu.memory_space<vmem>>)
        tpu.yield
      }) : () -> ()
      %scan3A = arith.constant 0 : i32
      %scan3A_29 = arith.constant 0 : i32
      %scan3A_30 = arith.constant 24 : i32
      %scan3A_31 = arith.addi %scan3A_29, %scan3A_30 : i32
      %scan3A_32 = arith.constant 1 : i32
      scf.for %scan3A_40 = %scan3A_29 to %scan3A_31 step %scan3A_32  : i32 {
        %mul3A_41 = arith.constant 2 : i32
        %mul3A_42 = arith.muli %mul3A_41, %scan3A_40 : i32
        %add3A = arith.constant 0 : i32
        %add3A_43 = arith.addi %add3A, %mul3A_42 : i32
        %add3A_44 = arith.constant 1 : i32
        %add3A_45 = arith.addi %add3A_43, %add3A_44 : i32
        %mul3A_46 = arith.constant 128 : i32
        %mul3A_47 = arith.muli %add3A_45, %mul3A_46 : i32
        %dma_start3A = arith.constant 128 : i32
        %dma_start3A_48 = arith.constant 0 : i32
        %dma_start3A_49 = tpu.memref_slice %arg10[%dma_start3A, %dma_start3A_48] : memref<256x128xf32, #tpu.memory_space<vmem>> -> memref<128x128xf32, #tpu.memory_space<vmem>>
        %dma_start3A_50 = tpu.memref_slice %arg8[%mul3A_47] : memref<10240xi32, #tpu.memory_space<vmem>> -> memref<128xi32, #tpu.memory_space<vmem>>
        %dma_start3A_51 = arith.constant 0 : i32
        %dma_start3A_52 = arith.constant 0 : i32
        %dma_start3A_53 = tpu.memref_slice %arg2[%dma_start3A_51, %dma_start3A_52] : memref<10112x128xf32, #tpu.memory_space<hbm>> -> memref<10112x128xf32, #tpu.memory_space<hbm>>
        tpu.enqueue_indirect_dma source(%dma_start3A_53 : memref<10112x128xf32, #tpu.memory_space<hbm>>) target(%dma_start3A_49 : memref<128x128xf32, #tpu.memory_space<vmem>>) offsets(%dma_start3A_50 : memref<128xi32, #tpu.memory_space<vmem>>) semaphore(%arg13 : memref<!tpu.dma_semaphore, #tpu.memory_space<semaphore_mem>>)
        %mul3A_54 = arith.constant 128 : i32
        %mul3A_55 = arith.muli %add3A_43, %mul3A_54 : i32
        %dma_wait3A = arith.constant 0 : i32
        %dma_wait3A_56 = arith.constant 0 : i32
        %dma_wait3A_57 = tpu.memref_slice %arg10[%dma_wait3A, %dma_wait3A_56] : memref<256x128xf32, #tpu.memory_space<vmem>> -> memref<128x128xf32, #tpu.memory_space<vmem>>
        %dma_wait3A_58 = tpu.memref_slice %arg8[%mul3A_55] : memref<10240xi32, #tpu.memory_space<vmem>> -> memref<128xi32, #tpu.memory_space<vmem>>
        %dma_wait3A_59 = arith.constant 0 : i32
        %dma_wait3A_60 = arith.constant 0 : i32
        %dma_wait3A_61 = tpu.memref_slice %arg2[%dma_wait3A_59, %dma_wait3A_60] : memref<10112x128xf32, #tpu.memory_space<hbm>> -> memref<10112x128xf32, #tpu.memory_space<hbm>>
        tpu.wait_indirect_dma semaphore(%arg12 : memref<!tpu.dma_semaphore, #tpu.memory_space<semaphore_mem>>) src(%dma_wait3A_61 : memref<10112x128xf32, #tpu.memory_space<hbm>>) dst(%dma_wait3A_57 : memref<128x128xf32, #tpu.memory_space<vmem>>)
        %mul3A_62 = arith.constant 2 : i32
        %mul3A_63 = arith.muli %mul3A_62, %scan3A_40 : i32
        "tpu.region"() ({
          %run_scoped3A = tpu.sem_alloc : memref<!tpu.dma_semaphore, #tpu.memory_space<semaphore_mem>>
          %dma_start3A_83 = arith.constant 0 : i32
          %dma_start3A_84 = arith.constant 0 : i32
          %dma_start3A_85 = tpu.memref_slice %arg10[%dma_start3A_83, %dma_start3A_84] : memref<256x128xf32, #tpu.memory_space<vmem>> -> memref<128x128xf32, #tpu.memory_space<vmem>>
          %dma_start3A_86 = arith.constant 0 : i32
          %dma_start3A_87 = tpu.memref_slice %arg9[%mul3A_63, %dma_start3A_86] : memref<48x128xi32, #tpu.memory_space<vmem>> -> memref<1x128xi32, #tpu.memory_space<vmem>>
          %dma_start3A_88 = tpu.memref_squeeze %dma_start3A_87 : memref<1x128xi32, #tpu.memory_space<vmem>> -> memref<128xi32, #tpu.memory_space<vmem>>
          %dma_start3A_89 = arith.constant 0 : i32
          %dma_start3A_90 = arith.constant 0 : i32
          %dma_start3A_91 = tpu.memref_slice %arg11[%dma_start3A_89, %dma_start3A_90] : memref<10112x128xf32, #tpu.memory_space<vmem_shared>> -> memref<10112x128xf32, #tpu.memory_space<vmem_shared>>
          tpu.enqueue_indirect_dma source(%dma_start3A_85 : memref<128x128xf32, #tpu.memory_space<vmem>>) target(%dma_start3A_91 : memref<10112x128xf32, #tpu.memory_space<vmem_shared>>) offsets(%dma_start3A_88 : memref<128xi32, #tpu.memory_space<vmem>>) semaphore(%run_scoped3A : memref<!tpu.dma_semaphore, #tpu.memory_space<semaphore_mem>>) {add = true}
          %dma_wait3A_92 = arith.constant 0 : i32
          %dma_wait3A_93 = arith.constant 0 : i32
          %dma_wait3A_94 = tpu.memref_slice %arg10[%dma_wait3A_92, %dma_wait3A_93] : memref<256x128xf32, #tpu.memory_space<vmem>> -> memref<128x128xf32, #tpu.memory_space<vmem>>
          %dma_wait3A_95 = arith.constant 0 : i32
          %dma_wait3A_96 = tpu.memref_slice %arg9[%mul3A_63, %dma_wait3A_95] : memref<48x128xi32, #tpu.memory_space<vmem>> -> memref<1x128xi32, #tpu.memory_space<vmem>>
          %dma_wait3A_97 = tpu.memref_squeeze %dma_wait3A_96 : memref<1x128xi32, #tpu.memory_space<vmem>> -> memref<128xi32, #tpu.memory_space<vmem>>
          %dma_wait3A_98 = arith.constant 0 : i32
          %dma_wait3A_99 = arith.constant 0 : i32
          %dma_wait3A_100 = tpu.memref_slice %arg11[%dma_wait3A_98, %dma_wait3A_99] : memref<10112x128xf32, #tpu.memory_space<vmem_shared>> -> memref<10112x128xf32, #tpu.memory_space<vmem_shared>>
          tpu.wait_indirect_dma semaphore(%run_scoped3A : memref<!tpu.dma_semaphore, #tpu.memory_space<semaphore_mem>>) src(%dma_wait3A_94 : memref<128x128xf32, #tpu.memory_space<vmem>>) dst(%dma_wait3A_100 : memref<10112x128xf32, #tpu.memory_space<vmem_shared>>)
          tpu.yield
        }) : () -> ()
        %add3A_64 = arith.constant 2 : i32
        %add3A_65 = arith.addi %add3A_43, %add3A_64 : i32
        %lt3A = arith.constant 80 : i32
        %lt3A_66 = arith.cmpi slt, %add3A_65, %lt3A : i32
        %convert_element_type3A_67 = arith.extui %lt3A_66 : i1 to i32
        %cond3A_68 = arith.constant 0 : i32
        %cond3A_69 = arith.cmpi ne, %convert_element_type3A_67, %cond3A_68 : i32
        scf.if %cond3A_69 {
          %add3A_83 = arith.constant 2 : i32
          %add3A_84 = arith.addi %add3A_43, %add3A_83 : i32
          %mul3A_85 = arith.constant 128 : i32
          %mul3A_86 = arith.muli %add3A_84, %mul3A_85 : i32
          %dma_start3A_87 = arith.constant 0 : i32
          %dma_start3A_88 = arith.constant 0 : i32
          %dma_start3A_89 = tpu.memref_slice %arg10[%dma_start3A_87, %dma_start3A_88] : memref<256x128xf32, #tpu.memory_space<vmem>> -> memref<128x128xf32, #tpu.memory_space<vmem>>
          %dma_start3A_90 = tpu.memref_slice %arg8[%mul3A_86] : memref<10240xi32, #tpu.memory_space<vmem>> -> memref<128xi32, #tpu.memory_space<vmem>>
          %dma_start3A_91 = arith.constant 0 : i32
          %dma_start3A_92 = arith.constant 0 : i32
          %dma_start3A_93 = tpu.memref_slice %arg2[%dma_start3A_91, %dma_start3A_92] : memref<10112x128xf32, #tpu.memory_space<hbm>> -> memref<10112x128xf32, #tpu.memory_space<hbm>>
          tpu.enqueue_indirect_dma source(%dma_start3A_93 : memref<10112x128xf32, #tpu.memory_space<hbm>>) target(%dma_start3A_89 : memref<128x128xf32, #tpu.memory_space<vmem>>) offsets(%dma_start3A_90 : memref<128xi32, #tpu.memory_space<vmem>>) semaphore(%arg12 : memref<!tpu.dma_semaphore, #tpu.memory_space<semaphore_mem>>)
        } else {
        }
        %mul3A_70 = arith.constant 128 : i32
        %mul3A_71 = arith.muli %add3A_45, %mul3A_70 : i32
        %dma_wait3A_72 = arith.constant 128 : i32
        %dma_wait3A_73 = arith.constant 0 : i32
        %dma_wait3A_74 = tpu.memref_slice %arg10[%dma_wait3A_72, %dma_wait3A_73] : memref<256x128xf32, #tpu.memory_space<vmem>> -> memref<128x128xf32, #tpu.memory_space<vmem>>
        %dma_wait3A_75 = tpu.memref_slice %arg8[%mul3A_71] : memref<10240xi32, #tpu.memory_space<vmem>> -> memref<128xi32, #tpu.memory_space<vmem>>
        %dma_wait3A_76 = arith.constant 0 : i32
        %dma_wait3A_77 = arith.constant 0 : i32
        %dma_wait3A_78 = tpu.memref_slice %arg2[%dma_wait3A_76, %dma_wait3A_77] : memref<10112x128xf32, #tpu.memory_space<hbm>> -> memref<10112x128xf32, #tpu.memory_space<hbm>>
        tpu.wait_indirect_dma semaphore(%arg13 : memref<!tpu.dma_semaphore, #tpu.memory_space<semaphore_mem>>) src(%dma_wait3A_78 : memref<10112x128xf32, #tpu.memory_space<hbm>>) dst(%dma_wait3A_74 : memref<128x128xf32, #tpu.memory_space<vmem>>)
        %mul3A_79 = arith.constant 2 : i32
        %mul3A_80 = arith.muli %mul3A_79, %scan3A_40 : i32
        %add3A_81 = arith.constant 1 : i32
        %add3A_82 = arith.addi %mul3A_80, %add3A_81 : i32
        "tpu.region"() ({
          %run_scoped3A = tpu.sem_alloc : memref<!tpu.dma_semaphore, #tpu.memory_space<semaphore_mem>>
          %dma_start3A_83 = arith.constant 128 : i32
          %dma_start3A_84 = arith.constant 0 : i32
          %dma_start3A_85 = tpu.memref_slice %arg10[%dma_start3A_83, %dma_start3A_84] : memref<256x128xf32, #tpu.memory_space<vmem>> -> memref<128x128xf32, #tpu.memory_space<vmem>>
          %dma_start3A_86 = arith.constant 0 : i32
          %dma_start3A_87 = tpu.memref_slice %arg9[%add3A_82, %dma_start3A_86] : memref<48x128xi32, #tpu.memory_space<vmem>> -> memref<1x128xi32, #tpu.memory_space<vmem>>
          %dma_start3A_88 = tpu.memref_squeeze %dma_start3A_87 : memref<1x128xi32, #tpu.memory_space<vmem>> -> memref<128xi32, #tpu.memory_space<vmem>>
          %dma_start3A_89 = arith.constant 0 : i32
          %dma_start3A_90 = arith.constant 0 : i32
          %dma_start3A_91 = tpu.memref_slice %arg11[%dma_start3A_89, %dma_start3A_90] : memref<10112x128xf32, #tpu.memory_space<vmem_shared>> -> memref<10112x128xf32, #tpu.memory_space<vmem_shared>>
          tpu.enqueue_indirect_dma source(%dma_start3A_85 : memref<128x128xf32, #tpu.memory_space<vmem>>) target(%dma_start3A_91 : memref<10112x128xf32, #tpu.memory_space<vmem_shared>>) offsets(%dma_start3A_88 : memref<128xi32, #tpu.memory_space<vmem>>) semaphore(%run_scoped3A : memref<!tpu.dma_semaphore, #tpu.memory_space<semaphore_mem>>) {add = true}
          %dma_wait3A_92 = arith.constant 128 : i32
          %dma_wait3A_93 = arith.constant 0 : i32
          %dma_wait3A_94 = tpu.memref_slice %arg10[%dma_wait3A_92, %dma_wait3A_93] : memref<256x128xf32, #tpu.memory_space<vmem>> -> memref<128x128xf32, #tpu.memory_space<vmem>>
          %dma_wait3A_95 = arith.constant 0 : i32
          %dma_wait3A_96 = tpu.memref_slice %arg9[%add3A_82, %dma_wait3A_95] : memref<48x128xi32, #tpu.memory_space<vmem>> -> memref<1x128xi32, #tpu.memory_space<vmem>>
          %dma_wait3A_97 = tpu.memref_squeeze %dma_wait3A_96 : memref<1x128xi32, #tpu.memory_space<vmem>> -> memref<128xi32, #tpu.memory_space<vmem>>
          %dma_wait3A_98 = arith.constant 0 : i32
          %dma_wait3A_99 = arith.constant 0 : i32
          %dma_wait3A_100 = tpu.memref_slice %arg11[%dma_wait3A_98, %dma_wait3A_99] : memref<10112x128xf32, #tpu.memory_space<vmem_shared>> -> memref<10112x128xf32, #tpu.memory_space<vmem_shared>>
          tpu.wait_indirect_dma semaphore(%run_scoped3A : memref<!tpu.dma_semaphore, #tpu.memory_space<semaphore_mem>>) src(%dma_wait3A_94 : memref<128x128xf32, #tpu.memory_space<vmem>>) dst(%dma_wait3A_100 : memref<10112x128xf32, #tpu.memory_space<vmem_shared>>)
          tpu.yield
        }) : () -> ()
      }
      %scan3A_33 = arith.constant 24 : i32
      "tpu.region"() ({
        %run_scoped3A = tpu.sem_alloc : memref<!tpu.dma_semaphore, #tpu.memory_space<semaphore_mem>>
        %dma_start3A = arith.constant 0 : i32
        %dma_start3A_40 = arith.constant 0 : i32
        %dma_start3A_41 = tpu.memref_slice %arg9[%dma_start3A, %dma_start3A_40] : memref<48x128xi32, #tpu.memory_space<vmem>> -> memref<32x128xi32, #tpu.memory_space<vmem>>
        %dma_start3A_42 = arith.constant 48 : i32
        %dma_start3A_43 = arith.constant 0 : i32
        %dma_start3A_44 = tpu.memref_slice %arg5[%arg1, %dma_start3A_42, %dma_start3A_43] : memref<16x80x128xi32, #tpu.memory_space<hbm>> -> memref<1x32x128xi32, #tpu.memory_space<hbm>>
        %dma_start3A_45 = tpu.memref_squeeze %dma_start3A_44 : memref<1x32x128xi32, #tpu.memory_space<hbm>> -> memref<32x128xi32, #tpu.memory_space<hbm>>
        %dma_start3A_46 = arith.constant 0 : i32
        %dma_start3A_47 = arith.constant 0 : i32
        %dma_start3A_48 = tpu.memref_slice %arg9[%dma_start3A_46, %dma_start3A_47] : memref<48x128xi32, #tpu.memory_space<vmem>> -> memref<32x128xi32, #tpu.memory_space<vmem>>
        %dma_start3A_49 = arith.constant 48 : i32
        %dma_start3A_50 = arith.constant 0 : i32
        %dma_start3A_51 = tpu.memref_slice %arg5[%arg1, %dma_start3A_49, %dma_start3A_50] : memref<16x80x128xi32, #tpu.memory_space<hbm>> -> memref<1x32x128xi32, #tpu.memory_space<hbm>>
        %dma_start3A_52 = tpu.memref_squeeze %dma_start3A_51 : memref<1x32x128xi32, #tpu.memory_space<hbm>> -> memref<32x128xi32, #tpu.memory_space<hbm>>
        tpu.enqueue_dma source(%dma_start3A_52 : memref<32x128xi32, #tpu.memory_space<hbm>>) target(%dma_start3A_48 : memref<32x128xi32, #tpu.memory_space<vmem>>) target_semaphore(%run_scoped3A : memref<!tpu.dma_semaphore, #tpu.memory_space<semaphore_mem>>)
        %dma_wait3A = arith.constant 0 : i32
        %dma_wait3A_53 = arith.constant 0 : i32
        %dma_wait3A_54 = tpu.memref_slice %arg9[%dma_wait3A, %dma_wait3A_53] : memref<48x128xi32, #tpu.memory_space<vmem>> -> memref<32x128xi32, #tpu.memory_space<vmem>>
        %dma_wait3A_55 = arith.constant 48 : i32
        %dma_wait3A_56 = arith.constant 0 : i32
        %dma_wait3A_57 = tpu.memref_slice %arg5[%arg1, %dma_wait3A_55, %dma_wait3A_56] : memref<16x80x128xi32, #tpu.memory_space<hbm>> -> memref<1x32x128xi32, #tpu.memory_space<hbm>>
        %dma_wait3A_58 = tpu.memref_squeeze %dma_wait3A_57 : memref<1x32x128xi32, #tpu.memory_space<hbm>> -> memref<32x128xi32, #tpu.memory_space<hbm>>
        %dma_wait3A_59 = arith.constant 0 : i32
        %dma_wait3A_60 = arith.constant 0 : i32
        %dma_wait3A_61 = tpu.memref_slice %arg9[%dma_wait3A_59, %dma_wait3A_60] : memref<48x128xi32, #tpu.memory_space<vmem>> -> memref<32x128xi32, #tpu.memory_space<vmem>>
        %dma_wait3A_62 = arith.constant 48 : i32
        %dma_wait3A_63 = arith.constant 0 : i32
        %dma_wait3A_64 = tpu.memref_slice %arg5[%arg1, %dma_wait3A_62, %dma_wait3A_63] : memref<16x80x128xi32, #tpu.memory_space<hbm>> -> memref<1x32x128xi32, #tpu.memory_space<hbm>>
        %dma_wait3A_65 = tpu.memref_squeeze %dma_wait3A_64 : memref<1x32x128xi32, #tpu.memory_space<hbm>> -> memref<32x128xi32, #tpu.memory_space<hbm>>
        tpu.wait_dma2 semaphore(%run_scoped3A : memref<!tpu.dma_semaphore, #tpu.memory_space<semaphore_mem>>) src(%dma_wait3A_65 : memref<32x128xi32, #tpu.memory_space<hbm>>) dst(%dma_wait3A_61 : memref<32x128xi32, #tpu.memory_space<vmem>>)
        tpu.yield
      }) : () -> ()
      %scan3A_34 = arith.constant 0 : i32
      %scan3A_35 = arith.constant 0 : i32
      %scan3A_36 = arith.constant 16 : i32
      %scan3A_37 = arith.addi %scan3A_35, %scan3A_36 : i32
      %scan3A_38 = arith.constant 1 : i32
      scf.for %scan3A_40 = %scan3A_35 to %scan3A_37 step %scan3A_38  : i32 {
        %mul3A_41 = arith.constant 2 : i32
        %mul3A_42 = arith.muli %mul3A_41, %scan3A_40 : i32
        %add3A = arith.constant 48 : i32
        %add3A_43 = arith.addi %add3A, %mul3A_42 : i32
        %add3A_44 = arith.constant 1 : i32
        %add3A_45 = arith.addi %add3A_43, %add3A_44 : i32
        %mul3A_46 = arith.constant 128 : i32
        %mul3A_47 = arith.muli %add3A_45, %mul3A_46 : i32
        %dma_start3A = arith.constant 128 : i32
        %dma_start3A_48 = arith.constant 0 : i32
        %dma_start3A_49 = tpu.memref_slice %arg10[%dma_start3A, %dma_start3A_48] : memref<256x128xf32, #tpu.memory_space<vmem>> -> memref<128x128xf32, #tpu.memory_space<vmem>>
        %dma_start3A_50 = tpu.memref_slice %arg8[%mul3A_47] : memref<10240xi32, #tpu.memory_space<vmem>> -> memref<128xi32, #tpu.memory_space<vmem>>
        %dma_start3A_51 = arith.constant 0 : i32
        %dma_start3A_52 = arith.constant 0 : i32
        %dma_start3A_53 = tpu.memref_slice %arg2[%dma_start3A_51, %dma_start3A_52] : memref<10112x128xf32, #tpu.memory_space<hbm>> -> memref<10112x128xf32, #tpu.memory_space<hbm>>
        tpu.enqueue_indirect_dma source(%dma_start3A_53 : memref<10112x128xf32, #tpu.memory_space<hbm>>) target(%dma_start3A_49 : memref<128x128xf32, #tpu.memory_space<vmem>>) offsets(%dma_start3A_50 : memref<128xi32, #tpu.memory_space<vmem>>) semaphore(%arg13 : memref<!tpu.dma_semaphore, #tpu.memory_space<semaphore_mem>>)
        %mul3A_54 = arith.constant 128 : i32
        %mul3A_55 = arith.muli %add3A_43, %mul3A_54 : i32
        %dma_wait3A = arith.constant 0 : i32
        %dma_wait3A_56 = arith.constant 0 : i32
        %dma_wait3A_57 = tpu.memref_slice %arg10[%dma_wait3A, %dma_wait3A_56] : memref<256x128xf32, #tpu.memory_space<vmem>> -> memref<128x128xf32, #tpu.memory_space<vmem>>
        %dma_wait3A_58 = tpu.memref_slice %arg8[%mul3A_55] : memref<10240xi32, #tpu.memory_space<vmem>> -> memref<128xi32, #tpu.memory_space<vmem>>
        %dma_wait3A_59 = arith.constant 0 : i32
        %dma_wait3A_60 = arith.constant 0 : i32
        %dma_wait3A_61 = tpu.memref_slice %arg2[%dma_wait3A_59, %dma_wait3A_60] : memref<10112x128xf32, #tpu.memory_space<hbm>> -> memref<10112x128xf32, #tpu.memory_space<hbm>>
        tpu.wait_indirect_dma semaphore(%arg12 : memref<!tpu.dma_semaphore, #tpu.memory_space<semaphore_mem>>) src(%dma_wait3A_61 : memref<10112x128xf32, #tpu.memory_space<hbm>>) dst(%dma_wait3A_57 : memref<128x128xf32, #tpu.memory_space<vmem>>)
        %mul3A_62 = arith.constant 2 : i32
        %mul3A_63 = arith.muli %mul3A_62, %scan3A_40 : i32
        "tpu.region"() ({
          %run_scoped3A = tpu.sem_alloc : memref<!tpu.dma_semaphore, #tpu.memory_space<semaphore_mem>>
          %dma_start3A_83 = arith.constant 0 : i32
          %dma_start3A_84 = arith.constant 0 : i32
          %dma_start3A_85 = tpu.memref_slice %arg10[%dma_start3A_83, %dma_start3A_84] : memref<256x128xf32, #tpu.memory_space<vmem>> -> memref<128x128xf32, #tpu.memory_space<vmem>>
          %dma_start3A_86 = arith.constant 0 : i32
          %dma_start3A_87 = tpu.memref_slice %arg9[%mul3A_63, %dma_start3A_86] : memref<48x128xi32, #tpu.memory_space<vmem>> -> memref<1x128xi32, #tpu.memory_space<vmem>>
          %dma_start3A_88 = tpu.memref_squeeze %dma_start3A_87 : memref<1x128xi32, #tpu.memory_space<vmem>> -> memref<128xi32, #tpu.memory_space<vmem>>
          %dma_start3A_89 = arith.constant 0 : i32
          %dma_start3A_90 = arith.constant 0 : i32
          %dma_start3A_91 = tpu.memref_slice %arg11[%dma_start3A_89, %dma_start3A_90] : memref<10112x128xf32, #tpu.memory_space<vmem_shared>> -> memref<10112x128xf32, #tpu.memory_space<vmem_shared>>
          tpu.enqueue_indirect_dma source(%dma_start3A_85 : memref<128x128xf32, #tpu.memory_space<vmem>>) target(%dma_start3A_91 : memref<10112x128xf32, #tpu.memory_space<vmem_shared>>) offsets(%dma_start3A_88 : memref<128xi32, #tpu.memory_space<vmem>>) semaphore(%run_scoped3A : memref<!tpu.dma_semaphore, #tpu.memory_space<semaphore_mem>>) {add = true}
          %dma_wait3A_92 = arith.constant 0 : i32
          %dma_wait3A_93 = arith.constant 0 : i32
          %dma_wait3A_94 = tpu.memref_slice %arg10[%dma_wait3A_92, %dma_wait3A_93] : memref<256x128xf32, #tpu.memory_space<vmem>> -> memref<128x128xf32, #tpu.memory_space<vmem>>
          %dma_wait3A_95 = arith.constant 0 : i32
          %dma_wait3A_96 = tpu.memref_slice %arg9[%mul3A_63, %dma_wait3A_95] : memref<48x128xi32, #tpu.memory_space<vmem>> -> memref<1x128xi32, #tpu.memory_space<vmem>>
          %dma_wait3A_97 = tpu.memref_squeeze %dma_wait3A_96 : memref<1x128xi32, #tpu.memory_space<vmem>> -> memref<128xi32, #tpu.memory_space<vmem>>
          %dma_wait3A_98 = arith.constant 0 : i32
          %dma_wait3A_99 = arith.constant 0 : i32
          %dma_wait3A_100 = tpu.memref_slice %arg11[%dma_wait3A_98, %dma_wait3A_99] : memref<10112x128xf32, #tpu.memory_space<vmem_shared>> -> memref<10112x128xf32, #tpu.memory_space<vmem_shared>>
          tpu.wait_indirect_dma semaphore(%run_scoped3A : memref<!tpu.dma_semaphore, #tpu.memory_space<semaphore_mem>>) src(%dma_wait3A_94 : memref<128x128xf32, #tpu.memory_space<vmem>>) dst(%dma_wait3A_100 : memref<10112x128xf32, #tpu.memory_space<vmem_shared>>)
          tpu.yield
        }) : () -> ()
        %add3A_64 = arith.constant 2 : i32
        %add3A_65 = arith.addi %add3A_43, %add3A_64 : i32
        %lt3A = arith.constant 80 : i32
        %lt3A_66 = arith.cmpi slt, %add3A_65, %lt3A : i32
        %convert_element_type3A_67 = arith.extui %lt3A_66 : i1 to i32
        %cond3A_68 = arith.constant 0 : i32
        %cond3A_69 = arith.cmpi ne, %convert_element_type3A_67, %cond3A_68 : i32
        scf.if %cond3A_69 {
          %add3A_83 = arith.constant 2 : i32
          %add3A_84 = arith.addi %add3A_43, %add3A_83 : i32
          %mul3A_85 = arith.constant 128 : i32
          %mul3A_86 = arith.muli %add3A_84, %mul3A_85 : i32
          %dma_start3A_87 = arith.constant 0 : i32
          %dma_start3A_88 = arith.constant 0 : i32
          %dma_start3A_89 = tpu.memref_slice %arg10[%dma_start3A_87, %dma_start3A_88] : memref<256x128xf32, #tpu.memory_space<vmem>> -> memref<128x128xf32, #tpu.memory_space<vmem>>
          %dma_start3A_90 = tpu.memref_slice %arg8[%mul3A_86] : memref<10240xi32, #tpu.memory_space<vmem>> -> memref<128xi32, #tpu.memory_space<vmem>>
          %dma_start3A_91 = arith.constant 0 : i32
          %dma_start3A_92 = arith.constant 0 : i32
          %dma_start3A_93 = tpu.memref_slice %arg2[%dma_start3A_91, %dma_start3A_92] : memref<10112x128xf32, #tpu.memory_space<hbm>> -> memref<10112x128xf32, #tpu.memory_space<hbm>>
          tpu.enqueue_indirect_dma source(%dma_start3A_93 : memref<10112x128xf32, #tpu.memory_space<hbm>>) target(%dma_start3A_89 : memref<128x128xf32, #tpu.memory_space<vmem>>) offsets(%dma_start3A_90 : memref<128xi32, #tpu.memory_space<vmem>>) semaphore(%arg12 : memref<!tpu.dma_semaphore, #tpu.memory_space<semaphore_mem>>)
        } else {
        }
        %mul3A_70 = arith.constant 128 : i32
        %mul3A_71 = arith.muli %add3A_45, %mul3A_70 : i32
        %dma_wait3A_72 = arith.constant 128 : i32
        %dma_wait3A_73 = arith.constant 0 : i32
        %dma_wait3A_74 = tpu.memref_slice %arg10[%dma_wait3A_72, %dma_wait3A_73] : memref<256x128xf32, #tpu.memory_space<vmem>> -> memref<128x128xf32, #tpu.memory_space<vmem>>
        %dma_wait3A_75 = tpu.memref_slice %arg8[%mul3A_71] : memref<10240xi32, #tpu.memory_space<vmem>> -> memref<128xi32, #tpu.memory_space<vmem>>
        %dma_wait3A_76 = arith.constant 0 : i32
        %dma_wait3A_77 = arith.constant 0 : i32
        %dma_wait3A_78 = tpu.memref_slice %arg2[%dma_wait3A_76, %dma_wait3A_77] : memref<10112x128xf32, #tpu.memory_space<hbm>> -> memref<10112x128xf32, #tpu.memory_space<hbm>>
        tpu.wait_indirect_dma semaphore(%arg13 : memref<!tpu.dma_semaphore, #tpu.memory_space<semaphore_mem>>) src(%dma_wait3A_78 : memref<10112x128xf32, #tpu.memory_space<hbm>>) dst(%dma_wait3A_74 : memref<128x128xf32, #tpu.memory_space<vmem>>)
        %mul3A_79 = arith.constant 2 : i32
        %mul3A_80 = arith.muli %mul3A_79, %scan3A_40 : i32
        %add3A_81 = arith.constant 1 : i32
        %add3A_82 = arith.addi %mul3A_80, %add3A_81 : i32
        "tpu.region"() ({
          %run_scoped3A = tpu.sem_alloc : memref<!tpu.dma_semaphore, #tpu.memory_space<semaphore_mem>>
          %dma_start3A_83 = arith.constant 128 : i32
          %dma_start3A_84 = arith.constant 0 : i32
          %dma_start3A_85 = tpu.memref_slice %arg10[%dma_start3A_83, %dma_start3A_84] : memref<256x128xf32, #tpu.memory_space<vmem>> -> memref<128x128xf32, #tpu.memory_space<vmem>>
          %dma_start3A_86 = arith.constant 0 : i32
          %dma_start3A_87 = tpu.memref_slice %arg9[%add3A_82, %dma_start3A_86] : memref<48x128xi32, #tpu.memory_space<vmem>> -> memref<1x128xi32, #tpu.memory_space<vmem>>
          %dma_start3A_88 = tpu.memref_squeeze %dma_start3A_87 : memref<1x128xi32, #tpu.memory_space<vmem>> -> memref<128xi32, #tpu.memory_space<vmem>>
          %dma_start3A_89 = arith.constant 0 : i32
          %dma_start3A_90 = arith.constant 0 : i32
          %dma_start3A_91 = tpu.memref_slice %arg11[%dma_start3A_89, %dma_start3A_90] : memref<10112x128xf32, #tpu.memory_space<vmem_shared>> -> memref<10112x128xf32, #tpu.memory_space<vmem_shared>>
          tpu.enqueue_indirect_dma source(%dma_start3A_85 : memref<128x128xf32, #tpu.memory_space<vmem>>) target(%dma_start3A_91 : memref<10112x128xf32, #tpu.memory_space<vmem_shared>>) offsets(%dma_start3A_88 : memref<128xi32, #tpu.memory_space<vmem>>) semaphore(%run_scoped3A : memref<!tpu.dma_semaphore, #tpu.memory_space<semaphore_mem>>) {add = true}
          %dma_wait3A_92 = arith.constant 128 : i32
          %dma_wait3A_93 = arith.constant 0 : i32
          %dma_wait3A_94 = tpu.memref_slice %arg10[%dma_wait3A_92, %dma_wait3A_93] : memref<256x128xf32, #tpu.memory_space<vmem>> -> memref<128x128xf32, #tpu.memory_space<vmem>>
          %dma_wait3A_95 = arith.constant 0 : i32
          %dma_wait3A_96 = tpu.memref_slice %arg9[%add3A_82, %dma_wait3A_95] : memref<48x128xi32, #tpu.memory_space<vmem>> -> memref<1x128xi32, #tpu.memory_space<vmem>>
          %dma_wait3A_97 = tpu.memref_squeeze %dma_wait3A_96 : memref<1x128xi32, #tpu.memory_space<vmem>> -> memref<128xi32, #tpu.memory_space<vmem>>
          %dma_wait3A_98 = arith.constant 0 : i32
          %dma_wait3A_99 = arith.constant 0 : i32
          %dma_wait3A_100 = tpu.memref_slice %arg11[%dma_wait3A_98, %dma_wait3A_99] : memref<10112x128xf32, #tpu.memory_space<vmem_shared>> -> memref<10112x128xf32, #tpu.memory_space<vmem_shared>>
          tpu.wait_indirect_dma semaphore(%run_scoped3A : memref<!tpu.dma_semaphore, #tpu.memory_space<semaphore_mem>>) src(%dma_wait3A_94 : memref<128x128xf32, #tpu.memory_space<vmem>>) dst(%dma_wait3A_100 : memref<10112x128xf32, #tpu.memory_space<vmem_shared>>)
          tpu.yield
        }) : () -> ()
      }
      %scan3A_39 = arith.constant 16 : i32
    } else {
    }
    %eq3A_13 = arith.constant 1 : i32
    %eq3A_14 = arith.cmpi eq, %arg0, %eq3A_13 : i32
    %convert_element_type3A_15 = arith.extui %eq3A_14 : i1 to i32
    %cond3A_16 = arith.constant 0 : i32
    %cond3A_17 = arith.cmpi ne, %convert_element_type3A_15, %cond3A_16 : i32
    scf.if %cond3A_17 {
      "tpu.region"() ({
        %run_scoped3A = tpu.sem_alloc : memref<!tpu.dma_semaphore, #tpu.memory_space<semaphore_mem>>
        %dma_start3A = arith.constant 0 : i32
        %dma_start3A_40 = arith.constant 0 : i32
        %dma_start3A_41 = tpu.memref_slice %arg9[%dma_start3A, %dma_start3A_40] : memref<48x128xi32, #tpu.memory_space<vmem>> -> memref<48x128xi32, #tpu.memory_space<vmem>>
        %dma_start3A_42 = arith.constant 0 : i32
        %dma_start3A_43 = arith.constant 0 : i32
        %dma_start3A_44 = tpu.memref_slice %arg5[%arg1, %dma_start3A_42, %dma_start3A_43] : memref<16x80x128xi32, #tpu.memory_space<hbm>> -> memref<1x48x128xi32, #tpu.memory_space<hbm>>
        %dma_start3A_45 = tpu.memref_squeeze %dma_start3A_44 : memref<1x48x128xi32, #tpu.memory_space<hbm>> -> memref<48x128xi32, #tpu.memory_space<hbm>>
        %dma_start3A_46 = arith.constant 0 : i32
        %dma_start3A_47 = arith.constant 0 : i32
        %dma_start3A_48 = tpu.memref_slice %arg9[%dma_start3A_46, %dma_start3A_47] : memref<48x128xi32, #tpu.memory_space<vmem>> -> memref<48x128xi32, #tpu.memory_space<vmem>>
        %dma_start3A_49 = arith.constant 0 : i32
        %dma_start3A_50 = arith.constant 0 : i32
        %dma_start3A_51 = tpu.memref_slice %arg5[%arg1, %dma_start3A_49, %dma_start3A_50] : memref<16x80x128xi32, #tpu.memory_space<hbm>> -> memref<1x48x128xi32, #tpu.memory_space<hbm>>
        %dma_start3A_52 = tpu.memref_squeeze %dma_start3A_51 : memref<1x48x128xi32, #tpu.memory_space<hbm>> -> memref<48x128xi32, #tpu.memory_space<hbm>>
        tpu.enqueue_dma source(%dma_start3A_52 : memref<48x128xi32, #tpu.memory_space<hbm>>) target(%dma_start3A_48 : memref<48x128xi32, #tpu.memory_space<vmem>>) target_semaphore(%run_scoped3A : memref<!tpu.dma_semaphore, #tpu.memory_space<semaphore_mem>>)
        %dma_wait3A = arith.constant 0 : i32
        %dma_wait3A_53 = arith.constant 0 : i32
        %dma_wait3A_54 = tpu.memref_slice %arg9[%dma_wait3A, %dma_wait3A_53] : memref<48x128xi32, #tpu.memory_space<vmem>> -> memref<48x128xi32, #tpu.memory_space<vmem>>
        %dma_wait3A_55 = arith.constant 0 : i32
        %dma_wait3A_56 = arith.constant 0 : i32
        %dma_wait3A_57 = tpu.memref_slice %arg5[%arg1, %dma_wait3A_55, %dma_wait3A_56] : memref<16x80x128xi32, #tpu.memory_space<hbm>> -> memref<1x48x128xi32, #tpu.memory_space<hbm>>
        %dma_wait3A_58 = tpu.memref_squeeze %dma_wait3A_57 : memref<1x48x128xi32, #tpu.memory_space<hbm>> -> memref<48x128xi32, #tpu.memory_space<hbm>>
        %dma_wait3A_59 = arith.constant 0 : i32
        %dma_wait3A_60 = arith.constant 0 : i32
        %dma_wait3A_61 = tpu.memref_slice %arg9[%dma_wait3A_59, %dma_wait3A_60] : memref<48x128xi32, #tpu.memory_space<vmem>> -> memref<48x128xi32, #tpu.memory_space<vmem>>
        %dma_wait3A_62 = arith.constant 0 : i32
        %dma_wait3A_63 = arith.constant 0 : i32
        %dma_wait3A_64 = tpu.memref_slice %arg5[%arg1, %dma_wait3A_62, %dma_wait3A_63] : memref<16x80x128xi32, #tpu.memory_space<hbm>> -> memref<1x48x128xi32, #tpu.memory_space<hbm>>
        %dma_wait3A_65 = tpu.memref_squeeze %dma_wait3A_64 : memref<1x48x128xi32, #tpu.memory_space<hbm>> -> memref<48x128xi32, #tpu.memory_space<hbm>>
        tpu.wait_dma2 semaphore(%run_scoped3A : memref<!tpu.dma_semaphore, #tpu.memory_space<semaphore_mem>>) src(%dma_wait3A_65 : memref<48x128xi32, #tpu.memory_space<hbm>>) dst(%dma_wait3A_61 : memref<48x128xi32, #tpu.memory_space<vmem>>)
        tpu.yield
      }) : () -> ()
      %scan3A = arith.constant 0 : i32
      %scan3A_29 = arith.constant 0 : i32
      %scan3A_30 = arith.constant 24 : i32
      %scan3A_31 = arith.addi %scan3A_29, %scan3A_30 : i32
      %scan3A_32 = arith.constant 1 : i32
      scf.for %scan3A_40 = %scan3A_29 to %scan3A_31 step %scan3A_32  : i32 {
        %mul3A_41 = arith.constant 2 : i32
        %mul3A_42 = arith.muli %mul3A_41, %scan3A_40 : i32
        %add3A = arith.constant 0 : i32
        %add3A_43 = arith.addi %add3A, %mul3A_42 : i32
        %add3A_44 = arith.constant 1 : i32
        %add3A_45 = arith.addi %add3A_43, %add3A_44 : i32
        %mul3A_46 = arith.constant 128 : i32
        %mul3A_47 = arith.muli %add3A_45, %mul3A_46 : i32
        %dma_start3A = arith.constant 128 : i32
        %dma_start3A_48 = arith.constant 0 : i32
        %dma_start3A_49 = tpu.memref_slice %arg10[%dma_start3A, %dma_start3A_48] : memref<256x128xf32, #tpu.memory_space<vmem>> -> memref<128x128xf32, #tpu.memory_space<vmem>>
        %dma_start3A_50 = tpu.memref_slice %arg8[%mul3A_47] : memref<10240xi32, #tpu.memory_space<vmem>> -> memref<128xi32, #tpu.memory_space<vmem>>
        %dma_start3A_51 = arith.constant 0 : i32
        %dma_start3A_52 = arith.constant 0 : i32
        %dma_start3A_53 = tpu.memref_slice %arg3[%dma_start3A_51, %dma_start3A_52] : memref<10112x128xf32, #tpu.memory_space<hbm>> -> memref<10112x128xf32, #tpu.memory_space<hbm>>
        tpu.enqueue_indirect_dma source(%dma_start3A_53 : memref<10112x128xf32, #tpu.memory_space<hbm>>) target(%dma_start3A_49 : memref<128x128xf32, #tpu.memory_space<vmem>>) offsets(%dma_start3A_50 : memref<128xi32, #tpu.memory_space<vmem>>) semaphore(%arg13 : memref<!tpu.dma_semaphore, #tpu.memory_space<semaphore_mem>>)
        %mul3A_54 = arith.constant 128 : i32
        %mul3A_55 = arith.muli %add3A_43, %mul3A_54 : i32
        %dma_wait3A = arith.constant 0 : i32
        %dma_wait3A_56 = arith.constant 0 : i32
        %dma_wait3A_57 = tpu.memref_slice %arg10[%dma_wait3A, %dma_wait3A_56] : memref<256x128xf32, #tpu.memory_space<vmem>> -> memref<128x128xf32, #tpu.memory_space<vmem>>
        %dma_wait3A_58 = tpu.memref_slice %arg8[%mul3A_55] : memref<10240xi32, #tpu.memory_space<vmem>> -> memref<128xi32, #tpu.memory_space<vmem>>
        %dma_wait3A_59 = arith.constant 0 : i32
        %dma_wait3A_60 = arith.constant 0 : i32
        %dma_wait3A_61 = tpu.memref_slice %arg3[%dma_wait3A_59, %dma_wait3A_60] : memref<10112x128xf32, #tpu.memory_space<hbm>> -> memref<10112x128xf32, #tpu.memory_space<hbm>>
        tpu.wait_indirect_dma semaphore(%arg12 : memref<!tpu.dma_semaphore, #tpu.memory_space<semaphore_mem>>) src(%dma_wait3A_61 : memref<10112x128xf32, #tpu.memory_space<hbm>>) dst(%dma_wait3A_57 : memref<128x128xf32, #tpu.memory_space<vmem>>)
        %mul3A_62 = arith.constant 2 : i32
        %mul3A_63 = arith.muli %mul3A_62, %scan3A_40 : i32
        "tpu.region"() ({
          %run_scoped3A = tpu.sem_alloc : memref<!tpu.dma_semaphore, #tpu.memory_space<semaphore_mem>>
          %dma_start3A_83 = arith.constant 0 : i32
          %dma_start3A_84 = arith.constant 0 : i32
          %dma_start3A_85 = tpu.memref_slice %arg10[%dma_start3A_83, %dma_start3A_84] : memref<256x128xf32, #tpu.memory_space<vmem>> -> memref<128x128xf32, #tpu.memory_space<vmem>>
          %dma_start3A_86 = arith.constant 0 : i32
          %dma_start3A_87 = tpu.memref_slice %arg9[%mul3A_63, %dma_start3A_86] : memref<48x128xi32, #tpu.memory_space<vmem>> -> memref<1x128xi32, #tpu.memory_space<vmem>>
          %dma_start3A_88 = tpu.memref_squeeze %dma_start3A_87 : memref<1x128xi32, #tpu.memory_space<vmem>> -> memref<128xi32, #tpu.memory_space<vmem>>
          %dma_start3A_89 = arith.constant 0 : i32
          %dma_start3A_90 = arith.constant 0 : i32
          %dma_start3A_91 = tpu.memref_slice %arg11[%dma_start3A_89, %dma_start3A_90] : memref<10112x128xf32, #tpu.memory_space<vmem_shared>> -> memref<10112x128xf32, #tpu.memory_space<vmem_shared>>
          tpu.enqueue_indirect_dma source(%dma_start3A_85 : memref<128x128xf32, #tpu.memory_space<vmem>>) target(%dma_start3A_91 : memref<10112x128xf32, #tpu.memory_space<vmem_shared>>) offsets(%dma_start3A_88 : memref<128xi32, #tpu.memory_space<vmem>>) semaphore(%run_scoped3A : memref<!tpu.dma_semaphore, #tpu.memory_space<semaphore_mem>>) {add = true}
          %dma_wait3A_92 = arith.constant 0 : i32
          %dma_wait3A_93 = arith.constant 0 : i32
          %dma_wait3A_94 = tpu.memref_slice %arg10[%dma_wait3A_92, %dma_wait3A_93] : memref<256x128xf32, #tpu.memory_space<vmem>> -> memref<128x128xf32, #tpu.memory_space<vmem>>
          %dma_wait3A_95 = arith.constant 0 : i32
          %dma_wait3A_96 = tpu.memref_slice %arg9[%mul3A_63, %dma_wait3A_95] : memref<48x128xi32, #tpu.memory_space<vmem>> -> memref<1x128xi32, #tpu.memory_space<vmem>>
          %dma_wait3A_97 = tpu.memref_squeeze %dma_wait3A_96 : memref<1x128xi32, #tpu.memory_space<vmem>> -> memref<128xi32, #tpu.memory_space<vmem>>
          %dma_wait3A_98 = arith.constant 0 : i32
          %dma_wait3A_99 = arith.constant 0 : i32
          %dma_wait3A_100 = tpu.memref_slice %arg11[%dma_wait3A_98, %dma_wait3A_99] : memref<10112x128xf32, #tpu.memory_space<vmem_shared>> -> memref<10112x128xf32, #tpu.memory_space<vmem_shared>>
          tpu.wait_indirect_dma semaphore(%run_scoped3A : memref<!tpu.dma_semaphore, #tpu.memory_space<semaphore_mem>>) src(%dma_wait3A_94 : memref<128x128xf32, #tpu.memory_space<vmem>>) dst(%dma_wait3A_100 : memref<10112x128xf32, #tpu.memory_space<vmem_shared>>)
          tpu.yield
        }) : () -> ()
        %add3A_64 = arith.constant 2 : i32
        %add3A_65 = arith.addi %add3A_43, %add3A_64 : i32
        %lt3A = arith.constant 80 : i32
        %lt3A_66 = arith.cmpi slt, %add3A_65, %lt3A : i32
        %convert_element_type3A_67 = arith.extui %lt3A_66 : i1 to i32
        %cond3A_68 = arith.constant 0 : i32
        %cond3A_69 = arith.cmpi ne, %convert_element_type3A_67, %cond3A_68 : i32
        scf.if %cond3A_69 {
          %add3A_83 = arith.constant 2 : i32
          %add3A_84 = arith.addi %add3A_43, %add3A_83 : i32
          %mul3A_85 = arith.constant 128 : i32
          %mul3A_86 = arith.muli %add3A_84, %mul3A_85 : i32
          %dma_start3A_87 = arith.constant 0 : i32
          %dma_start3A_88 = arith.constant 0 : i32
          %dma_start3A_89 = tpu.memref_slice %arg10[%dma_start3A_87, %dma_start3A_88] : memref<256x128xf32, #tpu.memory_space<vmem>> -> memref<128x128xf32, #tpu.memory_space<vmem>>
          %dma_start3A_90 = tpu.memref_slice %arg8[%mul3A_86] : memref<10240xi32, #tpu.memory_space<vmem>> -> memref<128xi32, #tpu.memory_space<vmem>>
          %dma_start3A_91 = arith.constant 0 : i32
          %dma_start3A_92 = arith.constant 0 : i32
          %dma_start3A_93 = tpu.memref_slice %arg3[%dma_start3A_91, %dma_start3A_92] : memref<10112x128xf32, #tpu.memory_space<hbm>> -> memref<10112x128xf32, #tpu.memory_space<hbm>>
          tpu.enqueue_indirect_dma source(%dma_start3A_93 : memref<10112x128xf32, #tpu.memory_space<hbm>>) target(%dma_start3A_89 : memref<128x128xf32, #tpu.memory_space<vmem>>) offsets(%dma_start3A_90 : memref<128xi32, #tpu.memory_space<vmem>>) semaphore(%arg12 : memref<!tpu.dma_semaphore, #tpu.memory_space<semaphore_mem>>)
        } else {
        }
        %mul3A_70 = arith.constant 128 : i32
        %mul3A_71 = arith.muli %add3A_45, %mul3A_70 : i32
        %dma_wait3A_72 = arith.constant 128 : i32
        %dma_wait3A_73 = arith.constant 0 : i32
        %dma_wait3A_74 = tpu.memref_slice %arg10[%dma_wait3A_72, %dma_wait3A_73] : memref<256x128xf32, #tpu.memory_space<vmem>> -> memref<128x128xf32, #tpu.memory_space<vmem>>
        %dma_wait3A_75 = tpu.memref_slice %arg8[%mul3A_71] : memref<10240xi32, #tpu.memory_space<vmem>> -> memref<128xi32, #tpu.memory_space<vmem>>
        %dma_wait3A_76 = arith.constant 0 : i32
        %dma_wait3A_77 = arith.constant 0 : i32
        %dma_wait3A_78 = tpu.memref_slice %arg3[%dma_wait3A_76, %dma_wait3A_77] : memref<10112x128xf32, #tpu.memory_space<hbm>> -> memref<10112x128xf32, #tpu.memory_space<hbm>>
        tpu.wait_indirect_dma semaphore(%arg13 : memref<!tpu.dma_semaphore, #tpu.memory_space<semaphore_mem>>) src(%dma_wait3A_78 : memref<10112x128xf32, #tpu.memory_space<hbm>>) dst(%dma_wait3A_74 : memref<128x128xf32, #tpu.memory_space<vmem>>)
        %mul3A_79 = arith.constant 2 : i32
        %mul3A_80 = arith.muli %mul3A_79, %scan3A_40 : i32
        %add3A_81 = arith.constant 1 : i32
        %add3A_82 = arith.addi %mul3A_80, %add3A_81 : i32
        "tpu.region"() ({
          %run_scoped3A = tpu.sem_alloc : memref<!tpu.dma_semaphore, #tpu.memory_space<semaphore_mem>>
          %dma_start3A_83 = arith.constant 128 : i32
          %dma_start3A_84 = arith.constant 0 : i32
          %dma_start3A_85 = tpu.memref_slice %arg10[%dma_start3A_83, %dma_start3A_84] : memref<256x128xf32, #tpu.memory_space<vmem>> -> memref<128x128xf32, #tpu.memory_space<vmem>>
          %dma_start3A_86 = arith.constant 0 : i32
          %dma_start3A_87 = tpu.memref_slice %arg9[%add3A_82, %dma_start3A_86] : memref<48x128xi32, #tpu.memory_space<vmem>> -> memref<1x128xi32, #tpu.memory_space<vmem>>
          %dma_start3A_88 = tpu.memref_squeeze %dma_start3A_87 : memref<1x128xi32, #tpu.memory_space<vmem>> -> memref<128xi32, #tpu.memory_space<vmem>>
          %dma_start3A_89 = arith.constant 0 : i32
          %dma_start3A_90 = arith.constant 0 : i32
          %dma_start3A_91 = tpu.memref_slice %arg11[%dma_start3A_89, %dma_start3A_90] : memref<10112x128xf32, #tpu.memory_space<vmem_shared>> -> memref<10112x128xf32, #tpu.memory_space<vmem_shared>>
          tpu.enqueue_indirect_dma source(%dma_start3A_85 : memref<128x128xf32, #tpu.memory_space<vmem>>) target(%dma_start3A_91 : memref<10112x128xf32, #tpu.memory_space<vmem_shared>>) offsets(%dma_start3A_88 : memref<128xi32, #tpu.memory_space<vmem>>) semaphore(%run_scoped3A : memref<!tpu.dma_semaphore, #tpu.memory_space<semaphore_mem>>) {add = true}
          %dma_wait3A_92 = arith.constant 128 : i32
          %dma_wait3A_93 = arith.constant 0 : i32
          %dma_wait3A_94 = tpu.memref_slice %arg10[%dma_wait3A_92, %dma_wait3A_93] : memref<256x128xf32, #tpu.memory_space<vmem>> -> memref<128x128xf32, #tpu.memory_space<vmem>>
          %dma_wait3A_95 = arith.constant 0 : i32
          %dma_wait3A_96 = tpu.memref_slice %arg9[%add3A_82, %dma_wait3A_95] : memref<48x128xi32, #tpu.memory_space<vmem>> -> memref<1x128xi32, #tpu.memory_space<vmem>>
          %dma_wait3A_97 = tpu.memref_squeeze %dma_wait3A_96 : memref<1x128xi32, #tpu.memory_space<vmem>> -> memref<128xi32, #tpu.memory_space<vmem>>
          %dma_wait3A_98 = arith.constant 0 : i32
          %dma_wait3A_99 = arith.constant 0 : i32
          %dma_wait3A_100 = tpu.memref_slice %arg11[%dma_wait3A_98, %dma_wait3A_99] : memref<10112x128xf32, #tpu.memory_space<vmem_shared>> -> memref<10112x128xf32, #tpu.memory_space<vmem_shared>>
          tpu.wait_indirect_dma semaphore(%run_scoped3A : memref<!tpu.dma_semaphore, #tpu.memory_space<semaphore_mem>>) src(%dma_wait3A_94 : memref<128x128xf32, #tpu.memory_space<vmem>>) dst(%dma_wait3A_100 : memref<10112x128xf32, #tpu.memory_space<vmem_shared>>)
          tpu.yield
        }) : () -> ()
      }
      %scan3A_33 = arith.constant 24 : i32
      "tpu.region"() ({
        %run_scoped3A = tpu.sem_alloc : memref<!tpu.dma_semaphore, #tpu.memory_space<semaphore_mem>>
        %dma_start3A = arith.constant 0 : i32
        %dma_start3A_40 = arith.constant 0 : i32
        %dma_start3A_41 = tpu.memref_slice %arg9[%dma_start3A, %dma_start3A_40] : memref<48x128xi32, #tpu.memory_space<vmem>> -> memref<32x128xi32, #tpu.memory_space<vmem>>
        %dma_start3A_42 = arith.constant 48 : i32
        %dma_start3A_43 = arith.constant 0 : i32
        %dma_start3A_44 = tpu.memref_slice %arg5[%arg1, %dma_start3A_42, %dma_start3A_43] : memref<16x80x128xi32, #tpu.memory_space<hbm>> -> memref<1x32x128xi32, #tpu.memory_space<hbm>>
        %dma_start3A_45 = tpu.memref_squeeze %dma_start3A_44 : memref<1x32x128xi32, #tpu.memory_space<hbm>> -> memref<32x128xi32, #tpu.memory_space<hbm>>
        %dma_start3A_46 = arith.constant 0 : i32
        %dma_start3A_47 = arith.constant 0 : i32
        %dma_start3A_48 = tpu.memref_slice %arg9[%dma_start3A_46, %dma_start3A_47] : memref<48x128xi32, #tpu.memory_space<vmem>> -> memref<32x128xi32, #tpu.memory_space<vmem>>
        %dma_start3A_49 = arith.constant 48 : i32
        %dma_start3A_50 = arith.constant 0 : i32
        %dma_start3A_51 = tpu.memref_slice %arg5[%arg1, %dma_start3A_49, %dma_start3A_50] : memref<16x80x128xi32, #tpu.memory_space<hbm>> -> memref<1x32x128xi32, #tpu.memory_space<hbm>>
        %dma_start3A_52 = tpu.memref_squeeze %dma_start3A_51 : memref<1x32x128xi32, #tpu.memory_space<hbm>> -> memref<32x128xi32, #tpu.memory_space<hbm>>
        tpu.enqueue_dma source(%dma_start3A_52 : memref<32x128xi32, #tpu.memory_space<hbm>>) target(%dma_start3A_48 : memref<32x128xi32, #tpu.memory_space<vmem>>) target_semaphore(%run_scoped3A : memref<!tpu.dma_semaphore, #tpu.memory_space<semaphore_mem>>)
        %dma_wait3A = arith.constant 0 : i32
        %dma_wait3A_53 = arith.constant 0 : i32
        %dma_wait3A_54 = tpu.memref_slice %arg9[%dma_wait3A, %dma_wait3A_53] : memref<48x128xi32, #tpu.memory_space<vmem>> -> memref<32x128xi32, #tpu.memory_space<vmem>>
        %dma_wait3A_55 = arith.constant 48 : i32
        %dma_wait3A_56 = arith.constant 0 : i32
        %dma_wait3A_57 = tpu.memref_slice %arg5[%arg1, %dma_wait3A_55, %dma_wait3A_56] : memref<16x80x128xi32, #tpu.memory_space<hbm>> -> memref<1x32x128xi32, #tpu.memory_space<hbm>>
        %dma_wait3A_58 = tpu.memref_squeeze %dma_wait3A_57 : memref<1x32x128xi32, #tpu.memory_space<hbm>> -> memref<32x128xi32, #tpu.memory_space<hbm>>
        %dma_wait3A_59 = arith.constant 0 : i32
        %dma_wait3A_60 = arith.constant 0 : i32
        %dma_wait3A_61 = tpu.memref_slice %arg9[%dma_wait3A_59, %dma_wait3A_60] : memref<48x128xi32, #tpu.memory_space<vmem>> -> memref<32x128xi32, #tpu.memory_space<vmem>>
        %dma_wait3A_62 = arith.constant 48 : i32
        %dma_wait3A_63 = arith.constant 0 : i32
        %dma_wait3A_64 = tpu.memref_slice %arg5[%arg1, %dma_wait3A_62, %dma_wait3A_63] : memref<16x80x128xi32, #tpu.memory_space<hbm>> -> memref<1x32x128xi32, #tpu.memory_space<hbm>>
        %dma_wait3A_65 = tpu.memref_squeeze %dma_wait3A_64 : memref<1x32x128xi32, #tpu.memory_space<hbm>> -> memref<32x128xi32, #tpu.memory_space<hbm>>
        tpu.wait_dma2 semaphore(%run_scoped3A : memref<!tpu.dma_semaphore, #tpu.memory_space<semaphore_mem>>) src(%dma_wait3A_65 : memref<32x128xi32, #tpu.memory_space<hbm>>) dst(%dma_wait3A_61 : memref<32x128xi32, #tpu.memory_space<vmem>>)
        tpu.yield
      }) : () -> ()
      %scan3A_34 = arith.constant 0 : i32
      %scan3A_35 = arith.constant 0 : i32
      %scan3A_36 = arith.constant 16 : i32
      %scan3A_37 = arith.addi %scan3A_35, %scan3A_36 : i32
      %scan3A_38 = arith.constant 1 : i32
      scf.for %scan3A_40 = %scan3A_35 to %scan3A_37 step %scan3A_38  : i32 {
        %mul3A_41 = arith.constant 2 : i32
        %mul3A_42 = arith.muli %mul3A_41, %scan3A_40 : i32
        %add3A = arith.constant 48 : i32
        %add3A_43 = arith.addi %add3A, %mul3A_42 : i32
        %add3A_44 = arith.constant 1 : i32
        %add3A_45 = arith.addi %add3A_43, %add3A_44 : i32
        %mul3A_46 = arith.constant 128 : i32
        %mul3A_47 = arith.muli %add3A_45, %mul3A_46 : i32
        %dma_start3A = arith.constant 128 : i32
        %dma_start3A_48 = arith.constant 0 : i32
        %dma_start3A_49 = tpu.memref_slice %arg10[%dma_start3A, %dma_start3A_48] : memref<256x128xf32, #tpu.memory_space<vmem>> -> memref<128x128xf32, #tpu.memory_space<vmem>>
        %dma_start3A_50 = tpu.memref_slice %arg8[%mul3A_47] : memref<10240xi32, #tpu.memory_space<vmem>> -> memref<128xi32, #tpu.memory_space<vmem>>
        %dma_start3A_51 = arith.constant 0 : i32
        %dma_start3A_52 = arith.constant 0 : i32
        %dma_start3A_53 = tpu.memref_slice %arg3[%dma_start3A_51, %dma_start3A_52] : memref<10112x128xf32, #tpu.memory_space<hbm>> -> memref<10112x128xf32, #tpu.memory_space<hbm>>
        tpu.enqueue_indirect_dma source(%dma_start3A_53 : memref<10112x128xf32, #tpu.memory_space<hbm>>) target(%dma_start3A_49 : memref<128x128xf32, #tpu.memory_space<vmem>>) offsets(%dma_start3A_50 : memref<128xi32, #tpu.memory_space<vmem>>) semaphore(%arg13 : memref<!tpu.dma_semaphore, #tpu.memory_space<semaphore_mem>>)
        %mul3A_54 = arith.constant 128 : i32
        %mul3A_55 = arith.muli %add3A_43, %mul3A_54 : i32
        %dma_wait3A = arith.constant 0 : i32
        %dma_wait3A_56 = arith.constant 0 : i32
        %dma_wait3A_57 = tpu.memref_slice %arg10[%dma_wait3A, %dma_wait3A_56] : memref<256x128xf32, #tpu.memory_space<vmem>> -> memref<128x128xf32, #tpu.memory_space<vmem>>
        %dma_wait3A_58 = tpu.memref_slice %arg8[%mul3A_55] : memref<10240xi32, #tpu.memory_space<vmem>> -> memref<128xi32, #tpu.memory_space<vmem>>
        %dma_wait3A_59 = arith.constant 0 : i32
        %dma_wait3A_60 = arith.constant 0 : i32
        %dma_wait3A_61 = tpu.memref_slice %arg3[%dma_wait3A_59, %dma_wait3A_60] : memref<10112x128xf32, #tpu.memory_space<hbm>> -> memref<10112x128xf32, #tpu.memory_space<hbm>>
        tpu.wait_indirect_dma semaphore(%arg12 : memref<!tpu.dma_semaphore, #tpu.memory_space<semaphore_mem>>) src(%dma_wait3A_61 : memref<10112x128xf32, #tpu.memory_space<hbm>>) dst(%dma_wait3A_57 : memref<128x128xf32, #tpu.memory_space<vmem>>)
        %mul3A_62 = arith.constant 2 : i32
        %mul3A_63 = arith.muli %mul3A_62, %scan3A_40 : i32
        "tpu.region"() ({
          %run_scoped3A = tpu.sem_alloc : memref<!tpu.dma_semaphore, #tpu.memory_space<semaphore_mem>>
          %dma_start3A_83 = arith.constant 0 : i32
          %dma_start3A_84 = arith.constant 0 : i32
          %dma_start3A_85 = tpu.memref_slice %arg10[%dma_start3A_83, %dma_start3A_84] : memref<256x128xf32, #tpu.memory_space<vmem>> -> memref<128x128xf32, #tpu.memory_space<vmem>>
          %dma_start3A_86 = arith.constant 0 : i32
          %dma_start3A_87 = tpu.memref_slice %arg9[%mul3A_63, %dma_start3A_86] : memref<48x128xi32, #tpu.memory_space<vmem>> -> memref<1x128xi32, #tpu.memory_space<vmem>>
          %dma_start3A_88 = tpu.memref_squeeze %dma_start3A_87 : memref<1x128xi32, #tpu.memory_space<vmem>> -> memref<128xi32, #tpu.memory_space<vmem>>
          %dma_start3A_89 = arith.constant 0 : i32
          %dma_start3A_90 = arith.constant 0 : i32
          %dma_start3A_91 = tpu.memref_slice %arg11[%dma_start3A_89, %dma_start3A_90] : memref<10112x128xf32, #tpu.memory_space<vmem_shared>> -> memref<10112x128xf32, #tpu.memory_space<vmem_shared>>
          tpu.enqueue_indirect_dma source(%dma_start3A_85 : memref<128x128xf32, #tpu.memory_space<vmem>>) target(%dma_start3A_91 : memref<10112x128xf32, #tpu.memory_space<vmem_shared>>) offsets(%dma_start3A_88 : memref<128xi32, #tpu.memory_space<vmem>>) semaphore(%run_scoped3A : memref<!tpu.dma_semaphore, #tpu.memory_space<semaphore_mem>>) {add = true}
          %dma_wait3A_92 = arith.constant 0 : i32
          %dma_wait3A_93 = arith.constant 0 : i32
          %dma_wait3A_94 = tpu.memref_slice %arg10[%dma_wait3A_92, %dma_wait3A_93] : memref<256x128xf32, #tpu.memory_space<vmem>> -> memref<128x128xf32, #tpu.memory_space<vmem>>
          %dma_wait3A_95 = arith.constant 0 : i32
          %dma_wait3A_96 = tpu.memref_slice %arg9[%mul3A_63, %dma_wait3A_95] : memref<48x128xi32, #tpu.memory_space<vmem>> -> memref<1x128xi32, #tpu.memory_space<vmem>>
          %dma_wait3A_97 = tpu.memref_squeeze %dma_wait3A_96 : memref<1x128xi32, #tpu.memory_space<vmem>> -> memref<128xi32, #tpu.memory_space<vmem>>
          %dma_wait3A_98 = arith.constant 0 : i32
          %dma_wait3A_99 = arith.constant 0 : i32
          %dma_wait3A_100 = tpu.memref_slice %arg11[%dma_wait3A_98, %dma_wait3A_99] : memref<10112x128xf32, #tpu.memory_space<vmem_shared>> -> memref<10112x128xf32, #tpu.memory_space<vmem_shared>>
          tpu.wait_indirect_dma semaphore(%run_scoped3A : memref<!tpu.dma_semaphore, #tpu.memory_space<semaphore_mem>>) src(%dma_wait3A_94 : memref<128x128xf32, #tpu.memory_space<vmem>>) dst(%dma_wait3A_100 : memref<10112x128xf32, #tpu.memory_space<vmem_shared>>)
          tpu.yield
        }) : () -> ()
        %add3A_64 = arith.constant 2 : i32
        %add3A_65 = arith.addi %add3A_43, %add3A_64 : i32
        %lt3A = arith.constant 80 : i32
        %lt3A_66 = arith.cmpi slt, %add3A_65, %lt3A : i32
        %convert_element_type3A_67 = arith.extui %lt3A_66 : i1 to i32
        %cond3A_68 = arith.constant 0 : i32
        %cond3A_69 = arith.cmpi ne, %convert_element_type3A_67, %cond3A_68 : i32
        scf.if %cond3A_69 {
          %add3A_83 = arith.constant 2 : i32
          %add3A_84 = arith.addi %add3A_43, %add3A_83 : i32
          %mul3A_85 = arith.constant 128 : i32
          %mul3A_86 = arith.muli %add3A_84, %mul3A_85 : i32
          %dma_start3A_87 = arith.constant 0 : i32
          %dma_start3A_88 = arith.constant 0 : i32
          %dma_start3A_89 = tpu.memref_slice %arg10[%dma_start3A_87, %dma_start3A_88] : memref<256x128xf32, #tpu.memory_space<vmem>> -> memref<128x128xf32, #tpu.memory_space<vmem>>
          %dma_start3A_90 = tpu.memref_slice %arg8[%mul3A_86] : memref<10240xi32, #tpu.memory_space<vmem>> -> memref<128xi32, #tpu.memory_space<vmem>>
          %dma_start3A_91 = arith.constant 0 : i32
          %dma_start3A_92 = arith.constant 0 : i32
          %dma_start3A_93 = tpu.memref_slice %arg3[%dma_start3A_91, %dma_start3A_92] : memref<10112x128xf32, #tpu.memory_space<hbm>> -> memref<10112x128xf32, #tpu.memory_space<hbm>>
          tpu.enqueue_indirect_dma source(%dma_start3A_93 : memref<10112x128xf32, #tpu.memory_space<hbm>>) target(%dma_start3A_89 : memref<128x128xf32, #tpu.memory_space<vmem>>) offsets(%dma_start3A_90 : memref<128xi32, #tpu.memory_space<vmem>>) semaphore(%arg12 : memref<!tpu.dma_semaphore, #tpu.memory_space<semaphore_mem>>)
        } else {
        }
        %mul3A_70 = arith.constant 128 : i32
        %mul3A_71 = arith.muli %add3A_45, %mul3A_70 : i32
        %dma_wait3A_72 = arith.constant 128 : i32
        %dma_wait3A_73 = arith.constant 0 : i32
        %dma_wait3A_74 = tpu.memref_slice %arg10[%dma_wait3A_72, %dma_wait3A_73] : memref<256x128xf32, #tpu.memory_space<vmem>> -> memref<128x128xf32, #tpu.memory_space<vmem>>
        %dma_wait3A_75 = tpu.memref_slice %arg8[%mul3A_71] : memref<10240xi32, #tpu.memory_space<vmem>> -> memref<128xi32, #tpu.memory_space<vmem>>
        %dma_wait3A_76 = arith.constant 0 : i32
        %dma_wait3A_77 = arith.constant 0 : i32
        %dma_wait3A_78 = tpu.memref_slice %arg3[%dma_wait3A_76, %dma_wait3A_77] : memref<10112x128xf32, #tpu.memory_space<hbm>> -> memref<10112x128xf32, #tpu.memory_space<hbm>>
        tpu.wait_indirect_dma semaphore(%arg13 : memref<!tpu.dma_semaphore, #tpu.memory_space<semaphore_mem>>) src(%dma_wait3A_78 : memref<10112x128xf32, #tpu.memory_space<hbm>>) dst(%dma_wait3A_74 : memref<128x128xf32, #tpu.memory_space<vmem>>)
        %mul3A_79 = arith.constant 2 : i32
        %mul3A_80 = arith.muli %mul3A_79, %scan3A_40 : i32
        %add3A_81 = arith.constant 1 : i32
        %add3A_82 = arith.addi %mul3A_80, %add3A_81 : i32
        "tpu.region"() ({
          %run_scoped3A = tpu.sem_alloc : memref<!tpu.dma_semaphore, #tpu.memory_space<semaphore_mem>>
          %dma_start3A_83 = arith.constant 128 : i32
          %dma_start3A_84 = arith.constant 0 : i32
          %dma_start3A_85 = tpu.memref_slice %arg10[%dma_start3A_83, %dma_start3A_84] : memref<256x128xf32, #tpu.memory_space<vmem>> -> memref<128x128xf32, #tpu.memory_space<vmem>>
          %dma_start3A_86 = arith.constant 0 : i32
          %dma_start3A_87 = tpu.memref_slice %arg9[%add3A_82, %dma_start3A_86] : memref<48x128xi32, #tpu.memory_space<vmem>> -> memref<1x128xi32, #tpu.memory_space<vmem>>
          %dma_start3A_88 = tpu.memref_squeeze %dma_start3A_87 : memref<1x128xi32, #tpu.memory_space<vmem>> -> memref<128xi32, #tpu.memory_space<vmem>>
          %dma_start3A_89 = arith.constant 0 : i32
          %dma_start3A_90 = arith.constant 0 : i32
          %dma_start3A_91 = tpu.memref_slice %arg11[%dma_start3A_89, %dma_start3A_90] : memref<10112x128xf32, #tpu.memory_space<vmem_shared>> -> memref<10112x128xf32, #tpu.memory_space<vmem_shared>>
          tpu.enqueue_indirect_dma source(%dma_start3A_85 : memref<128x128xf32, #tpu.memory_space<vmem>>) target(%dma_start3A_91 : memref<10112x128xf32, #tpu.memory_space<vmem_shared>>) offsets(%dma_start3A_88 : memref<128xi32, #tpu.memory_space<vmem>>) semaphore(%run_scoped3A : memref<!tpu.dma_semaphore, #tpu.memory_space<semaphore_mem>>) {add = true}
          %dma_wait3A_92 = arith.constant 128 : i32
          %dma_wait3A_93 = arith.constant 0 : i32
          %dma_wait3A_94 = tpu.memref_slice %arg10[%dma_wait3A_92, %dma_wait3A_93] : memref<256x128xf32, #tpu.memory_space<vmem>> -> memref<128x128xf32, #tpu.memory_space<vmem>>
          %dma_wait3A_95 = arith.constant 0 : i32
          %dma_wait3A_96 = tpu.memref_slice %arg9[%add3A_82, %dma_wait3A_95] : memref<48x128xi32, #tpu.memory_space<vmem>> -> memref<1x128xi32, #tpu.memory_space<vmem>>
          %dma_wait3A_97 = tpu.memref_squeeze %dma_wait3A_96 : memref<1x128xi32, #tpu.memory_space<vmem>> -> memref<128xi32, #tpu.memory_space<vmem>>
          %dma_wait3A_98 = arith.constant 0 : i32
          %dma_wait3A_99 = arith.constant 0 : i32
          %dma_wait3A_100 = tpu.memref_slice %arg11[%dma_wait3A_98, %dma_wait3A_99] : memref<10112x128xf32, #tpu.memory_space<vmem_shared>> -> memref<10112x128xf32, #tpu.memory_space<vmem_shared>>
          tpu.wait_indirect_dma semaphore(%run_scoped3A : memref<!tpu.dma_semaphore, #tpu.memory_space<semaphore_mem>>) src(%dma_wait3A_94 : memref<128x128xf32, #tpu.memory_space<vmem>>) dst(%dma_wait3A_100 : memref<10112x128xf32, #tpu.memory_space<vmem_shared>>)
          tpu.yield
        }) : () -> ()
      }
      %scan3A_39 = arith.constant 16 : i32
    } else {
    }
    %barrier3A_18 = arith.constant 0 : index
    tpu.barrier barrier_id(%barrier3A_18)
    %eq3A_19 = arith.constant 0 : i32
    %eq3A_20 = arith.cmpi eq, %arg0, %eq3A_19 : i32
    %convert_element_type3A_21 = arith.extui %eq3A_20 : i1 to i32
    %cond3A_22 = arith.constant 0 : i32
    %cond3A_23 = arith.cmpi ne, %convert_element_type3A_21, %cond3A_22 : i32
    scf.if %cond3A_23 {
      "tpu.region"() ({
        %run_scoped3A = tpu.sem_alloc : memref<!tpu.dma_semaphore, #tpu.memory_space<semaphore_mem>>
        %dma_start3A = arith.constant 0 : i32
        %dma_start3A_29 = tpu.memref_slice %arg6[%mul3A_0, %dma_start3A] : memref<10112x128xf32, #tpu.memory_space<hbm>> -> memref<632x128xf32, #tpu.memory_space<hbm>>
        %dma_start3A_30 = arith.constant 0 : i32
        %dma_start3A_31 = tpu.memref_slice %arg11[%mul3A_0, %dma_start3A_30] : memref<10112x128xf32, #tpu.memory_space<vmem_shared>> -> memref<632x128xf32, #tpu.memory_space<vmem_shared>>
        tpu.enqueue_dma source(%dma_start3A_31 : memref<632x128xf32, #tpu.memory_space<vmem_shared>>) target(%dma_start3A_29 : memref<632x128xf32, #tpu.memory_space<hbm>>) target_semaphore(%run_scoped3A : memref<!tpu.dma_semaphore, #tpu.memory_space<semaphore_mem>>)
        %dma_wait3A = arith.constant 0 : i32
        %dma_wait3A_32 = tpu.memref_slice %arg6[%mul3A_0, %dma_wait3A] : memref<10112x128xf32, #tpu.memory_space<hbm>> -> memref<632x128xf32, #tpu.memory_space<hbm>>
        %dma_wait3A_33 = arith.constant 0 : i32
        %dma_wait3A_34 = tpu.memref_slice %arg11[%mul3A_0, %dma_wait3A_33] : memref<10112x128xf32, #tpu.memory_space<vmem_shared>> -> memref<632x128xf32, #tpu.memory_space<vmem_shared>>
        tpu.wait_dma2 semaphore(%run_scoped3A : memref<!tpu.dma_semaphore, #tpu.memory_space<semaphore_mem>>) src(%dma_wait3A_34 : memref<632x128xf32, #tpu.memory_space<vmem_shared>>) dst(%dma_wait3A_32 : memref<632x128xf32, #tpu.memory_space<hbm>>)
        tpu.yield
      }) : () -> ()
    } else {
    }
    %eq3A_24 = arith.constant 1 : i32
    %eq3A_25 = arith.cmpi eq, %arg0, %eq3A_24 : i32
    %convert_element_type3A_26 = arith.extui %eq3A_25 : i1 to i32
    %cond3A_27 = arith.constant 0 : i32
    %cond3A_28 = arith.cmpi ne, %convert_element_type3A_26, %cond3A_27 : i32
    scf.if %cond3A_28 {
      "tpu.region"() ({
        %run_scoped3A = tpu.sem_alloc : memref<!tpu.dma_semaphore, #tpu.memory_space<semaphore_mem>>
        %dma_start3A = arith.constant 0 : i32
        %dma_start3A_29 = tpu.memref_slice %arg7[%mul3A_0, %dma_start3A] : memref<10112x128xf32, #tpu.memory_space<hbm>> -> memref<632x128xf32, #tpu.memory_space<hbm>>
        %dma_start3A_30 = arith.constant 0 : i32
        %dma_start3A_31 = tpu.memref_slice %arg11[%mul3A_0, %dma_start3A_30] : memref<10112x128xf32, #tpu.memory_space<vmem_shared>> -> memref<632x128xf32, #tpu.memory_space<vmem_shared>>
        tpu.enqueue_dma source(%dma_start3A_31 : memref<632x128xf32, #tpu.memory_space<vmem_shared>>) target(%dma_start3A_29 : memref<632x128xf32, #tpu.memory_space<hbm>>) target_semaphore(%run_scoped3A : memref<!tpu.dma_semaphore, #tpu.memory_space<semaphore_mem>>)
        %dma_wait3A = arith.constant 0 : i32
        %dma_wait3A_32 = tpu.memref_slice %arg7[%mul3A_0, %dma_wait3A] : memref<10112x128xf32, #tpu.memory_space<hbm>> -> memref<632x128xf32, #tpu.memory_space<hbm>>
        %dma_wait3A_33 = arith.constant 0 : i32
        %dma_wait3A_34 = tpu.memref_slice %arg11[%mul3A_0, %dma_wait3A_33] : memref<10112x128xf32, #tpu.memory_space<vmem_shared>> -> memref<632x128xf32, #tpu.memory_space<vmem_shared>>
        tpu.wait_dma2 semaphore(%run_scoped3A : memref<!tpu.dma_semaphore, #tpu.memory_space<semaphore_mem>>) src(%dma_wait3A_34 : memref<632x128xf32, #tpu.memory_space<vmem_shared>>) dst(%dma_wait3A_32 : memref<632x128xf32, #tpu.memory_space<hbm>>)
        tpu.yield
      }) : () -> ()
    } else {
    }
    return
  }
}

#map = affine_map<(d0, d1) -> (0, 0)>
#map1 = affine_map<(d0, d1) -> (0, 0, 0)>
module attributes {stable_mosaic.version = 14 : i64} {
  func.func @_sc_agg_body(%arg0: i32, %arg1: i32, %arg2: memref<10112x128xf32, #tpu.memory_space<hbm>>, %arg3: memref<10112x128xf32, #tpu.memory_space<hbm>>, %arg4: memref<16x10240xi32, #tpu.memory_space<hbm>>, %arg5: memref<16x80x128xi32, #tpu.memory_space<hbm>>, %arg6: memref<10112x128xf32, #tpu.memory_space<hbm>>, %arg7: memref<10112x128xf32, #tpu.memory_space<hbm>>, %arg8: memref<10240xi32, #tpu.memory_space<vmem>>, %arg9: memref<48x128xi32, #tpu.memory_space<vmem>>, %arg10: memref<256x128xf32, #tpu.memory_space<vmem>>, %arg11: memref<10112x128xf32, #tpu.memory_space<vmem_shared>>, %arg12: memref<!tpu.dma_semaphore, #tpu.memory_space<semaphore_mem>>, %arg13: memref<!tpu.dma_semaphore, #tpu.memory_space<semaphore_mem>>) attributes {dimension_semantics = [#tpu.dimension_semantics<core_parallel>, #tpu.dimension_semantics<subcore_parallel>], iteration_bounds = array<i64: 2, 16>, scalar_prefetch = 0 : i64, scratch_operands = 6 : i64, tpu.core_type = #tpu.core_type<sc_vector_subcore>, window_params = [{transform_indices = #map}, {transform_indices = #map}, {transform_indices = #map}, {transform_indices = #map1}, {transform_indices = #map}, {transform_indices = #map}]} {
    %mul3A = arith.constant 632 : i32
    %mul3A_0 = arith.muli %arg1, %mul3A : i32
    %eq3A = arith.constant 0 : i32
    %eq3A_1 = arith.cmpi eq, %arg0, %eq3A : i32
    %convert_element_type3A = arith.extui %eq3A_1 : i1 to i32
    %cond3A = arith.constant 0 : i32
    %cond3A_2 = arith.cmpi ne, %convert_element_type3A, %cond3A : i32
    scf.if %cond3A_2 {
      "tpu.region"() ({
        %run_scoped3A = tpu.sem_alloc : memref<!tpu.dma_semaphore, #tpu.memory_space<semaphore_mem>>
        %dma_start3A_36 = arith.constant 0 : i32
        %dma_start3A_37 = tpu.memref_slice %arg4[%arg1, %dma_start3A_36] : memref<16x10240xi32, #tpu.memory_space<hbm>> -> memref<1x10240xi32, #tpu.memory_space<hbm>>
        %dma_start3A_38 = tpu.memref_squeeze %dma_start3A_37 : memref<1x10240xi32, #tpu.memory_space<hbm>> -> memref<10240xi32, #tpu.memory_space<hbm>>
        %dma_start3A_39 = arith.constant 0 : i32
        %dma_start3A_40 = tpu.memref_slice %arg4[%arg1, %dma_start3A_39] : memref<16x10240xi32, #tpu.memory_space<hbm>> -> memref<1x10240xi32, #tpu.memory_space<hbm>>
        %dma_start3A_41 = tpu.memref_squeeze %dma_start3A_40 : memref<1x10240xi32, #tpu.memory_space<hbm>> -> memref<10240xi32, #tpu.memory_space<hbm>>
        tpu.enqueue_dma source(%dma_start3A_41 : memref<10240xi32, #tpu.memory_space<hbm>>) target(%arg8 : memref<10240xi32, #tpu.memory_space<vmem>>) target_semaphore(%run_scoped3A : memref<!tpu.dma_semaphore, #tpu.memory_space<semaphore_mem>>)
        %dma_wait3A = arith.constant 0 : i32
        %dma_wait3A_42 = tpu.memref_slice %arg4[%arg1, %dma_wait3A] : memref<16x10240xi32, #tpu.memory_space<hbm>> -> memref<1x10240xi32, #tpu.memory_space<hbm>>
        %dma_wait3A_43 = tpu.memref_squeeze %dma_wait3A_42 : memref<1x10240xi32, #tpu.memory_space<hbm>> -> memref<10240xi32, #tpu.memory_space<hbm>>
        %dma_wait3A_44 = arith.constant 0 : i32
        %dma_wait3A_45 = tpu.memref_slice %arg4[%arg1, %dma_wait3A_44] : memref<16x10240xi32, #tpu.memory_space<hbm>> -> memref<1x10240xi32, #tpu.memory_space<hbm>>
        %dma_wait3A_46 = tpu.memref_squeeze %dma_wait3A_45 : memref<1x10240xi32, #tpu.memory_space<hbm>> -> memref<10240xi32, #tpu.memory_space<hbm>>
        tpu.wait_dma2 semaphore(%run_scoped3A : memref<!tpu.dma_semaphore, #tpu.memory_space<semaphore_mem>>) src(%dma_wait3A_46 : memref<10240xi32, #tpu.memory_space<hbm>>) dst(%arg8 : memref<10240xi32, #tpu.memory_space<vmem>>)
        tpu.yield
      }) : () -> ()
      %dma_start3A = arith.constant 0 : i32
      %dma_start3A_29 = arith.constant 0 : i32
      %dma_start3A_30 = tpu.memref_slice %arg10[%dma_start3A, %dma_start3A_29] : memref<256x128xf32, #tpu.memory_space<vmem>> -> memref<128x128xf32, #tpu.memory_space<vmem>>
      %dma_start3A_31 = arith.constant 0 : i32
      %dma_start3A_32 = tpu.memref_slice %arg8[%dma_start3A_31] : memref<10240xi32, #tpu.memory_space<vmem>> -> memref<128xi32, #tpu.memory_space<vmem>>
      %dma_start3A_33 = arith.constant 0 : i32
      %dma_start3A_34 = arith.constant 0 : i32
      %dma_start3A_35 = tpu.memref_slice %arg2[%dma_start3A_33, %dma_start3A_34] : memref<10112x128xf32, #tpu.memory_space<hbm>> -> memref<10112x128xf32, #tpu.memory_space<hbm>>
      tpu.enqueue_indirect_dma source(%dma_start3A_35 : memref<10112x128xf32, #tpu.memory_space<hbm>>) target(%dma_start3A_30 : memref<128x128xf32, #tpu.memory_space<vmem>>) offsets(%dma_start3A_32 : memref<128xi32, #tpu.memory_space<vmem>>) semaphore(%arg12 : memref<!tpu.dma_semaphore, #tpu.memory_space<semaphore_mem>>)
      "tpu.region"() ({
        %run_scoped3A = tpu.sem_alloc : memref<!tpu.dma_semaphore, #tpu.memory_space<semaphore_mem>>
        %dma_start3A_36 = arith.constant 0 : i32
        %dma_start3A_37 = tpu.memref_slice %arg11[%mul3A_0, %dma_start3A_36] : memref<10112x128xf32, #tpu.memory_space<vmem_shared>> -> memref<632x128xf32, #tpu.memory_space<vmem_shared>>
        %dma_start3A_38 = arith.constant 0 : i32
        %dma_start3A_39 = tpu.memref_slice %arg2[%mul3A_0, %dma_start3A_38] : memref<10112x128xf32, #tpu.memory_space<hbm>> -> memref<632x128xf32, #tpu.memory_space<hbm>>
        tpu.enqueue_dma source(%dma_start3A_39 : memref<632x128xf32, #tpu.memory_space<hbm>>) target(%dma_start3A_37 : memref<632x128xf32, #tpu.memory_space<vmem_shared>>) target_semaphore(%run_scoped3A : memref<!tpu.dma_semaphore, #tpu.memory_space<semaphore_mem>>)
        %dma_wait3A = arith.constant 0 : i32
        %dma_wait3A_40 = tpu.memref_slice %arg11[%mul3A_0, %dma_wait3A] : memref<10112x128xf32, #tpu.memory_space<vmem_shared>> -> memref<632x128xf32, #tpu.memory_space<vmem_shared>>
        %dma_wait3A_41 = arith.constant 0 : i32
        %dma_wait3A_42 = tpu.memref_slice %arg2[%mul3A_0, %dma_wait3A_41] : memref<10112x128xf32, #tpu.memory_space<hbm>> -> memref<632x128xf32, #tpu.memory_space<hbm>>
        tpu.wait_dma2 semaphore(%run_scoped3A : memref<!tpu.dma_semaphore, #tpu.memory_space<semaphore_mem>>) src(%dma_wait3A_42 : memref<632x128xf32, #tpu.memory_space<hbm>>) dst(%dma_wait3A_40 : memref<632x128xf32, #tpu.memory_space<vmem_shared>>)
        tpu.yield
      }) : () -> ()
    } else {
    }
    %eq3A_3 = arith.constant 1 : i32
    %eq3A_4 = arith.cmpi eq, %arg0, %eq3A_3 : i32
    %convert_element_type3A_5 = arith.extui %eq3A_4 : i1 to i32
    %cond3A_6 = arith.constant 0 : i32
    %cond3A_7 = arith.cmpi ne, %convert_element_type3A_5, %cond3A_6 : i32
    scf.if %cond3A_7 {
      "tpu.region"() ({
        %run_scoped3A = tpu.sem_alloc : memref<!tpu.dma_semaphore, #tpu.memory_space<semaphore_mem>>
        %dma_start3A_36 = arith.constant 0 : i32
        %dma_start3A_37 = tpu.memref_slice %arg4[%arg1, %dma_start3A_36] : memref<16x10240xi32, #tpu.memory_space<hbm>> -> memref<1x10240xi32, #tpu.memory_space<hbm>>
        %dma_start3A_38 = tpu.memref_squeeze %dma_start3A_37 : memref<1x10240xi32, #tpu.memory_space<hbm>> -> memref<10240xi32, #tpu.memory_space<hbm>>
        %dma_start3A_39 = arith.constant 0 : i32
        %dma_start3A_40 = tpu.memref_slice %arg4[%arg1, %dma_start3A_39] : memref<16x10240xi32, #tpu.memory_space<hbm>> -> memref<1x10240xi32, #tpu.memory_space<hbm>>
        %dma_start3A_41 = tpu.memref_squeeze %dma_start3A_40 : memref<1x10240xi32, #tpu.memory_space<hbm>> -> memref<10240xi32, #tpu.memory_space<hbm>>
        tpu.enqueue_dma source(%dma_start3A_41 : memref<10240xi32, #tpu.memory_space<hbm>>) target(%arg8 : memref<10240xi32, #tpu.memory_space<vmem>>) target_semaphore(%run_scoped3A : memref<!tpu.dma_semaphore, #tpu.memory_space<semaphore_mem>>)
        %dma_wait3A = arith.constant 0 : i32
        %dma_wait3A_42 = tpu.memref_slice %arg4[%arg1, %dma_wait3A] : memref<16x10240xi32, #tpu.memory_space<hbm>> -> memref<1x10240xi32, #tpu.memory_space<hbm>>
        %dma_wait3A_43 = tpu.memref_squeeze %dma_wait3A_42 : memref<1x10240xi32, #tpu.memory_space<hbm>> -> memref<10240xi32, #tpu.memory_space<hbm>>
        %dma_wait3A_44 = arith.constant 0 : i32
        %dma_wait3A_45 = tpu.memref_slice %arg4[%arg1, %dma_wait3A_44] : memref<16x10240xi32, #tpu.memory_space<hbm>> -> memref<1x10240xi32, #tpu.memory_space<hbm>>
        %dma_wait3A_46 = tpu.memref_squeeze %dma_wait3A_45 : memref<1x10240xi32, #tpu.memory_space<hbm>> -> memref<10240xi32, #tpu.memory_space<hbm>>
        tpu.wait_dma2 semaphore(%run_scoped3A : memref<!tpu.dma_semaphore, #tpu.memory_space<semaphore_mem>>) src(%dma_wait3A_46 : memref<10240xi32, #tpu.memory_space<hbm>>) dst(%arg8 : memref<10240xi32, #tpu.memory_space<vmem>>)
        tpu.yield
      }) : () -> ()
      %dma_start3A = arith.constant 0 : i32
      %dma_start3A_29 = arith.constant 0 : i32
      %dma_start3A_30 = tpu.memref_slice %arg10[%dma_start3A, %dma_start3A_29] : memref<256x128xf32, #tpu.memory_space<vmem>> -> memref<128x128xf32, #tpu.memory_space<vmem>>
      %dma_start3A_31 = arith.constant 0 : i32
      %dma_start3A_32 = tpu.memref_slice %arg8[%dma_start3A_31] : memref<10240xi32, #tpu.memory_space<vmem>> -> memref<128xi32, #tpu.memory_space<vmem>>
      %dma_start3A_33 = arith.constant 0 : i32
      %dma_start3A_34 = arith.constant 0 : i32
      %dma_start3A_35 = tpu.memref_slice %arg3[%dma_start3A_33, %dma_start3A_34] : memref<10112x128xf32, #tpu.memory_space<hbm>> -> memref<10112x128xf32, #tpu.memory_space<hbm>>
      tpu.enqueue_indirect_dma source(%dma_start3A_35 : memref<10112x128xf32, #tpu.memory_space<hbm>>) target(%dma_start3A_30 : memref<128x128xf32, #tpu.memory_space<vmem>>) offsets(%dma_start3A_32 : memref<128xi32, #tpu.memory_space<vmem>>) semaphore(%arg12 : memref<!tpu.dma_semaphore, #tpu.memory_space<semaphore_mem>>)
      "tpu.region"() ({
        %run_scoped3A = tpu.sem_alloc : memref<!tpu.dma_semaphore, #tpu.memory_space<semaphore_mem>>
        %dma_start3A_36 = arith.constant 0 : i32
        %dma_start3A_37 = tpu.memref_slice %arg11[%mul3A_0, %dma_start3A_36] : memref<10112x128xf32, #tpu.memory_space<vmem_shared>> -> memref<632x128xf32, #tpu.memory_space<vmem_shared>>
        %dma_start3A_38 = arith.constant 0 : i32
        %dma_start3A_39 = tpu.memref_slice %arg3[%mul3A_0, %dma_start3A_38] : memref<10112x128xf32, #tpu.memory_space<hbm>> -> memref<632x128xf32, #tpu.memory_space<hbm>>
        tpu.enqueue_dma source(%dma_start3A_39 : memref<632x128xf32, #tpu.memory_space<hbm>>) target(%dma_start3A_37 : memref<632x128xf32, #tpu.memory_space<vmem_shared>>) target_semaphore(%run_scoped3A : memref<!tpu.dma_semaphore, #tpu.memory_space<semaphore_mem>>)
        %dma_wait3A = arith.constant 0 : i32
        %dma_wait3A_40 = tpu.memref_slice %arg11[%mul3A_0, %dma_wait3A] : memref<10112x128xf32, #tpu.memory_space<vmem_shared>> -> memref<632x128xf32, #tpu.memory_space<vmem_shared>>
        %dma_wait3A_41 = arith.constant 0 : i32
        %dma_wait3A_42 = tpu.memref_slice %arg3[%mul3A_0, %dma_wait3A_41] : memref<10112x128xf32, #tpu.memory_space<hbm>> -> memref<632x128xf32, #tpu.memory_space<hbm>>
        tpu.wait_dma2 semaphore(%run_scoped3A : memref<!tpu.dma_semaphore, #tpu.memory_space<semaphore_mem>>) src(%dma_wait3A_42 : memref<632x128xf32, #tpu.memory_space<hbm>>) dst(%dma_wait3A_40 : memref<632x128xf32, #tpu.memory_space<vmem_shared>>)
        tpu.yield
      }) : () -> ()
    } else {
    }
    %barrier3A = arith.constant 0 : index
    tpu.barrier barrier_id(%barrier3A)
    %eq3A_8 = arith.constant 0 : i32
    %eq3A_9 = arith.cmpi eq, %arg0, %eq3A_8 : i32
    %convert_element_type3A_10 = arith.extui %eq3A_9 : i1 to i32
    %cond3A_11 = arith.constant 0 : i32
    %cond3A_12 = arith.cmpi ne, %convert_element_type3A_10, %cond3A_11 : i32
    scf.if %cond3A_12 {
      "tpu.region"() ({
        %run_scoped3A = tpu.sem_alloc : memref<!tpu.dma_semaphore, #tpu.memory_space<semaphore_mem>>
        %dma_start3A = arith.constant 0 : i32
        %dma_start3A_40 = arith.constant 0 : i32
        %dma_start3A_41 = tpu.memref_slice %arg9[%dma_start3A, %dma_start3A_40] : memref<48x128xi32, #tpu.memory_space<vmem>> -> memref<48x128xi32, #tpu.memory_space<vmem>>
        %dma_start3A_42 = arith.constant 0 : i32
        %dma_start3A_43 = arith.constant 0 : i32
        %dma_start3A_44 = tpu.memref_slice %arg5[%arg1, %dma_start3A_42, %dma_start3A_43] : memref<16x80x128xi32, #tpu.memory_space<hbm>> -> memref<1x48x128xi32, #tpu.memory_space<hbm>>
        %dma_start3A_45 = tpu.memref_squeeze %dma_start3A_44 : memref<1x48x128xi32, #tpu.memory_space<hbm>> -> memref<48x128xi32, #tpu.memory_space<hbm>>
        %dma_start3A_46 = arith.constant 0 : i32
        %dma_start3A_47 = arith.constant 0 : i32
        %dma_start3A_48 = tpu.memref_slice %arg9[%dma_start3A_46, %dma_start3A_47] : memref<48x128xi32, #tpu.memory_space<vmem>> -> memref<48x128xi32, #tpu.memory_space<vmem>>
        %dma_start3A_49 = arith.constant 0 : i32
        %dma_start3A_50 = arith.constant 0 : i32
        %dma_start3A_51 = tpu.memref_slice %arg5[%arg1, %dma_start3A_49, %dma_start3A_50] : memref<16x80x128xi32, #tpu.memory_space<hbm>> -> memref<1x48x128xi32, #tpu.memory_space<hbm>>
        %dma_start3A_52 = tpu.memref_squeeze %dma_start3A_51 : memref<1x48x128xi32, #tpu.memory_space<hbm>> -> memref<48x128xi32, #tpu.memory_space<hbm>>
        tpu.enqueue_dma source(%dma_start3A_52 : memref<48x128xi32, #tpu.memory_space<hbm>>) target(%dma_start3A_48 : memref<48x128xi32, #tpu.memory_space<vmem>>) target_semaphore(%run_scoped3A : memref<!tpu.dma_semaphore, #tpu.memory_space<semaphore_mem>>)
        %dma_wait3A = arith.constant 0 : i32
        %dma_wait3A_53 = arith.constant 0 : i32
        %dma_wait3A_54 = tpu.memref_slice %arg9[%dma_wait3A, %dma_wait3A_53] : memref<48x128xi32, #tpu.memory_space<vmem>> -> memref<48x128xi32, #tpu.memory_space<vmem>>
        %dma_wait3A_55 = arith.constant 0 : i32
        %dma_wait3A_56 = arith.constant 0 : i32
        %dma_wait3A_57 = tpu.memref_slice %arg5[%arg1, %dma_wait3A_55, %dma_wait3A_56] : memref<16x80x128xi32, #tpu.memory_space<hbm>> -> memref<1x48x128xi32, #tpu.memory_space<hbm>>
        %dma_wait3A_58 = tpu.memref_squeeze %dma_wait3A_57 : memref<1x48x128xi32, #tpu.memory_space<hbm>> -> memref<48x128xi32, #tpu.memory_space<hbm>>
        %dma_wait3A_59 = arith.constant 0 : i32
        %dma_wait3A_60 = arith.constant 0 : i32
        %dma_wait3A_61 = tpu.memref_slice %arg9[%dma_wait3A_59, %dma_wait3A_60] : memref<48x128xi32, #tpu.memory_space<vmem>> -> memref<48x128xi32, #tpu.memory_space<vmem>>
        %dma_wait3A_62 = arith.constant 0 : i32
        %dma_wait3A_63 = arith.constant 0 : i32
        %dma_wait3A_64 = tpu.memref_slice %arg5[%arg1, %dma_wait3A_62, %dma_wait3A_63] : memref<16x80x128xi32, #tpu.memory_space<hbm>> -> memref<1x48x128xi32, #tpu.memory_space<hbm>>
        %dma_wait3A_65 = tpu.memref_squeeze %dma_wait3A_64 : memref<1x48x128xi32, #tpu.memory_space<hbm>> -> memref<48x128xi32, #tpu.memory_space<hbm>>
        tpu.wait_dma2 semaphore(%run_scoped3A : memref<!tpu.dma_semaphore, #tpu.memory_space<semaphore_mem>>) src(%dma_wait3A_65 : memref<48x128xi32, #tpu.memory_space<hbm>>) dst(%dma_wait3A_61 : memref<48x128xi32, #tpu.memory_space<vmem>>)
        tpu.yield
      }) : () -> ()
      %scan3A = arith.constant 0 : i32
      %scan3A_29 = arith.constant 0 : i32
      %scan3A_30 = arith.constant 24 : i32
      %scan3A_31 = arith.addi %scan3A_29, %scan3A_30 : i32
      %scan3A_32 = arith.constant 1 : i32
      scf.for %scan3A_40 = %scan3A_29 to %scan3A_31 step %scan3A_32  : i32 {
        %mul3A_41 = arith.constant 2 : i32
        %mul3A_42 = arith.muli %mul3A_41, %scan3A_40 : i32
        %add3A = arith.constant 0 : i32
        %add3A_43 = arith.addi %add3A, %mul3A_42 : i32
        %add3A_44 = arith.constant 1 : i32
        %add3A_45 = arith.addi %add3A_43, %add3A_44 : i32
        %mul3A_46 = arith.constant 128 : i32
        %mul3A_47 = arith.muli %add3A_45, %mul3A_46 : i32
        %dma_start3A = arith.constant 128 : i32
        %dma_start3A_48 = arith.constant 0 : i32
        %dma_start3A_49 = tpu.memref_slice %arg10[%dma_start3A, %dma_start3A_48] : memref<256x128xf32, #tpu.memory_space<vmem>> -> memref<128x128xf32, #tpu.memory_space<vmem>>
        %dma_start3A_50 = tpu.memref_slice %arg8[%mul3A_47] : memref<10240xi32, #tpu.memory_space<vmem>> -> memref<128xi32, #tpu.memory_space<vmem>>
        %dma_start3A_51 = arith.constant 0 : i32
        %dma_start3A_52 = arith.constant 0 : i32
        %dma_start3A_53 = tpu.memref_slice %arg2[%dma_start3A_51, %dma_start3A_52] : memref<10112x128xf32, #tpu.memory_space<hbm>> -> memref<10112x128xf32, #tpu.memory_space<hbm>>
        tpu.enqueue_indirect_dma source(%dma_start3A_53 : memref<10112x128xf32, #tpu.memory_space<hbm>>) target(%dma_start3A_49 : memref<128x128xf32, #tpu.memory_space<vmem>>) offsets(%dma_start3A_50 : memref<128xi32, #tpu.memory_space<vmem>>) semaphore(%arg13 : memref<!tpu.dma_semaphore, #tpu.memory_space<semaphore_mem>>)
        %mul3A_54 = arith.constant 128 : i32
        %mul3A_55 = arith.muli %add3A_43, %mul3A_54 : i32
        %dma_wait3A = arith.constant 0 : i32
        %dma_wait3A_56 = arith.constant 0 : i32
        %dma_wait3A_57 = tpu.memref_slice %arg10[%dma_wait3A, %dma_wait3A_56] : memref<256x128xf32, #tpu.memory_space<vmem>> -> memref<128x128xf32, #tpu.memory_space<vmem>>
        %dma_wait3A_58 = tpu.memref_slice %arg8[%mul3A_55] : memref<10240xi32, #tpu.memory_space<vmem>> -> memref<128xi32, #tpu.memory_space<vmem>>
        %dma_wait3A_59 = arith.constant 0 : i32
        %dma_wait3A_60 = arith.constant 0 : i32
        %dma_wait3A_61 = tpu.memref_slice %arg2[%dma_wait3A_59, %dma_wait3A_60] : memref<10112x128xf32, #tpu.memory_space<hbm>> -> memref<10112x128xf32, #tpu.memory_space<hbm>>
        tpu.wait_indirect_dma semaphore(%arg12 : memref<!tpu.dma_semaphore, #tpu.memory_space<semaphore_mem>>) src(%dma_wait3A_61 : memref<10112x128xf32, #tpu.memory_space<hbm>>) dst(%dma_wait3A_57 : memref<128x128xf32, #tpu.memory_space<vmem>>)
        %mul3A_62 = arith.constant 2 : i32
        %mul3A_63 = arith.muli %mul3A_62, %scan3A_40 : i32
        "tpu.region"() ({
          %run_scoped3A = tpu.sem_alloc : memref<!tpu.dma_semaphore, #tpu.memory_space<semaphore_mem>>
          %dma_start3A_83 = arith.constant 0 : i32
          %dma_start3A_84 = arith.constant 0 : i32
          %dma_start3A_85 = tpu.memref_slice %arg10[%dma_start3A_83, %dma_start3A_84] : memref<256x128xf32, #tpu.memory_space<vmem>> -> memref<128x128xf32, #tpu.memory_space<vmem>>
          %dma_start3A_86 = arith.constant 0 : i32
          %dma_start3A_87 = tpu.memref_slice %arg9[%mul3A_63, %dma_start3A_86] : memref<48x128xi32, #tpu.memory_space<vmem>> -> memref<1x128xi32, #tpu.memory_space<vmem>>
          %dma_start3A_88 = tpu.memref_squeeze %dma_start3A_87 : memref<1x128xi32, #tpu.memory_space<vmem>> -> memref<128xi32, #tpu.memory_space<vmem>>
          %dma_start3A_89 = arith.constant 0 : i32
          %dma_start3A_90 = arith.constant 0 : i32
          %dma_start3A_91 = tpu.memref_slice %arg11[%dma_start3A_89, %dma_start3A_90] : memref<10112x128xf32, #tpu.memory_space<vmem_shared>> -> memref<10112x128xf32, #tpu.memory_space<vmem_shared>>
          tpu.enqueue_indirect_dma source(%dma_start3A_85 : memref<128x128xf32, #tpu.memory_space<vmem>>) target(%dma_start3A_91 : memref<10112x128xf32, #tpu.memory_space<vmem_shared>>) offsets(%dma_start3A_88 : memref<128xi32, #tpu.memory_space<vmem>>) semaphore(%run_scoped3A : memref<!tpu.dma_semaphore, #tpu.memory_space<semaphore_mem>>) {add = true}
          %dma_wait3A_92 = arith.constant 0 : i32
          %dma_wait3A_93 = arith.constant 0 : i32
          %dma_wait3A_94 = tpu.memref_slice %arg10[%dma_wait3A_92, %dma_wait3A_93] : memref<256x128xf32, #tpu.memory_space<vmem>> -> memref<128x128xf32, #tpu.memory_space<vmem>>
          %dma_wait3A_95 = arith.constant 0 : i32
          %dma_wait3A_96 = tpu.memref_slice %arg9[%mul3A_63, %dma_wait3A_95] : memref<48x128xi32, #tpu.memory_space<vmem>> -> memref<1x128xi32, #tpu.memory_space<vmem>>
          %dma_wait3A_97 = tpu.memref_squeeze %dma_wait3A_96 : memref<1x128xi32, #tpu.memory_space<vmem>> -> memref<128xi32, #tpu.memory_space<vmem>>
          %dma_wait3A_98 = arith.constant 0 : i32
          %dma_wait3A_99 = arith.constant 0 : i32
          %dma_wait3A_100 = tpu.memref_slice %arg11[%dma_wait3A_98, %dma_wait3A_99] : memref<10112x128xf32, #tpu.memory_space<vmem_shared>> -> memref<10112x128xf32, #tpu.memory_space<vmem_shared>>
          tpu.wait_indirect_dma semaphore(%run_scoped3A : memref<!tpu.dma_semaphore, #tpu.memory_space<semaphore_mem>>) src(%dma_wait3A_94 : memref<128x128xf32, #tpu.memory_space<vmem>>) dst(%dma_wait3A_100 : memref<10112x128xf32, #tpu.memory_space<vmem_shared>>)
          tpu.yield
        }) : () -> ()
        %add3A_64 = arith.constant 2 : i32
        %add3A_65 = arith.addi %add3A_43, %add3A_64 : i32
        %lt3A = arith.constant 80 : i32
        %lt3A_66 = arith.cmpi slt, %add3A_65, %lt3A : i32
        %convert_element_type3A_67 = arith.extui %lt3A_66 : i1 to i32
        %cond3A_68 = arith.constant 0 : i32
        %cond3A_69 = arith.cmpi ne, %convert_element_type3A_67, %cond3A_68 : i32
        scf.if %cond3A_69 {
          %add3A_83 = arith.constant 2 : i32
          %add3A_84 = arith.addi %add3A_43, %add3A_83 : i32
          %mul3A_85 = arith.constant 128 : i32
          %mul3A_86 = arith.muli %add3A_84, %mul3A_85 : i32
          %dma_start3A_87 = arith.constant 0 : i32
          %dma_start3A_88 = arith.constant 0 : i32
          %dma_start3A_89 = tpu.memref_slice %arg10[%dma_start3A_87, %dma_start3A_88] : memref<256x128xf32, #tpu.memory_space<vmem>> -> memref<128x128xf32, #tpu.memory_space<vmem>>
          %dma_start3A_90 = tpu.memref_slice %arg8[%mul3A_86] : memref<10240xi32, #tpu.memory_space<vmem>> -> memref<128xi32, #tpu.memory_space<vmem>>
          %dma_start3A_91 = arith.constant 0 : i32
          %dma_start3A_92 = arith.constant 0 : i32
          %dma_start3A_93 = tpu.memref_slice %arg2[%dma_start3A_91, %dma_start3A_92] : memref<10112x128xf32, #tpu.memory_space<hbm>> -> memref<10112x128xf32, #tpu.memory_space<hbm>>
          tpu.enqueue_indirect_dma source(%dma_start3A_93 : memref<10112x128xf32, #tpu.memory_space<hbm>>) target(%dma_start3A_89 : memref<128x128xf32, #tpu.memory_space<vmem>>) offsets(%dma_start3A_90 : memref<128xi32, #tpu.memory_space<vmem>>) semaphore(%arg12 : memref<!tpu.dma_semaphore, #tpu.memory_space<semaphore_mem>>)
        } else {
        }
        %mul3A_70 = arith.constant 128 : i32
        %mul3A_71 = arith.muli %add3A_45, %mul3A_70 : i32
        %dma_wait3A_72 = arith.constant 128 : i32
        %dma_wait3A_73 = arith.constant 0 : i32
        %dma_wait3A_74 = tpu.memref_slice %arg10[%dma_wait3A_72, %dma_wait3A_73] : memref<256x128xf32, #tpu.memory_space<vmem>> -> memref<128x128xf32, #tpu.memory_space<vmem>>
        %dma_wait3A_75 = tpu.memref_slice %arg8[%mul3A_71] : memref<10240xi32, #tpu.memory_space<vmem>> -> memref<128xi32, #tpu.memory_space<vmem>>
        %dma_wait3A_76 = arith.constant 0 : i32
        %dma_wait3A_77 = arith.constant 0 : i32
        %dma_wait3A_78 = tpu.memref_slice %arg2[%dma_wait3A_76, %dma_wait3A_77] : memref<10112x128xf32, #tpu.memory_space<hbm>> -> memref<10112x128xf32, #tpu.memory_space<hbm>>
        tpu.wait_indirect_dma semaphore(%arg13 : memref<!tpu.dma_semaphore, #tpu.memory_space<semaphore_mem>>) src(%dma_wait3A_78 : memref<10112x128xf32, #tpu.memory_space<hbm>>) dst(%dma_wait3A_74 : memref<128x128xf32, #tpu.memory_space<vmem>>)
        %mul3A_79 = arith.constant 2 : i32
        %mul3A_80 = arith.muli %mul3A_79, %scan3A_40 : i32
        %add3A_81 = arith.constant 1 : i32
        %add3A_82 = arith.addi %mul3A_80, %add3A_81 : i32
        "tpu.region"() ({
          %run_scoped3A = tpu.sem_alloc : memref<!tpu.dma_semaphore, #tpu.memory_space<semaphore_mem>>
          %dma_start3A_83 = arith.constant 128 : i32
          %dma_start3A_84 = arith.constant 0 : i32
          %dma_start3A_85 = tpu.memref_slice %arg10[%dma_start3A_83, %dma_start3A_84] : memref<256x128xf32, #tpu.memory_space<vmem>> -> memref<128x128xf32, #tpu.memory_space<vmem>>
          %dma_start3A_86 = arith.constant 0 : i32
          %dma_start3A_87 = tpu.memref_slice %arg9[%add3A_82, %dma_start3A_86] : memref<48x128xi32, #tpu.memory_space<vmem>> -> memref<1x128xi32, #tpu.memory_space<vmem>>
          %dma_start3A_88 = tpu.memref_squeeze %dma_start3A_87 : memref<1x128xi32, #tpu.memory_space<vmem>> -> memref<128xi32, #tpu.memory_space<vmem>>
          %dma_start3A_89 = arith.constant 0 : i32
          %dma_start3A_90 = arith.constant 0 : i32
          %dma_start3A_91 = tpu.memref_slice %arg11[%dma_start3A_89, %dma_start3A_90] : memref<10112x128xf32, #tpu.memory_space<vmem_shared>> -> memref<10112x128xf32, #tpu.memory_space<vmem_shared>>
          tpu.enqueue_indirect_dma source(%dma_start3A_85 : memref<128x128xf32, #tpu.memory_space<vmem>>) target(%dma_start3A_91 : memref<10112x128xf32, #tpu.memory_space<vmem_shared>>) offsets(%dma_start3A_88 : memref<128xi32, #tpu.memory_space<vmem>>) semaphore(%run_scoped3A : memref<!tpu.dma_semaphore, #tpu.memory_space<semaphore_mem>>) {add = true}
          %dma_wait3A_92 = arith.constant 128 : i32
          %dma_wait3A_93 = arith.constant 0 : i32
          %dma_wait3A_94 = tpu.memref_slice %arg10[%dma_wait3A_92, %dma_wait3A_93] : memref<256x128xf32, #tpu.memory_space<vmem>> -> memref<128x128xf32, #tpu.memory_space<vmem>>
          %dma_wait3A_95 = arith.constant 0 : i32
          %dma_wait3A_96 = tpu.memref_slice %arg9[%add3A_82, %dma_wait3A_95] : memref<48x128xi32, #tpu.memory_space<vmem>> -> memref<1x128xi32, #tpu.memory_space<vmem>>
          %dma_wait3A_97 = tpu.memref_squeeze %dma_wait3A_96 : memref<1x128xi32, #tpu.memory_space<vmem>> -> memref<128xi32, #tpu.memory_space<vmem>>
          %dma_wait3A_98 = arith.constant 0 : i32
          %dma_wait3A_99 = arith.constant 0 : i32
          %dma_wait3A_100 = tpu.memref_slice %arg11[%dma_wait3A_98, %dma_wait3A_99] : memref<10112x128xf32, #tpu.memory_space<vmem_shared>> -> memref<10112x128xf32, #tpu.memory_space<vmem_shared>>
          tpu.wait_indirect_dma semaphore(%run_scoped3A : memref<!tpu.dma_semaphore, #tpu.memory_space<semaphore_mem>>) src(%dma_wait3A_94 : memref<128x128xf32, #tpu.memory_space<vmem>>) dst(%dma_wait3A_100 : memref<10112x128xf32, #tpu.memory_space<vmem_shared>>)
          tpu.yield
        }) : () -> ()
      }
      %scan3A_33 = arith.constant 24 : i32
      "tpu.region"() ({
        %run_scoped3A = tpu.sem_alloc : memref<!tpu.dma_semaphore, #tpu.memory_space<semaphore_mem>>
        %dma_start3A = arith.constant 0 : i32
        %dma_start3A_40 = arith.constant 0 : i32
        %dma_start3A_41 = tpu.memref_slice %arg9[%dma_start3A, %dma_start3A_40] : memref<48x128xi32, #tpu.memory_space<vmem>> -> memref<32x128xi32, #tpu.memory_space<vmem>>
        %dma_start3A_42 = arith.constant 48 : i32
        %dma_start3A_43 = arith.constant 0 : i32
        %dma_start3A_44 = tpu.memref_slice %arg5[%arg1, %dma_start3A_42, %dma_start3A_43] : memref<16x80x128xi32, #tpu.memory_space<hbm>> -> memref<1x32x128xi32, #tpu.memory_space<hbm>>
        %dma_start3A_45 = tpu.memref_squeeze %dma_start3A_44 : memref<1x32x128xi32, #tpu.memory_space<hbm>> -> memref<32x128xi32, #tpu.memory_space<hbm>>
        %dma_start3A_46 = arith.constant 0 : i32
        %dma_start3A_47 = arith.constant 0 : i32
        %dma_start3A_48 = tpu.memref_slice %arg9[%dma_start3A_46, %dma_start3A_47] : memref<48x128xi32, #tpu.memory_space<vmem>> -> memref<32x128xi32, #tpu.memory_space<vmem>>
        %dma_start3A_49 = arith.constant 48 : i32
        %dma_start3A_50 = arith.constant 0 : i32
        %dma_start3A_51 = tpu.memref_slice %arg5[%arg1, %dma_start3A_49, %dma_start3A_50] : memref<16x80x128xi32, #tpu.memory_space<hbm>> -> memref<1x32x128xi32, #tpu.memory_space<hbm>>
        %dma_start3A_52 = tpu.memref_squeeze %dma_start3A_51 : memref<1x32x128xi32, #tpu.memory_space<hbm>> -> memref<32x128xi32, #tpu.memory_space<hbm>>
        tpu.enqueue_dma source(%dma_start3A_52 : memref<32x128xi32, #tpu.memory_space<hbm>>) target(%dma_start3A_48 : memref<32x128xi32, #tpu.memory_space<vmem>>) target_semaphore(%run_scoped3A : memref<!tpu.dma_semaphore, #tpu.memory_space<semaphore_mem>>)
        %dma_wait3A = arith.constant 0 : i32
        %dma_wait3A_53 = arith.constant 0 : i32
        %dma_wait3A_54 = tpu.memref_slice %arg9[%dma_wait3A, %dma_wait3A_53] : memref<48x128xi32, #tpu.memory_space<vmem>> -> memref<32x128xi32, #tpu.memory_space<vmem>>
        %dma_wait3A_55 = arith.constant 48 : i32
        %dma_wait3A_56 = arith.constant 0 : i32
        %dma_wait3A_57 = tpu.memref_slice %arg5[%arg1, %dma_wait3A_55, %dma_wait3A_56] : memref<16x80x128xi32, #tpu.memory_space<hbm>> -> memref<1x32x128xi32, #tpu.memory_space<hbm>>
        %dma_wait3A_58 = tpu.memref_squeeze %dma_wait3A_57 : memref<1x32x128xi32, #tpu.memory_space<hbm>> -> memref<32x128xi32, #tpu.memory_space<hbm>>
        %dma_wait3A_59 = arith.constant 0 : i32
        %dma_wait3A_60 = arith.constant 0 : i32
        %dma_wait3A_61 = tpu.memref_slice %arg9[%dma_wait3A_59, %dma_wait3A_60] : memref<48x128xi32, #tpu.memory_space<vmem>> -> memref<32x128xi32, #tpu.memory_space<vmem>>
        %dma_wait3A_62 = arith.constant 48 : i32
        %dma_wait3A_63 = arith.constant 0 : i32
        %dma_wait3A_64 = tpu.memref_slice %arg5[%arg1, %dma_wait3A_62, %dma_wait3A_63] : memref<16x80x128xi32, #tpu.memory_space<hbm>> -> memref<1x32x128xi32, #tpu.memory_space<hbm>>
        %dma_wait3A_65 = tpu.memref_squeeze %dma_wait3A_64 : memref<1x32x128xi32, #tpu.memory_space<hbm>> -> memref<32x128xi32, #tpu.memory_space<hbm>>
        tpu.wait_dma2 semaphore(%run_scoped3A : memref<!tpu.dma_semaphore, #tpu.memory_space<semaphore_mem>>) src(%dma_wait3A_65 : memref<32x128xi32, #tpu.memory_space<hbm>>) dst(%dma_wait3A_61 : memref<32x128xi32, #tpu.memory_space<vmem>>)
        tpu.yield
      }) : () -> ()
      %scan3A_34 = arith.constant 0 : i32
      %scan3A_35 = arith.constant 0 : i32
      %scan3A_36 = arith.constant 16 : i32
      %scan3A_37 = arith.addi %scan3A_35, %scan3A_36 : i32
      %scan3A_38 = arith.constant 1 : i32
      scf.for %scan3A_40 = %scan3A_35 to %scan3A_37 step %scan3A_38  : i32 {
        %mul3A_41 = arith.constant 2 : i32
        %mul3A_42 = arith.muli %mul3A_41, %scan3A_40 : i32
        %add3A = arith.constant 48 : i32
        %add3A_43 = arith.addi %add3A, %mul3A_42 : i32
        %add3A_44 = arith.constant 1 : i32
        %add3A_45 = arith.addi %add3A_43, %add3A_44 : i32
        %mul3A_46 = arith.constant 128 : i32
        %mul3A_47 = arith.muli %add3A_45, %mul3A_46 : i32
        %dma_start3A = arith.constant 128 : i32
        %dma_start3A_48 = arith.constant 0 : i32
        %dma_start3A_49 = tpu.memref_slice %arg10[%dma_start3A, %dma_start3A_48] : memref<256x128xf32, #tpu.memory_space<vmem>> -> memref<128x128xf32, #tpu.memory_space<vmem>>
        %dma_start3A_50 = tpu.memref_slice %arg8[%mul3A_47] : memref<10240xi32, #tpu.memory_space<vmem>> -> memref<128xi32, #tpu.memory_space<vmem>>
        %dma_start3A_51 = arith.constant 0 : i32
        %dma_start3A_52 = arith.constant 0 : i32
        %dma_start3A_53 = tpu.memref_slice %arg2[%dma_start3A_51, %dma_start3A_52] : memref<10112x128xf32, #tpu.memory_space<hbm>> -> memref<10112x128xf32, #tpu.memory_space<hbm>>
        tpu.enqueue_indirect_dma source(%dma_start3A_53 : memref<10112x128xf32, #tpu.memory_space<hbm>>) target(%dma_start3A_49 : memref<128x128xf32, #tpu.memory_space<vmem>>) offsets(%dma_start3A_50 : memref<128xi32, #tpu.memory_space<vmem>>) semaphore(%arg13 : memref<!tpu.dma_semaphore, #tpu.memory_space<semaphore_mem>>)
        %mul3A_54 = arith.constant 128 : i32
        %mul3A_55 = arith.muli %add3A_43, %mul3A_54 : i32
        %dma_wait3A = arith.constant 0 : i32
        %dma_wait3A_56 = arith.constant 0 : i32
        %dma_wait3A_57 = tpu.memref_slice %arg10[%dma_wait3A, %dma_wait3A_56] : memref<256x128xf32, #tpu.memory_space<vmem>> -> memref<128x128xf32, #tpu.memory_space<vmem>>
        %dma_wait3A_58 = tpu.memref_slice %arg8[%mul3A_55] : memref<10240xi32, #tpu.memory_space<vmem>> -> memref<128xi32, #tpu.memory_space<vmem>>
        %dma_wait3A_59 = arith.constant 0 : i32
        %dma_wait3A_60 = arith.constant 0 : i32
        %dma_wait3A_61 = tpu.memref_slice %arg2[%dma_wait3A_59, %dma_wait3A_60] : memref<10112x128xf32, #tpu.memory_space<hbm>> -> memref<10112x128xf32, #tpu.memory_space<hbm>>
        tpu.wait_indirect_dma semaphore(%arg12 : memref<!tpu.dma_semaphore, #tpu.memory_space<semaphore_mem>>) src(%dma_wait3A_61 : memref<10112x128xf32, #tpu.memory_space<hbm>>) dst(%dma_wait3A_57 : memref<128x128xf32, #tpu.memory_space<vmem>>)
        %mul3A_62 = arith.constant 2 : i32
        %mul3A_63 = arith.muli %mul3A_62, %scan3A_40 : i32
        "tpu.region"() ({
          %run_scoped3A = tpu.sem_alloc : memref<!tpu.dma_semaphore, #tpu.memory_space<semaphore_mem>>
          %dma_start3A_83 = arith.constant 0 : i32
          %dma_start3A_84 = arith.constant 0 : i32
          %dma_start3A_85 = tpu.memref_slice %arg10[%dma_start3A_83, %dma_start3A_84] : memref<256x128xf32, #tpu.memory_space<vmem>> -> memref<128x128xf32, #tpu.memory_space<vmem>>
          %dma_start3A_86 = arith.constant 0 : i32
          %dma_start3A_87 = tpu.memref_slice %arg9[%mul3A_63, %dma_start3A_86] : memref<48x128xi32, #tpu.memory_space<vmem>> -> memref<1x128xi32, #tpu.memory_space<vmem>>
          %dma_start3A_88 = tpu.memref_squeeze %dma_start3A_87 : memref<1x128xi32, #tpu.memory_space<vmem>> -> memref<128xi32, #tpu.memory_space<vmem>>
          %dma_start3A_89 = arith.constant 0 : i32
          %dma_start3A_90 = arith.constant 0 : i32
          %dma_start3A_91 = tpu.memref_slice %arg11[%dma_start3A_89, %dma_start3A_90] : memref<10112x128xf32, #tpu.memory_space<vmem_shared>> -> memref<10112x128xf32, #tpu.memory_space<vmem_shared>>
          tpu.enqueue_indirect_dma source(%dma_start3A_85 : memref<128x128xf32, #tpu.memory_space<vmem>>) target(%dma_start3A_91 : memref<10112x128xf32, #tpu.memory_space<vmem_shared>>) offsets(%dma_start3A_88 : memref<128xi32, #tpu.memory_space<vmem>>) semaphore(%run_scoped3A : memref<!tpu.dma_semaphore, #tpu.memory_space<semaphore_mem>>) {add = true}
          %dma_wait3A_92 = arith.constant 0 : i32
          %dma_wait3A_93 = arith.constant 0 : i32
          %dma_wait3A_94 = tpu.memref_slice %arg10[%dma_wait3A_92, %dma_wait3A_93] : memref<256x128xf32, #tpu.memory_space<vmem>> -> memref<128x128xf32, #tpu.memory_space<vmem>>
          %dma_wait3A_95 = arith.constant 0 : i32
          %dma_wait3A_96 = tpu.memref_slice %arg9[%mul3A_63, %dma_wait3A_95] : memref<48x128xi32, #tpu.memory_space<vmem>> -> memref<1x128xi32, #tpu.memory_space<vmem>>
          %dma_wait3A_97 = tpu.memref_squeeze %dma_wait3A_96 : memref<1x128xi32, #tpu.memory_space<vmem>> -> memref<128xi32, #tpu.memory_space<vmem>>
          %dma_wait3A_98 = arith.constant 0 : i32
          %dma_wait3A_99 = arith.constant 0 : i32
          %dma_wait3A_100 = tpu.memref_slice %arg11[%dma_wait3A_98, %dma_wait3A_99] : memref<10112x128xf32, #tpu.memory_space<vmem_shared>> -> memref<10112x128xf32, #tpu.memory_space<vmem_shared>>
          tpu.wait_indirect_dma semaphore(%run_scoped3A : memref<!tpu.dma_semaphore, #tpu.memory_space<semaphore_mem>>) src(%dma_wait3A_94 : memref<128x128xf32, #tpu.memory_space<vmem>>) dst(%dma_wait3A_100 : memref<10112x128xf32, #tpu.memory_space<vmem_shared>>)
          tpu.yield
        }) : () -> ()
        %add3A_64 = arith.constant 2 : i32
        %add3A_65 = arith.addi %add3A_43, %add3A_64 : i32
        %lt3A = arith.constant 80 : i32
        %lt3A_66 = arith.cmpi slt, %add3A_65, %lt3A : i32
        %convert_element_type3A_67 = arith.extui %lt3A_66 : i1 to i32
        %cond3A_68 = arith.constant 0 : i32
        %cond3A_69 = arith.cmpi ne, %convert_element_type3A_67, %cond3A_68 : i32
        scf.if %cond3A_69 {
          %add3A_83 = arith.constant 2 : i32
          %add3A_84 = arith.addi %add3A_43, %add3A_83 : i32
          %mul3A_85 = arith.constant 128 : i32
          %mul3A_86 = arith.muli %add3A_84, %mul3A_85 : i32
          %dma_start3A_87 = arith.constant 0 : i32
          %dma_start3A_88 = arith.constant 0 : i32
          %dma_start3A_89 = tpu.memref_slice %arg10[%dma_start3A_87, %dma_start3A_88] : memref<256x128xf32, #tpu.memory_space<vmem>> -> memref<128x128xf32, #tpu.memory_space<vmem>>
          %dma_start3A_90 = tpu.memref_slice %arg8[%mul3A_86] : memref<10240xi32, #tpu.memory_space<vmem>> -> memref<128xi32, #tpu.memory_space<vmem>>
          %dma_start3A_91 = arith.constant 0 : i32
          %dma_start3A_92 = arith.constant 0 : i32
          %dma_start3A_93 = tpu.memref_slice %arg2[%dma_start3A_91, %dma_start3A_92] : memref<10112x128xf32, #tpu.memory_space<hbm>> -> memref<10112x128xf32, #tpu.memory_space<hbm>>
          tpu.enqueue_indirect_dma source(%dma_start3A_93 : memref<10112x128xf32, #tpu.memory_space<hbm>>) target(%dma_start3A_89 : memref<128x128xf32, #tpu.memory_space<vmem>>) offsets(%dma_start3A_90 : memref<128xi32, #tpu.memory_space<vmem>>) semaphore(%arg12 : memref<!tpu.dma_semaphore, #tpu.memory_space<semaphore_mem>>)
        } else {
        }
        %mul3A_70 = arith.constant 128 : i32
        %mul3A_71 = arith.muli %add3A_45, %mul3A_70 : i32
        %dma_wait3A_72 = arith.constant 128 : i32
        %dma_wait3A_73 = arith.constant 0 : i32
        %dma_wait3A_74 = tpu.memref_slice %arg10[%dma_wait3A_72, %dma_wait3A_73] : memref<256x128xf32, #tpu.memory_space<vmem>> -> memref<128x128xf32, #tpu.memory_space<vmem>>
        %dma_wait3A_75 = tpu.memref_slice %arg8[%mul3A_71] : memref<10240xi32, #tpu.memory_space<vmem>> -> memref<128xi32, #tpu.memory_space<vmem>>
        %dma_wait3A_76 = arith.constant 0 : i32
        %dma_wait3A_77 = arith.constant 0 : i32
        %dma_wait3A_78 = tpu.memref_slice %arg2[%dma_wait3A_76, %dma_wait3A_77] : memref<10112x128xf32, #tpu.memory_space<hbm>> -> memref<10112x128xf32, #tpu.memory_space<hbm>>
        tpu.wait_indirect_dma semaphore(%arg13 : memref<!tpu.dma_semaphore, #tpu.memory_space<semaphore_mem>>) src(%dma_wait3A_78 : memref<10112x128xf32, #tpu.memory_space<hbm>>) dst(%dma_wait3A_74 : memref<128x128xf32, #tpu.memory_space<vmem>>)
        %mul3A_79 = arith.constant 2 : i32
        %mul3A_80 = arith.muli %mul3A_79, %scan3A_40 : i32
        %add3A_81 = arith.constant 1 : i32
        %add3A_82 = arith.addi %mul3A_80, %add3A_81 : i32
        "tpu.region"() ({
          %run_scoped3A = tpu.sem_alloc : memref<!tpu.dma_semaphore, #tpu.memory_space<semaphore_mem>>
          %dma_start3A_83 = arith.constant 128 : i32
          %dma_start3A_84 = arith.constant 0 : i32
          %dma_start3A_85 = tpu.memref_slice %arg10[%dma_start3A_83, %dma_start3A_84] : memref<256x128xf32, #tpu.memory_space<vmem>> -> memref<128x128xf32, #tpu.memory_space<vmem>>
          %dma_start3A_86 = arith.constant 0 : i32
          %dma_start3A_87 = tpu.memref_slice %arg9[%add3A_82, %dma_start3A_86] : memref<48x128xi32, #tpu.memory_space<vmem>> -> memref<1x128xi32, #tpu.memory_space<vmem>>
          %dma_start3A_88 = tpu.memref_squeeze %dma_start3A_87 : memref<1x128xi32, #tpu.memory_space<vmem>> -> memref<128xi32, #tpu.memory_space<vmem>>
          %dma_start3A_89 = arith.constant 0 : i32
          %dma_start3A_90 = arith.constant 0 : i32
          %dma_start3A_91 = tpu.memref_slice %arg11[%dma_start3A_89, %dma_start3A_90] : memref<10112x128xf32, #tpu.memory_space<vmem_shared>> -> memref<10112x128xf32, #tpu.memory_space<vmem_shared>>
          tpu.enqueue_indirect_dma source(%dma_start3A_85 : memref<128x128xf32, #tpu.memory_space<vmem>>) target(%dma_start3A_91 : memref<10112x128xf32, #tpu.memory_space<vmem_shared>>) offsets(%dma_start3A_88 : memref<128xi32, #tpu.memory_space<vmem>>) semaphore(%run_scoped3A : memref<!tpu.dma_semaphore, #tpu.memory_space<semaphore_mem>>) {add = true}
          %dma_wait3A_92 = arith.constant 128 : i32
          %dma_wait3A_93 = arith.constant 0 : i32
          %dma_wait3A_94 = tpu.memref_slice %arg10[%dma_wait3A_92, %dma_wait3A_93] : memref<256x128xf32, #tpu.memory_space<vmem>> -> memref<128x128xf32, #tpu.memory_space<vmem>>
          %dma_wait3A_95 = arith.constant 0 : i32
          %dma_wait3A_96 = tpu.memref_slice %arg9[%add3A_82, %dma_wait3A_95] : memref<48x128xi32, #tpu.memory_space<vmem>> -> memref<1x128xi32, #tpu.memory_space<vmem>>
          %dma_wait3A_97 = tpu.memref_squeeze %dma_wait3A_96 : memref<1x128xi32, #tpu.memory_space<vmem>> -> memref<128xi32, #tpu.memory_space<vmem>>
          %dma_wait3A_98 = arith.constant 0 : i32
          %dma_wait3A_99 = arith.constant 0 : i32
          %dma_wait3A_100 = tpu.memref_slice %arg11[%dma_wait3A_98, %dma_wait3A_99] : memref<10112x128xf32, #tpu.memory_space<vmem_shared>> -> memref<10112x128xf32, #tpu.memory_space<vmem_shared>>
          tpu.wait_indirect_dma semaphore(%run_scoped3A : memref<!tpu.dma_semaphore, #tpu.memory_space<semaphore_mem>>) src(%dma_wait3A_94 : memref<128x128xf32, #tpu.memory_space<vmem>>) dst(%dma_wait3A_100 : memref<10112x128xf32, #tpu.memory_space<vmem_shared>>)
          tpu.yield
        }) : () -> ()
      }
      %scan3A_39 = arith.constant 16 : i32
    } else {
    }
    %eq3A_13 = arith.constant 1 : i32
    %eq3A_14 = arith.cmpi eq, %arg0, %eq3A_13 : i32
    %convert_element_type3A_15 = arith.extui %eq3A_14 : i1 to i32
    %cond3A_16 = arith.constant 0 : i32
    %cond3A_17 = arith.cmpi ne, %convert_element_type3A_15, %cond3A_16 : i32
    scf.if %cond3A_17 {
      "tpu.region"() ({
        %run_scoped3A = tpu.sem_alloc : memref<!tpu.dma_semaphore, #tpu.memory_space<semaphore_mem>>
        %dma_start3A = arith.constant 0 : i32
        %dma_start3A_40 = arith.constant 0 : i32
        %dma_start3A_41 = tpu.memref_slice %arg9[%dma_start3A, %dma_start3A_40] : memref<48x128xi32, #tpu.memory_space<vmem>> -> memref<48x128xi32, #tpu.memory_space<vmem>>
        %dma_start3A_42 = arith.constant 0 : i32
        %dma_start3A_43 = arith.constant 0 : i32
        %dma_start3A_44 = tpu.memref_slice %arg5[%arg1, %dma_start3A_42, %dma_start3A_43] : memref<16x80x128xi32, #tpu.memory_space<hbm>> -> memref<1x48x128xi32, #tpu.memory_space<hbm>>
        %dma_start3A_45 = tpu.memref_squeeze %dma_start3A_44 : memref<1x48x128xi32, #tpu.memory_space<hbm>> -> memref<48x128xi32, #tpu.memory_space<hbm>>
        %dma_start3A_46 = arith.constant 0 : i32
        %dma_start3A_47 = arith.constant 0 : i32
        %dma_start3A_48 = tpu.memref_slice %arg9[%dma_start3A_46, %dma_start3A_47] : memref<48x128xi32, #tpu.memory_space<vmem>> -> memref<48x128xi32, #tpu.memory_space<vmem>>
        %dma_start3A_49 = arith.constant 0 : i32
        %dma_start3A_50 = arith.constant 0 : i32
        %dma_start3A_51 = tpu.memref_slice %arg5[%arg1, %dma_start3A_49, %dma_start3A_50] : memref<16x80x128xi32, #tpu.memory_space<hbm>> -> memref<1x48x128xi32, #tpu.memory_space<hbm>>
        %dma_start3A_52 = tpu.memref_squeeze %dma_start3A_51 : memref<1x48x128xi32, #tpu.memory_space<hbm>> -> memref<48x128xi32, #tpu.memory_space<hbm>>
        tpu.enqueue_dma source(%dma_start3A_52 : memref<48x128xi32, #tpu.memory_space<hbm>>) target(%dma_start3A_48 : memref<48x128xi32, #tpu.memory_space<vmem>>) target_semaphore(%run_scoped3A : memref<!tpu.dma_semaphore, #tpu.memory_space<semaphore_mem>>)
        %dma_wait3A = arith.constant 0 : i32
        %dma_wait3A_53 = arith.constant 0 : i32
        %dma_wait3A_54 = tpu.memref_slice %arg9[%dma_wait3A, %dma_wait3A_53] : memref<48x128xi32, #tpu.memory_space<vmem>> -> memref<48x128xi32, #tpu.memory_space<vmem>>
        %dma_wait3A_55 = arith.constant 0 : i32
        %dma_wait3A_56 = arith.constant 0 : i32
        %dma_wait3A_57 = tpu.memref_slice %arg5[%arg1, %dma_wait3A_55, %dma_wait3A_56] : memref<16x80x128xi32, #tpu.memory_space<hbm>> -> memref<1x48x128xi32, #tpu.memory_space<hbm>>
        %dma_wait3A_58 = tpu.memref_squeeze %dma_wait3A_57 : memref<1x48x128xi32, #tpu.memory_space<hbm>> -> memref<48x128xi32, #tpu.memory_space<hbm>>
        %dma_wait3A_59 = arith.constant 0 : i32
        %dma_wait3A_60 = arith.constant 0 : i32
        %dma_wait3A_61 = tpu.memref_slice %arg9[%dma_wait3A_59, %dma_wait3A_60] : memref<48x128xi32, #tpu.memory_space<vmem>> -> memref<48x128xi32, #tpu.memory_space<vmem>>
        %dma_wait3A_62 = arith.constant 0 : i32
        %dma_wait3A_63 = arith.constant 0 : i32
        %dma_wait3A_64 = tpu.memref_slice %arg5[%arg1, %dma_wait3A_62, %dma_wait3A_63] : memref<16x80x128xi32, #tpu.memory_space<hbm>> -> memref<1x48x128xi32, #tpu.memory_space<hbm>>
        %dma_wait3A_65 = tpu.memref_squeeze %dma_wait3A_64 : memref<1x48x128xi32, #tpu.memory_space<hbm>> -> memref<48x128xi32, #tpu.memory_space<hbm>>
        tpu.wait_dma2 semaphore(%run_scoped3A : memref<!tpu.dma_semaphore, #tpu.memory_space<semaphore_mem>>) src(%dma_wait3A_65 : memref<48x128xi32, #tpu.memory_space<hbm>>) dst(%dma_wait3A_61 : memref<48x128xi32, #tpu.memory_space<vmem>>)
        tpu.yield
      }) : () -> ()
      %scan3A = arith.constant 0 : i32
      %scan3A_29 = arith.constant 0 : i32
      %scan3A_30 = arith.constant 24 : i32
      %scan3A_31 = arith.addi %scan3A_29, %scan3A_30 : i32
      %scan3A_32 = arith.constant 1 : i32
      scf.for %scan3A_40 = %scan3A_29 to %scan3A_31 step %scan3A_32  : i32 {
        %mul3A_41 = arith.constant 2 : i32
        %mul3A_42 = arith.muli %mul3A_41, %scan3A_40 : i32
        %add3A = arith.constant 0 : i32
        %add3A_43 = arith.addi %add3A, %mul3A_42 : i32
        %add3A_44 = arith.constant 1 : i32
        %add3A_45 = arith.addi %add3A_43, %add3A_44 : i32
        %mul3A_46 = arith.constant 128 : i32
        %mul3A_47 = arith.muli %add3A_45, %mul3A_46 : i32
        %dma_start3A = arith.constant 128 : i32
        %dma_start3A_48 = arith.constant 0 : i32
        %dma_start3A_49 = tpu.memref_slice %arg10[%dma_start3A, %dma_start3A_48] : memref<256x128xf32, #tpu.memory_space<vmem>> -> memref<128x128xf32, #tpu.memory_space<vmem>>
        %dma_start3A_50 = tpu.memref_slice %arg8[%mul3A_47] : memref<10240xi32, #tpu.memory_space<vmem>> -> memref<128xi32, #tpu.memory_space<vmem>>
        %dma_start3A_51 = arith.constant 0 : i32
        %dma_start3A_52 = arith.constant 0 : i32
        %dma_start3A_53 = tpu.memref_slice %arg3[%dma_start3A_51, %dma_start3A_52] : memref<10112x128xf32, #tpu.memory_space<hbm>> -> memref<10112x128xf32, #tpu.memory_space<hbm>>
        tpu.enqueue_indirect_dma source(%dma_start3A_53 : memref<10112x128xf32, #tpu.memory_space<hbm>>) target(%dma_start3A_49 : memref<128x128xf32, #tpu.memory_space<vmem>>) offsets(%dma_start3A_50 : memref<128xi32, #tpu.memory_space<vmem>>) semaphore(%arg13 : memref<!tpu.dma_semaphore, #tpu.memory_space<semaphore_mem>>)
        %mul3A_54 = arith.constant 128 : i32
        %mul3A_55 = arith.muli %add3A_43, %mul3A_54 : i32
        %dma_wait3A = arith.constant 0 : i32
        %dma_wait3A_56 = arith.constant 0 : i32
        %dma_wait3A_57 = tpu.memref_slice %arg10[%dma_wait3A, %dma_wait3A_56] : memref<256x128xf32, #tpu.memory_space<vmem>> -> memref<128x128xf32, #tpu.memory_space<vmem>>
        %dma_wait3A_58 = tpu.memref_slice %arg8[%mul3A_55] : memref<10240xi32, #tpu.memory_space<vmem>> -> memref<128xi32, #tpu.memory_space<vmem>>
        %dma_wait3A_59 = arith.constant 0 : i32
        %dma_wait3A_60 = arith.constant 0 : i32
        %dma_wait3A_61 = tpu.memref_slice %arg3[%dma_wait3A_59, %dma_wait3A_60] : memref<10112x128xf32, #tpu.memory_space<hbm>> -> memref<10112x128xf32, #tpu.memory_space<hbm>>
        tpu.wait_indirect_dma semaphore(%arg12 : memref<!tpu.dma_semaphore, #tpu.memory_space<semaphore_mem>>) src(%dma_wait3A_61 : memref<10112x128xf32, #tpu.memory_space<hbm>>) dst(%dma_wait3A_57 : memref<128x128xf32, #tpu.memory_space<vmem>>)
        %mul3A_62 = arith.constant 2 : i32
        %mul3A_63 = arith.muli %mul3A_62, %scan3A_40 : i32
        "tpu.region"() ({
          %run_scoped3A = tpu.sem_alloc : memref<!tpu.dma_semaphore, #tpu.memory_space<semaphore_mem>>
          %dma_start3A_83 = arith.constant 0 : i32
          %dma_start3A_84 = arith.constant 0 : i32
          %dma_start3A_85 = tpu.memref_slice %arg10[%dma_start3A_83, %dma_start3A_84] : memref<256x128xf32, #tpu.memory_space<vmem>> -> memref<128x128xf32, #tpu.memory_space<vmem>>
          %dma_start3A_86 = arith.constant 0 : i32
          %dma_start3A_87 = tpu.memref_slice %arg9[%mul3A_63, %dma_start3A_86] : memref<48x128xi32, #tpu.memory_space<vmem>> -> memref<1x128xi32, #tpu.memory_space<vmem>>
          %dma_start3A_88 = tpu.memref_squeeze %dma_start3A_87 : memref<1x128xi32, #tpu.memory_space<vmem>> -> memref<128xi32, #tpu.memory_space<vmem>>
          %dma_start3A_89 = arith.constant 0 : i32
          %dma_start3A_90 = arith.constant 0 : i32
          %dma_start3A_91 = tpu.memref_slice %arg11[%dma_start3A_89, %dma_start3A_90] : memref<10112x128xf32, #tpu.memory_space<vmem_shared>> -> memref<10112x128xf32, #tpu.memory_space<vmem_shared>>
          tpu.enqueue_indirect_dma source(%dma_start3A_85 : memref<128x128xf32, #tpu.memory_space<vmem>>) target(%dma_start3A_91 : memref<10112x128xf32, #tpu.memory_space<vmem_shared>>) offsets(%dma_start3A_88 : memref<128xi32, #tpu.memory_space<vmem>>) semaphore(%run_scoped3A : memref<!tpu.dma_semaphore, #tpu.memory_space<semaphore_mem>>) {add = true}
          %dma_wait3A_92 = arith.constant 0 : i32
          %dma_wait3A_93 = arith.constant 0 : i32
          %dma_wait3A_94 = tpu.memref_slice %arg10[%dma_wait3A_92, %dma_wait3A_93] : memref<256x128xf32, #tpu.memory_space<vmem>> -> memref<128x128xf32, #tpu.memory_space<vmem>>
          %dma_wait3A_95 = arith.constant 0 : i32
          %dma_wait3A_96 = tpu.memref_slice %arg9[%mul3A_63, %dma_wait3A_95] : memref<48x128xi32, #tpu.memory_space<vmem>> -> memref<1x128xi32, #tpu.memory_space<vmem>>
          %dma_wait3A_97 = tpu.memref_squeeze %dma_wait3A_96 : memref<1x128xi32, #tpu.memory_space<vmem>> -> memref<128xi32, #tpu.memory_space<vmem>>
          %dma_wait3A_98 = arith.constant 0 : i32
          %dma_wait3A_99 = arith.constant 0 : i32
          %dma_wait3A_100 = tpu.memref_slice %arg11[%dma_wait3A_98, %dma_wait3A_99] : memref<10112x128xf32, #tpu.memory_space<vmem_shared>> -> memref<10112x128xf32, #tpu.memory_space<vmem_shared>>
          tpu.wait_indirect_dma semaphore(%run_scoped3A : memref<!tpu.dma_semaphore, #tpu.memory_space<semaphore_mem>>) src(%dma_wait3A_94 : memref<128x128xf32, #tpu.memory_space<vmem>>) dst(%dma_wait3A_100 : memref<10112x128xf32, #tpu.memory_space<vmem_shared>>)
          tpu.yield
        }) : () -> ()
        %add3A_64 = arith.constant 2 : i32
        %add3A_65 = arith.addi %add3A_43, %add3A_64 : i32
        %lt3A = arith.constant 80 : i32
        %lt3A_66 = arith.cmpi slt, %add3A_65, %lt3A : i32
        %convert_element_type3A_67 = arith.extui %lt3A_66 : i1 to i32
        %cond3A_68 = arith.constant 0 : i32
        %cond3A_69 = arith.cmpi ne, %convert_element_type3A_67, %cond3A_68 : i32
        scf.if %cond3A_69 {
          %add3A_83 = arith.constant 2 : i32
          %add3A_84 = arith.addi %add3A_43, %add3A_83 : i32
          %mul3A_85 = arith.constant 128 : i32
          %mul3A_86 = arith.muli %add3A_84, %mul3A_85 : i32
          %dma_start3A_87 = arith.constant 0 : i32
          %dma_start3A_88 = arith.constant 0 : i32
          %dma_start3A_89 = tpu.memref_slice %arg10[%dma_start3A_87, %dma_start3A_88] : memref<256x128xf32, #tpu.memory_space<vmem>> -> memref<128x128xf32, #tpu.memory_space<vmem>>
          %dma_start3A_90 = tpu.memref_slice %arg8[%mul3A_86] : memref<10240xi32, #tpu.memory_space<vmem>> -> memref<128xi32, #tpu.memory_space<vmem>>
          %dma_start3A_91 = arith.constant 0 : i32
          %dma_start3A_92 = arith.constant 0 : i32
          %dma_start3A_93 = tpu.memref_slice %arg3[%dma_start3A_91, %dma_start3A_92] : memref<10112x128xf32, #tpu.memory_space<hbm>> -> memref<10112x128xf32, #tpu.memory_space<hbm>>
          tpu.enqueue_indirect_dma source(%dma_start3A_93 : memref<10112x128xf32, #tpu.memory_space<hbm>>) target(%dma_start3A_89 : memref<128x128xf32, #tpu.memory_space<vmem>>) offsets(%dma_start3A_90 : memref<128xi32, #tpu.memory_space<vmem>>) semaphore(%arg12 : memref<!tpu.dma_semaphore, #tpu.memory_space<semaphore_mem>>)
        } else {
        }
        %mul3A_70 = arith.constant 128 : i32
        %mul3A_71 = arith.muli %add3A_45, %mul3A_70 : i32
        %dma_wait3A_72 = arith.constant 128 : i32
        %dma_wait3A_73 = arith.constant 0 : i32
        %dma_wait3A_74 = tpu.memref_slice %arg10[%dma_wait3A_72, %dma_wait3A_73] : memref<256x128xf32, #tpu.memory_space<vmem>> -> memref<128x128xf32, #tpu.memory_space<vmem>>
        %dma_wait3A_75 = tpu.memref_slice %arg8[%mul3A_71] : memref<10240xi32, #tpu.memory_space<vmem>> -> memref<128xi32, #tpu.memory_space<vmem>>
        %dma_wait3A_76 = arith.constant 0 : i32
        %dma_wait3A_77 = arith.constant 0 : i32
        %dma_wait3A_78 = tpu.memref_slice %arg3[%dma_wait3A_76, %dma_wait3A_77] : memref<10112x128xf32, #tpu.memory_space<hbm>> -> memref<10112x128xf32, #tpu.memory_space<hbm>>
        tpu.wait_indirect_dma semaphore(%arg13 : memref<!tpu.dma_semaphore, #tpu.memory_space<semaphore_mem>>) src(%dma_wait3A_78 : memref<10112x128xf32, #tpu.memory_space<hbm>>) dst(%dma_wait3A_74 : memref<128x128xf32, #tpu.memory_space<vmem>>)
        %mul3A_79 = arith.constant 2 : i32
        %mul3A_80 = arith.muli %mul3A_79, %scan3A_40 : i32
        %add3A_81 = arith.constant 1 : i32
        %add3A_82 = arith.addi %mul3A_80, %add3A_81 : i32
        "tpu.region"() ({
          %run_scoped3A = tpu.sem_alloc : memref<!tpu.dma_semaphore, #tpu.memory_space<semaphore_mem>>
          %dma_start3A_83 = arith.constant 128 : i32
          %dma_start3A_84 = arith.constant 0 : i32
          %dma_start3A_85 = tpu.memref_slice %arg10[%dma_start3A_83, %dma_start3A_84] : memref<256x128xf32, #tpu.memory_space<vmem>> -> memref<128x128xf32, #tpu.memory_space<vmem>>
          %dma_start3A_86 = arith.constant 0 : i32
          %dma_start3A_87 = tpu.memref_slice %arg9[%add3A_82, %dma_start3A_86] : memref<48x128xi32, #tpu.memory_space<vmem>> -> memref<1x128xi32, #tpu.memory_space<vmem>>
          %dma_start3A_88 = tpu.memref_squeeze %dma_start3A_87 : memref<1x128xi32, #tpu.memory_space<vmem>> -> memref<128xi32, #tpu.memory_space<vmem>>
          %dma_start3A_89 = arith.constant 0 : i32
          %dma_start3A_90 = arith.constant 0 : i32
          %dma_start3A_91 = tpu.memref_slice %arg11[%dma_start3A_89, %dma_start3A_90] : memref<10112x128xf32, #tpu.memory_space<vmem_shared>> -> memref<10112x128xf32, #tpu.memory_space<vmem_shared>>
          tpu.enqueue_indirect_dma source(%dma_start3A_85 : memref<128x128xf32, #tpu.memory_space<vmem>>) target(%dma_start3A_91 : memref<10112x128xf32, #tpu.memory_space<vmem_shared>>) offsets(%dma_start3A_88 : memref<128xi32, #tpu.memory_space<vmem>>) semaphore(%run_scoped3A : memref<!tpu.dma_semaphore, #tpu.memory_space<semaphore_mem>>) {add = true}
          %dma_wait3A_92 = arith.constant 128 : i32
          %dma_wait3A_93 = arith.constant 0 : i32
          %dma_wait3A_94 = tpu.memref_slice %arg10[%dma_wait3A_92, %dma_wait3A_93] : memref<256x128xf32, #tpu.memory_space<vmem>> -> memref<128x128xf32, #tpu.memory_space<vmem>>
          %dma_wait3A_95 = arith.constant 0 : i32
          %dma_wait3A_96 = tpu.memref_slice %arg9[%add3A_82, %dma_wait3A_95] : memref<48x128xi32, #tpu.memory_space<vmem>> -> memref<1x128xi32, #tpu.memory_space<vmem>>
          %dma_wait3A_97 = tpu.memref_squeeze %dma_wait3A_96 : memref<1x128xi32, #tpu.memory_space<vmem>> -> memref<128xi32, #tpu.memory_space<vmem>>
          %dma_wait3A_98 = arith.constant 0 : i32
          %dma_wait3A_99 = arith.constant 0 : i32
          %dma_wait3A_100 = tpu.memref_slice %arg11[%dma_wait3A_98, %dma_wait3A_99] : memref<10112x128xf32, #tpu.memory_space<vmem_shared>> -> memref<10112x128xf32, #tpu.memory_space<vmem_shared>>
          tpu.wait_indirect_dma semaphore(%run_scoped3A : memref<!tpu.dma_semaphore, #tpu.memory_space<semaphore_mem>>) src(%dma_wait3A_94 : memref<128x128xf32, #tpu.memory_space<vmem>>) dst(%dma_wait3A_100 : memref<10112x128xf32, #tpu.memory_space<vmem_shared>>)
          tpu.yield
        }) : () -> ()
      }
      %scan3A_33 = arith.constant 24 : i32
      "tpu.region"() ({
        %run_scoped3A = tpu.sem_alloc : memref<!tpu.dma_semaphore, #tpu.memory_space<semaphore_mem>>
        %dma_start3A = arith.constant 0 : i32
        %dma_start3A_40 = arith.constant 0 : i32
        %dma_start3A_41 = tpu.memref_slice %arg9[%dma_start3A, %dma_start3A_40] : memref<48x128xi32, #tpu.memory_space<vmem>> -> memref<32x128xi32, #tpu.memory_space<vmem>>
        %dma_start3A_42 = arith.constant 48 : i32
        %dma_start3A_43 = arith.constant 0 : i32
        %dma_start3A_44 = tpu.memref_slice %arg5[%arg1, %dma_start3A_42, %dma_start3A_43] : memref<16x80x128xi32, #tpu.memory_space<hbm>> -> memref<1x32x128xi32, #tpu.memory_space<hbm>>
        %dma_start3A_45 = tpu.memref_squeeze %dma_start3A_44 : memref<1x32x128xi32, #tpu.memory_space<hbm>> -> memref<32x128xi32, #tpu.memory_space<hbm>>
        %dma_start3A_46 = arith.constant 0 : i32
        %dma_start3A_47 = arith.constant 0 : i32
        %dma_start3A_48 = tpu.memref_slice %arg9[%dma_start3A_46, %dma_start3A_47] : memref<48x128xi32, #tpu.memory_space<vmem>> -> memref<32x128xi32, #tpu.memory_space<vmem>>
        %dma_start3A_49 = arith.constant 48 : i32
        %dma_start3A_50 = arith.constant 0 : i32
        %dma_start3A_51 = tpu.memref_slice %arg5[%arg1, %dma_start3A_49, %dma_start3A_50] : memref<16x80x128xi32, #tpu.memory_space<hbm>> -> memref<1x32x128xi32, #tpu.memory_space<hbm>>
        %dma_start3A_52 = tpu.memref_squeeze %dma_start3A_51 : memref<1x32x128xi32, #tpu.memory_space<hbm>> -> memref<32x128xi32, #tpu.memory_space<hbm>>
        tpu.enqueue_dma source(%dma_start3A_52 : memref<32x128xi32, #tpu.memory_space<hbm>>) target(%dma_start3A_48 : memref<32x128xi32, #tpu.memory_space<vmem>>) target_semaphore(%run_scoped3A : memref<!tpu.dma_semaphore, #tpu.memory_space<semaphore_mem>>)
        %dma_wait3A = arith.constant 0 : i32
        %dma_wait3A_53 = arith.constant 0 : i32
        %dma_wait3A_54 = tpu.memref_slice %arg9[%dma_wait3A, %dma_wait3A_53] : memref<48x128xi32, #tpu.memory_space<vmem>> -> memref<32x128xi32, #tpu.memory_space<vmem>>
        %dma_wait3A_55 = arith.constant 48 : i32
        %dma_wait3A_56 = arith.constant 0 : i32
        %dma_wait3A_57 = tpu.memref_slice %arg5[%arg1, %dma_wait3A_55, %dma_wait3A_56] : memref<16x80x128xi32, #tpu.memory_space<hbm>> -> memref<1x32x128xi32, #tpu.memory_space<hbm>>
        %dma_wait3A_58 = tpu.memref_squeeze %dma_wait3A_57 : memref<1x32x128xi32, #tpu.memory_space<hbm>> -> memref<32x128xi32, #tpu.memory_space<hbm>>
        %dma_wait3A_59 = arith.constant 0 : i32
        %dma_wait3A_60 = arith.constant 0 : i32
        %dma_wait3A_61 = tpu.memref_slice %arg9[%dma_wait3A_59, %dma_wait3A_60] : memref<48x128xi32, #tpu.memory_space<vmem>> -> memref<32x128xi32, #tpu.memory_space<vmem>>
        %dma_wait3A_62 = arith.constant 48 : i32
        %dma_wait3A_63 = arith.constant 0 : i32
        %dma_wait3A_64 = tpu.memref_slice %arg5[%arg1, %dma_wait3A_62, %dma_wait3A_63] : memref<16x80x128xi32, #tpu.memory_space<hbm>> -> memref<1x32x128xi32, #tpu.memory_space<hbm>>
        %dma_wait3A_65 = tpu.memref_squeeze %dma_wait3A_64 : memref<1x32x128xi32, #tpu.memory_space<hbm>> -> memref<32x128xi32, #tpu.memory_space<hbm>>
        tpu.wait_dma2 semaphore(%run_scoped3A : memref<!tpu.dma_semaphore, #tpu.memory_space<semaphore_mem>>) src(%dma_wait3A_65 : memref<32x128xi32, #tpu.memory_space<hbm>>) dst(%dma_wait3A_61 : memref<32x128xi32, #tpu.memory_space<vmem>>)
        tpu.yield
      }) : () -> ()
      %scan3A_34 = arith.constant 0 : i32
      %scan3A_35 = arith.constant 0 : i32
      %scan3A_36 = arith.constant 16 : i32
      %scan3A_37 = arith.addi %scan3A_35, %scan3A_36 : i32
      %scan3A_38 = arith.constant 1 : i32
      scf.for %scan3A_40 = %scan3A_35 to %scan3A_37 step %scan3A_38  : i32 {
        %mul3A_41 = arith.constant 2 : i32
        %mul3A_42 = arith.muli %mul3A_41, %scan3A_40 : i32
        %add3A = arith.constant 48 : i32
        %add3A_43 = arith.addi %add3A, %mul3A_42 : i32
        %add3A_44 = arith.constant 1 : i32
        %add3A_45 = arith.addi %add3A_43, %add3A_44 : i32
        %mul3A_46 = arith.constant 128 : i32
        %mul3A_47 = arith.muli %add3A_45, %mul3A_46 : i32
        %dma_start3A = arith.constant 128 : i32
        %dma_start3A_48 = arith.constant 0 : i32
        %dma_start3A_49 = tpu.memref_slice %arg10[%dma_start3A, %dma_start3A_48] : memref<256x128xf32, #tpu.memory_space<vmem>> -> memref<128x128xf32, #tpu.memory_space<vmem>>
        %dma_start3A_50 = tpu.memref_slice %arg8[%mul3A_47] : memref<10240xi32, #tpu.memory_space<vmem>> -> memref<128xi32, #tpu.memory_space<vmem>>
        %dma_start3A_51 = arith.constant 0 : i32
        %dma_start3A_52 = arith.constant 0 : i32
        %dma_start3A_53 = tpu.memref_slice %arg3[%dma_start3A_51, %dma_start3A_52] : memref<10112x128xf32, #tpu.memory_space<hbm>> -> memref<10112x128xf32, #tpu.memory_space<hbm>>
        tpu.enqueue_indirect_dma source(%dma_start3A_53 : memref<10112x128xf32, #tpu.memory_space<hbm>>) target(%dma_start3A_49 : memref<128x128xf32, #tpu.memory_space<vmem>>) offsets(%dma_start3A_50 : memref<128xi32, #tpu.memory_space<vmem>>) semaphore(%arg13 : memref<!tpu.dma_semaphore, #tpu.memory_space<semaphore_mem>>)
        %mul3A_54 = arith.constant 128 : i32
        %mul3A_55 = arith.muli %add3A_43, %mul3A_54 : i32
        %dma_wait3A = arith.constant 0 : i32
        %dma_wait3A_56 = arith.constant 0 : i32
        %dma_wait3A_57 = tpu.memref_slice %arg10[%dma_wait3A, %dma_wait3A_56] : memref<256x128xf32, #tpu.memory_space<vmem>> -> memref<128x128xf32, #tpu.memory_space<vmem>>
        %dma_wait3A_58 = tpu.memref_slice %arg8[%mul3A_55] : memref<10240xi32, #tpu.memory_space<vmem>> -> memref<128xi32, #tpu.memory_space<vmem>>
        %dma_wait3A_59 = arith.constant 0 : i32
        %dma_wait3A_60 = arith.constant 0 : i32
        %dma_wait3A_61 = tpu.memref_slice %arg3[%dma_wait3A_59, %dma_wait3A_60] : memref<10112x128xf32, #tpu.memory_space<hbm>> -> memref<10112x128xf32, #tpu.memory_space<hbm>>
        tpu.wait_indirect_dma semaphore(%arg12 : memref<!tpu.dma_semaphore, #tpu.memory_space<semaphore_mem>>) src(%dma_wait3A_61 : memref<10112x128xf32, #tpu.memory_space<hbm>>) dst(%dma_wait3A_57 : memref<128x128xf32, #tpu.memory_space<vmem>>)
        %mul3A_62 = arith.constant 2 : i32
        %mul3A_63 = arith.muli %mul3A_62, %scan3A_40 : i32
        "tpu.region"() ({
          %run_scoped3A = tpu.sem_alloc : memref<!tpu.dma_semaphore, #tpu.memory_space<semaphore_mem>>
          %dma_start3A_83 = arith.constant 0 : i32
          %dma_start3A_84 = arith.constant 0 : i32
          %dma_start3A_85 = tpu.memref_slice %arg10[%dma_start3A_83, %dma_start3A_84] : memref<256x128xf32, #tpu.memory_space<vmem>> -> memref<128x128xf32, #tpu.memory_space<vmem>>
          %dma_start3A_86 = arith.constant 0 : i32
          %dma_start3A_87 = tpu.memref_slice %arg9[%mul3A_63, %dma_start3A_86] : memref<48x128xi32, #tpu.memory_space<vmem>> -> memref<1x128xi32, #tpu.memory_space<vmem>>
          %dma_start3A_88 = tpu.memref_squeeze %dma_start3A_87 : memref<1x128xi32, #tpu.memory_space<vmem>> -> memref<128xi32, #tpu.memory_space<vmem>>
          %dma_start3A_89 = arith.constant 0 : i32
          %dma_start3A_90 = arith.constant 0 : i32
          %dma_start3A_91 = tpu.memref_slice %arg11[%dma_start3A_89, %dma_start3A_90] : memref<10112x128xf32, #tpu.memory_space<vmem_shared>> -> memref<10112x128xf32, #tpu.memory_space<vmem_shared>>
          tpu.enqueue_indirect_dma source(%dma_start3A_85 : memref<128x128xf32, #tpu.memory_space<vmem>>) target(%dma_start3A_91 : memref<10112x128xf32, #tpu.memory_space<vmem_shared>>) offsets(%dma_start3A_88 : memref<128xi32, #tpu.memory_space<vmem>>) semaphore(%run_scoped3A : memref<!tpu.dma_semaphore, #tpu.memory_space<semaphore_mem>>) {add = true}
          %dma_wait3A_92 = arith.constant 0 : i32
          %dma_wait3A_93 = arith.constant 0 : i32
          %dma_wait3A_94 = tpu.memref_slice %arg10[%dma_wait3A_92, %dma_wait3A_93] : memref<256x128xf32, #tpu.memory_space<vmem>> -> memref<128x128xf32, #tpu.memory_space<vmem>>
          %dma_wait3A_95 = arith.constant 0 : i32
          %dma_wait3A_96 = tpu.memref_slice %arg9[%mul3A_63, %dma_wait3A_95] : memref<48x128xi32, #tpu.memory_space<vmem>> -> memref<1x128xi32, #tpu.memory_space<vmem>>
          %dma_wait3A_97 = tpu.memref_squeeze %dma_wait3A_96 : memref<1x128xi32, #tpu.memory_space<vmem>> -> memref<128xi32, #tpu.memory_space<vmem>>
          %dma_wait3A_98 = arith.constant 0 : i32
          %dma_wait3A_99 = arith.constant 0 : i32
          %dma_wait3A_100 = tpu.memref_slice %arg11[%dma_wait3A_98, %dma_wait3A_99] : memref<10112x128xf32, #tpu.memory_space<vmem_shared>> -> memref<10112x128xf32, #tpu.memory_space<vmem_shared>>
          tpu.wait_indirect_dma semaphore(%run_scoped3A : memref<!tpu.dma_semaphore, #tpu.memory_space<semaphore_mem>>) src(%dma_wait3A_94 : memref<128x128xf32, #tpu.memory_space<vmem>>) dst(%dma_wait3A_100 : memref<10112x128xf32, #tpu.memory_space<vmem_shared>>)
          tpu.yield
        }) : () -> ()
        %add3A_64 = arith.constant 2 : i32
        %add3A_65 = arith.addi %add3A_43, %add3A_64 : i32
        %lt3A = arith.constant 80 : i32
        %lt3A_66 = arith.cmpi slt, %add3A_65, %lt3A : i32
        %convert_element_type3A_67 = arith.extui %lt3A_66 : i1 to i32
        %cond3A_68 = arith.constant 0 : i32
        %cond3A_69 = arith.cmpi ne, %convert_element_type3A_67, %cond3A_68 : i32
        scf.if %cond3A_69 {
          %add3A_83 = arith.constant 2 : i32
          %add3A_84 = arith.addi %add3A_43, %add3A_83 : i32
          %mul3A_85 = arith.constant 128 : i32
          %mul3A_86 = arith.muli %add3A_84, %mul3A_85 : i32
          %dma_start3A_87 = arith.constant 0 : i32
          %dma_start3A_88 = arith.constant 0 : i32
          %dma_start3A_89 = tpu.memref_slice %arg10[%dma_start3A_87, %dma_start3A_88] : memref<256x128xf32, #tpu.memory_space<vmem>> -> memref<128x128xf32, #tpu.memory_space<vmem>>
          %dma_start3A_90 = tpu.memref_slice %arg8[%mul3A_86] : memref<10240xi32, #tpu.memory_space<vmem>> -> memref<128xi32, #tpu.memory_space<vmem>>
          %dma_start3A_91 = arith.constant 0 : i32
          %dma_start3A_92 = arith.constant 0 : i32
          %dma_start3A_93 = tpu.memref_slice %arg3[%dma_start3A_91, %dma_start3A_92] : memref<10112x128xf32, #tpu.memory_space<hbm>> -> memref<10112x128xf32, #tpu.memory_space<hbm>>
          tpu.enqueue_indirect_dma source(%dma_start3A_93 : memref<10112x128xf32, #tpu.memory_space<hbm>>) target(%dma_start3A_89 : memref<128x128xf32, #tpu.memory_space<vmem>>) offsets(%dma_start3A_90 : memref<128xi32, #tpu.memory_space<vmem>>) semaphore(%arg12 : memref<!tpu.dma_semaphore, #tpu.memory_space<semaphore_mem>>)
        } else {
        }
        %mul3A_70 = arith.constant 128 : i32
        %mul3A_71 = arith.muli %add3A_45, %mul3A_70 : i32
        %dma_wait3A_72 = arith.constant 128 : i32
        %dma_wait3A_73 = arith.constant 0 : i32
        %dma_wait3A_74 = tpu.memref_slice %arg10[%dma_wait3A_72, %dma_wait3A_73] : memref<256x128xf32, #tpu.memory_space<vmem>> -> memref<128x128xf32, #tpu.memory_space<vmem>>
        %dma_wait3A_75 = tpu.memref_slice %arg8[%mul3A_71] : memref<10240xi32, #tpu.memory_space<vmem>> -> memref<128xi32, #tpu.memory_space<vmem>>
        %dma_wait3A_76 = arith.constant 0 : i32
        %dma_wait3A_77 = arith.constant 0 : i32
        %dma_wait3A_78 = tpu.memref_slice %arg3[%dma_wait3A_76, %dma_wait3A_77] : memref<10112x128xf32, #tpu.memory_space<hbm>> -> memref<10112x128xf32, #tpu.memory_space<hbm>>
        tpu.wait_indirect_dma semaphore(%arg13 : memref<!tpu.dma_semaphore, #tpu.memory_space<semaphore_mem>>) src(%dma_wait3A_78 : memref<10112x128xf32, #tpu.memory_space<hbm>>) dst(%dma_wait3A_74 : memref<128x128xf32, #tpu.memory_space<vmem>>)
        %mul3A_79 = arith.constant 2 : i32
        %mul3A_80 = arith.muli %mul3A_79, %scan3A_40 : i32
        %add3A_81 = arith.constant 1 : i32
        %add3A_82 = arith.addi %mul3A_80, %add3A_81 : i32
        "tpu.region"() ({
          %run_scoped3A = tpu.sem_alloc : memref<!tpu.dma_semaphore, #tpu.memory_space<semaphore_mem>>
          %dma_start3A_83 = arith.constant 128 : i32
          %dma_start3A_84 = arith.constant 0 : i32
          %dma_start3A_85 = tpu.memref_slice %arg10[%dma_start3A_83, %dma_start3A_84] : memref<256x128xf32, #tpu.memory_space<vmem>> -> memref<128x128xf32, #tpu.memory_space<vmem>>
          %dma_start3A_86 = arith.constant 0 : i32
          %dma_start3A_87 = tpu.memref_slice %arg9[%add3A_82, %dma_start3A_86] : memref<48x128xi32, #tpu.memory_space<vmem>> -> memref<1x128xi32, #tpu.memory_space<vmem>>
          %dma_start3A_88 = tpu.memref_squeeze %dma_start3A_87 : memref<1x128xi32, #tpu.memory_space<vmem>> -> memref<128xi32, #tpu.memory_space<vmem>>
          %dma_start3A_89 = arith.constant 0 : i32
          %dma_start3A_90 = arith.constant 0 : i32
          %dma_start3A_91 = tpu.memref_slice %arg11[%dma_start3A_89, %dma_start3A_90] : memref<10112x128xf32, #tpu.memory_space<vmem_shared>> -> memref<10112x128xf32, #tpu.memory_space<vmem_shared>>
          tpu.enqueue_indirect_dma source(%dma_start3A_85 : memref<128x128xf32, #tpu.memory_space<vmem>>) target(%dma_start3A_91 : memref<10112x128xf32, #tpu.memory_space<vmem_shared>>) offsets(%dma_start3A_88 : memref<128xi32, #tpu.memory_space<vmem>>) semaphore(%run_scoped3A : memref<!tpu.dma_semaphore, #tpu.memory_space<semaphore_mem>>) {add = true}
          %dma_wait3A_92 = arith.constant 128 : i32
          %dma_wait3A_93 = arith.constant 0 : i32
          %dma_wait3A_94 = tpu.memref_slice %arg10[%dma_wait3A_92, %dma_wait3A_93] : memref<256x128xf32, #tpu.memory_space<vmem>> -> memref<128x128xf32, #tpu.memory_space<vmem>>
          %dma_wait3A_95 = arith.constant 0 : i32
          %dma_wait3A_96 = tpu.memref_slice %arg9[%add3A_82, %dma_wait3A_95] : memref<48x128xi32, #tpu.memory_space<vmem>> -> memref<1x128xi32, #tpu.memory_space<vmem>>
          %dma_wait3A_97 = tpu.memref_squeeze %dma_wait3A_96 : memref<1x128xi32, #tpu.memory_space<vmem>> -> memref<128xi32, #tpu.memory_space<vmem>>
          %dma_wait3A_98 = arith.constant 0 : i32
          %dma_wait3A_99 = arith.constant 0 : i32
          %dma_wait3A_100 = tpu.memref_slice %arg11[%dma_wait3A_98, %dma_wait3A_99] : memref<10112x128xf32, #tpu.memory_space<vmem_shared>> -> memref<10112x128xf32, #tpu.memory_space<vmem_shared>>
          tpu.wait_indirect_dma semaphore(%run_scoped3A : memref<!tpu.dma_semaphore, #tpu.memory_space<semaphore_mem>>) src(%dma_wait3A_94 : memref<128x128xf32, #tpu.memory_space<vmem>>) dst(%dma_wait3A_100 : memref<10112x128xf32, #tpu.memory_space<vmem_shared>>)
          tpu.yield
        }) : () -> ()
      }
      %scan3A_39 = arith.constant 16 : i32
    } else {
    }
    %barrier3A_18 = arith.constant 0 : index
    tpu.barrier barrier_id(%barrier3A_18)
    %eq3A_19 = arith.constant 0 : i32
    %eq3A_20 = arith.cmpi eq, %arg0, %eq3A_19 : i32
    %convert_element_type3A_21 = arith.extui %eq3A_20 : i1 to i32
    %cond3A_22 = arith.constant 0 : i32
    %cond3A_23 = arith.cmpi ne, %convert_element_type3A_21, %cond3A_22 : i32
    scf.if %cond3A_23 {
      "tpu.region"() ({
        %run_scoped3A = tpu.sem_alloc : memref<!tpu.dma_semaphore, #tpu.memory_space<semaphore_mem>>
        %dma_start3A = arith.constant 0 : i32
        %dma_start3A_29 = tpu.memref_slice %arg6[%mul3A_0, %dma_start3A] : memref<10112x128xf32, #tpu.memory_space<hbm>> -> memref<632x128xf32, #tpu.memory_space<hbm>>
        %dma_start3A_30 = arith.constant 0 : i32
        %dma_start3A_31 = tpu.memref_slice %arg11[%mul3A_0, %dma_start3A_30] : memref<10112x128xf32, #tpu.memory_space<vmem_shared>> -> memref<632x128xf32, #tpu.memory_space<vmem_shared>>
        tpu.enqueue_dma source(%dma_start3A_31 : memref<632x128xf32, #tpu.memory_space<vmem_shared>>) target(%dma_start3A_29 : memref<632x128xf32, #tpu.memory_space<hbm>>) target_semaphore(%run_scoped3A : memref<!tpu.dma_semaphore, #tpu.memory_space<semaphore_mem>>)
        %dma_wait3A = arith.constant 0 : i32
        %dma_wait3A_32 = tpu.memref_slice %arg6[%mul3A_0, %dma_wait3A] : memref<10112x128xf32, #tpu.memory_space<hbm>> -> memref<632x128xf32, #tpu.memory_space<hbm>>
        %dma_wait3A_33 = arith.constant 0 : i32
        %dma_wait3A_34 = tpu.memref_slice %arg11[%mul3A_0, %dma_wait3A_33] : memref<10112x128xf32, #tpu.memory_space<vmem_shared>> -> memref<632x128xf32, #tpu.memory_space<vmem_shared>>
        tpu.wait_dma2 semaphore(%run_scoped3A : memref<!tpu.dma_semaphore, #tpu.memory_space<semaphore_mem>>) src(%dma_wait3A_34 : memref<632x128xf32, #tpu.memory_space<vmem_shared>>) dst(%dma_wait3A_32 : memref<632x128xf32, #tpu.memory_space<hbm>>)
        tpu.yield
      }) : () -> ()
    } else {
    }
    %eq3A_24 = arith.constant 1 : i32
    %eq3A_25 = arith.cmpi eq, %arg0, %eq3A_24 : i32
    %convert_element_type3A_26 = arith.extui %eq3A_25 : i1 to i32
    %cond3A_27 = arith.constant 0 : i32
    %cond3A_28 = arith.cmpi ne, %convert_element_type3A_26, %cond3A_27 : i32
    scf.if %cond3A_28 {
      "tpu.region"() ({
        %run_scoped3A = tpu.sem_alloc : memref<!tpu.dma_semaphore, #tpu.memory_space<semaphore_mem>>
        %dma_start3A = arith.constant 0 : i32
        %dma_start3A_29 = tpu.memref_slice %arg7[%mul3A_0, %dma_start3A] : memref<10112x128xf32, #tpu.memory_space<hbm>> -> memref<632x128xf32, #tpu.memory_space<hbm>>
        %dma_start3A_30 = arith.constant 0 : i32
        %dma_start3A_31 = tpu.memref_slice %arg11[%mul3A_0, %dma_start3A_30] : memref<10112x128xf32, #tpu.memory_space<vmem_shared>> -> memref<632x128xf32, #tpu.memory_space<vmem_shared>>
        tpu.enqueue_dma source(%dma_start3A_31 : memref<632x128xf32, #tpu.memory_space<vmem_shared>>) target(%dma_start3A_29 : memref<632x128xf32, #tpu.memory_space<hbm>>) target_semaphore(%run_scoped3A : memref<!tpu.dma_semaphore, #tpu.memory_space<semaphore_mem>>)
        %dma_wait3A = arith.constant 0 : i32
        %dma_wait3A_32 = tpu.memref_slice %arg7[%mul3A_0, %dma_wait3A] : memref<10112x128xf32, #tpu.memory_space<hbm>> -> memref<632x128xf32, #tpu.memory_space<hbm>>
        %dma_wait3A_33 = arith.constant 0 : i32
        %dma_wait3A_34 = tpu.memref_slice %arg11[%mul3A_0, %dma_wait3A_33] : memref<10112x128xf32, #tpu.memory_space<vmem_shared>> -> memref<632x128xf32, #tpu.memory_space<vmem_shared>>
        tpu.wait_dma2 semaphore(%run_scoped3A : memref<!tpu.dma_semaphore, #tpu.memory_space<semaphore_mem>>) src(%dma_wait3A_34 : memref<632x128xf32, #tpu.memory_space<vmem_shared>>) dst(%dma_wait3A_32 : memref<632x128xf32, #tpu.memory_space<hbm>>)
        tpu.yield
      }) : () -> ()
    } else {
    }
    return
  }
}

#map = affine_map<(d0, d1) -> (0, 0)>
#map1 = affine_map<(d0, d1) -> (0, 0, 0)>
module attributes {stable_mosaic.version = 14 : i64} {
  func.func @_sc_agg_body(%arg0: i32, %arg1: i32, %arg2: memref<10112x128xf32, #tpu.memory_space<hbm>>, %arg3: memref<10112x128xf32, #tpu.memory_space<hbm>>, %arg4: memref<16x10240xi32, #tpu.memory_space<hbm>>, %arg5: memref<16x80x128xi32, #tpu.memory_space<hbm>>, %arg6: memref<10112x128xf32, #tpu.memory_space<hbm>>, %arg7: memref<10112x128xf32, #tpu.memory_space<hbm>>, %arg8: memref<10240xi32, #tpu.memory_space<vmem>>, %arg9: memref<48x128xi32, #tpu.memory_space<vmem>>, %arg10: memref<256x128xf32, #tpu.memory_space<vmem>>, %arg11: memref<10112x128xf32, #tpu.memory_space<vmem_shared>>, %arg12: memref<!tpu.dma_semaphore, #tpu.memory_space<semaphore_mem>>, %arg13: memref<!tpu.dma_semaphore, #tpu.memory_space<semaphore_mem>>) attributes {dimension_semantics = [#tpu.dimension_semantics<core_parallel>, #tpu.dimension_semantics<subcore_parallel>], iteration_bounds = array<i64: 2, 16>, scalar_prefetch = 0 : i64, scratch_operands = 6 : i64, tpu.core_type = #tpu.core_type<sc_vector_subcore>, window_params = [{transform_indices = #map}, {transform_indices = #map}, {transform_indices = #map}, {transform_indices = #map1}, {transform_indices = #map}, {transform_indices = #map}]} {
    %mul3A = arith.constant 632 : i32
    %mul3A_0 = arith.muli %arg1, %mul3A : i32
    %eq3A = arith.constant 0 : i32
    %eq3A_1 = arith.cmpi eq, %arg0, %eq3A : i32
    %convert_element_type3A = arith.extui %eq3A_1 : i1 to i32
    %cond3A = arith.constant 0 : i32
    %cond3A_2 = arith.cmpi ne, %convert_element_type3A, %cond3A : i32
    scf.if %cond3A_2 {
      "tpu.region"() ({
        %run_scoped3A = tpu.sem_alloc : memref<!tpu.dma_semaphore, #tpu.memory_space<semaphore_mem>>
        %dma_start3A_36 = arith.constant 0 : i32
        %dma_start3A_37 = tpu.memref_slice %arg4[%arg1, %dma_start3A_36] : memref<16x10240xi32, #tpu.memory_space<hbm>> -> memref<1x10240xi32, #tpu.memory_space<hbm>>
        %dma_start3A_38 = tpu.memref_squeeze %dma_start3A_37 : memref<1x10240xi32, #tpu.memory_space<hbm>> -> memref<10240xi32, #tpu.memory_space<hbm>>
        %dma_start3A_39 = arith.constant 0 : i32
        %dma_start3A_40 = tpu.memref_slice %arg4[%arg1, %dma_start3A_39] : memref<16x10240xi32, #tpu.memory_space<hbm>> -> memref<1x10240xi32, #tpu.memory_space<hbm>>
        %dma_start3A_41 = tpu.memref_squeeze %dma_start3A_40 : memref<1x10240xi32, #tpu.memory_space<hbm>> -> memref<10240xi32, #tpu.memory_space<hbm>>
        tpu.enqueue_dma source(%dma_start3A_41 : memref<10240xi32, #tpu.memory_space<hbm>>) target(%arg8 : memref<10240xi32, #tpu.memory_space<vmem>>) target_semaphore(%run_scoped3A : memref<!tpu.dma_semaphore, #tpu.memory_space<semaphore_mem>>)
        %dma_wait3A = arith.constant 0 : i32
        %dma_wait3A_42 = tpu.memref_slice %arg4[%arg1, %dma_wait3A] : memref<16x10240xi32, #tpu.memory_space<hbm>> -> memref<1x10240xi32, #tpu.memory_space<hbm>>
        %dma_wait3A_43 = tpu.memref_squeeze %dma_wait3A_42 : memref<1x10240xi32, #tpu.memory_space<hbm>> -> memref<10240xi32, #tpu.memory_space<hbm>>
        %dma_wait3A_44 = arith.constant 0 : i32
        %dma_wait3A_45 = tpu.memref_slice %arg4[%arg1, %dma_wait3A_44] : memref<16x10240xi32, #tpu.memory_space<hbm>> -> memref<1x10240xi32, #tpu.memory_space<hbm>>
        %dma_wait3A_46 = tpu.memref_squeeze %dma_wait3A_45 : memref<1x10240xi32, #tpu.memory_space<hbm>> -> memref<10240xi32, #tpu.memory_space<hbm>>
        tpu.wait_dma2 semaphore(%run_scoped3A : memref<!tpu.dma_semaphore, #tpu.memory_space<semaphore_mem>>) src(%dma_wait3A_46 : memref<10240xi32, #tpu.memory_space<hbm>>) dst(%arg8 : memref<10240xi32, #tpu.memory_space<vmem>>)
        tpu.yield
      }) : () -> ()
      %dma_start3A = arith.constant 0 : i32
      %dma_start3A_29 = arith.constant 0 : i32
      %dma_start3A_30 = tpu.memref_slice %arg10[%dma_start3A, %dma_start3A_29] : memref<256x128xf32, #tpu.memory_space<vmem>> -> memref<128x128xf32, #tpu.memory_space<vmem>>
      %dma_start3A_31 = arith.constant 0 : i32
      %dma_start3A_32 = tpu.memref_slice %arg8[%dma_start3A_31] : memref<10240xi32, #tpu.memory_space<vmem>> -> memref<128xi32, #tpu.memory_space<vmem>>
      %dma_start3A_33 = arith.constant 0 : i32
      %dma_start3A_34 = arith.constant 0 : i32
      %dma_start3A_35 = tpu.memref_slice %arg2[%dma_start3A_33, %dma_start3A_34] : memref<10112x128xf32, #tpu.memory_space<hbm>> -> memref<10112x128xf32, #tpu.memory_space<hbm>>
      tpu.enqueue_indirect_dma source(%dma_start3A_35 : memref<10112x128xf32, #tpu.memory_space<hbm>>) target(%dma_start3A_30 : memref<128x128xf32, #tpu.memory_space<vmem>>) offsets(%dma_start3A_32 : memref<128xi32, #tpu.memory_space<vmem>>) semaphore(%arg12 : memref<!tpu.dma_semaphore, #tpu.memory_space<semaphore_mem>>)
      "tpu.region"() ({
        %run_scoped3A = tpu.sem_alloc : memref<!tpu.dma_semaphore, #tpu.memory_space<semaphore_mem>>
        %dma_start3A_36 = arith.constant 0 : i32
        %dma_start3A_37 = tpu.memref_slice %arg11[%mul3A_0, %dma_start3A_36] : memref<10112x128xf32, #tpu.memory_space<vmem_shared>> -> memref<632x128xf32, #tpu.memory_space<vmem_shared>>
        %dma_start3A_38 = arith.constant 0 : i32
        %dma_start3A_39 = tpu.memref_slice %arg2[%mul3A_0, %dma_start3A_38] : memref<10112x128xf32, #tpu.memory_space<hbm>> -> memref<632x128xf32, #tpu.memory_space<hbm>>
        tpu.enqueue_dma source(%dma_start3A_39 : memref<632x128xf32, #tpu.memory_space<hbm>>) target(%dma_start3A_37 : memref<632x128xf32, #tpu.memory_space<vmem_shared>>) target_semaphore(%run_scoped3A : memref<!tpu.dma_semaphore, #tpu.memory_space<semaphore_mem>>)
        %dma_wait3A = arith.constant 0 : i32
        %dma_wait3A_40 = tpu.memref_slice %arg11[%mul3A_0, %dma_wait3A] : memref<10112x128xf32, #tpu.memory_space<vmem_shared>> -> memref<632x128xf32, #tpu.memory_space<vmem_shared>>
        %dma_wait3A_41 = arith.constant 0 : i32
        %dma_wait3A_42 = tpu.memref_slice %arg2[%mul3A_0, %dma_wait3A_41] : memref<10112x128xf32, #tpu.memory_space<hbm>> -> memref<632x128xf32, #tpu.memory_space<hbm>>
        tpu.wait_dma2 semaphore(%run_scoped3A : memref<!tpu.dma_semaphore, #tpu.memory_space<semaphore_mem>>) src(%dma_wait3A_42 : memref<632x128xf32, #tpu.memory_space<hbm>>) dst(%dma_wait3A_40 : memref<632x128xf32, #tpu.memory_space<vmem_shared>>)
        tpu.yield
      }) : () -> ()
    } else {
    }
    %eq3A_3 = arith.constant 1 : i32
    %eq3A_4 = arith.cmpi eq, %arg0, %eq3A_3 : i32
    %convert_element_type3A_5 = arith.extui %eq3A_4 : i1 to i32
    %cond3A_6 = arith.constant 0 : i32
    %cond3A_7 = arith.cmpi ne, %convert_element_type3A_5, %cond3A_6 : i32
    scf.if %cond3A_7 {
      "tpu.region"() ({
        %run_scoped3A = tpu.sem_alloc : memref<!tpu.dma_semaphore, #tpu.memory_space<semaphore_mem>>
        %dma_start3A_36 = arith.constant 0 : i32
        %dma_start3A_37 = tpu.memref_slice %arg4[%arg1, %dma_start3A_36] : memref<16x10240xi32, #tpu.memory_space<hbm>> -> memref<1x10240xi32, #tpu.memory_space<hbm>>
        %dma_start3A_38 = tpu.memref_squeeze %dma_start3A_37 : memref<1x10240xi32, #tpu.memory_space<hbm>> -> memref<10240xi32, #tpu.memory_space<hbm>>
        %dma_start3A_39 = arith.constant 0 : i32
        %dma_start3A_40 = tpu.memref_slice %arg4[%arg1, %dma_start3A_39] : memref<16x10240xi32, #tpu.memory_space<hbm>> -> memref<1x10240xi32, #tpu.memory_space<hbm>>
        %dma_start3A_41 = tpu.memref_squeeze %dma_start3A_40 : memref<1x10240xi32, #tpu.memory_space<hbm>> -> memref<10240xi32, #tpu.memory_space<hbm>>
        tpu.enqueue_dma source(%dma_start3A_41 : memref<10240xi32, #tpu.memory_space<hbm>>) target(%arg8 : memref<10240xi32, #tpu.memory_space<vmem>>) target_semaphore(%run_scoped3A : memref<!tpu.dma_semaphore, #tpu.memory_space<semaphore_mem>>)
        %dma_wait3A = arith.constant 0 : i32
        %dma_wait3A_42 = tpu.memref_slice %arg4[%arg1, %dma_wait3A] : memref<16x10240xi32, #tpu.memory_space<hbm>> -> memref<1x10240xi32, #tpu.memory_space<hbm>>
        %dma_wait3A_43 = tpu.memref_squeeze %dma_wait3A_42 : memref<1x10240xi32, #tpu.memory_space<hbm>> -> memref<10240xi32, #tpu.memory_space<hbm>>
        %dma_wait3A_44 = arith.constant 0 : i32
        %dma_wait3A_45 = tpu.memref_slice %arg4[%arg1, %dma_wait3A_44] : memref<16x10240xi32, #tpu.memory_space<hbm>> -> memref<1x10240xi32, #tpu.memory_space<hbm>>
        %dma_wait3A_46 = tpu.memref_squeeze %dma_wait3A_45 : memref<1x10240xi32, #tpu.memory_space<hbm>> -> memref<10240xi32, #tpu.memory_space<hbm>>
        tpu.wait_dma2 semaphore(%run_scoped3A : memref<!tpu.dma_semaphore, #tpu.memory_space<semaphore_mem>>) src(%dma_wait3A_46 : memref<10240xi32, #tpu.memory_space<hbm>>) dst(%arg8 : memref<10240xi32, #tpu.memory_space<vmem>>)
        tpu.yield
      }) : () -> ()
      %dma_start3A = arith.constant 0 : i32
      %dma_start3A_29 = arith.constant 0 : i32
      %dma_start3A_30 = tpu.memref_slice %arg10[%dma_start3A, %dma_start3A_29] : memref<256x128xf32, #tpu.memory_space<vmem>> -> memref<128x128xf32, #tpu.memory_space<vmem>>
      %dma_start3A_31 = arith.constant 0 : i32
      %dma_start3A_32 = tpu.memref_slice %arg8[%dma_start3A_31] : memref<10240xi32, #tpu.memory_space<vmem>> -> memref<128xi32, #tpu.memory_space<vmem>>
      %dma_start3A_33 = arith.constant 0 : i32
      %dma_start3A_34 = arith.constant 0 : i32
      %dma_start3A_35 = tpu.memref_slice %arg3[%dma_start3A_33, %dma_start3A_34] : memref<10112x128xf32, #tpu.memory_space<hbm>> -> memref<10112x128xf32, #tpu.memory_space<hbm>>
      tpu.enqueue_indirect_dma source(%dma_start3A_35 : memref<10112x128xf32, #tpu.memory_space<hbm>>) target(%dma_start3A_30 : memref<128x128xf32, #tpu.memory_space<vmem>>) offsets(%dma_start3A_32 : memref<128xi32, #tpu.memory_space<vmem>>) semaphore(%arg12 : memref<!tpu.dma_semaphore, #tpu.memory_space<semaphore_mem>>)
      "tpu.region"() ({
        %run_scoped3A = tpu.sem_alloc : memref<!tpu.dma_semaphore, #tpu.memory_space<semaphore_mem>>
        %dma_start3A_36 = arith.constant 0 : i32
        %dma_start3A_37 = tpu.memref_slice %arg11[%mul3A_0, %dma_start3A_36] : memref<10112x128xf32, #tpu.memory_space<vmem_shared>> -> memref<632x128xf32, #tpu.memory_space<vmem_shared>>
        %dma_start3A_38 = arith.constant 0 : i32
        %dma_start3A_39 = tpu.memref_slice %arg3[%mul3A_0, %dma_start3A_38] : memref<10112x128xf32, #tpu.memory_space<hbm>> -> memref<632x128xf32, #tpu.memory_space<hbm>>
        tpu.enqueue_dma source(%dma_start3A_39 : memref<632x128xf32, #tpu.memory_space<hbm>>) target(%dma_start3A_37 : memref<632x128xf32, #tpu.memory_space<vmem_shared>>) target_semaphore(%run_scoped3A : memref<!tpu.dma_semaphore, #tpu.memory_space<semaphore_mem>>)
        %dma_wait3A = arith.constant 0 : i32
        %dma_wait3A_40 = tpu.memref_slice %arg11[%mul3A_0, %dma_wait3A] : memref<10112x128xf32, #tpu.memory_space<vmem_shared>> -> memref<632x128xf32, #tpu.memory_space<vmem_shared>>
        %dma_wait3A_41 = arith.constant 0 : i32
        %dma_wait3A_42 = tpu.memref_slice %arg3[%mul3A_0, %dma_wait3A_41] : memref<10112x128xf32, #tpu.memory_space<hbm>> -> memref<632x128xf32, #tpu.memory_space<hbm>>
        tpu.wait_dma2 semaphore(%run_scoped3A : memref<!tpu.dma_semaphore, #tpu.memory_space<semaphore_mem>>) src(%dma_wait3A_42 : memref<632x128xf32, #tpu.memory_space<hbm>>) dst(%dma_wait3A_40 : memref<632x128xf32, #tpu.memory_space<vmem_shared>>)
        tpu.yield
      }) : () -> ()
    } else {
    }
    %barrier3A = arith.constant 0 : index
    tpu.barrier barrier_id(%barrier3A)
    %eq3A_8 = arith.constant 0 : i32
    %eq3A_9 = arith.cmpi eq, %arg0, %eq3A_8 : i32
    %convert_element_type3A_10 = arith.extui %eq3A_9 : i1 to i32
    %cond3A_11 = arith.constant 0 : i32
    %cond3A_12 = arith.cmpi ne, %convert_element_type3A_10, %cond3A_11 : i32
    scf.if %cond3A_12 {
      "tpu.region"() ({
        %run_scoped3A = tpu.sem_alloc : memref<!tpu.dma_semaphore, #tpu.memory_space<semaphore_mem>>
        %dma_start3A = arith.constant 0 : i32
        %dma_start3A_40 = arith.constant 0 : i32
        %dma_start3A_41 = tpu.memref_slice %arg9[%dma_start3A, %dma_start3A_40] : memref<48x128xi32, #tpu.memory_space<vmem>> -> memref<48x128xi32, #tpu.memory_space<vmem>>
        %dma_start3A_42 = arith.constant 0 : i32
        %dma_start3A_43 = arith.constant 0 : i32
        %dma_start3A_44 = tpu.memref_slice %arg5[%arg1, %dma_start3A_42, %dma_start3A_43] : memref<16x80x128xi32, #tpu.memory_space<hbm>> -> memref<1x48x128xi32, #tpu.memory_space<hbm>>
        %dma_start3A_45 = tpu.memref_squeeze %dma_start3A_44 : memref<1x48x128xi32, #tpu.memory_space<hbm>> -> memref<48x128xi32, #tpu.memory_space<hbm>>
        %dma_start3A_46 = arith.constant 0 : i32
        %dma_start3A_47 = arith.constant 0 : i32
        %dma_start3A_48 = tpu.memref_slice %arg9[%dma_start3A_46, %dma_start3A_47] : memref<48x128xi32, #tpu.memory_space<vmem>> -> memref<48x128xi32, #tpu.memory_space<vmem>>
        %dma_start3A_49 = arith.constant 0 : i32
        %dma_start3A_50 = arith.constant 0 : i32
        %dma_start3A_51 = tpu.memref_slice %arg5[%arg1, %dma_start3A_49, %dma_start3A_50] : memref<16x80x128xi32, #tpu.memory_space<hbm>> -> memref<1x48x128xi32, #tpu.memory_space<hbm>>
        %dma_start3A_52 = tpu.memref_squeeze %dma_start3A_51 : memref<1x48x128xi32, #tpu.memory_space<hbm>> -> memref<48x128xi32, #tpu.memory_space<hbm>>
        tpu.enqueue_dma source(%dma_start3A_52 : memref<48x128xi32, #tpu.memory_space<hbm>>) target(%dma_start3A_48 : memref<48x128xi32, #tpu.memory_space<vmem>>) target_semaphore(%run_scoped3A : memref<!tpu.dma_semaphore, #tpu.memory_space<semaphore_mem>>)
        %dma_wait3A = arith.constant 0 : i32
        %dma_wait3A_53 = arith.constant 0 : i32
        %dma_wait3A_54 = tpu.memref_slice %arg9[%dma_wait3A, %dma_wait3A_53] : memref<48x128xi32, #tpu.memory_space<vmem>> -> memref<48x128xi32, #tpu.memory_space<vmem>>
        %dma_wait3A_55 = arith.constant 0 : i32
        %dma_wait3A_56 = arith.constant 0 : i32
        %dma_wait3A_57 = tpu.memref_slice %arg5[%arg1, %dma_wait3A_55, %dma_wait3A_56] : memref<16x80x128xi32, #tpu.memory_space<hbm>> -> memref<1x48x128xi32, #tpu.memory_space<hbm>>
        %dma_wait3A_58 = tpu.memref_squeeze %dma_wait3A_57 : memref<1x48x128xi32, #tpu.memory_space<hbm>> -> memref<48x128xi32, #tpu.memory_space<hbm>>
        %dma_wait3A_59 = arith.constant 0 : i32
        %dma_wait3A_60 = arith.constant 0 : i32
        %dma_wait3A_61 = tpu.memref_slice %arg9[%dma_wait3A_59, %dma_wait3A_60] : memref<48x128xi32, #tpu.memory_space<vmem>> -> memref<48x128xi32, #tpu.memory_space<vmem>>
        %dma_wait3A_62 = arith.constant 0 : i32
        %dma_wait3A_63 = arith.constant 0 : i32
        %dma_wait3A_64 = tpu.memref_slice %arg5[%arg1, %dma_wait3A_62, %dma_wait3A_63] : memref<16x80x128xi32, #tpu.memory_space<hbm>> -> memref<1x48x128xi32, #tpu.memory_space<hbm>>
        %dma_wait3A_65 = tpu.memref_squeeze %dma_wait3A_64 : memref<1x48x128xi32, #tpu.memory_space<hbm>> -> memref<48x128xi32, #tpu.memory_space<hbm>>
        tpu.wait_dma2 semaphore(%run_scoped3A : memref<!tpu.dma_semaphore, #tpu.memory_space<semaphore_mem>>) src(%dma_wait3A_65 : memref<48x128xi32, #tpu.memory_space<hbm>>) dst(%dma_wait3A_61 : memref<48x128xi32, #tpu.memory_space<vmem>>)
        tpu.yield
      }) : () -> ()
      %scan3A = arith.constant 0 : i32
      %scan3A_29 = arith.constant 0 : i32
      %scan3A_30 = arith.constant 24 : i32
      %scan3A_31 = arith.addi %scan3A_29, %scan3A_30 : i32
      %scan3A_32 = arith.constant 1 : i32
      scf.for %scan3A_40 = %scan3A_29 to %scan3A_31 step %scan3A_32  : i32 {
        %mul3A_41 = arith.constant 2 : i32
        %mul3A_42 = arith.muli %mul3A_41, %scan3A_40 : i32
        %add3A = arith.constant 0 : i32
        %add3A_43 = arith.addi %add3A, %mul3A_42 : i32
        %add3A_44 = arith.constant 1 : i32
        %add3A_45 = arith.addi %add3A_43, %add3A_44 : i32
        %mul3A_46 = arith.constant 128 : i32
        %mul3A_47 = arith.muli %add3A_45, %mul3A_46 : i32
        %dma_start3A = arith.constant 128 : i32
        %dma_start3A_48 = arith.constant 0 : i32
        %dma_start3A_49 = tpu.memref_slice %arg10[%dma_start3A, %dma_start3A_48] : memref<256x128xf32, #tpu.memory_space<vmem>> -> memref<128x128xf32, #tpu.memory_space<vmem>>
        %dma_start3A_50 = tpu.memref_slice %arg8[%mul3A_47] : memref<10240xi32, #tpu.memory_space<vmem>> -> memref<128xi32, #tpu.memory_space<vmem>>
        %dma_start3A_51 = arith.constant 0 : i32
        %dma_start3A_52 = arith.constant 0 : i32
        %dma_start3A_53 = tpu.memref_slice %arg2[%dma_start3A_51, %dma_start3A_52] : memref<10112x128xf32, #tpu.memory_space<hbm>> -> memref<10112x128xf32, #tpu.memory_space<hbm>>
        tpu.enqueue_indirect_dma source(%dma_start3A_53 : memref<10112x128xf32, #tpu.memory_space<hbm>>) target(%dma_start3A_49 : memref<128x128xf32, #tpu.memory_space<vmem>>) offsets(%dma_start3A_50 : memref<128xi32, #tpu.memory_space<vmem>>) semaphore(%arg13 : memref<!tpu.dma_semaphore, #tpu.memory_space<semaphore_mem>>)
        %mul3A_54 = arith.constant 128 : i32
        %mul3A_55 = arith.muli %add3A_43, %mul3A_54 : i32
        %dma_wait3A = arith.constant 0 : i32
        %dma_wait3A_56 = arith.constant 0 : i32
        %dma_wait3A_57 = tpu.memref_slice %arg10[%dma_wait3A, %dma_wait3A_56] : memref<256x128xf32, #tpu.memory_space<vmem>> -> memref<128x128xf32, #tpu.memory_space<vmem>>
        %dma_wait3A_58 = tpu.memref_slice %arg8[%mul3A_55] : memref<10240xi32, #tpu.memory_space<vmem>> -> memref<128xi32, #tpu.memory_space<vmem>>
        %dma_wait3A_59 = arith.constant 0 : i32
        %dma_wait3A_60 = arith.constant 0 : i32
        %dma_wait3A_61 = tpu.memref_slice %arg2[%dma_wait3A_59, %dma_wait3A_60] : memref<10112x128xf32, #tpu.memory_space<hbm>> -> memref<10112x128xf32, #tpu.memory_space<hbm>>
        tpu.wait_indirect_dma semaphore(%arg12 : memref<!tpu.dma_semaphore, #tpu.memory_space<semaphore_mem>>) src(%dma_wait3A_61 : memref<10112x128xf32, #tpu.memory_space<hbm>>) dst(%dma_wait3A_57 : memref<128x128xf32, #tpu.memory_space<vmem>>)
        %mul3A_62 = arith.constant 2 : i32
        %mul3A_63 = arith.muli %mul3A_62, %scan3A_40 : i32
        "tpu.region"() ({
          %run_scoped3A = tpu.sem_alloc : memref<!tpu.dma_semaphore, #tpu.memory_space<semaphore_mem>>
          %dma_start3A_83 = arith.constant 0 : i32
          %dma_start3A_84 = arith.constant 0 : i32
          %dma_start3A_85 = tpu.memref_slice %arg10[%dma_start3A_83, %dma_start3A_84] : memref<256x128xf32, #tpu.memory_space<vmem>> -> memref<128x128xf32, #tpu.memory_space<vmem>>
          %dma_start3A_86 = arith.constant 0 : i32
          %dma_start3A_87 = tpu.memref_slice %arg9[%mul3A_63, %dma_start3A_86] : memref<48x128xi32, #tpu.memory_space<vmem>> -> memref<1x128xi32, #tpu.memory_space<vmem>>
          %dma_start3A_88 = tpu.memref_squeeze %dma_start3A_87 : memref<1x128xi32, #tpu.memory_space<vmem>> -> memref<128xi32, #tpu.memory_space<vmem>>
          %dma_start3A_89 = arith.constant 0 : i32
          %dma_start3A_90 = arith.constant 0 : i32
          %dma_start3A_91 = tpu.memref_slice %arg11[%dma_start3A_89, %dma_start3A_90] : memref<10112x128xf32, #tpu.memory_space<vmem_shared>> -> memref<10112x128xf32, #tpu.memory_space<vmem_shared>>
          tpu.enqueue_indirect_dma source(%dma_start3A_85 : memref<128x128xf32, #tpu.memory_space<vmem>>) target(%dma_start3A_91 : memref<10112x128xf32, #tpu.memory_space<vmem_shared>>) offsets(%dma_start3A_88 : memref<128xi32, #tpu.memory_space<vmem>>) semaphore(%run_scoped3A : memref<!tpu.dma_semaphore, #tpu.memory_space<semaphore_mem>>) {add = true}
          %dma_wait3A_92 = arith.constant 0 : i32
          %dma_wait3A_93 = arith.constant 0 : i32
          %dma_wait3A_94 = tpu.memref_slice %arg10[%dma_wait3A_92, %dma_wait3A_93] : memref<256x128xf32, #tpu.memory_space<vmem>> -> memref<128x128xf32, #tpu.memory_space<vmem>>
          %dma_wait3A_95 = arith.constant 0 : i32
          %dma_wait3A_96 = tpu.memref_slice %arg9[%mul3A_63, %dma_wait3A_95] : memref<48x128xi32, #tpu.memory_space<vmem>> -> memref<1x128xi32, #tpu.memory_space<vmem>>
          %dma_wait3A_97 = tpu.memref_squeeze %dma_wait3A_96 : memref<1x128xi32, #tpu.memory_space<vmem>> -> memref<128xi32, #tpu.memory_space<vmem>>
          %dma_wait3A_98 = arith.constant 0 : i32
          %dma_wait3A_99 = arith.constant 0 : i32
          %dma_wait3A_100 = tpu.memref_slice %arg11[%dma_wait3A_98, %dma_wait3A_99] : memref<10112x128xf32, #tpu.memory_space<vmem_shared>> -> memref<10112x128xf32, #tpu.memory_space<vmem_shared>>
          tpu.wait_indirect_dma semaphore(%run_scoped3A : memref<!tpu.dma_semaphore, #tpu.memory_space<semaphore_mem>>) src(%dma_wait3A_94 : memref<128x128xf32, #tpu.memory_space<vmem>>) dst(%dma_wait3A_100 : memref<10112x128xf32, #tpu.memory_space<vmem_shared>>)
          tpu.yield
        }) : () -> ()
        %add3A_64 = arith.constant 2 : i32
        %add3A_65 = arith.addi %add3A_43, %add3A_64 : i32
        %lt3A = arith.constant 80 : i32
        %lt3A_66 = arith.cmpi slt, %add3A_65, %lt3A : i32
        %convert_element_type3A_67 = arith.extui %lt3A_66 : i1 to i32
        %cond3A_68 = arith.constant 0 : i32
        %cond3A_69 = arith.cmpi ne, %convert_element_type3A_67, %cond3A_68 : i32
        scf.if %cond3A_69 {
          %add3A_83 = arith.constant 2 : i32
          %add3A_84 = arith.addi %add3A_43, %add3A_83 : i32
          %mul3A_85 = arith.constant 128 : i32
          %mul3A_86 = arith.muli %add3A_84, %mul3A_85 : i32
          %dma_start3A_87 = arith.constant 0 : i32
          %dma_start3A_88 = arith.constant 0 : i32
          %dma_start3A_89 = tpu.memref_slice %arg10[%dma_start3A_87, %dma_start3A_88] : memref<256x128xf32, #tpu.memory_space<vmem>> -> memref<128x128xf32, #tpu.memory_space<vmem>>
          %dma_start3A_90 = tpu.memref_slice %arg8[%mul3A_86] : memref<10240xi32, #tpu.memory_space<vmem>> -> memref<128xi32, #tpu.memory_space<vmem>>
          %dma_start3A_91 = arith.constant 0 : i32
          %dma_start3A_92 = arith.constant 0 : i32
          %dma_start3A_93 = tpu.memref_slice %arg2[%dma_start3A_91, %dma_start3A_92] : memref<10112x128xf32, #tpu.memory_space<hbm>> -> memref<10112x128xf32, #tpu.memory_space<hbm>>
          tpu.enqueue_indirect_dma source(%dma_start3A_93 : memref<10112x128xf32, #tpu.memory_space<hbm>>) target(%dma_start3A_89 : memref<128x128xf32, #tpu.memory_space<vmem>>) offsets(%dma_start3A_90 : memref<128xi32, #tpu.memory_space<vmem>>) semaphore(%arg12 : memref<!tpu.dma_semaphore, #tpu.memory_space<semaphore_mem>>)
        } else {
        }
        %mul3A_70 = arith.constant 128 : i32
        %mul3A_71 = arith.muli %add3A_45, %mul3A_70 : i32
        %dma_wait3A_72 = arith.constant 128 : i32
        %dma_wait3A_73 = arith.constant 0 : i32
        %dma_wait3A_74 = tpu.memref_slice %arg10[%dma_wait3A_72, %dma_wait3A_73] : memref<256x128xf32, #tpu.memory_space<vmem>> -> memref<128x128xf32, #tpu.memory_space<vmem>>
        %dma_wait3A_75 = tpu.memref_slice %arg8[%mul3A_71] : memref<10240xi32, #tpu.memory_space<vmem>> -> memref<128xi32, #tpu.memory_space<vmem>>
        %dma_wait3A_76 = arith.constant 0 : i32
        %dma_wait3A_77 = arith.constant 0 : i32
        %dma_wait3A_78 = tpu.memref_slice %arg2[%dma_wait3A_76, %dma_wait3A_77] : memref<10112x128xf32, #tpu.memory_space<hbm>> -> memref<10112x128xf32, #tpu.memory_space<hbm>>
        tpu.wait_indirect_dma semaphore(%arg13 : memref<!tpu.dma_semaphore, #tpu.memory_space<semaphore_mem>>) src(%dma_wait3A_78 : memref<10112x128xf32, #tpu.memory_space<hbm>>) dst(%dma_wait3A_74 : memref<128x128xf32, #tpu.memory_space<vmem>>)
        %mul3A_79 = arith.constant 2 : i32
        %mul3A_80 = arith.muli %mul3A_79, %scan3A_40 : i32
        %add3A_81 = arith.constant 1 : i32
        %add3A_82 = arith.addi %mul3A_80, %add3A_81 : i32
        "tpu.region"() ({
          %run_scoped3A = tpu.sem_alloc : memref<!tpu.dma_semaphore, #tpu.memory_space<semaphore_mem>>
          %dma_start3A_83 = arith.constant 128 : i32
          %dma_start3A_84 = arith.constant 0 : i32
          %dma_start3A_85 = tpu.memref_slice %arg10[%dma_start3A_83, %dma_start3A_84] : memref<256x128xf32, #tpu.memory_space<vmem>> -> memref<128x128xf32, #tpu.memory_space<vmem>>
          %dma_start3A_86 = arith.constant 0 : i32
          %dma_start3A_87 = tpu.memref_slice %arg9[%add3A_82, %dma_start3A_86] : memref<48x128xi32, #tpu.memory_space<vmem>> -> memref<1x128xi32, #tpu.memory_space<vmem>>
          %dma_start3A_88 = tpu.memref_squeeze %dma_start3A_87 : memref<1x128xi32, #tpu.memory_space<vmem>> -> memref<128xi32, #tpu.memory_space<vmem>>
          %dma_start3A_89 = arith.constant 0 : i32
          %dma_start3A_90 = arith.constant 0 : i32
          %dma_start3A_91 = tpu.memref_slice %arg11[%dma_start3A_89, %dma_start3A_90] : memref<10112x128xf32, #tpu.memory_space<vmem_shared>> -> memref<10112x128xf32, #tpu.memory_space<vmem_shared>>
          tpu.enqueue_indirect_dma source(%dma_start3A_85 : memref<128x128xf32, #tpu.memory_space<vmem>>) target(%dma_start3A_91 : memref<10112x128xf32, #tpu.memory_space<vmem_shared>>) offsets(%dma_start3A_88 : memref<128xi32, #tpu.memory_space<vmem>>) semaphore(%run_scoped3A : memref<!tpu.dma_semaphore, #tpu.memory_space<semaphore_mem>>) {add = true}
          %dma_wait3A_92 = arith.constant 128 : i32
          %dma_wait3A_93 = arith.constant 0 : i32
          %dma_wait3A_94 = tpu.memref_slice %arg10[%dma_wait3A_92, %dma_wait3A_93] : memref<256x128xf32, #tpu.memory_space<vmem>> -> memref<128x128xf32, #tpu.memory_space<vmem>>
          %dma_wait3A_95 = arith.constant 0 : i32
          %dma_wait3A_96 = tpu.memref_slice %arg9[%add3A_82, %dma_wait3A_95] : memref<48x128xi32, #tpu.memory_space<vmem>> -> memref<1x128xi32, #tpu.memory_space<vmem>>
          %dma_wait3A_97 = tpu.memref_squeeze %dma_wait3A_96 : memref<1x128xi32, #tpu.memory_space<vmem>> -> memref<128xi32, #tpu.memory_space<vmem>>
          %dma_wait3A_98 = arith.constant 0 : i32
          %dma_wait3A_99 = arith.constant 0 : i32
          %dma_wait3A_100 = tpu.memref_slice %arg11[%dma_wait3A_98, %dma_wait3A_99] : memref<10112x128xf32, #tpu.memory_space<vmem_shared>> -> memref<10112x128xf32, #tpu.memory_space<vmem_shared>>
          tpu.wait_indirect_dma semaphore(%run_scoped3A : memref<!tpu.dma_semaphore, #tpu.memory_space<semaphore_mem>>) src(%dma_wait3A_94 : memref<128x128xf32, #tpu.memory_space<vmem>>) dst(%dma_wait3A_100 : memref<10112x128xf32, #tpu.memory_space<vmem_shared>>)
          tpu.yield
        }) : () -> ()
      }
      %scan3A_33 = arith.constant 24 : i32
      "tpu.region"() ({
        %run_scoped3A = tpu.sem_alloc : memref<!tpu.dma_semaphore, #tpu.memory_space<semaphore_mem>>
        %dma_start3A = arith.constant 0 : i32
        %dma_start3A_40 = arith.constant 0 : i32
        %dma_start3A_41 = tpu.memref_slice %arg9[%dma_start3A, %dma_start3A_40] : memref<48x128xi32, #tpu.memory_space<vmem>> -> memref<32x128xi32, #tpu.memory_space<vmem>>
        %dma_start3A_42 = arith.constant 48 : i32
        %dma_start3A_43 = arith.constant 0 : i32
        %dma_start3A_44 = tpu.memref_slice %arg5[%arg1, %dma_start3A_42, %dma_start3A_43] : memref<16x80x128xi32, #tpu.memory_space<hbm>> -> memref<1x32x128xi32, #tpu.memory_space<hbm>>
        %dma_start3A_45 = tpu.memref_squeeze %dma_start3A_44 : memref<1x32x128xi32, #tpu.memory_space<hbm>> -> memref<32x128xi32, #tpu.memory_space<hbm>>
        %dma_start3A_46 = arith.constant 0 : i32
        %dma_start3A_47 = arith.constant 0 : i32
        %dma_start3A_48 = tpu.memref_slice %arg9[%dma_start3A_46, %dma_start3A_47] : memref<48x128xi32, #tpu.memory_space<vmem>> -> memref<32x128xi32, #tpu.memory_space<vmem>>
        %dma_start3A_49 = arith.constant 48 : i32
        %dma_start3A_50 = arith.constant 0 : i32
        %dma_start3A_51 = tpu.memref_slice %arg5[%arg1, %dma_start3A_49, %dma_start3A_50] : memref<16x80x128xi32, #tpu.memory_space<hbm>> -> memref<1x32x128xi32, #tpu.memory_space<hbm>>
        %dma_start3A_52 = tpu.memref_squeeze %dma_start3A_51 : memref<1x32x128xi32, #tpu.memory_space<hbm>> -> memref<32x128xi32, #tpu.memory_space<hbm>>
        tpu.enqueue_dma source(%dma_start3A_52 : memref<32x128xi32, #tpu.memory_space<hbm>>) target(%dma_start3A_48 : memref<32x128xi32, #tpu.memory_space<vmem>>) target_semaphore(%run_scoped3A : memref<!tpu.dma_semaphore, #tpu.memory_space<semaphore_mem>>)
        %dma_wait3A = arith.constant 0 : i32
        %dma_wait3A_53 = arith.constant 0 : i32
        %dma_wait3A_54 = tpu.memref_slice %arg9[%dma_wait3A, %dma_wait3A_53] : memref<48x128xi32, #tpu.memory_space<vmem>> -> memref<32x128xi32, #tpu.memory_space<vmem>>
        %dma_wait3A_55 = arith.constant 48 : i32
        %dma_wait3A_56 = arith.constant 0 : i32
        %dma_wait3A_57 = tpu.memref_slice %arg5[%arg1, %dma_wait3A_55, %dma_wait3A_56] : memref<16x80x128xi32, #tpu.memory_space<hbm>> -> memref<1x32x128xi32, #tpu.memory_space<hbm>>
        %dma_wait3A_58 = tpu.memref_squeeze %dma_wait3A_57 : memref<1x32x128xi32, #tpu.memory_space<hbm>> -> memref<32x128xi32, #tpu.memory_space<hbm>>
        %dma_wait3A_59 = arith.constant 0 : i32
        %dma_wait3A_60 = arith.constant 0 : i32
        %dma_wait3A_61 = tpu.memref_slice %arg9[%dma_wait3A_59, %dma_wait3A_60] : memref<48x128xi32, #tpu.memory_space<vmem>> -> memref<32x128xi32, #tpu.memory_space<vmem>>
        %dma_wait3A_62 = arith.constant 48 : i32
        %dma_wait3A_63 = arith.constant 0 : i32
        %dma_wait3A_64 = tpu.memref_slice %arg5[%arg1, %dma_wait3A_62, %dma_wait3A_63] : memref<16x80x128xi32, #tpu.memory_space<hbm>> -> memref<1x32x128xi32, #tpu.memory_space<hbm>>
        %dma_wait3A_65 = tpu.memref_squeeze %dma_wait3A_64 : memref<1x32x128xi32, #tpu.memory_space<hbm>> -> memref<32x128xi32, #tpu.memory_space<hbm>>
        tpu.wait_dma2 semaphore(%run_scoped3A : memref<!tpu.dma_semaphore, #tpu.memory_space<semaphore_mem>>) src(%dma_wait3A_65 : memref<32x128xi32, #tpu.memory_space<hbm>>) dst(%dma_wait3A_61 : memref<32x128xi32, #tpu.memory_space<vmem>>)
        tpu.yield
      }) : () -> ()
      %scan3A_34 = arith.constant 0 : i32
      %scan3A_35 = arith.constant 0 : i32
      %scan3A_36 = arith.constant 16 : i32
      %scan3A_37 = arith.addi %scan3A_35, %scan3A_36 : i32
      %scan3A_38 = arith.constant 1 : i32
      scf.for %scan3A_40 = %scan3A_35 to %scan3A_37 step %scan3A_38  : i32 {
        %mul3A_41 = arith.constant 2 : i32
        %mul3A_42 = arith.muli %mul3A_41, %scan3A_40 : i32
        %add3A = arith.constant 48 : i32
        %add3A_43 = arith.addi %add3A, %mul3A_42 : i32
        %add3A_44 = arith.constant 1 : i32
        %add3A_45 = arith.addi %add3A_43, %add3A_44 : i32
        %mul3A_46 = arith.constant 128 : i32
        %mul3A_47 = arith.muli %add3A_45, %mul3A_46 : i32
        %dma_start3A = arith.constant 128 : i32
        %dma_start3A_48 = arith.constant 0 : i32
        %dma_start3A_49 = tpu.memref_slice %arg10[%dma_start3A, %dma_start3A_48] : memref<256x128xf32, #tpu.memory_space<vmem>> -> memref<128x128xf32, #tpu.memory_space<vmem>>
        %dma_start3A_50 = tpu.memref_slice %arg8[%mul3A_47] : memref<10240xi32, #tpu.memory_space<vmem>> -> memref<128xi32, #tpu.memory_space<vmem>>
        %dma_start3A_51 = arith.constant 0 : i32
        %dma_start3A_52 = arith.constant 0 : i32
        %dma_start3A_53 = tpu.memref_slice %arg2[%dma_start3A_51, %dma_start3A_52] : memref<10112x128xf32, #tpu.memory_space<hbm>> -> memref<10112x128xf32, #tpu.memory_space<hbm>>
        tpu.enqueue_indirect_dma source(%dma_start3A_53 : memref<10112x128xf32, #tpu.memory_space<hbm>>) target(%dma_start3A_49 : memref<128x128xf32, #tpu.memory_space<vmem>>) offsets(%dma_start3A_50 : memref<128xi32, #tpu.memory_space<vmem>>) semaphore(%arg13 : memref<!tpu.dma_semaphore, #tpu.memory_space<semaphore_mem>>)
        %mul3A_54 = arith.constant 128 : i32
        %mul3A_55 = arith.muli %add3A_43, %mul3A_54 : i32
        %dma_wait3A = arith.constant 0 : i32
        %dma_wait3A_56 = arith.constant 0 : i32
        %dma_wait3A_57 = tpu.memref_slice %arg10[%dma_wait3A, %dma_wait3A_56] : memref<256x128xf32, #tpu.memory_space<vmem>> -> memref<128x128xf32, #tpu.memory_space<vmem>>
        %dma_wait3A_58 = tpu.memref_slice %arg8[%mul3A_55] : memref<10240xi32, #tpu.memory_space<vmem>> -> memref<128xi32, #tpu.memory_space<vmem>>
        %dma_wait3A_59 = arith.constant 0 : i32
        %dma_wait3A_60 = arith.constant 0 : i32
        %dma_wait3A_61 = tpu.memref_slice %arg2[%dma_wait3A_59, %dma_wait3A_60] : memref<10112x128xf32, #tpu.memory_space<hbm>> -> memref<10112x128xf32, #tpu.memory_space<hbm>>
        tpu.wait_indirect_dma semaphore(%arg12 : memref<!tpu.dma_semaphore, #tpu.memory_space<semaphore_mem>>) src(%dma_wait3A_61 : memref<10112x128xf32, #tpu.memory_space<hbm>>) dst(%dma_wait3A_57 : memref<128x128xf32, #tpu.memory_space<vmem>>)
        %mul3A_62 = arith.constant 2 : i32
        %mul3A_63 = arith.muli %mul3A_62, %scan3A_40 : i32
        "tpu.region"() ({
          %run_scoped3A = tpu.sem_alloc : memref<!tpu.dma_semaphore, #tpu.memory_space<semaphore_mem>>
          %dma_start3A_83 = arith.constant 0 : i32
          %dma_start3A_84 = arith.constant 0 : i32
          %dma_start3A_85 = tpu.memref_slice %arg10[%dma_start3A_83, %dma_start3A_84] : memref<256x128xf32, #tpu.memory_space<vmem>> -> memref<128x128xf32, #tpu.memory_space<vmem>>
          %dma_start3A_86 = arith.constant 0 : i32
          %dma_start3A_87 = tpu.memref_slice %arg9[%mul3A_63, %dma_start3A_86] : memref<48x128xi32, #tpu.memory_space<vmem>> -> memref<1x128xi32, #tpu.memory_space<vmem>>
          %dma_start3A_88 = tpu.memref_squeeze %dma_start3A_87 : memref<1x128xi32, #tpu.memory_space<vmem>> -> memref<128xi32, #tpu.memory_space<vmem>>
          %dma_start3A_89 = arith.constant 0 : i32
          %dma_start3A_90 = arith.constant 0 : i32
          %dma_start3A_91 = tpu.memref_slice %arg11[%dma_start3A_89, %dma_start3A_90] : memref<10112x128xf32, #tpu.memory_space<vmem_shared>> -> memref<10112x128xf32, #tpu.memory_space<vmem_shared>>
          tpu.enqueue_indirect_dma source(%dma_start3A_85 : memref<128x128xf32, #tpu.memory_space<vmem>>) target(%dma_start3A_91 : memref<10112x128xf32, #tpu.memory_space<vmem_shared>>) offsets(%dma_start3A_88 : memref<128xi32, #tpu.memory_space<vmem>>) semaphore(%run_scoped3A : memref<!tpu.dma_semaphore, #tpu.memory_space<semaphore_mem>>) {add = true}
          %dma_wait3A_92 = arith.constant 0 : i32
          %dma_wait3A_93 = arith.constant 0 : i32
          %dma_wait3A_94 = tpu.memref_slice %arg10[%dma_wait3A_92, %dma_wait3A_93] : memref<256x128xf32, #tpu.memory_space<vmem>> -> memref<128x128xf32, #tpu.memory_space<vmem>>
          %dma_wait3A_95 = arith.constant 0 : i32
          %dma_wait3A_96 = tpu.memref_slice %arg9[%mul3A_63, %dma_wait3A_95] : memref<48x128xi32, #tpu.memory_space<vmem>> -> memref<1x128xi32, #tpu.memory_space<vmem>>
          %dma_wait3A_97 = tpu.memref_squeeze %dma_wait3A_96 : memref<1x128xi32, #tpu.memory_space<vmem>> -> memref<128xi32, #tpu.memory_space<vmem>>
          %dma_wait3A_98 = arith.constant 0 : i32
          %dma_wait3A_99 = arith.constant 0 : i32
          %dma_wait3A_100 = tpu.memref_slice %arg11[%dma_wait3A_98, %dma_wait3A_99] : memref<10112x128xf32, #tpu.memory_space<vmem_shared>> -> memref<10112x128xf32, #tpu.memory_space<vmem_shared>>
          tpu.wait_indirect_dma semaphore(%run_scoped3A : memref<!tpu.dma_semaphore, #tpu.memory_space<semaphore_mem>>) src(%dma_wait3A_94 : memref<128x128xf32, #tpu.memory_space<vmem>>) dst(%dma_wait3A_100 : memref<10112x128xf32, #tpu.memory_space<vmem_shared>>)
          tpu.yield
        }) : () -> ()
        %add3A_64 = arith.constant 2 : i32
        %add3A_65 = arith.addi %add3A_43, %add3A_64 : i32
        %lt3A = arith.constant 80 : i32
        %lt3A_66 = arith.cmpi slt, %add3A_65, %lt3A : i32
        %convert_element_type3A_67 = arith.extui %lt3A_66 : i1 to i32
        %cond3A_68 = arith.constant 0 : i32
        %cond3A_69 = arith.cmpi ne, %convert_element_type3A_67, %cond3A_68 : i32
        scf.if %cond3A_69 {
          %add3A_83 = arith.constant 2 : i32
          %add3A_84 = arith.addi %add3A_43, %add3A_83 : i32
          %mul3A_85 = arith.constant 128 : i32
          %mul3A_86 = arith.muli %add3A_84, %mul3A_85 : i32
          %dma_start3A_87 = arith.constant 0 : i32
          %dma_start3A_88 = arith.constant 0 : i32
          %dma_start3A_89 = tpu.memref_slice %arg10[%dma_start3A_87, %dma_start3A_88] : memref<256x128xf32, #tpu.memory_space<vmem>> -> memref<128x128xf32, #tpu.memory_space<vmem>>
          %dma_start3A_90 = tpu.memref_slice %arg8[%mul3A_86] : memref<10240xi32, #tpu.memory_space<vmem>> -> memref<128xi32, #tpu.memory_space<vmem>>
          %dma_start3A_91 = arith.constant 0 : i32
          %dma_start3A_92 = arith.constant 0 : i32
          %dma_start3A_93 = tpu.memref_slice %arg2[%dma_start3A_91, %dma_start3A_92] : memref<10112x128xf32, #tpu.memory_space<hbm>> -> memref<10112x128xf32, #tpu.memory_space<hbm>>
          tpu.enqueue_indirect_dma source(%dma_start3A_93 : memref<10112x128xf32, #tpu.memory_space<hbm>>) target(%dma_start3A_89 : memref<128x128xf32, #tpu.memory_space<vmem>>) offsets(%dma_start3A_90 : memref<128xi32, #tpu.memory_space<vmem>>) semaphore(%arg12 : memref<!tpu.dma_semaphore, #tpu.memory_space<semaphore_mem>>)
        } else {
        }
        %mul3A_70 = arith.constant 128 : i32
        %mul3A_71 = arith.muli %add3A_45, %mul3A_70 : i32
        %dma_wait3A_72 = arith.constant 128 : i32
        %dma_wait3A_73 = arith.constant 0 : i32
        %dma_wait3A_74 = tpu.memref_slice %arg10[%dma_wait3A_72, %dma_wait3A_73] : memref<256x128xf32, #tpu.memory_space<vmem>> -> memref<128x128xf32, #tpu.memory_space<vmem>>
        %dma_wait3A_75 = tpu.memref_slice %arg8[%mul3A_71] : memref<10240xi32, #tpu.memory_space<vmem>> -> memref<128xi32, #tpu.memory_space<vmem>>
        %dma_wait3A_76 = arith.constant 0 : i32
        %dma_wait3A_77 = arith.constant 0 : i32
        %dma_wait3A_78 = tpu.memref_slice %arg2[%dma_wait3A_76, %dma_wait3A_77] : memref<10112x128xf32, #tpu.memory_space<hbm>> -> memref<10112x128xf32, #tpu.memory_space<hbm>>
        tpu.wait_indirect_dma semaphore(%arg13 : memref<!tpu.dma_semaphore, #tpu.memory_space<semaphore_mem>>) src(%dma_wait3A_78 : memref<10112x128xf32, #tpu.memory_space<hbm>>) dst(%dma_wait3A_74 : memref<128x128xf32, #tpu.memory_space<vmem>>)
        %mul3A_79 = arith.constant 2 : i32
        %mul3A_80 = arith.muli %mul3A_79, %scan3A_40 : i32
        %add3A_81 = arith.constant 1 : i32
        %add3A_82 = arith.addi %mul3A_80, %add3A_81 : i32
        "tpu.region"() ({
          %run_scoped3A = tpu.sem_alloc : memref<!tpu.dma_semaphore, #tpu.memory_space<semaphore_mem>>
          %dma_start3A_83 = arith.constant 128 : i32
          %dma_start3A_84 = arith.constant 0 : i32
          %dma_start3A_85 = tpu.memref_slice %arg10[%dma_start3A_83, %dma_start3A_84] : memref<256x128xf32, #tpu.memory_space<vmem>> -> memref<128x128xf32, #tpu.memory_space<vmem>>
          %dma_start3A_86 = arith.constant 0 : i32
          %dma_start3A_87 = tpu.memref_slice %arg9[%add3A_82, %dma_start3A_86] : memref<48x128xi32, #tpu.memory_space<vmem>> -> memref<1x128xi32, #tpu.memory_space<vmem>>
          %dma_start3A_88 = tpu.memref_squeeze %dma_start3A_87 : memref<1x128xi32, #tpu.memory_space<vmem>> -> memref<128xi32, #tpu.memory_space<vmem>>
          %dma_start3A_89 = arith.constant 0 : i32
          %dma_start3A_90 = arith.constant 0 : i32
          %dma_start3A_91 = tpu.memref_slice %arg11[%dma_start3A_89, %dma_start3A_90] : memref<10112x128xf32, #tpu.memory_space<vmem_shared>> -> memref<10112x128xf32, #tpu.memory_space<vmem_shared>>
          tpu.enqueue_indirect_dma source(%dma_start3A_85 : memref<128x128xf32, #tpu.memory_space<vmem>>) target(%dma_start3A_91 : memref<10112x128xf32, #tpu.memory_space<vmem_shared>>) offsets(%dma_start3A_88 : memref<128xi32, #tpu.memory_space<vmem>>) semaphore(%run_scoped3A : memref<!tpu.dma_semaphore, #tpu.memory_space<semaphore_mem>>) {add = true}
          %dma_wait3A_92 = arith.constant 128 : i32
          %dma_wait3A_93 = arith.constant 0 : i32
          %dma_wait3A_94 = tpu.memref_slice %arg10[%dma_wait3A_92, %dma_wait3A_93] : memref<256x128xf32, #tpu.memory_space<vmem>> -> memref<128x128xf32, #tpu.memory_space<vmem>>
          %dma_wait3A_95 = arith.constant 0 : i32
          %dma_wait3A_96 = tpu.memref_slice %arg9[%add3A_82, %dma_wait3A_95] : memref<48x128xi32, #tpu.memory_space<vmem>> -> memref<1x128xi32, #tpu.memory_space<vmem>>
          %dma_wait3A_97 = tpu.memref_squeeze %dma_wait3A_96 : memref<1x128xi32, #tpu.memory_space<vmem>> -> memref<128xi32, #tpu.memory_space<vmem>>
          %dma_wait3A_98 = arith.constant 0 : i32
          %dma_wait3A_99 = arith.constant 0 : i32
          %dma_wait3A_100 = tpu.memref_slice %arg11[%dma_wait3A_98, %dma_wait3A_99] : memref<10112x128xf32, #tpu.memory_space<vmem_shared>> -> memref<10112x128xf32, #tpu.memory_space<vmem_shared>>
          tpu.wait_indirect_dma semaphore(%run_scoped3A : memref<!tpu.dma_semaphore, #tpu.memory_space<semaphore_mem>>) src(%dma_wait3A_94 : memref<128x128xf32, #tpu.memory_space<vmem>>) dst(%dma_wait3A_100 : memref<10112x128xf32, #tpu.memory_space<vmem_shared>>)
          tpu.yield
        }) : () -> ()
      }
      %scan3A_39 = arith.constant 16 : i32
    } else {
    }
    %eq3A_13 = arith.constant 1 : i32
    %eq3A_14 = arith.cmpi eq, %arg0, %eq3A_13 : i32
    %convert_element_type3A_15 = arith.extui %eq3A_14 : i1 to i32
    %cond3A_16 = arith.constant 0 : i32
    %cond3A_17 = arith.cmpi ne, %convert_element_type3A_15, %cond3A_16 : i32
    scf.if %cond3A_17 {
      "tpu.region"() ({
        %run_scoped3A = tpu.sem_alloc : memref<!tpu.dma_semaphore, #tpu.memory_space<semaphore_mem>>
        %dma_start3A = arith.constant 0 : i32
        %dma_start3A_40 = arith.constant 0 : i32
        %dma_start3A_41 = tpu.memref_slice %arg9[%dma_start3A, %dma_start3A_40] : memref<48x128xi32, #tpu.memory_space<vmem>> -> memref<48x128xi32, #tpu.memory_space<vmem>>
        %dma_start3A_42 = arith.constant 0 : i32
        %dma_start3A_43 = arith.constant 0 : i32
        %dma_start3A_44 = tpu.memref_slice %arg5[%arg1, %dma_start3A_42, %dma_start3A_43] : memref<16x80x128xi32, #tpu.memory_space<hbm>> -> memref<1x48x128xi32, #tpu.memory_space<hbm>>
        %dma_start3A_45 = tpu.memref_squeeze %dma_start3A_44 : memref<1x48x128xi32, #tpu.memory_space<hbm>> -> memref<48x128xi32, #tpu.memory_space<hbm>>
        %dma_start3A_46 = arith.constant 0 : i32
        %dma_start3A_47 = arith.constant 0 : i32
        %dma_start3A_48 = tpu.memref_slice %arg9[%dma_start3A_46, %dma_start3A_47] : memref<48x128xi32, #tpu.memory_space<vmem>> -> memref<48x128xi32, #tpu.memory_space<vmem>>
        %dma_start3A_49 = arith.constant 0 : i32
        %dma_start3A_50 = arith.constant 0 : i32
        %dma_start3A_51 = tpu.memref_slice %arg5[%arg1, %dma_start3A_49, %dma_start3A_50] : memref<16x80x128xi32, #tpu.memory_space<hbm>> -> memref<1x48x128xi32, #tpu.memory_space<hbm>>
        %dma_start3A_52 = tpu.memref_squeeze %dma_start3A_51 : memref<1x48x128xi32, #tpu.memory_space<hbm>> -> memref<48x128xi32, #tpu.memory_space<hbm>>
        tpu.enqueue_dma source(%dma_start3A_52 : memref<48x128xi32, #tpu.memory_space<hbm>>) target(%dma_start3A_48 : memref<48x128xi32, #tpu.memory_space<vmem>>) target_semaphore(%run_scoped3A : memref<!tpu.dma_semaphore, #tpu.memory_space<semaphore_mem>>)
        %dma_wait3A = arith.constant 0 : i32
        %dma_wait3A_53 = arith.constant 0 : i32
        %dma_wait3A_54 = tpu.memref_slice %arg9[%dma_wait3A, %dma_wait3A_53] : memref<48x128xi32, #tpu.memory_space<vmem>> -> memref<48x128xi32, #tpu.memory_space<vmem>>
        %dma_wait3A_55 = arith.constant 0 : i32
        %dma_wait3A_56 = arith.constant 0 : i32
        %dma_wait3A_57 = tpu.memref_slice %arg5[%arg1, %dma_wait3A_55, %dma_wait3A_56] : memref<16x80x128xi32, #tpu.memory_space<hbm>> -> memref<1x48x128xi32, #tpu.memory_space<hbm>>
        %dma_wait3A_58 = tpu.memref_squeeze %dma_wait3A_57 : memref<1x48x128xi32, #tpu.memory_space<hbm>> -> memref<48x128xi32, #tpu.memory_space<hbm>>
        %dma_wait3A_59 = arith.constant 0 : i32
        %dma_wait3A_60 = arith.constant 0 : i32
        %dma_wait3A_61 = tpu.memref_slice %arg9[%dma_wait3A_59, %dma_wait3A_60] : memref<48x128xi32, #tpu.memory_space<vmem>> -> memref<48x128xi32, #tpu.memory_space<vmem>>
        %dma_wait3A_62 = arith.constant 0 : i32
        %dma_wait3A_63 = arith.constant 0 : i32
        %dma_wait3A_64 = tpu.memref_slice %arg5[%arg1, %dma_wait3A_62, %dma_wait3A_63] : memref<16x80x128xi32, #tpu.memory_space<hbm>> -> memref<1x48x128xi32, #tpu.memory_space<hbm>>
        %dma_wait3A_65 = tpu.memref_squeeze %dma_wait3A_64 : memref<1x48x128xi32, #tpu.memory_space<hbm>> -> memref<48x128xi32, #tpu.memory_space<hbm>>
        tpu.wait_dma2 semaphore(%run_scoped3A : memref<!tpu.dma_semaphore, #tpu.memory_space<semaphore_mem>>) src(%dma_wait3A_65 : memref<48x128xi32, #tpu.memory_space<hbm>>) dst(%dma_wait3A_61 : memref<48x128xi32, #tpu.memory_space<vmem>>)
        tpu.yield
      }) : () -> ()
      %scan3A = arith.constant 0 : i32
      %scan3A_29 = arith.constant 0 : i32
      %scan3A_30 = arith.constant 24 : i32
      %scan3A_31 = arith.addi %scan3A_29, %scan3A_30 : i32
      %scan3A_32 = arith.constant 1 : i32
      scf.for %scan3A_40 = %scan3A_29 to %scan3A_31 step %scan3A_32  : i32 {
        %mul3A_41 = arith.constant 2 : i32
        %mul3A_42 = arith.muli %mul3A_41, %scan3A_40 : i32
        %add3A = arith.constant 0 : i32
        %add3A_43 = arith.addi %add3A, %mul3A_42 : i32
        %add3A_44 = arith.constant 1 : i32
        %add3A_45 = arith.addi %add3A_43, %add3A_44 : i32
        %mul3A_46 = arith.constant 128 : i32
        %mul3A_47 = arith.muli %add3A_45, %mul3A_46 : i32
        %dma_start3A = arith.constant 128 : i32
        %dma_start3A_48 = arith.constant 0 : i32
        %dma_start3A_49 = tpu.memref_slice %arg10[%dma_start3A, %dma_start3A_48] : memref<256x128xf32, #tpu.memory_space<vmem>> -> memref<128x128xf32, #tpu.memory_space<vmem>>
        %dma_start3A_50 = tpu.memref_slice %arg8[%mul3A_47] : memref<10240xi32, #tpu.memory_space<vmem>> -> memref<128xi32, #tpu.memory_space<vmem>>
        %dma_start3A_51 = arith.constant 0 : i32
        %dma_start3A_52 = arith.constant 0 : i32
        %dma_start3A_53 = tpu.memref_slice %arg3[%dma_start3A_51, %dma_start3A_52] : memref<10112x128xf32, #tpu.memory_space<hbm>> -> memref<10112x128xf32, #tpu.memory_space<hbm>>
        tpu.enqueue_indirect_dma source(%dma_start3A_53 : memref<10112x128xf32, #tpu.memory_space<hbm>>) target(%dma_start3A_49 : memref<128x128xf32, #tpu.memory_space<vmem>>) offsets(%dma_start3A_50 : memref<128xi32, #tpu.memory_space<vmem>>) semaphore(%arg13 : memref<!tpu.dma_semaphore, #tpu.memory_space<semaphore_mem>>)
        %mul3A_54 = arith.constant 128 : i32
        %mul3A_55 = arith.muli %add3A_43, %mul3A_54 : i32
        %dma_wait3A = arith.constant 0 : i32
        %dma_wait3A_56 = arith.constant 0 : i32
        %dma_wait3A_57 = tpu.memref_slice %arg10[%dma_wait3A, %dma_wait3A_56] : memref<256x128xf32, #tpu.memory_space<vmem>> -> memref<128x128xf32, #tpu.memory_space<vmem>>
        %dma_wait3A_58 = tpu.memref_slice %arg8[%mul3A_55] : memref<10240xi32, #tpu.memory_space<vmem>> -> memref<128xi32, #tpu.memory_space<vmem>>
        %dma_wait3A_59 = arith.constant 0 : i32
        %dma_wait3A_60 = arith.constant 0 : i32
        %dma_wait3A_61 = tpu.memref_slice %arg3[%dma_wait3A_59, %dma_wait3A_60] : memref<10112x128xf32, #tpu.memory_space<hbm>> -> memref<10112x128xf32, #tpu.memory_space<hbm>>
        tpu.wait_indirect_dma semaphore(%arg12 : memref<!tpu.dma_semaphore, #tpu.memory_space<semaphore_mem>>) src(%dma_wait3A_61 : memref<10112x128xf32, #tpu.memory_space<hbm>>) dst(%dma_wait3A_57 : memref<128x128xf32, #tpu.memory_space<vmem>>)
        %mul3A_62 = arith.constant 2 : i32
        %mul3A_63 = arith.muli %mul3A_62, %scan3A_40 : i32
        "tpu.region"() ({
          %run_scoped3A = tpu.sem_alloc : memref<!tpu.dma_semaphore, #tpu.memory_space<semaphore_mem>>
          %dma_start3A_83 = arith.constant 0 : i32
          %dma_start3A_84 = arith.constant 0 : i32
          %dma_start3A_85 = tpu.memref_slice %arg10[%dma_start3A_83, %dma_start3A_84] : memref<256x128xf32, #tpu.memory_space<vmem>> -> memref<128x128xf32, #tpu.memory_space<vmem>>
          %dma_start3A_86 = arith.constant 0 : i32
          %dma_start3A_87 = tpu.memref_slice %arg9[%mul3A_63, %dma_start3A_86] : memref<48x128xi32, #tpu.memory_space<vmem>> -> memref<1x128xi32, #tpu.memory_space<vmem>>
          %dma_start3A_88 = tpu.memref_squeeze %dma_start3A_87 : memref<1x128xi32, #tpu.memory_space<vmem>> -> memref<128xi32, #tpu.memory_space<vmem>>
          %dma_start3A_89 = arith.constant 0 : i32
          %dma_start3A_90 = arith.constant 0 : i32
          %dma_start3A_91 = tpu.memref_slice %arg11[%dma_start3A_89, %dma_start3A_90] : memref<10112x128xf32, #tpu.memory_space<vmem_shared>> -> memref<10112x128xf32, #tpu.memory_space<vmem_shared>>
          tpu.enqueue_indirect_dma source(%dma_start3A_85 : memref<128x128xf32, #tpu.memory_space<vmem>>) target(%dma_start3A_91 : memref<10112x128xf32, #tpu.memory_space<vmem_shared>>) offsets(%dma_start3A_88 : memref<128xi32, #tpu.memory_space<vmem>>) semaphore(%run_scoped3A : memref<!tpu.dma_semaphore, #tpu.memory_space<semaphore_mem>>) {add = true}
          %dma_wait3A_92 = arith.constant 0 : i32
          %dma_wait3A_93 = arith.constant 0 : i32
          %dma_wait3A_94 = tpu.memref_slice %arg10[%dma_wait3A_92, %dma_wait3A_93] : memref<256x128xf32, #tpu.memory_space<vmem>> -> memref<128x128xf32, #tpu.memory_space<vmem>>
          %dma_wait3A_95 = arith.constant 0 : i32
          %dma_wait3A_96 = tpu.memref_slice %arg9[%mul3A_63, %dma_wait3A_95] : memref<48x128xi32, #tpu.memory_space<vmem>> -> memref<1x128xi32, #tpu.memory_space<vmem>>
          %dma_wait3A_97 = tpu.memref_squeeze %dma_wait3A_96 : memref<1x128xi32, #tpu.memory_space<vmem>> -> memref<128xi32, #tpu.memory_space<vmem>>
          %dma_wait3A_98 = arith.constant 0 : i32
          %dma_wait3A_99 = arith.constant 0 : i32
          %dma_wait3A_100 = tpu.memref_slice %arg11[%dma_wait3A_98, %dma_wait3A_99] : memref<10112x128xf32, #tpu.memory_space<vmem_shared>> -> memref<10112x128xf32, #tpu.memory_space<vmem_shared>>
          tpu.wait_indirect_dma semaphore(%run_scoped3A : memref<!tpu.dma_semaphore, #tpu.memory_space<semaphore_mem>>) src(%dma_wait3A_94 : memref<128x128xf32, #tpu.memory_space<vmem>>) dst(%dma_wait3A_100 : memref<10112x128xf32, #tpu.memory_space<vmem_shared>>)
          tpu.yield
        }) : () -> ()
        %add3A_64 = arith.constant 2 : i32
        %add3A_65 = arith.addi %add3A_43, %add3A_64 : i32
        %lt3A = arith.constant 80 : i32
        %lt3A_66 = arith.cmpi slt, %add3A_65, %lt3A : i32
        %convert_element_type3A_67 = arith.extui %lt3A_66 : i1 to i32
        %cond3A_68 = arith.constant 0 : i32
        %cond3A_69 = arith.cmpi ne, %convert_element_type3A_67, %cond3A_68 : i32
        scf.if %cond3A_69 {
          %add3A_83 = arith.constant 2 : i32
          %add3A_84 = arith.addi %add3A_43, %add3A_83 : i32
          %mul3A_85 = arith.constant 128 : i32
          %mul3A_86 = arith.muli %add3A_84, %mul3A_85 : i32
          %dma_start3A_87 = arith.constant 0 : i32
          %dma_start3A_88 = arith.constant 0 : i32
          %dma_start3A_89 = tpu.memref_slice %arg10[%dma_start3A_87, %dma_start3A_88] : memref<256x128xf32, #tpu.memory_space<vmem>> -> memref<128x128xf32, #tpu.memory_space<vmem>>
          %dma_start3A_90 = tpu.memref_slice %arg8[%mul3A_86] : memref<10240xi32, #tpu.memory_space<vmem>> -> memref<128xi32, #tpu.memory_space<vmem>>
          %dma_start3A_91 = arith.constant 0 : i32
          %dma_start3A_92 = arith.constant 0 : i32
          %dma_start3A_93 = tpu.memref_slice %arg3[%dma_start3A_91, %dma_start3A_92] : memref<10112x128xf32, #tpu.memory_space<hbm>> -> memref<10112x128xf32, #tpu.memory_space<hbm>>
          tpu.enqueue_indirect_dma source(%dma_start3A_93 : memref<10112x128xf32, #tpu.memory_space<hbm>>) target(%dma_start3A_89 : memref<128x128xf32, #tpu.memory_space<vmem>>) offsets(%dma_start3A_90 : memref<128xi32, #tpu.memory_space<vmem>>) semaphore(%arg12 : memref<!tpu.dma_semaphore, #tpu.memory_space<semaphore_mem>>)
        } else {
        }
        %mul3A_70 = arith.constant 128 : i32
        %mul3A_71 = arith.muli %add3A_45, %mul3A_70 : i32
        %dma_wait3A_72 = arith.constant 128 : i32
        %dma_wait3A_73 = arith.constant 0 : i32
        %dma_wait3A_74 = tpu.memref_slice %arg10[%dma_wait3A_72, %dma_wait3A_73] : memref<256x128xf32, #tpu.memory_space<vmem>> -> memref<128x128xf32, #tpu.memory_space<vmem>>
        %dma_wait3A_75 = tpu.memref_slice %arg8[%mul3A_71] : memref<10240xi32, #tpu.memory_space<vmem>> -> memref<128xi32, #tpu.memory_space<vmem>>
        %dma_wait3A_76 = arith.constant 0 : i32
        %dma_wait3A_77 = arith.constant 0 : i32
        %dma_wait3A_78 = tpu.memref_slice %arg3[%dma_wait3A_76, %dma_wait3A_77] : memref<10112x128xf32, #tpu.memory_space<hbm>> -> memref<10112x128xf32, #tpu.memory_space<hbm>>
        tpu.wait_indirect_dma semaphore(%arg13 : memref<!tpu.dma_semaphore, #tpu.memory_space<semaphore_mem>>) src(%dma_wait3A_78 : memref<10112x128xf32, #tpu.memory_space<hbm>>) dst(%dma_wait3A_74 : memref<128x128xf32, #tpu.memory_space<vmem>>)
        %mul3A_79 = arith.constant 2 : i32
        %mul3A_80 = arith.muli %mul3A_79, %scan3A_40 : i32
        %add3A_81 = arith.constant 1 : i32
        %add3A_82 = arith.addi %mul3A_80, %add3A_81 : i32
        "tpu.region"() ({
          %run_scoped3A = tpu.sem_alloc : memref<!tpu.dma_semaphore, #tpu.memory_space<semaphore_mem>>
          %dma_start3A_83 = arith.constant 128 : i32
          %dma_start3A_84 = arith.constant 0 : i32
          %dma_start3A_85 = tpu.memref_slice %arg10[%dma_start3A_83, %dma_start3A_84] : memref<256x128xf32, #tpu.memory_space<vmem>> -> memref<128x128xf32, #tpu.memory_space<vmem>>
          %dma_start3A_86 = arith.constant 0 : i32
          %dma_start3A_87 = tpu.memref_slice %arg9[%add3A_82, %dma_start3A_86] : memref<48x128xi32, #tpu.memory_space<vmem>> -> memref<1x128xi32, #tpu.memory_space<vmem>>
          %dma_start3A_88 = tpu.memref_squeeze %dma_start3A_87 : memref<1x128xi32, #tpu.memory_space<vmem>> -> memref<128xi32, #tpu.memory_space<vmem>>
          %dma_start3A_89 = arith.constant 0 : i32
          %dma_start3A_90 = arith.constant 0 : i32
          %dma_start3A_91 = tpu.memref_slice %arg11[%dma_start3A_89, %dma_start3A_90] : memref<10112x128xf32, #tpu.memory_space<vmem_shared>> -> memref<10112x128xf32, #tpu.memory_space<vmem_shared>>
          tpu.enqueue_indirect_dma source(%dma_start3A_85 : memref<128x128xf32, #tpu.memory_space<vmem>>) target(%dma_start3A_91 : memref<10112x128xf32, #tpu.memory_space<vmem_shared>>) offsets(%dma_start3A_88 : memref<128xi32, #tpu.memory_space<vmem>>) semaphore(%run_scoped3A : memref<!tpu.dma_semaphore, #tpu.memory_space<semaphore_mem>>) {add = true}
          %dma_wait3A_92 = arith.constant 128 : i32
          %dma_wait3A_93 = arith.constant 0 : i32
          %dma_wait3A_94 = tpu.memref_slice %arg10[%dma_wait3A_92, %dma_wait3A_93] : memref<256x128xf32, #tpu.memory_space<vmem>> -> memref<128x128xf32, #tpu.memory_space<vmem>>
          %dma_wait3A_95 = arith.constant 0 : i32
          %dma_wait3A_96 = tpu.memref_slice %arg9[%add3A_82, %dma_wait3A_95] : memref<48x128xi32, #tpu.memory_space<vmem>> -> memref<1x128xi32, #tpu.memory_space<vmem>>
          %dma_wait3A_97 = tpu.memref_squeeze %dma_wait3A_96 : memref<1x128xi32, #tpu.memory_space<vmem>> -> memref<128xi32, #tpu.memory_space<vmem>>
          %dma_wait3A_98 = arith.constant 0 : i32
          %dma_wait3A_99 = arith.constant 0 : i32
          %dma_wait3A_100 = tpu.memref_slice %arg11[%dma_wait3A_98, %dma_wait3A_99] : memref<10112x128xf32, #tpu.memory_space<vmem_shared>> -> memref<10112x128xf32, #tpu.memory_space<vmem_shared>>
          tpu.wait_indirect_dma semaphore(%run_scoped3A : memref<!tpu.dma_semaphore, #tpu.memory_space<semaphore_mem>>) src(%dma_wait3A_94 : memref<128x128xf32, #tpu.memory_space<vmem>>) dst(%dma_wait3A_100 : memref<10112x128xf32, #tpu.memory_space<vmem_shared>>)
          tpu.yield
        }) : () -> ()
      }
      %scan3A_33 = arith.constant 24 : i32
      "tpu.region"() ({
        %run_scoped3A = tpu.sem_alloc : memref<!tpu.dma_semaphore, #tpu.memory_space<semaphore_mem>>
        %dma_start3A = arith.constant 0 : i32
        %dma_start3A_40 = arith.constant 0 : i32
        %dma_start3A_41 = tpu.memref_slice %arg9[%dma_start3A, %dma_start3A_40] : memref<48x128xi32, #tpu.memory_space<vmem>> -> memref<32x128xi32, #tpu.memory_space<vmem>>
        %dma_start3A_42 = arith.constant 48 : i32
        %dma_start3A_43 = arith.constant 0 : i32
        %dma_start3A_44 = tpu.memref_slice %arg5[%arg1, %dma_start3A_42, %dma_start3A_43] : memref<16x80x128xi32, #tpu.memory_space<hbm>> -> memref<1x32x128xi32, #tpu.memory_space<hbm>>
        %dma_start3A_45 = tpu.memref_squeeze %dma_start3A_44 : memref<1x32x128xi32, #tpu.memory_space<hbm>> -> memref<32x128xi32, #tpu.memory_space<hbm>>
        %dma_start3A_46 = arith.constant 0 : i32
        %dma_start3A_47 = arith.constant 0 : i32
        %dma_start3A_48 = tpu.memref_slice %arg9[%dma_start3A_46, %dma_start3A_47] : memref<48x128xi32, #tpu.memory_space<vmem>> -> memref<32x128xi32, #tpu.memory_space<vmem>>
        %dma_start3A_49 = arith.constant 48 : i32
        %dma_start3A_50 = arith.constant 0 : i32
        %dma_start3A_51 = tpu.memref_slice %arg5[%arg1, %dma_start3A_49, %dma_start3A_50] : memref<16x80x128xi32, #tpu.memory_space<hbm>> -> memref<1x32x128xi32, #tpu.memory_space<hbm>>
        %dma_start3A_52 = tpu.memref_squeeze %dma_start3A_51 : memref<1x32x128xi32, #tpu.memory_space<hbm>> -> memref<32x128xi32, #tpu.memory_space<hbm>>
        tpu.enqueue_dma source(%dma_start3A_52 : memref<32x128xi32, #tpu.memory_space<hbm>>) target(%dma_start3A_48 : memref<32x128xi32, #tpu.memory_space<vmem>>) target_semaphore(%run_scoped3A : memref<!tpu.dma_semaphore, #tpu.memory_space<semaphore_mem>>)
        %dma_wait3A = arith.constant 0 : i32
        %dma_wait3A_53 = arith.constant 0 : i32
        %dma_wait3A_54 = tpu.memref_slice %arg9[%dma_wait3A, %dma_wait3A_53] : memref<48x128xi32, #tpu.memory_space<vmem>> -> memref<32x128xi32, #tpu.memory_space<vmem>>
        %dma_wait3A_55 = arith.constant 48 : i32
        %dma_wait3A_56 = arith.constant 0 : i32
        %dma_wait3A_57 = tpu.memref_slice %arg5[%arg1, %dma_wait3A_55, %dma_wait3A_56] : memref<16x80x128xi32, #tpu.memory_space<hbm>> -> memref<1x32x128xi32, #tpu.memory_space<hbm>>
        %dma_wait3A_58 = tpu.memref_squeeze %dma_wait3A_57 : memref<1x32x128xi32, #tpu.memory_space<hbm>> -> memref<32x128xi32, #tpu.memory_space<hbm>>
        %dma_wait3A_59 = arith.constant 0 : i32
        %dma_wait3A_60 = arith.constant 0 : i32
        %dma_wait3A_61 = tpu.memref_slice %arg9[%dma_wait3A_59, %dma_wait3A_60] : memref<48x128xi32, #tpu.memory_space<vmem>> -> memref<32x128xi32, #tpu.memory_space<vmem>>
        %dma_wait3A_62 = arith.constant 48 : i32
        %dma_wait3A_63 = arith.constant 0 : i32
        %dma_wait3A_64 = tpu.memref_slice %arg5[%arg1, %dma_wait3A_62, %dma_wait3A_63] : memref<16x80x128xi32, #tpu.memory_space<hbm>> -> memref<1x32x128xi32, #tpu.memory_space<hbm>>
        %dma_wait3A_65 = tpu.memref_squeeze %dma_wait3A_64 : memref<1x32x128xi32, #tpu.memory_space<hbm>> -> memref<32x128xi32, #tpu.memory_space<hbm>>
        tpu.wait_dma2 semaphore(%run_scoped3A : memref<!tpu.dma_semaphore, #tpu.memory_space<semaphore_mem>>) src(%dma_wait3A_65 : memref<32x128xi32, #tpu.memory_space<hbm>>) dst(%dma_wait3A_61 : memref<32x128xi32, #tpu.memory_space<vmem>>)
        tpu.yield
      }) : () -> ()
      %scan3A_34 = arith.constant 0 : i32
      %scan3A_35 = arith.constant 0 : i32
      %scan3A_36 = arith.constant 16 : i32
      %scan3A_37 = arith.addi %scan3A_35, %scan3A_36 : i32
      %scan3A_38 = arith.constant 1 : i32
      scf.for %scan3A_40 = %scan3A_35 to %scan3A_37 step %scan3A_38  : i32 {
        %mul3A_41 = arith.constant 2 : i32
        %mul3A_42 = arith.muli %mul3A_41, %scan3A_40 : i32
        %add3A = arith.constant 48 : i32
        %add3A_43 = arith.addi %add3A, %mul3A_42 : i32
        %add3A_44 = arith.constant 1 : i32
        %add3A_45 = arith.addi %add3A_43, %add3A_44 : i32
        %mul3A_46 = arith.constant 128 : i32
        %mul3A_47 = arith.muli %add3A_45, %mul3A_46 : i32
        %dma_start3A = arith.constant 128 : i32
        %dma_start3A_48 = arith.constant 0 : i32
        %dma_start3A_49 = tpu.memref_slice %arg10[%dma_start3A, %dma_start3A_48] : memref<256x128xf32, #tpu.memory_space<vmem>> -> memref<128x128xf32, #tpu.memory_space<vmem>>
        %dma_start3A_50 = tpu.memref_slice %arg8[%mul3A_47] : memref<10240xi32, #tpu.memory_space<vmem>> -> memref<128xi32, #tpu.memory_space<vmem>>
        %dma_start3A_51 = arith.constant 0 : i32
        %dma_start3A_52 = arith.constant 0 : i32
        %dma_start3A_53 = tpu.memref_slice %arg3[%dma_start3A_51, %dma_start3A_52] : memref<10112x128xf32, #tpu.memory_space<hbm>> -> memref<10112x128xf32, #tpu.memory_space<hbm>>
        tpu.enqueue_indirect_dma source(%dma_start3A_53 : memref<10112x128xf32, #tpu.memory_space<hbm>>) target(%dma_start3A_49 : memref<128x128xf32, #tpu.memory_space<vmem>>) offsets(%dma_start3A_50 : memref<128xi32, #tpu.memory_space<vmem>>) semaphore(%arg13 : memref<!tpu.dma_semaphore, #tpu.memory_space<semaphore_mem>>)
        %mul3A_54 = arith.constant 128 : i32
        %mul3A_55 = arith.muli %add3A_43, %mul3A_54 : i32
        %dma_wait3A = arith.constant 0 : i32
        %dma_wait3A_56 = arith.constant 0 : i32
        %dma_wait3A_57 = tpu.memref_slice %arg10[%dma_wait3A, %dma_wait3A_56] : memref<256x128xf32, #tpu.memory_space<vmem>> -> memref<128x128xf32, #tpu.memory_space<vmem>>
        %dma_wait3A_58 = tpu.memref_slice %arg8[%mul3A_55] : memref<10240xi32, #tpu.memory_space<vmem>> -> memref<128xi32, #tpu.memory_space<vmem>>
        %dma_wait3A_59 = arith.constant 0 : i32
        %dma_wait3A_60 = arith.constant 0 : i32
        %dma_wait3A_61 = tpu.memref_slice %arg3[%dma_wait3A_59, %dma_wait3A_60] : memref<10112x128xf32, #tpu.memory_space<hbm>> -> memref<10112x128xf32, #tpu.memory_space<hbm>>
        tpu.wait_indirect_dma semaphore(%arg12 : memref<!tpu.dma_semaphore, #tpu.memory_space<semaphore_mem>>) src(%dma_wait3A_61 : memref<10112x128xf32, #tpu.memory_space<hbm>>) dst(%dma_wait3A_57 : memref<128x128xf32, #tpu.memory_space<vmem>>)
        %mul3A_62 = arith.constant 2 : i32
        %mul3A_63 = arith.muli %mul3A_62, %scan3A_40 : i32
        "tpu.region"() ({
          %run_scoped3A = tpu.sem_alloc : memref<!tpu.dma_semaphore, #tpu.memory_space<semaphore_mem>>
          %dma_start3A_83 = arith.constant 0 : i32
          %dma_start3A_84 = arith.constant 0 : i32
          %dma_start3A_85 = tpu.memref_slice %arg10[%dma_start3A_83, %dma_start3A_84] : memref<256x128xf32, #tpu.memory_space<vmem>> -> memref<128x128xf32, #tpu.memory_space<vmem>>
          %dma_start3A_86 = arith.constant 0 : i32
          %dma_start3A_87 = tpu.memref_slice %arg9[%mul3A_63, %dma_start3A_86] : memref<48x128xi32, #tpu.memory_space<vmem>> -> memref<1x128xi32, #tpu.memory_space<vmem>>
          %dma_start3A_88 = tpu.memref_squeeze %dma_start3A_87 : memref<1x128xi32, #tpu.memory_space<vmem>> -> memref<128xi32, #tpu.memory_space<vmem>>
          %dma_start3A_89 = arith.constant 0 : i32
          %dma_start3A_90 = arith.constant 0 : i32
          %dma_start3A_91 = tpu.memref_slice %arg11[%dma_start3A_89, %dma_start3A_90] : memref<10112x128xf32, #tpu.memory_space<vmem_shared>> -> memref<10112x128xf32, #tpu.memory_space<vmem_shared>>
          tpu.enqueue_indirect_dma source(%dma_start3A_85 : memref<128x128xf32, #tpu.memory_space<vmem>>) target(%dma_start3A_91 : memref<10112x128xf32, #tpu.memory_space<vmem_shared>>) offsets(%dma_start3A_88 : memref<128xi32, #tpu.memory_space<vmem>>) semaphore(%run_scoped3A : memref<!tpu.dma_semaphore, #tpu.memory_space<semaphore_mem>>) {add = true}
          %dma_wait3A_92 = arith.constant 0 : i32
          %dma_wait3A_93 = arith.constant 0 : i32
          %dma_wait3A_94 = tpu.memref_slice %arg10[%dma_wait3A_92, %dma_wait3A_93] : memref<256x128xf32, #tpu.memory_space<vmem>> -> memref<128x128xf32, #tpu.memory_space<vmem>>
          %dma_wait3A_95 = arith.constant 0 : i32
          %dma_wait3A_96 = tpu.memref_slice %arg9[%mul3A_63, %dma_wait3A_95] : memref<48x128xi32, #tpu.memory_space<vmem>> -> memref<1x128xi32, #tpu.memory_space<vmem>>
          %dma_wait3A_97 = tpu.memref_squeeze %dma_wait3A_96 : memref<1x128xi32, #tpu.memory_space<vmem>> -> memref<128xi32, #tpu.memory_space<vmem>>
          %dma_wait3A_98 = arith.constant 0 : i32
          %dma_wait3A_99 = arith.constant 0 : i32
          %dma_wait3A_100 = tpu.memref_slice %arg11[%dma_wait3A_98, %dma_wait3A_99] : memref<10112x128xf32, #tpu.memory_space<vmem_shared>> -> memref<10112x128xf32, #tpu.memory_space<vmem_shared>>
          tpu.wait_indirect_dma semaphore(%run_scoped3A : memref<!tpu.dma_semaphore, #tpu.memory_space<semaphore_mem>>) src(%dma_wait3A_94 : memref<128x128xf32, #tpu.memory_space<vmem>>) dst(%dma_wait3A_100 : memref<10112x128xf32, #tpu.memory_space<vmem_shared>>)
          tpu.yield
        }) : () -> ()
        %add3A_64 = arith.constant 2 : i32
        %add3A_65 = arith.addi %add3A_43, %add3A_64 : i32
        %lt3A = arith.constant 80 : i32
        %lt3A_66 = arith.cmpi slt, %add3A_65, %lt3A : i32
        %convert_element_type3A_67 = arith.extui %lt3A_66 : i1 to i32
        %cond3A_68 = arith.constant 0 : i32
        %cond3A_69 = arith.cmpi ne, %convert_element_type3A_67, %cond3A_68 : i32
        scf.if %cond3A_69 {
          %add3A_83 = arith.constant 2 : i32
          %add3A_84 = arith.addi %add3A_43, %add3A_83 : i32
          %mul3A_85 = arith.constant 128 : i32
          %mul3A_86 = arith.muli %add3A_84, %mul3A_85 : i32
          %dma_start3A_87 = arith.constant 0 : i32
          %dma_start3A_88 = arith.constant 0 : i32
          %dma_start3A_89 = tpu.memref_slice %arg10[%dma_start3A_87, %dma_start3A_88] : memref<256x128xf32, #tpu.memory_space<vmem>> -> memref<128x128xf32, #tpu.memory_space<vmem>>
          %dma_start3A_90 = tpu.memref_slice %arg8[%mul3A_86] : memref<10240xi32, #tpu.memory_space<vmem>> -> memref<128xi32, #tpu.memory_space<vmem>>
          %dma_start3A_91 = arith.constant 0 : i32
          %dma_start3A_92 = arith.constant 0 : i32
          %dma_start3A_93 = tpu.memref_slice %arg3[%dma_start3A_91, %dma_start3A_92] : memref<10112x128xf32, #tpu.memory_space<hbm>> -> memref<10112x128xf32, #tpu.memory_space<hbm>>
          tpu.enqueue_indirect_dma source(%dma_start3A_93 : memref<10112x128xf32, #tpu.memory_space<hbm>>) target(%dma_start3A_89 : memref<128x128xf32, #tpu.memory_space<vmem>>) offsets(%dma_start3A_90 : memref<128xi32, #tpu.memory_space<vmem>>) semaphore(%arg12 : memref<!tpu.dma_semaphore, #tpu.memory_space<semaphore_mem>>)
        } else {
        }
        %mul3A_70 = arith.constant 128 : i32
        %mul3A_71 = arith.muli %add3A_45, %mul3A_70 : i32
        %dma_wait3A_72 = arith.constant 128 : i32
        %dma_wait3A_73 = arith.constant 0 : i32
        %dma_wait3A_74 = tpu.memref_slice %arg10[%dma_wait3A_72, %dma_wait3A_73] : memref<256x128xf32, #tpu.memory_space<vmem>> -> memref<128x128xf32, #tpu.memory_space<vmem>>
        %dma_wait3A_75 = tpu.memref_slice %arg8[%mul3A_71] : memref<10240xi32, #tpu.memory_space<vmem>> -> memref<128xi32, #tpu.memory_space<vmem>>
        %dma_wait3A_76 = arith.constant 0 : i32
        %dma_wait3A_77 = arith.constant 0 : i32
        %dma_wait3A_78 = tpu.memref_slice %arg3[%dma_wait3A_76, %dma_wait3A_77] : memref<10112x128xf32, #tpu.memory_space<hbm>> -> memref<10112x128xf32, #tpu.memory_space<hbm>>
        tpu.wait_indirect_dma semaphore(%arg13 : memref<!tpu.dma_semaphore, #tpu.memory_space<semaphore_mem>>) src(%dma_wait3A_78 : memref<10112x128xf32, #tpu.memory_space<hbm>>) dst(%dma_wait3A_74 : memref<128x128xf32, #tpu.memory_space<vmem>>)
        %mul3A_79 = arith.constant 2 : i32
        %mul3A_80 = arith.muli %mul3A_79, %scan3A_40 : i32
        %add3A_81 = arith.constant 1 : i32
        %add3A_82 = arith.addi %mul3A_80, %add3A_81 : i32
        "tpu.region"() ({
          %run_scoped3A = tpu.sem_alloc : memref<!tpu.dma_semaphore, #tpu.memory_space<semaphore_mem>>
          %dma_start3A_83 = arith.constant 128 : i32
          %dma_start3A_84 = arith.constant 0 : i32
          %dma_start3A_85 = tpu.memref_slice %arg10[%dma_start3A_83, %dma_start3A_84] : memref<256x128xf32, #tpu.memory_space<vmem>> -> memref<128x128xf32, #tpu.memory_space<vmem>>
          %dma_start3A_86 = arith.constant 0 : i32
          %dma_start3A_87 = tpu.memref_slice %arg9[%add3A_82, %dma_start3A_86] : memref<48x128xi32, #tpu.memory_space<vmem>> -> memref<1x128xi32, #tpu.memory_space<vmem>>
          %dma_start3A_88 = tpu.memref_squeeze %dma_start3A_87 : memref<1x128xi32, #tpu.memory_space<vmem>> -> memref<128xi32, #tpu.memory_space<vmem>>
          %dma_start3A_89 = arith.constant 0 : i32
          %dma_start3A_90 = arith.constant 0 : i32
          %dma_start3A_91 = tpu.memref_slice %arg11[%dma_start3A_89, %dma_start3A_90] : memref<10112x128xf32, #tpu.memory_space<vmem_shared>> -> memref<10112x128xf32, #tpu.memory_space<vmem_shared>>
          tpu.enqueue_indirect_dma source(%dma_start3A_85 : memref<128x128xf32, #tpu.memory_space<vmem>>) target(%dma_start3A_91 : memref<10112x128xf32, #tpu.memory_space<vmem_shared>>) offsets(%dma_start3A_88 : memref<128xi32, #tpu.memory_space<vmem>>) semaphore(%run_scoped3A : memref<!tpu.dma_semaphore, #tpu.memory_space<semaphore_mem>>) {add = true}
          %dma_wait3A_92 = arith.constant 128 : i32
          %dma_wait3A_93 = arith.constant 0 : i32
          %dma_wait3A_94 = tpu.memref_slice %arg10[%dma_wait3A_92, %dma_wait3A_93] : memref<256x128xf32, #tpu.memory_space<vmem>> -> memref<128x128xf32, #tpu.memory_space<vmem>>
          %dma_wait3A_95 = arith.constant 0 : i32
          %dma_wait3A_96 = tpu.memref_slice %arg9[%add3A_82, %dma_wait3A_95] : memref<48x128xi32, #tpu.memory_space<vmem>> -> memref<1x128xi32, #tpu.memory_space<vmem>>
          %dma_wait3A_97 = tpu.memref_squeeze %dma_wait3A_96 : memref<1x128xi32, #tpu.memory_space<vmem>> -> memref<128xi32, #tpu.memory_space<vmem>>
          %dma_wait3A_98 = arith.constant 0 : i32
          %dma_wait3A_99 = arith.constant 0 : i32
          %dma_wait3A_100 = tpu.memref_slice %arg11[%dma_wait3A_98, %dma_wait3A_99] : memref<10112x128xf32, #tpu.memory_space<vmem_shared>> -> memref<10112x128xf32, #tpu.memory_space<vmem_shared>>
          tpu.wait_indirect_dma semaphore(%run_scoped3A : memref<!tpu.dma_semaphore, #tpu.memory_space<semaphore_mem>>) src(%dma_wait3A_94 : memref<128x128xf32, #tpu.memory_space<vmem>>) dst(%dma_wait3A_100 : memref<10112x128xf32, #tpu.memory_space<vmem_shared>>)
          tpu.yield
        }) : () -> ()
      }
      %scan3A_39 = arith.constant 16 : i32
    } else {
    }
    %barrier3A_18 = arith.constant 0 : index
    tpu.barrier barrier_id(%barrier3A_18)
    %eq3A_19 = arith.constant 0 : i32
    %eq3A_20 = arith.cmpi eq, %arg0, %eq3A_19 : i32
    %convert_element_type3A_21 = arith.extui %eq3A_20 : i1 to i32
    %cond3A_22 = arith.constant 0 : i32
    %cond3A_23 = arith.cmpi ne, %convert_element_type3A_21, %cond3A_22 : i32
    scf.if %cond3A_23 {
      "tpu.region"() ({
        %run_scoped3A = tpu.sem_alloc : memref<!tpu.dma_semaphore, #tpu.memory_space<semaphore_mem>>
        %dma_start3A = arith.constant 0 : i32
        %dma_start3A_29 = tpu.memref_slice %arg6[%mul3A_0, %dma_start3A] : memref<10112x128xf32, #tpu.memory_space<hbm>> -> memref<632x128xf32, #tpu.memory_space<hbm>>
        %dma_start3A_30 = arith.constant 0 : i32
        %dma_start3A_31 = tpu.memref_slice %arg11[%mul3A_0, %dma_start3A_30] : memref<10112x128xf32, #tpu.memory_space<vmem_shared>> -> memref<632x128xf32, #tpu.memory_space<vmem_shared>>
        tpu.enqueue_dma source(%dma_start3A_31 : memref<632x128xf32, #tpu.memory_space<vmem_shared>>) target(%dma_start3A_29 : memref<632x128xf32, #tpu.memory_space<hbm>>) target_semaphore(%run_scoped3A : memref<!tpu.dma_semaphore, #tpu.memory_space<semaphore_mem>>)
        %dma_wait3A = arith.constant 0 : i32
        %dma_wait3A_32 = tpu.memref_slice %arg6[%mul3A_0, %dma_wait3A] : memref<10112x128xf32, #tpu.memory_space<hbm>> -> memref<632x128xf32, #tpu.memory_space<hbm>>
        %dma_wait3A_33 = arith.constant 0 : i32
        %dma_wait3A_34 = tpu.memref_slice %arg11[%mul3A_0, %dma_wait3A_33] : memref<10112x128xf32, #tpu.memory_space<vmem_shared>> -> memref<632x128xf32, #tpu.memory_space<vmem_shared>>
        tpu.wait_dma2 semaphore(%run_scoped3A : memref<!tpu.dma_semaphore, #tpu.memory_space<semaphore_mem>>) src(%dma_wait3A_34 : memref<632x128xf32, #tpu.memory_space<vmem_shared>>) dst(%dma_wait3A_32 : memref<632x128xf32, #tpu.memory_space<hbm>>)
        tpu.yield
      }) : () -> ()
    } else {
    }
    %eq3A_24 = arith.constant 1 : i32
    %eq3A_25 = arith.cmpi eq, %arg0, %eq3A_24 : i32
    %convert_element_type3A_26 = arith.extui %eq3A_25 : i1 to i32
    %cond3A_27 = arith.constant 0 : i32
    %cond3A_28 = arith.cmpi ne, %convert_element_type3A_26, %cond3A_27 : i32
    scf.if %cond3A_28 {
      "tpu.region"() ({
        %run_scoped3A = tpu.sem_alloc : memref<!tpu.dma_semaphore, #tpu.memory_space<semaphore_mem>>
        %dma_start3A = arith.constant 0 : i32
        %dma_start3A_29 = tpu.memref_slice %arg7[%mul3A_0, %dma_start3A] : memref<10112x128xf32, #tpu.memory_space<hbm>> -> memref<632x128xf32, #tpu.memory_space<hbm>>
        %dma_start3A_30 = arith.constant 0 : i32
        %dma_start3A_31 = tpu.memref_slice %arg11[%mul3A_0, %dma_start3A_30] : memref<10112x128xf32, #tpu.memory_space<vmem_shared>> -> memref<632x128xf32, #tpu.memory_space<vmem_shared>>
        tpu.enqueue_dma source(%dma_start3A_31 : memref<632x128xf32, #tpu.memory_space<vmem_shared>>) target(%dma_start3A_29 : memref<632x128xf32, #tpu.memory_space<hbm>>) target_semaphore(%run_scoped3A : memref<!tpu.dma_semaphore, #tpu.memory_space<semaphore_mem>>)
        %dma_wait3A = arith.constant 0 : i32
        %dma_wait3A_32 = tpu.memref_slice %arg7[%mul3A_0, %dma_wait3A] : memref<10112x128xf32, #tpu.memory_space<hbm>> -> memref<632x128xf32, #tpu.memory_space<hbm>>
        %dma_wait3A_33 = arith.constant 0 : i32
        %dma_wait3A_34 = tpu.memref_slice %arg11[%mul3A_0, %dma_wait3A_33] : memref<10112x128xf32, #tpu.memory_space<vmem_shared>> -> memref<632x128xf32, #tpu.memory_space<vmem_shared>>
        tpu.wait_dma2 semaphore(%run_scoped3A : memref<!tpu.dma_semaphore, #tpu.memory_space<semaphore_mem>>) src(%dma_wait3A_34 : memref<632x128xf32, #tpu.memory_space<vmem_shared>>) dst(%dma_wait3A_32 : memref<632x128xf32, #tpu.memory_space<hbm>>)
        tpu.yield
      }) : () -> ()
    } else {
    }
    return
  }
}

module attributes {stable_mosaic.version = 14 : i64} {
  func.func @_mlp_body_split(%arg0: i32, %arg1: memref<1264x128xf32, #tpu.memory_space<vmem>>, %arg2: memref<1264x128xf32, #tpu.memory_space<vmem>>, %arg3: memref<256x256xf32, #tpu.memory_space<vmem>>, %arg4: memref<1x256xf32, #tpu.memory_space<vmem>>, %arg5: memref<256x256xf32, #tpu.memory_space<vmem>>, %arg6: memref<1x256xf32, #tpu.memory_space<vmem>>, %arg7: memref<1264x128xf32, #tpu.memory_space<vmem>>, %arg8: memref<1264x128xf32, #tpu.memory_space<vmem>>) attributes {dimension_semantics = [#tpu.dimension_semantics<arbitrary>], iteration_bounds = array<i64: 8>, scalar_prefetch = 0 : i64, scratch_operands = 0 : i64, tpu.core_type = #tpu.core_type<tc>, window_params = [{transform_indices = @transform_0, window_bounds = array<i64: 1264, 128>}, {transform_indices = @transform_1, window_bounds = array<i64: 1264, 128>}, {pipeline_mode = #tpu.pipeline_mode<synchronous>, transform_indices = @transform_2, window_bounds = array<i64: 256, 256>}, {pipeline_mode = #tpu.pipeline_mode<synchronous>, transform_indices = @transform_3, window_bounds = array<i64: 1, 256>}, {pipeline_mode = #tpu.pipeline_mode<synchronous>, transform_indices = @transform_4, window_bounds = array<i64: 256, 256>}, {pipeline_mode = #tpu.pipeline_mode<synchronous>, transform_indices = @transform_5, window_bounds = array<i64: 1, 256>}, {transform_indices = @transform_6, window_bounds = array<i64: 1264, 128>}, {transform_indices = @transform_7, window_bounds = array<i64: 1264, 128>}]} {
    %get3A = arith.constant 0 : index
    %get3A_0 = arith.constant 0 : index
    %get3A_1 = vector.load %arg1[%get3A, %get3A_0] : memref<1264x128xf32, #tpu.memory_space<vmem>>, vector<1264x128xf32>
    %get3A_2 = arith.constant 0 : index
    %get3A_3 = arith.constant 0 : index
    %get3A_4 = vector.load %arg2[%get3A_2, %get3A_3] : memref<1264x128xf32, #tpu.memory_space<vmem>>, vector<1264x128xf32>
    %concatenate3A = tpu.concatenate %get3A_1, %get3A_4 in 1 : vector<1264x128xf32>, vector<1264x128xf32> -> vector<1264x256xf32>
    %get3A_5 = arith.constant 0 : index
    %get3A_6 = arith.constant 0 : index
    %get3A_7 = vector.load %arg3[%get3A_5, %get3A_6] : memref<256x256xf32, #tpu.memory_space<vmem>>, vector<256x256xf32>
    %dot_general3A = arith.constant dense<0.000000e+00> : vector<1264x256xf32>
    %dot_general3A_8 = tpu.matmul %concatenate3A, %get3A_7, %dot_general3A {dimension_numbers = #tpu.dot_dimension_numbers<[1], [0], [0], [1], [0, 0, 1, 1], [], []>, transpose_lhs_hint = false} : vector<1264x256xf32>, vector<256x256xf32>, vector<1264x256xf32> -> vector<1264x256xf32>
    %get3A_9 = arith.constant 0 : index
    %get3A_10 = arith.constant 0 : index
    %get3A_11 = vector.load %arg4[%get3A_9, %get3A_10] : memref<1x256xf32, #tpu.memory_space<vmem>>, vector<1x256xf32>
    %add3A = vector.broadcast %get3A_11 : vector<1x256xf32> to vector<1264x256xf32>
    %add3A_12 = arith.addf %dot_general3A_8, %add3A : vector<1264x256xf32>
    %max3A = arith.constant 0.000000e+00 : f32
    %max3A_13 = vector.broadcast %max3A : f32 to vector<1264x256xf32>
    %max3A_14 = arith.maximumf %add3A_12, %max3A_13 : vector<1264x256xf32>
    %get3A_15 = arith.constant 0 : index
    %get3A_16 = arith.constant 0 : index
    %get3A_17 = vector.load %arg5[%get3A_15, %get3A_16] : memref<256x256xf32, #tpu.memory_space<vmem>>, vector<256x256xf32>
    %dot_general3A_18 = arith.constant dense<0.000000e+00> : vector<1264x256xf32>
    %dot_general3A_19 = tpu.matmul %max3A_14, %get3A_17, %dot_general3A_18 {dimension_numbers = #tpu.dot_dimension_numbers<[1], [0], [0], [1], [0, 0, 1, 1], [], []>, transpose_lhs_hint = false} : vector<1264x256xf32>, vector<256x256xf32>, vector<1264x256xf32> -> vector<1264x256xf32>
    %get3A_20 = arith.constant 0 : index
    %get3A_21 = arith.constant 0 : index
    %get3A_22 = vector.load %arg6[%get3A_20, %get3A_21] : memref<1x256xf32, #tpu.memory_space<vmem>>, vector<1x256xf32>
    %add3A_23 = vector.broadcast %get3A_22 : vector<1x256xf32> to vector<1264x256xf32>
    %add3A_24 = arith.addf %dot_general3A_19, %add3A_23 : vector<1264x256xf32>
    %slice3A = vector.extract_strided_slice %add3A_24 {offsets = [0, 0], sizes = [1264, 128], strides = [1, 1]} : vector<1264x256xf32> to vector<1264x128xf32>
    %swap3A = arith.constant 0 : index
    %swap3A_25 = arith.constant 0 : index
    %swap3A_26 = vector.load %arg7[%swap3A, %swap3A_25] : memref<1264x128xf32, #tpu.memory_space<vmem>>, vector<1264x128xf32>
    tpu.vector_store %arg7[%swap3A, %swap3A_25], %slice3A {strides = array<i32>} : memref<1264x128xf32, #tpu.memory_space<vmem>>, vector<1264x128xf32>,
    %slice3A_27 = vector.extract_strided_slice %add3A_24 {offsets = [0, 128], sizes = [1264, 128], strides = [1, 1]} : vector<1264x256xf32> to vector<1264x128xf32>
    %swap3A_28 = arith.constant 0 : index
    %swap3A_29 = arith.constant 0 : index
    %swap3A_30 = vector.load %arg8[%swap3A_28, %swap3A_29] : memref<1264x128xf32, #tpu.memory_space<vmem>>, vector<1264x128xf32>
    tpu.vector_store %arg8[%swap3A_28, %swap3A_29], %slice3A_27 {strides = array<i32>} : memref<1264x128xf32, #tpu.memory_space<vmem>>, vector<1264x128xf32>,
    return
  }
  func.func @transform_0(%arg0: i32) -> (i32, i32) {
    %c0_i32 = arith.constant 0 : i32
    %c0_i32_0 = arith.constant 0 : i32
    return %arg0, %c0_i32 : i32, i32
  }
  func.func @transform_1(%arg0: i32) -> (i32, i32) {
    %c0_i32 = arith.constant 0 : i32
    %c0_i32_0 = arith.constant 0 : i32
    return %arg0, %c0_i32 : i32, i32
  }
  func.func @transform_2(%arg0: i32) -> (i32, i32) {
    %c0_i32 = arith.constant 0 : i32
    %c0_i32_0 = arith.constant 0 : i32
    %c0_i32_1 = arith.constant 0 : i32
    return %c0_i32, %c0_i32_0 : i32, i32
  }
  func.func @transform_3(%arg0: i32) -> (i32, i32) {
    %c0_i32 = arith.constant 0 : i32
    %c0_i32_0 = arith.constant 0 : i32
    %c0_i32_1 = arith.constant 0 : i32
    return %c0_i32, %c0_i32_0 : i32, i32
  }
  func.func @transform_4(%arg0: i32) -> (i32, i32) {
    %c0_i32 = arith.constant 0 : i32
    %c0_i32_0 = arith.constant 0 : i32
    %c0_i32_1 = arith.constant 0 : i32
    return %c0_i32, %c0_i32_0 : i32, i32
  }
  func.func @transform_5(%arg0: i32) -> (i32, i32) {
    %c0_i32 = arith.constant 0 : i32
    %c0_i32_0 = arith.constant 0 : i32
    %c0_i32_1 = arith.constant 0 : i32
    return %c0_i32, %c0_i32_0 : i32, i32
  }
  func.func @transform_6(%arg0: i32) -> (i32, i32) {
    %c0_i32 = arith.constant 0 : i32
    %c0_i32_0 = arith.constant 0 : i32
    return %arg0, %c0_i32 : i32, i32
  }
  func.func @transform_7(%arg0: i32) -> (i32, i32) {
    %c0_i32 = arith.constant 0 : i32
    %c0_i32_0 = arith.constant 0 : i32
    return %arg0, %c0_i32 : i32, i32
  }
}

module attributes {stable_mosaic.version = 14 : i64} {
  func.func @_mlp_body_final(%arg0: i32, %arg1: memref<1000x128xf32, #tpu.memory_space<vmem>>, %arg2: memref<1000x128xf32, #tpu.memory_space<vmem>>, %arg3: memref<256x256xf32, #tpu.memory_space<vmem>>, %arg4: memref<1x256xf32, #tpu.memory_space<vmem>>, %arg5: memref<256x256xf32, #tpu.memory_space<vmem>>, %arg6: memref<1x256xf32, #tpu.memory_space<vmem>>, %arg7: memref<1000x256xf32, #tpu.memory_space<vmem>>) attributes {dimension_semantics = [#tpu.dimension_semantics<arbitrary>], iteration_bounds = array<i64: 10>, scalar_prefetch = 0 : i64, scratch_operands = 0 : i64, tpu.core_type = #tpu.core_type<tc>, window_params = [{transform_indices = @transform_0, window_bounds = array<i64: 1000, 128>}, {transform_indices = @transform_1, window_bounds = array<i64: 1000, 128>}, {pipeline_mode = #tpu.pipeline_mode<synchronous>, transform_indices = @transform_2, window_bounds = array<i64: 256, 256>}, {pipeline_mode = #tpu.pipeline_mode<synchronous>, transform_indices = @transform_3, window_bounds = array<i64: 1, 256>}, {pipeline_mode = #tpu.pipeline_mode<synchronous>, transform_indices = @transform_4, window_bounds = array<i64: 256, 256>}, {pipeline_mode = #tpu.pipeline_mode<synchronous>, transform_indices = @transform_5, window_bounds = array<i64: 1, 256>}, {transform_indices = @transform_6, window_bounds = array<i64: 1000, 256>}]} {
    %get3A = arith.constant 0 : index
    %get3A_0 = arith.constant 0 : index
    %get3A_1 = vector.load %arg1[%get3A, %get3A_0] : memref<1000x128xf32, #tpu.memory_space<vmem>>, vector<1000x128xf32>
    %get3A_2 = arith.constant 0 : index
    %get3A_3 = arith.constant 0 : index
    %get3A_4 = vector.load %arg2[%get3A_2, %get3A_3] : memref<1000x128xf32, #tpu.memory_space<vmem>>, vector<1000x128xf32>
    %concatenate3A = tpu.concatenate %get3A_1, %get3A_4 in 1 : vector<1000x128xf32>, vector<1000x128xf32> -> vector<1000x256xf32>
    %get3A_5 = arith.constant 0 : index
    %get3A_6 = arith.constant 0 : index
    %get3A_7 = vector.load %arg3[%get3A_5, %get3A_6] : memref<256x256xf32, #tpu.memory_space<vmem>>, vector<256x256xf32>
    %dot_general3A = arith.constant dense<0.000000e+00> : vector<1000x256xf32>
    %dot_general3A_8 = tpu.matmul %concatenate3A, %get3A_7, %dot_general3A {dimension_numbers = #tpu.dot_dimension_numbers<[1], [0], [0], [1], [0, 0, 1, 1], [], []>, transpose_lhs_hint = false} : vector<1000x256xf32>, vector<256x256xf32>, vector<1000x256xf32> -> vector<1000x256xf32>
    %get3A_9 = arith.constant 0 : index
    %get3A_10 = arith.constant 0 : index
    %get3A_11 = vector.load %arg4[%get3A_9, %get3A_10] : memref<1x256xf32, #tpu.memory_space<vmem>>, vector<1x256xf32>
    %add3A = vector.broadcast %get3A_11 : vector<1x256xf32> to vector<1000x256xf32>
    %add3A_12 = arith.addf %dot_general3A_8, %add3A : vector<1000x256xf32>
    %max3A = arith.constant 0.000000e+00 : f32
    %max3A_13 = vector.broadcast %max3A : f32 to vector<1000x256xf32>
    %max3A_14 = arith.maximumf %add3A_12, %max3A_13 : vector<1000x256xf32>
    %get3A_15 = arith.constant 0 : index
    %get3A_16 = arith.constant 0 : index
    %get3A_17 = vector.load %arg5[%get3A_15, %get3A_16] : memref<256x256xf32, #tpu.memory_space<vmem>>, vector<256x256xf32>
    %dot_general3A_18 = arith.constant dense<0.000000e+00> : vector<1000x256xf32>
    %dot_general3A_19 = tpu.matmul %max3A_14, %get3A_17, %dot_general3A_18 {dimension_numbers = #tpu.dot_dimension_numbers<[1], [0], [0], [1], [0, 0, 1, 1], [], []>, transpose_lhs_hint = false} : vector<1000x256xf32>, vector<256x256xf32>, vector<1000x256xf32> -> vector<1000x256xf32>
    %get3A_20 = arith.constant 0 : index
    %get3A_21 = arith.constant 0 : index
    %get3A_22 = vector.load %arg6[%get3A_20, %get3A_21] : memref<1x256xf32, #tpu.memory_space<vmem>>, vector<1x256xf32>
    %add3A_23 = vector.broadcast %get3A_22 : vector<1x256xf32> to vector<1000x256xf32>
    %add3A_24 = arith.addf %dot_general3A_19, %add3A_23 : vector<1000x256xf32>
    %swap3A = arith.constant 0 : index
    %swap3A_25 = arith.constant 0 : index
    %swap3A_26 = vector.load %arg7[%swap3A, %swap3A_25] : memref<1000x256xf32, #tpu.memory_space<vmem>>, vector<1000x256xf32>
    tpu.vector_store %arg7[%swap3A, %swap3A_25], %add3A_24 {strides = array<i32>} : memref<1000x256xf32, #tpu.memory_space<vmem>>, vector<1000x256xf32>,
    return
  }
  func.func @transform_0(%arg0: i32) -> (i32, i32) {
    %c0_i32 = arith.constant 0 : i32
    %c0_i32_0 = arith.constant 0 : i32
    return %arg0, %c0_i32 : i32, i32
  }
  func.func @transform_1(%arg0: i32) -> (i32, i32) {
    %c0_i32 = arith.constant 0 : i32
    %c0_i32_0 = arith.constant 0 : i32
    return %arg0, %c0_i32 : i32, i32
  }
  func.func @transform_2(%arg0: i32) -> (i32, i32) {
    %c0_i32 = arith.constant 0 : i32
    %c0_i32_0 = arith.constant 0 : i32
    %c0_i32_1 = arith.constant 0 : i32
    return %c0_i32, %c0_i32_0 : i32, i32
  }
  func.func @transform_3(%arg0: i32) -> (i32, i32) {
    %c0_i32 = arith.constant 0 : i32
    %c0_i32_0 = arith.constant 0 : i32
    %c0_i32_1 = arith.constant 0 : i32
    return %c0_i32, %c0_i32_0 : i32, i32
  }
  func.func @transform_4(%arg0: i32) -> (i32, i32) {
    %c0_i32 = arith.constant 0 : i32
    %c0_i32_0 = arith.constant 0 : i32
    %c0_i32_1 = arith.constant 0 : i32
    return %c0_i32, %c0_i32_0 : i32, i32
  }
  func.func @transform_5(%arg0: i32) -> (i32, i32) {
    %c0_i32 = arith.constant 0 : i32
    %c0_i32_0 = arith.constant 0 : i32
    %c0_i32_1 = arith.constant 0 : i32
    return %c0_i32, %c0_i32_0 : i32, i32
  }
  func.func @transform_6(%arg0: i32) -> (i32, i32) {
    %c0_i32 = arith.constant 0 : i32
    %c0_i32_0 = arith.constant 0 : i32
    return %arg0, %c0_i32 : i32, i32
  }
}

</mosaic_0001>

<sc_bundles>
// kernel: kernel.11.cloned.1.call-start
scs
__scs_entry_jumppad:
0x0: {  	(pc) =	sbr.rel $0x88, $3  }
0x1: {  	(tag) =	ssettag $0x0;
	lr =	simm.s32 $0x1  }
0x2: {  	[smem:$0x3F93] =	sst lr;
	_ =	strace $0xD0000000  }
0x3: {  	_ = 	snop  }
0x4: {  	_ = 	snop  }
0x5: {  	_ = 	snop  }
0x6: {  	_ = 	snop  }
0x7: {  	_ = 	snop  }
__scs_overlays_trampoline_lowered:
0x8: {  	[smem:$0x3FA2] =	sst s0  }
0x9: {  	[smem:$0x3FA3] =	sst s1  }
0xa: {  	[smem:$0x3FA4] =	sst s2  }
0xb: {  	[smem:$0x3FA5] =	sst s3  }
0xc: {  	[smem:$0x3FA6] =	sst s4  }
0xd: {  	[smem:$0x3FA7] =	sst s5  }
0xe: {  	[smem:$0x3FA8] =	sst s6  }
0xf: {  	[smem:$0x3FA9] =	sst s7  }
0x10: {  	[smem:$0x3FAA] =	sst s8  }
0x11: {  	[smem:$0x3FAB] =	sst s9;
	s0 =	simm.s32 @!p0 $0x0  }
0x12: {  	s1 =	sld [smem:$0x3F91];
	s0 =	simm.s32 @p0 $0x1  }
0x13: {  	[smem:$0x3FAC] =	sst s0;
	s0 =	simm.s32 @!p1 $0x0  }
0x14: {  	s2 =	sld [smem:$0x3F90];
	s0 =	simm.s32 @p1 $0x1  }
0x15: {  	[smem:$0x3FAD] =	sst s0;
	s0 =	simm.s32 @!p2 $0x0  }
0x16: {  	s3 =	sld [smem:$0x3FDB];
	s0 =	simm.s32 @p2 $0x1  }
0x17: {  	s4 =	simm.s32 $0x1BF5;
	[smem:$0x3FAF] =	sst s0  }
0x18: {  	s0 =	sld [smem:$0x3F92];
	_ =	swait.ge [sflag:s4], $0x0  }
0x19: {  	s7 =	sld [smem:$0x3F93]  }
0x1a: {  	s8 =	sadd.s32 $0xFFFFE003, lr  }
0x1b: {  	s9 =	sadd.s32 $0xFFFFFEF7, lr;
	s5 =	simm.s32 $0xFFFFFFFF;
	p2 =	slt.u32 s8, $0xFFFFF086  }
0x1c: {  	p1 =	slt.u32 s9, $0xF7A;
	s5 =	simm.s32 @!p2 $0x0  }
0x1d: {  	s5 =	simm.s32 @p1 $0x1;
	p0 =	seq.s32 s7, s2  }
0x1e: {  	s7 =	smul.u32 @!p0 $0xF7A, s2;
	p2 =	seq.s32 @!p0 s5, $0x0  }
0x1f: {  	s9 =	smul.u32 $0xF7A, s1;
	s8 =	simm.s32 @!p0 $0x1BF5;
	p2 =	por !p2, p0  }
0x20: {  	[sflag:s8] =	ssyncset.s32 @!p0 $0xFFFFF086;
	s6 =	sadd.s32 @!p0 s3, s7;
	s7 =	simm.s32 @!p0 $0x108  }
0x21: {  	s3 =	sadd.s32 s3, s9;
	s6 =	sadd.s32 @!p0 $0x88, s6;
	s7 =	simm.s32 @p2 $0x1082  }
0x22: {  	[simem:s7], [sflag:s8] =	dma.local @!p0 [hbm:s6], $0xF7A  }
0x23: {  	s9 =	sor.u32 $0xD0000000, s2;
	s6 =	simm.s32 $0x108;
	_ =	swait.ge @!p0 [sflag:s8], $0x0  }
0x24: {  	s3 =	sadd.s32 $0x88, s3;
	s6 =	simm.s32 @!p1 $0x1082;
	[sflag:s4] =	ssyncset.s32 $0xFFFFF086  }
0x25: {  	[simem:s6], [sflag:s4] =	dma.local [hbm:s3], $0xF7A  }
0x26: {  	[smem:$0x3F93] =	sst s1;
	(tag) =	ssettag s2;
	_ =	strace s9  }
0x27: {  	s1 =	sld [smem:$0x3FA3]  }
0x28: {  	s2 =	sld [smem:$0x3FA4]  }
0x29: {  	s4 =	sld [smem:$0x3FA6]  }
0x2a: {  	p0 =	seq.s32 s5, $0x0;
	s5 =	sld [smem:$0x3FA7]  }
0x2b: {  	s6 =	sld [smem:$0x3FA8]  }
0x2c: {  	s7 =	sld [smem:$0x3FA9]  }
0x2d: {  	s3 =	simm.s32 $0x108;
	s8 =	sld [smem:$0x3FAA]  }
0x2e: {  	s3 =	simm.s32 @!p0 $0x1082;
	s9 =	sld [smem:$0x3FAB]  }
0x2f: {  	lr =	sadd.s32 s0, s3;
	s0 =	sld [smem:$0x3FA2]  }
0x30: {  	s3 =	sld [smem:$0x3FA5]  }
0x31: {  	[smem:$0x3FAE] =	sst s10  }
0x32: {  	s10 =	sld [smem:$0x3FAC];
	_ =	sdelay $0x3  }
0x33: {  	p0 =	seq.s32 s10, $0x1;
	s10 =	sld [smem:$0x3FAE];
	_ =	sdelay $0x3  }
0x34: {  	[smem:$0x3FAE] =	sst s10  }
0x35: {  	s10 =	sld [smem:$0x3FAD];
	_ =	sdelay $0x3  }
0x36: {  	p1 =	seq.s32 s10, $0x1;
	s10 =	sld [smem:$0x3FAE];
	_ =	sdelay $0x3  }
0x37: {  	[smem:$0x3FAE] =	sst s10  }
0x38: {  	s10 =	sld [smem:$0x3FAF]  }
0x39: {  	_ = 	snop;
	(pc) =	sbr.ind lr, $3  }
0x3a: {  	_ = 	snop  }
0x3b: {  	_ = 	snop  }
0x3c: {  	p2 =	seq.s32 s10, $0x1;
	s10 =	sld [smem:$0x3FAE]  }
0x3d: {  	_ =	shalt  }
0x3e: {  	_ =	shalt  }
0x3f: {  	_ =	shalt  }
0x40: {  	_ =	shalt  }
0x41: {  	_ =	shalt  }
0x42: {  	_ =	shalt  }
0x43: {  	_ =	shalt  }
0x44: {  	_ =	shalt  }
0x45: {  	_ =	shalt  }
0x46: {  	_ =	shalt  }
0x47: {  	_ =	shalt  }
0x48: {  	_ =	shalt  }
0x49: {  	_ =	shalt  }
0x4a: {  	_ =	shalt  }
0x4b: {  	_ =	shalt  }
0x4c: {  	_ =	shalt  }
0x4d: {  	_ =	shalt  }
0x4e: {  	_ =	shalt  }
0x4f: {  	_ =	shalt  }
0x50: {  	_ =	shalt  }
0x51: {  	_ =	shalt  }
0x52: {  	_ =	shalt  }
0x53: {  	_ =	shalt  }
0x54: {  	_ =	shalt  }
0x55: {  	_ =	shalt  }
0x56: {  	_ =	shalt  }
0x57: {  	_ =	shalt  }
0x58: {  	_ =	shalt  }
0x59: {  	_ =	shalt  }
0x5a: {  	_ =	shalt  }
0x5b: {  	_ =	shalt  }
0x5c: {  	_ =	shalt  }
0x5d: {  	_ =	shalt  }
0x5e: {  	_ =	shalt  }
0x5f: {  	_ =	shalt  }
0x60: {  	_ =	shalt  }
0x61: {  	_ =	shalt  }
0x62: {  	_ =	shalt  }
0x63: {  	_ =	shalt  }
0x64: {  	_ =	shalt  }
0x65: {  	_ =	shalt  }
0x66: {  	_ =	shalt  }
0x67: {  	_ =	shalt  }
0x68: {  	_ =	shalt  }
0x69: {  	_ =	shalt  }
0x6a: {  	_ =	shalt  }
0x6b: {  	_ =	shalt  }
0x6c: {  	_ =	shalt  }
0x6d: {  	_ =	shalt  }
0x6e: {  	_ =	shalt  }
0x6f: {  	_ =	shalt  }
0x70: {  	_ =	shalt  }
0x71: {  	_ =	shalt  }
0x72: {  	_ =	shalt  }
0x73: {  	_ =	shalt  }
0x74: {  	_ =	shalt  }
0x75: {  	_ =	shalt  }
0x76: {  	_ =	shalt  }
0x77: {  	_ =	shalt  }
0x78: {  	_ =	shalt  }
0x79: {  	_ =	shalt  }
0x7a: {  	_ =	shalt  }
0x7b: {  	_ =	shalt  }
0x7c: {  	_ =	shalt  }
0x7d: {  	_ =	shalt  }
0x7e: {  	_ =	shalt  }
0x7f: {  	_ =	shalt  }
0x80: {  	_ =	shalt  }
0x81: {  	_ =	shalt  }
0x82: {  	_ =	shalt  }
0x83: {  	_ =	shalt  }
0x84: {  	_ =	shalt  }
0x85: {  	_ =	shalt  }
0x86: {  	_ =	shalt  }
0x87: {  	_ =	shalt  }
.Lfunc_end0:
.L_simem_size_0:
called_computation.1_lowered:
.L_overlay_start_0:
0x88: {  	s2 =	sld [smem:$0x3FD9]  }
0x89: {  	s3 =	sld [smem:$0x3FFE];
	_ =	sdelay $0x1  }
0x8a: {  	s1 =	srdreg.scid  }
0x8b: {  	s0 =	sand.u32 $0x1, s1  }
0x8c: {  	s17 =	sshll.u32 s0, $0xA;
	s2 =	sadd.s32 s3, s2  }
0x8d: {  	s2 =	sadd.s32 s2, s17  }
0x8e: {  	[smem:$0x3FBA] =	sst s2  }
0x8f: {  	_ = 	snop  }
0x90: {  	s2 =	sld [smem:$0x3FD0];
	(tm) =	ssettm $0x1  }
0x91: {  	s18 =	sld [smem:$0x3FFB];
	_ =	sdelay $0x3  }
0x92: {  	_ =	strace s18  }
0x93: {  	s3 =	sld [smem:$0x3FFC];
	_ =	sdelay $0x3  }
0x94: {  	_ =	strace s3  }
0x95: {  	s3 =	sld [smem:$0x3FFD];
	_ =	sdelay $0x3  }
0x96: {  	_ =	strace s3  }
0x97: {  	_ =	strace $0x8FFFFFFF  }
0x98: {  	s19 =	sld [smem:$0x3FDB];
	_ =	sdelay $0x1  }
0x99: {  	s4 =	simm.s32 $_scs_section_size  }
0x9a: {  	s5 =	simm.s32 $_size__tile_overlayer_lowered;
	s6 =	simm.s32 $_tile_overlayer_lowered  }
0x9b: {  	s22 =	simm.s32 $0x1BFF;
	s21 =	sshll.u32 s6, $0x1;
	s3 =	sadd.s32 s4, s19  }
0x9c: {  	s7 =	simm.s32 $0x0;
	s20 =	sshll.u32 s5, $0x1;
	s5 =	sadd.s32 s21, s3  }
0x9d: {  	[timem:s7], [sflag:s22] =	dma.local [hbm:s5], s20  }
0x9e: {  	_ =	swait.ge [sflag:s22], s20  }
0x9f: {  	s4 =	ssub.s32 $0x0, s20;
	[sflag:s22] =	ssyncset.done $0x0  }
0xa0: {  	[sflag:s22] =	ssyncadd.s32 s4;
	_ =	sdelay $0x1  }
0xa1: {  	s23 =	simm.s32 $0x1B8B  }
0xa2: {  	_ =	swait.ge [sflag:s23], $0x1  }
0xa3: {  	[sflag:s23] =	ssyncset.done $0x0  }
0xa4: {  	s25 =	simm.s32 $0x1B8E;
	s24 =	sld [smem:$0x3FFE];
	[sflag:s23] =	ssyncadd.s32 $0xFFFFFFFF  }
0xa5: {  	s26 =	simm.s32 $execute0_lowered;
	[smem:$0x3FD2] =	sst s25  }
0xa6: {  	s5 =	sshll.u32 s26, $0x1;
	_ =	strace $0x80000049;
	[dreg:$0x1] =	wrdreg $0xFFFFFFFF  }
0xa7: {  	s28 =	simm.s32 $_size_execute0_lowered;
	s3 =	sadd.s32 s3, s5;
	[dreg:$0x0] =	wrdreg $0x0  }
0xa8: {  	s5 =	sshll.u32 s28, $0x1;
	[dreg:$0x2] =	wrdreg s3  }
0xa9: {  	[dreg:$0x3] =	wrdreg s5  }
0xaa: {  	[dreg:$0x4] =	wrdreg $0xC0  }
0xab: {  	_ =	task [dreg:s7], $0x5FFFF  }
0xac: {  	[dreg:$0x1] =	wrdreg $0xFFFFFFFF  }
0xad: {  	[dreg:$0x0] =	wrdreg $0x60  }
0xae: {  	[dreg:$0x2] =	wrdreg s2  }
0xaf: {  	[dreg:$0x3] =	wrdreg s24  }
0xb0: {  	[dreg:$0x4] =	wrdreg $0xC0000  }
0xb1: {  	[dreg:$0x5] =	wrdreg $0x9  }
0xb2: {  	_ =	task.clear_ibuf [dreg:s7], $0x6FFFF;
	_ =	strace $0x90000049  }
0xb3: {  	s29 =	simm.s32 $0x9;
	_ =	strace $0x8000004B  }
0xb4: {  	_ =	swait.ge [sflag:s29], $0x1  }
0xb5: {  	[sflag:s29] =	ssyncadd.s32 $0xFFFFFFFF  }
0xb6: {  	_ =	strace $0x9000004B  }
0xb7: {  	_ =	sfence  }
0xb8: {  	s30 =	sld [smem:$0x0];
	_ =	sdelay $0x2  }
0xb9: {  	s31 =	sshll.u32 s1, $0xD;
	s1 =	sshrl.u32 s1, $0x2  }
0xba: {  	s3 =	sand.u32 $0x4000, s31;
	s1 =	sadd.s32 s1, s30  }
0xbb: {  	s0 =	sor.u32 s3, s0;
	s1 =	sshll.u32 s1, $0x11  }
0xbc: {  	s0 =	sor.u32 s1, s0  }
0xbd: {  	s0 =	sadd.s32 $0x8F2B, s0  }
0xbe: {  	[sflag:s0] =	ssyncadd.remote.s32 $0x1  }
0xbf: {  	_ =	sfence.sel $0xFFFF  }
0xc0: {  	[dreg:$0x0] =	wrdreg $0xFFFFFFFF;
	(pc) =	sbr.abs _section_cstart, $3  }
0xc1: {  	[dreg:$0x1] =	wrdreg $0xFFFFFFFF  }
0xc2: {  	_ =	task.clear_ibuf [dreg:s7], $0x2FFFF;
	_ =	strace $0x9FFFFFFF  }
0xc3: {  	(tm) =	ssettm $0x7FFFFFFF  }
tec
execute0_lowered:
.L_overlay_start_1:
0x0: {  	(tag) =	ssettag $0x1  }
0x1: {  	s1 =	rddreg [dreg:$0x0]  }
0x2: {  	s0 =	rddreg [dreg:$0x1]  }
0x3: {  	s4 =	stileid.u32;
	s3 =	rddreg [dreg:$0x2];
	s6 =	simm.s32 $0x0  }
0x4: {  	s7 =	srdreg.scid;
	s18 =	simm.s32 $0x3;
	s19 =	simm.s32 $0x4000  }
0x5: {  	s22 =	simm.s32 $0x2800;
	s23 =	simm.s32 $0x8000;
	s28 =	simm.s32 $0x3700  }
0x6: {  	s29 =	simm.s32 $0x3780;
	s30 =	simm.s32 $0x0;
	s2 =	sshrl.u32 s4, $0x3  }
0x7: {  	s5 =	sshll.u32 s4, $0x7;
	[smem:$0x7FF] =	sst s6;
	s24 =	smul.u32 $0x2800, s4  }
0x8: {  	s15 =	sand.u32 $0x1, s7;
	s8 =	smul.u32 $0x4F000, s4;
	s25 =	sadd.s32 $0x35A00, s0  }
0x9: {  	s7 =	sadd.s32 $0x5D200, s0;
	s17 =	sshll.u32 s4, $0x6;
	s2 =	smul.u32 $0x14000, s2  }
0xa: {  	s5 =	sand.u32 $0x380, s5;
	_ =	strace $0x8000004A;
	[dreg:$0x4] =	wrdreg s25  }
0xb: {  	s26 =	ssub.s32 $0x2, s15;
	p0 =	seq.s32 s15, $0x0;
	s15 =	simm.s32 $0x80  }
0xc: {  	s20 =	sor.u32 $0x1C03, s17;
	s25 =	simm.s32 $0x2;
	s6 =	sshrl.u32 s24, $0x3  }
0xd: {  	s9 =	sshrl.u32 s26, $0x1;
	s10 =	sshrl.u32 s8, $0x2;
	s8 =	smul.u32 $0x2780, s4  }
0xe: {  	s24 =	simm.s32 $0x1;
	s2 =	sor.u32 s5, s2;
	s5 =	sadd.s32 $0x9200, s0  }
.Ltmp0:
0xf: {  	s12 =	sadd.s32 s6, s0;
	s31 =	sadd.s32 s10, s3;
	(pc) =	sbr.rel .LBB2_1-.Ltmp0, $4  }
0x10: {  	s6 =	simm.s32 $0x400;
	s2 =	sshrl.u32 s2, $0x3;
	s10 =	sadd.s32 s5, s8  }
0x11: {  	s11 =	sadd.s32 $0x30A00, s12;
	s12 =	sadd.s32 $0x30D00, s12;
	s13 =	sadd.s32 s1, s8  }
0x12: {  	s21 =	sshrl.u32 s31, $0x3;
	s2 =	sadd.s32 s2, s0;
	s0 =	ssub.s32 s26, s9  }
0x13: {  	s26 =	simm.s32 $0x2780;
	s9 =	sadd.s32 $0x4200, s2;
	s14 =	smax.u32 s0, $0x1  }
.LBB2_11:
0x14: {  	s0 =	sadd.s32 $0x1880, s31;
	[sflag:s18] =	ssyncadd.s32 $0xFFFFC000  }
0x15: {  	[tilespmem:s23], [sflag:$0x2] =	stream.indirect.gather [hbm4b:s1+s15], $0x80, s0, s15, $0xb8;
	[tilespmem:$0x1FC00] =	vst v63  }
0x16: {  	_ =	swait.ge [sflag:s24], $0x4000  }
0x17: {  	[sflag:s24] =	ssyncset.done $0x0  }
0x18: {  	s2 =	sadd.s32 $0x2800, s31;
	[sflag:s24] =	ssyncadd.s32 $0xFFFFC000  }
0x19: {  	[spmem:s3] =	stream.indirect.scatter.add.f32 [tilespmem:s19], [sflag:$0x3], $0x80, s2, s15, $0xb8;
	[tilespmem:$0x1FC00] =	vst v63  }
0x1a: {  	_ =	swait.ge [sflag:s18], $0x4000  }
0x1b: {  	[sflag:s18] =	ssyncset.done $0x0  }
0x1c: {  	s4 =	sadd.s32 $0x1900, s31;
	[sflag:s18] =	ssyncadd.s32 $0xFFFFC000  }
0x1d: {  	[tilespmem:s19], [sflag:$0x1] =	stream.indirect.gather [hbm4b:s1+s15], $0x80, s4, s15, $0xb8;
	[tilespmem:$0x1FC00] =	vst v63  }
0x1e: {  	_ =	swait.ge [sflag:s25], $0x4000  }
0x1f: {  	[sflag:s25] =	ssyncset.done $0x0  }
0x20: {  	s16 =	sadd.s32 $0x2880, s31;
	[sflag:s25] =	ssyncadd.s32 $0xFFFFC000  }
0x21: {  	[spmem:s3] =	stream.indirect.scatter.add.f32 [tilespmem:s23], [sflag:$0x3], $0x80, s16, s15, $0xb8;
	[tilespmem:$0x1FC00] =	vst v63  }
0x22: {  	_ =	swait.ge [sflag:s18], $0x4000  }
0x23: {  	[sflag:s18] =	ssyncset.done $0x0  }
0x24: {  	s31 =	smov.u32 s20;
	s2 =	rddreg [dreg:$0x4];
	[sflag:s18] =	ssyncadd.s32 $0xFFFFC000  }
0x25: {  	[tilespmem:s23], [sflag:$0x2] =	stream.indirect.gather [hbm4b:s1+s15], $0x80, s26, s15, $0xb8;
	[tilespmem:$0x1FC00] =	vst v63  }
.LBB2_12:
0x26: {  	_ =	swait.ge [sflag:s24], $0x4000  }
0x27: {  	[sflag:s24] =	ssyncset.done $0x0  }
0x28: {  	[sflag:s24] =	ssyncadd.s32 $0xFFFFC000  }
0x29: {  	[spmem:s3] =	stream.indirect.scatter.add.f32 [tilespmem:s19], [sflag:$0x3], $0x80, s28, s15, $0xb8;
	[tilespmem:$0x1FC00] =	vst v63  }
0x2a: {  	_ =	swait.ge [sflag:s18], $0x4000  }
0x2b: {  	[sflag:s18] =	ssyncset.done $0x0  }
0x2c: {  	[sflag:s18] =	ssyncadd.s32 $0xFFFFC000  }
0x2d: {  	_ =	swait.ge [sflag:s25], $0x4000  }
0x2e: {  	[sflag:s25] =	ssyncset.done $0x0  }
0x2f: {  	[sflag:s25] =	ssyncadd.s32 $0xFFFFC000  }
0x30: {  	[spmem:s3] =	stream.indirect.scatter.add.f32 [tilespmem:s23], [sflag:$0x3], $0x80, s29, s15, $0xb8;
	[tilespmem:$0x1FC00] =	vst v63  }
0x31: {  	_ =	swait.ge [sflag:s18], $0x4000  }
0x32: {  	s30 =	sadd.s32 $0x1, s30;
	[sflag:s18] =	ssyncset.done $0x0  }
0x33: {  	p1 =	sne.s32 s30, s14;
	[sflag:s18] =	ssyncadd.s32 $0xFFFFC000  }
.Ltmp1:
0x34: {  	s0 =	sadd.s32 s2, s8;
	[bflag:$0x0] =	sbarrier.arrive $0xFFFF;
	(pc) =	sbr.rel @!p1 .LBB2_13-.Ltmp1, $4  }
0x35: {  	[hbm:s0], [sflag:s31] =	dma.local [spmem:s21], $0x2780  }
0x36: {  	_ =	swait.ge [sflag:s18], $0x2780  }
0x37: {  	[sflag:s18] =	ssyncset.done $0x0  }
0x38: {  	[sflag:s18] =	ssyncadd.s32 $0xFFFFD880  }
.LBB2_1:
.Ltmp2:
0x39: {  	s0 =	simm.s32 $0x0;
	(pc) =	sbr.rel @!p0 .LBB2_2-.Ltmp2, $4  }
0x3a: {  	[tilespmem:s0], [sflag:$0x3] =	stream.strided.gather [hbm4b:s9+s15], $0x2800, s6, s15, $0x38;
	[tilespmem:$0x1FC00] =	vst v63  }
0x3b: {  	_ =	swait.ge [sflag:s18], $0x2800  }
0x3c: {  	[sflag:s18] =	ssyncset.done $0x0  }
0x3d: {  	s0 =	simm.s32 $0x0;
	[sflag:s18] =	ssyncadd.s32 $0xFFFFD800  }
0x3e: {  	[tilespmem:s19], [sflag:$0x1] =	stream.indirect.gather [hbm4b:s1+s15], $0x80, s0, s15, $0xb8;
	[tilespmem:$0x1FC00] =	vst v63  }
0x3f: {  	[spmem:s21], [sflag:s20] =	dma.local [hbm:s13], $0x2780  }
0x40: {  	_ =	swait.ge [sflag:s18], $0x2780  }
0x41: {  	[sflag:s18] =	ssyncset.done $0x0  }
0x42: {  	[sflag:s18] =	ssyncadd.s32 $0xFFFFD880  }
0x43: {  	[bflag:$0x0] =	sbarrier.arrive $0xFFFF  }
0x44: {  	[tilespmem:s22], [sflag:$0x3] =	stream.linear.gather [hbm4b:s11+s0], $0x1800, $0x38;
	[tilespmem:$0x1FC00] =	vst v63  }
0x45: {  	_ =	swait.ge [sflag:s18], $0x1800  }
0x46: {  	[sflag:s18] =	ssyncset.done $0x0  }
0x47: {  	s16 =	simm.s32 $0x80;
	[sflag:s18] =	ssyncadd.s32 $0xFFFFE800  }
0x48: {  	[tilespmem:s23], [sflag:$0x2] =	stream.indirect.gather [hbm4b:s1+s15], $0x80, s16, s15, $0xb8;
	[tilespmem:$0x1FC00] =	vst v63  }
0x49: {  	_ =	swait.ge [sflag:s24], $0x4000  }
0x4a: {  	[sflag:s24] =	ssyncset.done $0x0  }
0x4b: {  	s2 =	simm.s32 $0x2800;
	[sflag:s24] =	ssyncadd.s32 $0xFFFFC000  }
0x4c: {  	[spmem:s3] =	stream.indirect.scatter.add.f32 [tilespmem:s19], [sflag:$0x3], $0x80, s2, s15, $0xb8;
	[tilespmem:$0x1FC00] =	vst v63  }
0x4d: {  	_ =	swait.ge [sflag:s18], $0x4000  }
0x4e: {  	[sflag:s18] =	ssyncset.done $0x0  }
0x4f: {  	s4 =	simm.s32 $0x100;
	[sflag:s18] =	ssyncadd.s32 $0xFFFFC000  }
0x50: {  	[tilespmem:s19], [sflag:$0x1] =	stream.indirect.gather [hbm4b:s1+s15], $0x80, s4, s15, $0xb8;
	[tilespmem:$0x1FC00] =	vst v63  }
0x51: {  	_ =	swait.ge [sflag:s25], $0x4000  }
0x52: {  	[sflag:s25] =	ssyncset.done $0x0  }
0x53: {  	s16 =	simm.s32 $0x2880;
	[sflag:s25] =	ssyncadd.s32 $0xFFFFC000  }
0x54: {  	[spmem:s3] =	stream.indirect.scatter.add.f32 [tilespmem:s23], [sflag:$0x3], $0x80, s16, s15, $0xb8;
	[tilespmem:$0x1FC00] =	vst v63  }
0x55: {  	_ =	swait.ge [sflag:s18], $0x4000  }
0x56: {  	s31 =	simm.s32 $0x100;
	s2 =	simm.s32 $0x800;
	[sflag:s18] =	ssyncset.done $0x0  }
.LBB2_8:
0x57: {  	s0 =	sadd.s32 $0x80, s31  }
0x58: {  	[sflag:s18] =	ssyncadd.s32 $0xFFFFC000;
	s4 =	smov.u32 s2;
	s16 =	sadd.s32 $0x400, s2  }
0x59: {  	[tilespmem:s23], [sflag:$0x2] =	stream.indirect.gather [hbm4b:s1+s15], $0x80, s0, s15, $0xb8;
	[tilespmem:$0x1FC00] =	vst v63  }
0x5a: {  	p1 =	sne.s32 s2, $0x5C00;
	_ =	swait.ge [sflag:s24], $0x4000  }
0x5b: {  	[sflag:s24] =	ssyncset.done $0x0  }
0x5c: {  	s0 =	sadd.s32 $0x2800, s31;
	[sflag:s24] =	ssyncadd.s32 $0xFFFFC000  }
0x5d: {  	[spmem:s3] =	stream.indirect.scatter.add.f32 [tilespmem:s19], [sflag:$0x3], $0x80, s0, s15, $0xb8;
	[tilespmem:$0x1FC00] =	vst v63  }
0x5e: {  	_ =	swait.ge [sflag:s18], $0x4000  }
0x5f: {  	[sflag:s18] =	ssyncset.done $0x0  }
0x60: {  	s0 =	sadd.s32 $0x100, s31;
	[sflag:s18] =	ssyncadd.s32 $0xFFFFC000  }
0x61: {  	[tilespmem:s19], [sflag:$0x1] =	stream.indirect.gather [hbm4b:s1+s15], $0x80, s0, s15, $0xb8;
	[tilespmem:$0x1FC00] =	vst v63  }
0x62: {  	_ =	swait.ge [sflag:s25], $0x4000  }
.Ltmp3:
0x63: {  	[sflag:s25] =	ssyncset.done $0x0;
	(pc) =	sbr.rel @p1 .LBB2_8-.Ltmp3, $4  }
0x64: {  	s0 =	sadd.s32 $0x2880, s31;
	[sflag:s25] =	ssyncadd.s32 $0xFFFFC000  }
0x65: {  	[spmem:s3] =	stream.indirect.scatter.add.f32 [tilespmem:s23], [sflag:$0x3], $0x80, s0, s15, $0xb8;
	[tilespmem:$0x1FC00] =	vst v63  }
0x66: {  	_ =	swait.ge [sflag:s18], $0x4000  }
0x67: {  	s2 =	smov.u32 s16;
	s31 =	sshra.s32 s4, $0x2;
	[sflag:s18] =	ssyncset.done $0x0  }
0x68: {  	s0 =	sadd.s32 $0x80, s31;
	[sflag:s18] =	ssyncadd.s32 $0xFFFFC000  }
0x69: {  	[tilespmem:s23], [sflag:$0x2] =	stream.indirect.gather [hbm4b:s1+s15], $0x80, s0, s15, $0xb8;
	[tilespmem:$0x1FC00] =	vst v63  }
0x6a: {  	_ =	swait.ge [sflag:s24], $0x4000  }
0x6b: {  	[sflag:s24] =	ssyncset.done $0x0  }
0x6c: {  	s4 =	sadd.s32 $0x2800, s31;
	[sflag:s24] =	ssyncadd.s32 $0xFFFFC000  }
0x6d: {  	[spmem:s3] =	stream.indirect.scatter.add.f32 [tilespmem:s19], [sflag:$0x3], $0x80, s4, s15, $0xb8;
	[tilespmem:$0x1FC00] =	vst v63  }
0x6e: {  	_ =	swait.ge [sflag:s18], $0x4000  }
0x6f: {  	[sflag:s18] =	ssyncset.done $0x0  }
0x70: {  	s16 =	sadd.s32 $0x100, s31;
	[sflag:s18] =	ssyncadd.s32 $0xFFFFC000  }
0x71: {  	[tilespmem:s19], [sflag:$0x1] =	stream.indirect.gather [hbm4b:s1+s15], $0x80, s16, s15, $0xb8;
	[tilespmem:$0x1FC00] =	vst v63  }
0x72: {  	_ =	swait.ge [sflag:s25], $0x4000  }
0x73: {  	[sflag:s25] =	ssyncset.done $0x0  }
0x74: {  	s2 =	sadd.s32 $0x2880, s31;
	[sflag:s25] =	ssyncadd.s32 $0xFFFFC000  }
0x75: {  	[spmem:s3] =	stream.indirect.scatter.add.f32 [tilespmem:s23], [sflag:$0x3], $0x80, s2, s15, $0xb8;
	[tilespmem:$0x1FC00] =	vst v63  }
0x76: {  	_ =	swait.ge [sflag:s18], $0x4000  }
0x77: {  	[sflag:s18] =	ssyncset.done $0x0  }
0x78: {  	s4 =	simm.s32 $0x0;
	[sflag:s18] =	ssyncadd.s32 $0xFFFFC000  }
0x79: {  	[tilespmem:s22], [sflag:$0x3] =	stream.linear.gather [hbm4b:s12+s4], $0x1000, $0x38;
	[tilespmem:$0x1FC00] =	vst v63  }
0x7a: {  	_ =	swait.ge [sflag:s18], $0x1000  }
0x7b: {  	[sflag:s18] =	ssyncset.done $0x0  }
0x7c: {  	s16 =	simm.s32 $0x1880;
	[sflag:s18] =	ssyncadd.s32 $0xFFFFF000  }
0x7d: {  	[tilespmem:s23], [sflag:$0x2] =	stream.indirect.gather [hbm4b:s1+s15], $0x80, s16, s15, $0xb8;
	[tilespmem:$0x1FC00] =	vst v63  }
0x7e: {  	_ =	swait.ge [sflag:s24], $0x4000  }
0x7f: {  	[sflag:s24] =	ssyncset.done $0x0  }
0x80: {  	s2 =	simm.s32 $0x2800;
	[sflag:s24] =	ssyncadd.s32 $0xFFFFC000  }
0x81: {  	[spmem:s3] =	stream.indirect.scatter.add.f32 [tilespmem:s19], [sflag:$0x3], $0x80, s2, s15, $0xb8;
	[tilespmem:$0x1FC00] =	vst v63  }
0x82: {  	_ =	swait.ge [sflag:s18], $0x4000  }
0x83: {  	[sflag:s18] =	ssyncset.done $0x0  }
0x84: {  	s4 =	simm.s32 $0x1900;
	[sflag:s18] =	ssyncadd.s32 $0xFFFFC000  }
0x85: {  	[tilespmem:s19], [sflag:$0x1] =	stream.indirect.gather [hbm4b:s1+s15], $0x80, s4, s15, $0xb8;
	[tilespmem:$0x1FC00] =	vst v63  }
0x86: {  	_ =	swait.ge [sflag:s25], $0x4000  }
0x87: {  	[sflag:s25] =	ssyncset.done $0x0  }
0x88: {  	s16 =	simm.s32 $0x2880;
	[sflag:s25] =	ssyncadd.s32 $0xFFFFC000  }
0x89: {  	[spmem:s3] =	stream.indirect.scatter.add.f32 [tilespmem:s23], [sflag:$0x3], $0x80, s16, s15, $0xb8;
	[tilespmem:$0x1FC00] =	vst v63  }
0x8a: {  	_ =	swait.ge [sflag:s18], $0x4000  }
0x8b: {  	s31 =	simm.s32 $0x100;
	s2 =	simm.s32 $0x800;
	[sflag:s18] =	ssyncset.done $0x0  }
.LBB2_10:
0x8c: {  	s0 =	sadd.s32 $0x1880, s31  }
0x8d: {  	[sflag:s18] =	ssyncadd.s32 $0xFFFFC000;
	s4 =	smov.u32 s2;
	s16 =	sadd.s32 $0x400, s2  }
0x8e: {  	[tilespmem:s23], [sflag:$0x2] =	stream.indirect.gather [hbm4b:s1+s15], $0x80, s0, s15, $0xb8;
	[tilespmem:$0x1FC00] =	vst v63  }
0x8f: {  	p1 =	sne.s32 s2, $0x3800;
	_ =	swait.ge [sflag:s24], $0x4000  }
0x90: {  	[sflag:s24] =	ssyncset.done $0x0  }
0x91: {  	s0 =	sadd.s32 $0x2800, s31;
	[sflag:s24] =	ssyncadd.s32 $0xFFFFC000  }
0x92: {  	[spmem:s3] =	stream.indirect.scatter.add.f32 [tilespmem:s19], [sflag:$0x3], $0x80, s0, s15, $0xb8;
	[tilespmem:$0x1FC00] =	vst v63  }
0x93: {  	_ =	swait.ge [sflag:s18], $0x4000  }
0x94: {  	[sflag:s18] =	ssyncset.done $0x0  }
0x95: {  	s0 =	sadd.s32 $0x1900, s31;
	[sflag:s18] =	ssyncadd.s32 $0xFFFFC000  }
0x96: {  	[tilespmem:s19], [sflag:$0x1] =	stream.indirect.gather [hbm4b:s1+s15], $0x80, s0, s15, $0xb8;
	[tilespmem:$0x1FC00] =	vst v63  }
0x97: {  	_ =	swait.ge [sflag:s25], $0x4000  }
.Ltmp4:
0x98: {  	[sflag:s25] =	ssyncset.done $0x0;
	(pc) =	sbr.rel @p1 .LBB2_10-.Ltmp4, $4  }
0x99: {  	s0 =	sadd.s32 $0x2880, s31;
	[sflag:s25] =	ssyncadd.s32 $0xFFFFC000  }
0x9a: {  	[spmem:s3] =	stream.indirect.scatter.add.f32 [tilespmem:s23], [sflag:$0x3], $0x80, s0, s15, $0xb8;
	[tilespmem:$0x1FC00] =	vst v63  }
0x9b: {  	_ =	swait.ge [sflag:s18], $0x4000  }
0x9c: {  	s2 =	smov.u32 s16;
	s31 =	sshra.s32 s4, $0x2;
	[sflag:s18] =	ssyncset.done $0x0  }
.Ltmp5:
0x9d: {  	_ = 	snop;
	(pc) =	sbr.rel .LBB2_11-.Ltmp5, $1  }
0x9e: {  	_ =	sdelay $0x3  }
.LBB2_2:
0x9f: {  	[tilespmem:s19], [sflag:$0x1] =	stream.indirect.gather [hbm4b:s5+s15], $0x80, s0, s15, $0xb8;
	[tilespmem:$0x1FC00] =	vst v63  }
0xa0: {  	s31 =	sor.u32 $0x1C03, s17  }
0xa1: {  	[spmem:s21], [sflag:s31] =	dma.local [hbm:s10], $0x2780  }
0xa2: {  	_ =	swait.ge [sflag:s18], $0x2780  }
0xa3: {  	[sflag:s18] =	ssyncset.done $0x0  }
0xa4: {  	[sflag:s18] =	ssyncadd.s32 $0xFFFFD880  }
0xa5: {  	[bflag:$0x0] =	sbarrier.arrive $0xFFFF  }
0xa6: {  	[tilespmem:s22], [sflag:$0x3] =	stream.linear.gather [hbm4b:s11+s0], $0x1800, $0x38;
	[tilespmem:$0x1FC00] =	vst v63  }
0xa7: {  	_ =	swait.ge [sflag:s18], $0x1800  }
0xa8: {  	[sflag:s18] =	ssyncset.done $0x0  }
0xa9: {  	s2 =	simm.s32 $0x80;
	[sflag:s18] =	ssyncadd.s32 $0xFFFFE800  }
0xaa: {  	[tilespmem:s23], [sflag:$0x2] =	stream.indirect.gather [hbm4b:s5+s15], $0x80, s2, s15, $0xb8;
	[tilespmem:$0x1FC00] =	vst v63  }
0xab: {  	_ =	swait.ge [sflag:s24], $0x4000  }
0xac: {  	[sflag:s24] =	ssyncset.done $0x0  }
0xad: {  	s4 =	simm.s32 $0x2800;
	[sflag:s24] =	ssyncadd.s32 $0xFFFFC000  }
0xae: {  	[spmem:s3] =	stream.indirect.scatter.add.f32 [tilespmem:s19], [sflag:$0x3], $0x80, s4, s15, $0xb8;
	[tilespmem:$0x1FC00] =	vst v63  }
0xaf: {  	_ =	swait.ge [sflag:s18], $0x4000  }
0xb0: {  	[sflag:s18] =	ssyncset.done $0x0  }
0xb1: {  	s6 =	simm.s32 $0x100;
	[sflag:s18] =	ssyncadd.s32 $0xFFFFC000  }
0xb2: {  	[tilespmem:s19], [sflag:$0x1] =	stream.indirect.gather [hbm4b:s5+s15], $0x80, s6, s15, $0xb8;
	[tilespmem:$0x1FC00] =	vst v63  }
0xb3: {  	_ =	swait.ge [sflag:s25], $0x4000  }
0xb4: {  	[sflag:s25] =	ssyncset.done $0x0  }
0xb5: {  	s16 =	simm.s32 $0x2880;
	[sflag:s25] =	ssyncadd.s32 $0xFFFFC000  }
0xb6: {  	[spmem:s3] =	stream.indirect.scatter.add.f32 [tilespmem:s23], [sflag:$0x3], $0x80, s16, s15, $0xb8;
	[tilespmem:$0x1FC00] =	vst v63  }
0xb7: {  	_ =	swait.ge [sflag:s18], $0x4000  }
0xb8: {  	s0 =	simm.s32 $0x800;
	s2 =	simm.s32 $0x100;
	[sflag:s18] =	ssyncset.done $0x0  }
.LBB2_3:
0xb9: {  	s4 =	sadd.s32 $0x80, s2  }
0xba: {  	[sflag:s18] =	ssyncadd.s32 $0xFFFFC000;
	s16 =	smov.u32 s0;
	s6 =	sadd.s32 $0x400, s0  }
0xbb: {  	[tilespmem:s23], [sflag:$0x2] =	stream.indirect.gather [hbm4b:s5+s15], $0x80, s4, s15, $0xb8;
	[tilespmem:$0x1FC00] =	vst v63  }
0xbc: {  	p1 =	sne.s32 s0, $0x5C00;
	_ =	swait.ge [sflag:s24], $0x4000  }
0xbd: {  	[sflag:s24] =	ssyncset.done $0x0  }
0xbe: {  	s0 =	sadd.s32 $0x2800, s2;
	[sflag:s24] =	ssyncadd.s32 $0xFFFFC000  }
0xbf: {  	[spmem:s3] =	stream.indirect.scatter.add.f32 [tilespmem:s19], [sflag:$0x3], $0x80, s0, s15, $0xb8;
	[tilespmem:$0x1FC00] =	vst v63  }
0xc0: {  	_ =	swait.ge [sflag:s18], $0x4000  }
0xc1: {  	[sflag:s18] =	ssyncset.done $0x0  }
0xc2: {  	s0 =	sadd.s32 $0x100, s2;
	[sflag:s18] =	ssyncadd.s32 $0xFFFFC000  }
0xc3: {  	[tilespmem:s19], [sflag:$0x1] =	stream.indirect.gather [hbm4b:s5+s15], $0x80, s0, s15, $0xb8;
	[tilespmem:$0x1FC00] =	vst v63  }
0xc4: {  	_ =	swait.ge [sflag:s25], $0x4000  }
.Ltmp6:
0xc5: {  	[sflag:s25] =	ssyncset.done $0x0;
	(pc) =	sbr.rel @p1 .LBB2_3-.Ltmp6, $4  }
0xc6: {  	s0 =	sadd.s32 $0x2880, s2;
	[sflag:s25] =	ssyncadd.s32 $0xFFFFC000  }
0xc7: {  	[spmem:s3] =	stream.indirect.scatter.add.f32 [tilespmem:s23], [sflag:$0x3], $0x80, s0, s15, $0xb8;
	[tilespmem:$0x1FC00] =	vst v63  }
0xc8: {  	_ =	swait.ge [sflag:s18], $0x4000  }
0xc9: {  	s2 =	sshra.s32 s16, $0x2;
	s0 =	smov.u32 s6;
	[sflag:s18] =	ssyncset.done $0x0  }
0xca: {  	s0 =	sadd.s32 $0x80, s2;
	[sflag:s18] =	ssyncadd.s32 $0xFFFFC000  }
0xcb: {  	[tilespmem:s23], [sflag:$0x2] =	stream.indirect.gather [hbm4b:s5+s15], $0x80, s0, s15, $0xb8;
	[tilespmem:$0x1FC00] =	vst v63  }
0xcc: {  	_ =	swait.ge [sflag:s24], $0x4000  }
0xcd: {  	[sflag:s24] =	ssyncset.done $0x0  }
0xce: {  	s16 =	sadd.s32 $0x2800, s2;
	[sflag:s24] =	ssyncadd.s32 $0xFFFFC000  }
0xcf: {  	[spmem:s3] =	stream.indirect.scatter.add.f32 [tilespmem:s19], [sflag:$0x3], $0x80, s16, s15, $0xb8;
	[tilespmem:$0x1FC00] =	vst v63  }
0xd0: {  	_ =	swait.ge [sflag:s18], $0x4000  }
0xd1: {  	[sflag:s18] =	ssyncset.done $0x0  }
0xd2: {  	s4 =	sadd.s32 $0x100, s2;
	[sflag:s18] =	ssyncadd.s32 $0xFFFFC000  }
0xd3: {  	[tilespmem:s19], [sflag:$0x1] =	stream.indirect.gather [hbm4b:s5+s15], $0x80, s4, s15, $0xb8;
	[tilespmem:$0x1FC00] =	vst v63  }
0xd4: {  	_ =	swait.ge [sflag:s25], $0x4000  }
0xd5: {  	[sflag:s25] =	ssyncset.done $0x0  }
0xd6: {  	s6 =	sadd.s32 $0x2880, s2;
	[sflag:s25] =	ssyncadd.s32 $0xFFFFC000  }
0xd7: {  	[spmem:s3] =	stream.indirect.scatter.add.f32 [tilespmem:s23], [sflag:$0x3], $0x80, s6, s15, $0xb8;
	[tilespmem:$0x1FC00] =	vst v63  }
0xd8: {  	_ =	swait.ge [sflag:s18], $0x4000  }
0xd9: {  	[sflag:s18] =	ssyncset.done $0x0  }
0xda: {  	s16 =	simm.s32 $0x0;
	[sflag:s18] =	ssyncadd.s32 $0xFFFFC000  }
0xdb: {  	[tilespmem:s22], [sflag:$0x3] =	stream.linear.gather [hbm4b:s12+s16], $0x1000, $0x38;
	[tilespmem:$0x1FC00] =	vst v63  }
0xdc: {  	_ =	swait.ge [sflag:s18], $0x1000  }
0xdd: {  	[sflag:s18] =	ssyncset.done $0x0  }
0xde: {  	s2 =	simm.s32 $0x1880;
	[sflag:s18] =	ssyncadd.s32 $0xFFFFF000  }
0xdf: {  	[tilespmem:s23], [sflag:$0x2] =	stream.indirect.gather [hbm4b:s5+s15], $0x80, s2, s15, $0xb8;
	[tilespmem:$0x1FC00] =	vst v63  }
0xe0: {  	_ =	swait.ge [sflag:s24], $0x4000  }
0xe1: {  	[sflag:s24] =	ssyncset.done $0x0  }
0xe2: {  	s4 =	simm.s32 $0x2800;
	[sflag:s24] =	ssyncadd.s32 $0xFFFFC000  }
0xe3: {  	[spmem:s3] =	stream.indirect.scatter.add.f32 [tilespmem:s19], [sflag:$0x3], $0x80, s4, s15, $0xb8;
	[tilespmem:$0x1FC00] =	vst v63  }
0xe4: {  	_ =	swait.ge [sflag:s18], $0x4000  }
0xe5: {  	[sflag:s18] =	ssyncset.done $0x0  }
0xe6: {  	s6 =	simm.s32 $0x1900;
	[sflag:s18] =	ssyncadd.s32 $0xFFFFC000  }
0xe7: {  	[tilespmem:s19], [sflag:$0x1] =	stream.indirect.gather [hbm4b:s5+s15], $0x80, s6, s15, $0xb8;
	[tilespmem:$0x1FC00] =	vst v63  }
0xe8: {  	_ =	swait.ge [sflag:s25], $0x4000  }
0xe9: {  	[sflag:s25] =	ssyncset.done $0x0  }
0xea: {  	s16 =	simm.s32 $0x2880;
	[sflag:s25] =	ssyncadd.s32 $0xFFFFC000  }
0xeb: {  	[spmem:s3] =	stream.indirect.scatter.add.f32 [tilespmem:s23], [sflag:$0x3], $0x80, s16, s15, $0xb8;
	[tilespmem:$0x1FC00] =	vst v63  }
0xec: {  	_ =	swait.ge [sflag:s18], $0x4000  }
0xed: {  	s0 =	simm.s32 $0x800;
	s2 =	simm.s32 $0x100;
	[sflag:s18] =	ssyncset.done $0x0  }
.LBB2_5:
0xee: {  	s4 =	sadd.s32 $0x1880, s2  }
0xef: {  	[sflag:s18] =	ssyncadd.s32 $0xFFFFC000;
	s6 =	smov.u32 s0;
	s16 =	sadd.s32 $0x400, s0  }
0xf0: {  	[tilespmem:s23], [sflag:$0x2] =	stream.indirect.gather [hbm4b:s5+s15], $0x80, s4, s15, $0xb8;
	[tilespmem:$0x1FC00] =	vst v63  }
0xf1: {  	p1 =	sne.s32 s0, $0x3800;
	_ =	swait.ge [sflag:s24], $0x4000  }
0xf2: {  	[sflag:s24] =	ssyncset.done $0x0  }
0xf3: {  	s0 =	sadd.s32 $0x2800, s2;
	[sflag:s24] =	ssyncadd.s32 $0xFFFFC000  }
0xf4: {  	[spmem:s3] =	stream.indirect.scatter.add.f32 [tilespmem:s19], [sflag:$0x3], $0x80, s0, s15, $0xb8;
	[tilespmem:$0x1FC00] =	vst v63  }
0xf5: {  	_ =	swait.ge [sflag:s18], $0x4000  }
0xf6: {  	[sflag:s18] =	ssyncset.done $0x0  }
0xf7: {  	s0 =	sadd.s32 $0x1900, s2;
	[sflag:s18] =	ssyncadd.s32 $0xFFFFC000  }
0xf8: {  	[tilespmem:s19], [sflag:$0x1] =	stream.indirect.gather [hbm4b:s5+s15], $0x80, s0, s15, $0xb8;
	[tilespmem:$0x1FC00] =	vst v63  }
0xf9: {  	_ =	swait.ge [sflag:s25], $0x4000  }
.Ltmp7:
0xfa: {  	[sflag:s25] =	ssyncset.done $0x0;
	(pc) =	sbr.rel @p1 .LBB2_5-.Ltmp7, $4  }
0xfb: {  	s0 =	sadd.s32 $0x2880, s2;
	[sflag:s25] =	ssyncadd.s32 $0xFFFFC000  }
0xfc: {  	[spmem:s3] =	stream.indirect.scatter.add.f32 [tilespmem:s23], [sflag:$0x3], $0x80, s0, s15, $0xb8;
	[tilespmem:$0x1FC00] =	vst v63  }
0xfd: {  	_ =	swait.ge [sflag:s18], $0x4000  }
0xfe: {  	s2 =	sshra.s32 s6, $0x2;
	s0 =	smov.u32 s16;
	[sflag:s18] =	ssyncset.done $0x0  }
0xff: {  	s0 =	sadd.s32 $0x1880, s2;
	[sflag:s18] =	ssyncadd.s32 $0xFFFFC000  }
0x100: {  	[tilespmem:s23], [sflag:$0x2] =	stream.indirect.gather [hbm4b:s5+s15], $0x80, s0, s15, $0xb8;
	[tilespmem:$0x1FC00] =	vst v63  }
0x101: {  	_ =	swait.ge [sflag:s24], $0x4000  }
0x102: {  	[sflag:s24] =	ssyncset.done $0x0  }
0x103: {  	s4 =	sadd.s32 $0x2800, s2;
	[sflag:s24] =	ssyncadd.s32 $0xFFFFC000  }
0x104: {  	[spmem:s3] =	stream.indirect.scatter.add.f32 [tilespmem:s19], [sflag:$0x3], $0x80, s4, s15, $0xb8;
	[tilespmem:$0x1FC00] =	vst v63  }
0x105: {  	_ =	swait.ge [sflag:s18], $0x4000  }
0x106: {  	[sflag:s18] =	ssyncset.done $0x0  }
0x107: {  	s6 =	sadd.s32 $0x1900, s2;
	[sflag:s18] =	ssyncadd.s32 $0xFFFFC000  }
0x108: {  	[tilespmem:s19], [sflag:$0x1] =	stream.indirect.gather [hbm4b:s5+s15], $0x80, s6, s15, $0xb8;
	[tilespmem:$0x1FC00] =	vst v63  }
0x109: {  	_ =	swait.ge [sflag:s25], $0x4000  }
0x10a: {  	[sflag:s25] =	ssyncset.done $0x0  }
0x10b: {  	s16 =	sadd.s32 $0x2880, s2;
	[sflag:s25] =	ssyncadd.s32 $0xFFFFC000  }
0x10c: {  	[spmem:s3] =	stream.indirect.scatter.add.f32 [tilespmem:s23], [sflag:$0x3], $0x80, s16, s15, $0xb8;
	[tilespmem:$0x1FC00] =	vst v63  }
.Ltmp8:
0x10d: {  	_ = 	snop;
	(pc) =	sbr.rel .LBB2_12-.Ltmp8, $4  }
0x10e: {  	_ =	swait.ge [sflag:s18], $0x4000  }
0x10f: {  	[sflag:s18] =	ssyncset.done $0x0  }
0x110: {  	s2 =	smov.u32 s7;
	s6 =	simm.s32 $0x400;
	[sflag:s18] =	ssyncadd.s32 $0xFFFFC000  }
0x111: {  	[tilespmem:s23], [sflag:$0x2] =	stream.indirect.gather [hbm4b:s5+s15], $0x80, s26, s15, $0xb8;
	[tilespmem:$0x1FC00] =	vst v63  }
.LBB2_13:
0x112: {  	_ =	sfence.sel $0x180000  }
0x113: {  	[bflag:$0x0] =	sbarrier.arrive $0xFFFF  }
0x114: {  	_ =	strace $0x9000004A  }
0x115: {  	s0 =	stileid.u32;
	[bflag:$0x2] =	sbarrier.arrive $0xFFFF  }
0x116: {  	p0 =	sne.s32 s0, $0x0;
	s0 =	rddreg [dreg:$0x3]  }
0x117: {  	s0 =	sadd.s32 @!p0 $0x100000, s0  }
0x118: {  	[sflag:s0] =	ssyncadd.tile.s32 @!p0 $0x1;
	_ =	shalt  }
.Lfunc_end2:
_tile_overlayer_lowered:
.L_overlay_start_2:
0x119: {  	(tag) =	ssettag $0x2  }
0x11a: {  	s0 =	rddreg [dreg:$0x0];
	s2 =	stileid.u32  }
0x11b: {  	s1 =	rddreg [dreg:$0x1];
	p0 =	sne.s32 s2, $0x0  }
0x11c: {  	s3 =	rddreg [dreg:$0x2];
	[bflag:$0x3] =	sbarrier.arrive $0xFFFF;
	s2 =	simm.s32 @!p0 $0x1C03  }
0x11d: {  	[timem:s3], [sflag:s2] =	dma.local @!p0 [hbm:s0], s1  }
0x11e: {  	s0 =	simm.s32 @!p0 $0x3  }
0x11f: {  	_ =	swait.ge @!p0 [sflag:s0], s1  }
0x120: {  	s1 =	ssub.s32 @!p0 $0x0, s1;
	[sflag:s0] =	ssyncset.done @!p0 $0x0  }
0x121: {  	[sflag:s0] =	ssyncadd.s32 @!p0 s1  }
0x122: {  	[bflag:$0x3] =	sbarrier.arrive $0xFFFF  }
0x123: {  	_ =	shalt  }

// kernel: kernel.14.cloned.1.call-start
scs
__scs_entry_jumppad:
0x0: {  	(pc) =	sbr.rel $0x88, $3  }
0x1: {  	(tag) =	ssettag $0x0;
	lr =	simm.s32 $0x1  }
0x2: {  	[smem:$0x3F93] =	sst lr;
	_ =	strace $0xD0000000  }
0x3: {  	_ = 	snop  }
0x4: {  	_ = 	snop  }
0x5: {  	_ = 	snop  }
0x6: {  	_ = 	snop  }
0x7: {  	_ = 	snop  }
__scs_overlays_trampoline_lowered:
0x8: {  	[smem:$0x3FA2] =	sst s0  }
0x9: {  	[smem:$0x3FA3] =	sst s1  }
0xa: {  	[smem:$0x3FA4] =	sst s2  }
0xb: {  	[smem:$0x3FA5] =	sst s3  }
0xc: {  	[smem:$0x3FA6] =	sst s4  }
0xd: {  	[smem:$0x3FA7] =	sst s5  }
0xe: {  	[smem:$0x3FA8] =	sst s6  }
0xf: {  	[smem:$0x3FA9] =	sst s7  }
0x10: {  	[smem:$0x3FAA] =	sst s8  }
0x11: {  	[smem:$0x3FAB] =	sst s9;
	s0 =	simm.s32 @!p0 $0x0  }
0x12: {  	s1 =	sld [smem:$0x3F91];
	s0 =	simm.s32 @p0 $0x1  }
0x13: {  	[smem:$0x3FAC] =	sst s0;
	s0 =	simm.s32 @!p1 $0x0  }
0x14: {  	s2 =	sld [smem:$0x3F90];
	s0 =	simm.s32 @p1 $0x1  }
0x15: {  	[smem:$0x3FAD] =	sst s0;
	s0 =	simm.s32 @!p2 $0x0  }
0x16: {  	s3 =	sld [smem:$0x3FDB];
	s0 =	simm.s32 @p2 $0x1  }
0x17: {  	s4 =	simm.s32 $0x1BF5;
	[smem:$0x3FAF] =	sst s0  }
0x18: {  	s0 =	sld [smem:$0x3F92];
	_ =	swait.ge [sflag:s4], $0x0  }
0x19: {  	s7 =	sld [smem:$0x3F93]  }
0x1a: {  	s8 =	sadd.s32 $0xFFFFE003, lr  }
0x1b: {  	s9 =	sadd.s32 $0xFFFFFEF7, lr;
	s5 =	simm.s32 $0xFFFFFFFF;
	p2 =	slt.u32 s8, $0xFFFFF086  }
0x1c: {  	p1 =	slt.u32 s9, $0xF7A;
	s5 =	simm.s32 @!p2 $0x0  }
0x1d: {  	s5 =	simm.s32 @p1 $0x1;
	p0 =	seq.s32 s7, s2  }
0x1e: {  	s7 =	smul.u32 @!p0 $0xF7A, s2;
	p2 =	seq.s32 @!p0 s5, $0x0  }
0x1f: {  	s9 =	smul.u32 $0xF7A, s1;
	s8 =	simm.s32 @!p0 $0x1BF5;
	p2 =	por !p2, p0  }
0x20: {  	[sflag:s8] =	ssyncset.s32 @!p0 $0xFFFFF086;
	s6 =	sadd.s32 @!p0 s3, s7;
	s7 =	simm.s32 @!p0 $0x108  }
0x21: {  	s3 =	sadd.s32 s3, s9;
	s6 =	sadd.s32 @!p0 $0x88, s6;
	s7 =	simm.s32 @p2 $0x1082  }
0x22: {  	[simem:s7], [sflag:s8] =	dma.local @!p0 [hbm:s6], $0xF7A  }
0x23: {  	s9 =	sor.u32 $0xD0000000, s2;
	s6 =	simm.s32 $0x108;
	_ =	swait.ge @!p0 [sflag:s8], $0x0  }
0x24: {  	s3 =	sadd.s32 $0x88, s3;
	s6 =	simm.s32 @!p1 $0x1082;
	[sflag:s4] =	ssyncset.s32 $0xFFFFF086  }
0x25: {  	[simem:s6], [sflag:s4] =	dma.local [hbm:s3], $0xF7A  }
0x26: {  	[smem:$0x3F93] =	sst s1;
	(tag) =	ssettag s2;
	_ =	strace s9  }
0x27: {  	s1 =	sld [smem:$0x3FA3]  }
0x28: {  	s2 =	sld [smem:$0x3FA4]  }
0x29: {  	s4 =	sld [smem:$0x3FA6]  }
0x2a: {  	p0 =	seq.s32 s5, $0x0;
	s5 =	sld [smem:$0x3FA7]  }
0x2b: {  	s6 =	sld [smem:$0x3FA8]  }
0x2c: {  	s7 =	sld [smem:$0x3FA9]  }
0x2d: {  	s3 =	simm.s32 $0x108;
	s8 =	sld [smem:$0x3FAA]  }
0x2e: {  	s3 =	simm.s32 @!p0 $0x1082;
	s9 =	sld [smem:$0x3FAB]  }
0x2f: {  	lr =	sadd.s32 s0, s3;
	s0 =	sld [smem:$0x3FA2]  }
0x30: {  	s3 =	sld [smem:$0x3FA5]  }
0x31: {  	[smem:$0x3FAE] =	sst s10  }
0x32: {  	s10 =	sld [smem:$0x3FAC];
	_ =	sdelay $0x3  }
0x33: {  	p0 =	seq.s32 s10, $0x1;
	s10 =	sld [smem:$0x3FAE];
	_ =	sdelay $0x3  }
0x34: {  	[smem:$0x3FAE] =	sst s10  }
0x35: {  	s10 =	sld [smem:$0x3FAD];
	_ =	sdelay $0x3  }
0x36: {  	p1 =	seq.s32 s10, $0x1;
	s10 =	sld [smem:$0x3FAE];
	_ =	sdelay $0x3  }
0x37: {  	[smem:$0x3FAE] =	sst s10  }
0x38: {  	s10 =	sld [smem:$0x3FAF]  }
0x39: {  	_ = 	snop;
	(pc) =	sbr.ind lr, $3  }
0x3a: {  	_ = 	snop  }
0x3b: {  	_ = 	snop  }
0x3c: {  	p2 =	seq.s32 s10, $0x1;
	s10 =	sld [smem:$0x3FAE]  }
0x3d: {  	_ =	shalt  }
0x3e: {  	_ =	shalt  }
0x3f: {  	_ =	shalt  }
0x40: {  	_ =	shalt  }
0x41: {  	_ =	shalt  }
0x42: {  	_ =	shalt  }
0x43: {  	_ =	shalt  }
0x44: {  	_ =	shalt  }
0x45: {  	_ =	shalt  }
0x46: {  	_ =	shalt  }
0x47: {  	_ =	shalt  }
0x48: {  	_ =	shalt  }
0x49: {  	_ =	shalt  }
0x4a: {  	_ =	shalt  }
0x4b: {  	_ =	shalt  }
0x4c: {  	_ =	shalt  }
0x4d: {  	_ =	shalt  }
0x4e: {  	_ =	shalt  }
0x4f: {  	_ =	shalt  }
0x50: {  	_ =	shalt  }
0x51: {  	_ =	shalt  }
0x52: {  	_ =	shalt  }
0x53: {  	_ =	shalt  }
0x54: {  	_ =	shalt  }
0x55: {  	_ =	shalt  }
0x56: {  	_ =	shalt  }
0x57: {  	_ =	shalt  }
0x58: {  	_ =	shalt  }
0x59: {  	_ =	shalt  }
0x5a: {  	_ =	shalt  }
0x5b: {  	_ =	shalt  }
0x5c: {  	_ =	shalt  }
0x5d: {  	_ =	shalt  }
0x5e: {  	_ =	shalt  }
0x5f: {  	_ =	shalt  }
0x60: {  	_ =	shalt  }
0x61: {  	_ =	shalt  }
0x62: {  	_ =	shalt  }
0x63: {  	_ =	shalt  }
0x64: {  	_ =	shalt  }
0x65: {  	_ =	shalt  }
0x66: {  	_ =	shalt  }
0x67: {  	_ =	shalt  }
0x68: {  	_ =	shalt  }
0x69: {  	_ =	shalt  }
0x6a: {  	_ =	shalt  }
0x6b: {  	_ =	shalt  }
0x6c: {  	_ =	shalt  }
0x6d: {  	_ =	shalt  }
0x6e: {  	_ =	shalt  }
0x6f: {  	_ =	shalt  }
0x70: {  	_ =	shalt  }
0x71: {  	_ =	shalt  }
0x72: {  	_ =	shalt  }
0x73: {  	_ =	shalt  }
0x74: {  	_ =	shalt  }
0x75: {  	_ =	shalt  }
0x76: {  	_ =	shalt  }
0x77: {  	_ =	shalt  }
0x78: {  	_ =	shalt  }
0x79: {  	_ =	shalt  }
0x7a: {  	_ =	shalt  }
0x7b: {  	_ =	shalt  }
0x7c: {  	_ =	shalt  }
0x7d: {  	_ =	shalt  }
0x7e: {  	_ =	shalt  }
0x7f: {  	_ =	shalt  }
0x80: {  	_ =	shalt  }
0x81: {  	_ =	shalt  }
0x82: {  	_ =	shalt  }
0x83: {  	_ =	shalt  }
0x84: {  	_ =	shalt  }
0x85: {  	_ =	shalt  }
0x86: {  	_ =	shalt  }
0x87: {  	_ =	shalt  }
.Lfunc_end0:
.L_simem_size_0:
called_computation.2_lowered:
.L_overlay_start_0:
0x88: {  	s2 =	sld [smem:$0x3FD9]  }
0x89: {  	s3 =	sld [smem:$0x3FFE];
	_ =	sdelay $0x1  }
0x8a: {  	s1 =	srdreg.scid  }
0x8b: {  	s0 =	sand.u32 $0x1, s1  }
0x8c: {  	s17 =	sshll.u32 s0, $0xA;
	s2 =	sadd.s32 s3, s2  }
0x8d: {  	s2 =	sadd.s32 s2, s17  }
0x8e: {  	[smem:$0x3FBA] =	sst s2  }
0x8f: {  	_ = 	snop  }
0x90: {  	s2 =	sld [smem:$0x3FD0];
	(tm) =	ssettm $0x1  }
0x91: {  	s18 =	sld [smem:$0x3FFB];
	_ =	sdelay $0x3  }
0x92: {  	_ =	strace s18  }
0x93: {  	s3 =	sld [smem:$0x3FFC];
	_ =	sdelay $0x3  }
0x94: {  	_ =	strace s3  }
0x95: {  	s3 =	sld [smem:$0x3FFD];
	_ =	sdelay $0x3  }
0x96: {  	_ =	strace s3  }
0x97: {  	_ =	strace $0x8FFFFFFF  }
0x98: {  	s19 =	sld [smem:$0x3FDB];
	_ =	sdelay $0x1  }
0x99: {  	s4 =	simm.s32 $_scs_section_size  }
0x9a: {  	s5 =	simm.s32 $_size__tile_overlayer_lowered;
	s6 =	simm.s32 $_tile_overlayer_lowered  }
0x9b: {  	s22 =	simm.s32 $0x1BFF;
	s21 =	sshll.u32 s6, $0x1;
	s3 =	sadd.s32 s4, s19  }
0x9c: {  	s7 =	simm.s32 $0x0;
	s20 =	sshll.u32 s5, $0x1;
	s5 =	sadd.s32 s21, s3  }
0x9d: {  	[timem:s7], [sflag:s22] =	dma.local [hbm:s5], s20  }
0x9e: {  	_ =	swait.ge [sflag:s22], s20  }
0x9f: {  	s4 =	ssub.s32 $0x0, s20;
	[sflag:s22] =	ssyncset.done $0x0  }
0xa0: {  	[sflag:s22] =	ssyncadd.s32 s4;
	_ =	sdelay $0x1  }
0xa1: {  	s23 =	simm.s32 $0x1B8B  }
0xa2: {  	_ =	swait.ge [sflag:s23], $0x1  }
0xa3: {  	[sflag:s23] =	ssyncset.done $0x0  }
0xa4: {  	s25 =	simm.s32 $0x1B8E;
	s24 =	sld [smem:$0x3FFE];
	[sflag:s23] =	ssyncadd.s32 $0xFFFFFFFF  }
0xa5: {  	s26 =	simm.s32 $execute0_lowered;
	[smem:$0x3FD2] =	sst s25  }
0xa6: {  	s5 =	sshll.u32 s26, $0x1;
	_ =	strace $0x8000004C;
	[dreg:$0x1] =	wrdreg $0xFFFFFFFF  }
0xa7: {  	s28 =	simm.s32 $_size_execute0_lowered;
	s3 =	sadd.s32 s3, s5;
	[dreg:$0x0] =	wrdreg $0x0  }
0xa8: {  	s5 =	sshll.u32 s28, $0x1;
	[dreg:$0x2] =	wrdreg s3  }
0xa9: {  	[dreg:$0x3] =	wrdreg s5  }
0xaa: {  	[dreg:$0x4] =	wrdreg $0xC0  }
0xab: {  	_ =	task [dreg:s7], $0x5FFFF  }
0xac: {  	[dreg:$0x1] =	wrdreg $0xFFFFFFFF  }
0xad: {  	[dreg:$0x0] =	wrdreg $0x60  }
0xae: {  	[dreg:$0x2] =	wrdreg s2  }
0xaf: {  	[dreg:$0x3] =	wrdreg s24  }
0xb0: {  	[dreg:$0x4] =	wrdreg $0xC0000  }
0xb1: {  	[dreg:$0x5] =	wrdreg $0x9  }
0xb2: {  	_ =	task.clear_ibuf [dreg:s7], $0x6FFFF;
	_ =	strace $0x9000004C  }
0xb3: {  	s29 =	simm.s32 $0x9;
	_ =	strace $0x8000004E  }
0xb4: {  	_ =	swait.ge [sflag:s29], $0x1  }
0xb5: {  	[sflag:s29] =	ssyncadd.s32 $0xFFFFFFFF  }
0xb6: {  	_ =	strace $0x9000004E  }
0xb7: {  	_ =	sfence  }
0xb8: {  	s30 =	sld [smem:$0x0];
	_ =	sdelay $0x2  }
0xb9: {  	s31 =	sshll.u32 s1, $0xD;
	s1 =	sshrl.u32 s1, $0x2  }
0xba: {  	s3 =	sand.u32 $0x4000, s31;
	s1 =	sadd.s32 s1, s30  }
0xbb: {  	s0 =	sor.u32 s3, s0;
	s1 =	sshll.u32 s1, $0x11  }
0xbc: {  	s0 =	sor.u32 s1, s0  }
0xbd: {  	s0 =	sadd.s32 $0x8F2B, s0  }
0xbe: {  	[sflag:s0] =	ssyncadd.remote.s32 $0x1  }
0xbf: {  	_ =	sfence.sel $0xFFFF  }
0xc0: {  	[dreg:$0x0] =	wrdreg $0xFFFFFFFF;
	(pc) =	sbr.abs _section_cstart, $3  }
0xc1: {  	[dreg:$0x1] =	wrdreg $0xFFFFFFFF  }
0xc2: {  	_ =	task.clear_ibuf [dreg:s7], $0x2FFFF;
	_ =	strace $0x9FFFFFFF  }
0xc3: {  	(tm) =	ssettm $0x7FFFFFFF  }
tec
execute0_lowered:
.L_overlay_start_1:
0x0: {  	(tag) =	ssettag $0x1  }
0x1: {  	s1 =	rddreg [dreg:$0x0]  }
0x2: {  	s0 =	rddreg [dreg:$0x1]  }
0x3: {  	s4 =	stileid.u32;
	s3 =	rddreg [dreg:$0x2];
	s6 =	simm.s32 $0x0  }
0x4: {  	s7 =	srdreg.scid;
	s18 =	simm.s32 $0x3;
	s19 =	simm.s32 $0x4000  }
0x5: {  	s22 =	simm.s32 $0x2800;
	s23 =	simm.s32 $0x8000;
	s28 =	simm.s32 $0x3700  }
0x6: {  	s29 =	simm.s32 $0x3780;
	s30 =	simm.s32 $0x0;
	s2 =	sshrl.u32 s4, $0x3  }
0x7: {  	s5 =	sshll.u32 s4, $0x7;
	[smem:$0x7FF] =	sst s6;
	s24 =	smul.u32 $0x2800, s4  }
0x8: {  	s15 =	sand.u32 $0x1, s7;
	s8 =	smul.u32 $0x4F000, s4;
	s25 =	sadd.s32 $0x35A00, s0  }
0x9: {  	s7 =	sadd.s32 $0x5D200, s0;
	s17 =	sshll.u32 s4, $0x6;
	s2 =	smul.u32 $0x14000, s2  }
0xa: {  	s5 =	sand.u32 $0x380, s5;
	_ =	strace $0x8000004D;
	[dreg:$0x4] =	wrdreg s25  }
0xb: {  	s26 =	ssub.s32 $0x2, s15;
	p0 =	seq.s32 s15, $0x0;
	s15 =	simm.s32 $0x80  }
0xc: {  	s20 =	sor.u32 $0x1C03, s17;
	s25 =	simm.s32 $0x2;
	s6 =	sshrl.u32 s24, $0x3  }
0xd: {  	s9 =	sshrl.u32 s26, $0x1;
	s10 =	sshrl.u32 s8, $0x2;
	s8 =	smul.u32 $0x2780, s4  }
0xe: {  	s24 =	simm.s32 $0x1;
	s2 =	sor.u32 s5, s2;
	s5 =	sadd.s32 $0x9200, s0  }
.Ltmp0:
0xf: {  	s12 =	sadd.s32 s6, s0;
	s31 =	sadd.s32 s10, s3;
	(pc) =	sbr.rel .LBB2_1-.Ltmp0, $4  }
0x10: {  	s6 =	simm.s32 $0x400;
	s2 =	sshrl.u32 s2, $0x3;
	s10 =	sadd.s32 s5, s8  }
0x11: {  	s11 =	sadd.s32 $0x30A00, s12;
	s12 =	sadd.s32 $0x30D00, s12;
	s13 =	sadd.s32 s1, s8  }
0x12: {  	s21 =	sshrl.u32 s31, $0x3;
	s2 =	sadd.s32 s2, s0;
	s0 =	ssub.s32 s26, s9  }
0x13: {  	s26 =	simm.s32 $0x2780;
	s9 =	sadd.s32 $0x4200, s2;
	s14 =	smax.u32 s0, $0x1  }
.LBB2_11:
0x14: {  	s0 =	sadd.s32 $0x1880, s31;
	[sflag:s18] =	ssyncadd.s32 $0xFFFFC000  }
0x15: {  	[tilespmem:s23], [sflag:$0x2] =	stream.indirect.gather [hbm4b:s1+s15], $0x80, s0, s15, $0xb8;
	[tilespmem:$0x1FC00] =	vst v63  }
0x16: {  	_ =	swait.ge [sflag:s24], $0x4000  }
0x17: {  	[sflag:s24] =	ssyncset.done $0x0  }
0x18: {  	s2 =	sadd.s32 $0x2800, s31;
	[sflag:s24] =	ssyncadd.s32 $0xFFFFC000  }
0x19: {  	[spmem:s3] =	stream.indirect.scatter.add.f32 [tilespmem:s19], [sflag:$0x3], $0x80, s2, s15, $0xb8;
	[tilespmem:$0x1FC00] =	vst v63  }
0x1a: {  	_ =	swait.ge [sflag:s18], $0x4000  }
0x1b: {  	[sflag:s18] =	ssyncset.done $0x0  }
0x1c: {  	s4 =	sadd.s32 $0x1900, s31;
	[sflag:s18] =	ssyncadd.s32 $0xFFFFC000  }
0x1d: {  	[tilespmem:s19], [sflag:$0x1] =	stream.indirect.gather [hbm4b:s1+s15], $0x80, s4, s15, $0xb8;
	[tilespmem:$0x1FC00] =	vst v63  }
0x1e: {  	_ =	swait.ge [sflag:s25], $0x4000  }
0x1f: {  	[sflag:s25] =	ssyncset.done $0x0  }
0x20: {  	s16 =	sadd.s32 $0x2880, s31;
	[sflag:s25] =	ssyncadd.s32 $0xFFFFC000  }
0x21: {  	[spmem:s3] =	stream.indirect.scatter.add.f32 [tilespmem:s23], [sflag:$0x3], $0x80, s16, s15, $0xb8;
	[tilespmem:$0x1FC00] =	vst v63  }
0x22: {  	_ =	swait.ge [sflag:s18], $0x4000  }
0x23: {  	[sflag:s18] =	ssyncset.done $0x0  }
0x24: {  	s31 =	smov.u32 s20;
	s2 =	rddreg [dreg:$0x4];
	[sflag:s18] =	ssyncadd.s32 $0xFFFFC000  }
0x25: {  	[tilespmem:s23], [sflag:$0x2] =	stream.indirect.gather [hbm4b:s1+s15], $0x80, s26, s15, $0xb8;
	[tilespmem:$0x1FC00] =	vst v63  }
.LBB2_12:
0x26: {  	_ =	swait.ge [sflag:s24], $0x4000  }
0x27: {  	[sflag:s24] =	ssyncset.done $0x0  }
0x28: {  	[sflag:s24] =	ssyncadd.s32 $0xFFFFC000  }
0x29: {  	[spmem:s3] =	stream.indirect.scatter.add.f32 [tilespmem:s19], [sflag:$0x3], $0x80, s28, s15, $0xb8;
	[tilespmem:$0x1FC00] =	vst v63  }
0x2a: {  	_ =	swait.ge [sflag:s18], $0x4000  }
0x2b: {  	[sflag:s18] =	ssyncset.done $0x0  }
0x2c: {  	[sflag:s18] =	ssyncadd.s32 $0xFFFFC000  }
0x2d: {  	_ =	swait.ge [sflag:s25], $0x4000  }
0x2e: {  	[sflag:s25] =	ssyncset.done $0x0  }
0x2f: {  	[sflag:s25] =	ssyncadd.s32 $0xFFFFC000  }
0x30: {  	[spmem:s3] =	stream.indirect.scatter.add.f32 [tilespmem:s23], [sflag:$0x3], $0x80, s29, s15, $0xb8;
	[tilespmem:$0x1FC00] =	vst v63  }
0x31: {  	_ =	swait.ge [sflag:s18], $0x4000  }
0x32: {  	s30 =	sadd.s32 $0x1, s30;
	[sflag:s18] =	ssyncset.done $0x0  }
0x33: {  	p1 =	sne.s32 s30, s14;
	[sflag:s18] =	ssyncadd.s32 $0xFFFFC000  }
.Ltmp1:
0x34: {  	s0 =	sadd.s32 s2, s8;
	[bflag:$0x0] =	sbarrier.arrive $0xFFFF;
	(pc) =	sbr.rel @!p1 .LBB2_13-.Ltmp1, $4  }
0x35: {  	[hbm:s0], [sflag:s31] =	dma.local [spmem:s21], $0x2780  }
0x36: {  	_ =	swait.ge [sflag:s18], $0x2780  }
0x37: {  	[sflag:s18] =	ssyncset.done $0x0  }
0x38: {  	[sflag:s18] =	ssyncadd.s32 $0xFFFFD880  }
.LBB2_1:
.Ltmp2:
0x39: {  	s0 =	simm.s32 $0x0;
	(pc) =	sbr.rel @!p0 .LBB2_2-.Ltmp2, $4  }
0x3a: {  	[tilespmem:s0], [sflag:$0x3] =	stream.strided.gather [hbm4b:s9+s15], $0x2800, s6, s15, $0x38;
	[tilespmem:$0x1FC00] =	vst v63  }
0x3b: {  	_ =	swait.ge [sflag:s18], $0x2800  }
0x3c: {  	[sflag:s18] =	ssyncset.done $0x0  }
0x3d: {  	s0 =	simm.s32 $0x0;
	[sflag:s18] =	ssyncadd.s32 $0xFFFFD800  }
0x3e: {  	[tilespmem:s19], [sflag:$0x1] =	stream.indirect.gather [hbm4b:s1+s15], $0x80, s0, s15, $0xb8;
	[tilespmem:$0x1FC00] =	vst v63  }
0x3f: {  	[spmem:s21], [sflag:s20] =	dma.local [hbm:s13], $0x2780  }
0x40: {  	_ =	swait.ge [sflag:s18], $0x2780  }
0x41: {  	[sflag:s18] =	ssyncset.done $0x0  }
0x42: {  	[sflag:s18] =	ssyncadd.s32 $0xFFFFD880  }
0x43: {  	[bflag:$0x0] =	sbarrier.arrive $0xFFFF  }
0x44: {  	[tilespmem:s22], [sflag:$0x3] =	stream.linear.gather [hbm4b:s11+s0], $0x1800, $0x38;
	[tilespmem:$0x1FC00] =	vst v63  }
0x45: {  	_ =	swait.ge [sflag:s18], $0x1800  }
0x46: {  	[sflag:s18] =	ssyncset.done $0x0  }
0x47: {  	s16 =	simm.s32 $0x80;
	[sflag:s18] =	ssyncadd.s32 $0xFFFFE800  }
0x48: {  	[tilespmem:s23], [sflag:$0x2] =	stream.indirect.gather [hbm4b:s1+s15], $0x80, s16, s15, $0xb8;
	[tilespmem:$0x1FC00] =	vst v63  }
0x49: {  	_ =	swait.ge [sflag:s24], $0x4000  }
0x4a: {  	[sflag:s24] =	ssyncset.done $0x0  }
0x4b: {  	s2 =	simm.s32 $0x2800;
	[sflag:s24] =	ssyncadd.s32 $0xFFFFC000  }
0x4c: {  	[spmem:s3] =	stream.indirect.scatter.add.f32 [tilespmem:s19], [sflag:$0x3], $0x80, s2, s15, $0xb8;
	[tilespmem:$0x1FC00] =	vst v63  }
0x4d: {  	_ =	swait.ge [sflag:s18], $0x4000  }
0x4e: {  	[sflag:s18] =	ssyncset.done $0x0  }
0x4f: {  	s4 =	simm.s32 $0x100;
	[sflag:s18] =	ssyncadd.s32 $0xFFFFC000  }
0x50: {  	[tilespmem:s19], [sflag:$0x1] =	stream.indirect.gather [hbm4b:s1+s15], $0x80, s4, s15, $0xb8;
	[tilespmem:$0x1FC00] =	vst v63  }
0x51: {  	_ =	swait.ge [sflag:s25], $0x4000  }
0x52: {  	[sflag:s25] =	ssyncset.done $0x0  }
0x53: {  	s16 =	simm.s32 $0x2880;
	[sflag:s25] =	ssyncadd.s32 $0xFFFFC000  }
0x54: {  	[spmem:s3] =	stream.indirect.scatter.add.f32 [tilespmem:s23], [sflag:$0x3], $0x80, s16, s15, $0xb8;
	[tilespmem:$0x1FC00] =	vst v63  }
0x55: {  	_ =	swait.ge [sflag:s18], $0x4000  }
0x56: {  	s31 =	simm.s32 $0x100;
	s2 =	simm.s32 $0x800;
	[sflag:s18] =	ssyncset.done $0x0  }
.LBB2_8:
0x57: {  	s0 =	sadd.s32 $0x80, s31  }
0x58: {  	[sflag:s18] =	ssyncadd.s32 $0xFFFFC000;
	s4 =	smov.u32 s2;
	s16 =	sadd.s32 $0x400, s2  }
0x59: {  	[tilespmem:s23], [sflag:$0x2] =	stream.indirect.gather [hbm4b:s1+s15], $0x80, s0, s15, $0xb8;
	[tilespmem:$0x1FC00] =	vst v63  }
0x5a: {  	p1 =	sne.s32 s2, $0x5C00;
	_ =	swait.ge [sflag:s24], $0x4000  }
0x5b: {  	[sflag:s24] =	ssyncset.done $0x0  }
0x5c: {  	s0 =	sadd.s32 $0x2800, s31;
	[sflag:s24] =	ssyncadd.s32 $0xFFFFC000  }
0x5d: {  	[spmem:s3] =	stream.indirect.scatter.add.f32 [tilespmem:s19], [sflag:$0x3], $0x80, s0, s15, $0xb8;
	[tilespmem:$0x1FC00] =	vst v63  }
0x5e: {  	_ =	swait.ge [sflag:s18], $0x4000  }
0x5f: {  	[sflag:s18] =	ssyncset.done $0x0  }
0x60: {  	s0 =	sadd.s32 $0x100, s31;
	[sflag:s18] =	ssyncadd.s32 $0xFFFFC000  }
0x61: {  	[tilespmem:s19], [sflag:$0x1] =	stream.indirect.gather [hbm4b:s1+s15], $0x80, s0, s15, $0xb8;
	[tilespmem:$0x1FC00] =	vst v63  }
0x62: {  	_ =	swait.ge [sflag:s25], $0x4000  }
.Ltmp3:
0x63: {  	[sflag:s25] =	ssyncset.done $0x0;
	(pc) =	sbr.rel @p1 .LBB2_8-.Ltmp3, $4  }
0x64: {  	s0 =	sadd.s32 $0x2880, s31;
	[sflag:s25] =	ssyncadd.s32 $0xFFFFC000  }
0x65: {  	[spmem:s3] =	stream.indirect.scatter.add.f32 [tilespmem:s23], [sflag:$0x3], $0x80, s0, s15, $0xb8;
	[tilespmem:$0x1FC00] =	vst v63  }
0x66: {  	_ =	swait.ge [sflag:s18], $0x4000  }
0x67: {  	s2 =	smov.u32 s16;
	s31 =	sshra.s32 s4, $0x2;
	[sflag:s18] =	ssyncset.done $0x0  }
0x68: {  	s0 =	sadd.s32 $0x80, s31;
	[sflag:s18] =	ssyncadd.s32 $0xFFFFC000  }
0x69: {  	[tilespmem:s23], [sflag:$0x2] =	stream.indirect.gather [hbm4b:s1+s15], $0x80, s0, s15, $0xb8;
	[tilespmem:$0x1FC00] =	vst v63  }
0x6a: {  	_ =	swait.ge [sflag:s24], $0x4000  }
0x6b: {  	[sflag:s24] =	ssyncset.done $0x0  }
0x6c: {  	s4 =	sadd.s32 $0x2800, s31;
	[sflag:s24] =	ssyncadd.s32 $0xFFFFC000  }
0x6d: {  	[spmem:s3] =	stream.indirect.scatter.add.f32 [tilespmem:s19], [sflag:$0x3], $0x80, s4, s15, $0xb8;
	[tilespmem:$0x1FC00] =	vst v63  }
0x6e: {  	_ =	swait.ge [sflag:s18], $0x4000  }
0x6f: {  	[sflag:s18] =	ssyncset.done $0x0  }
0x70: {  	s16 =	sadd.s32 $0x100, s31;
	[sflag:s18] =	ssyncadd.s32 $0xFFFFC000  }
0x71: {  	[tilespmem:s19], [sflag:$0x1] =	stream.indirect.gather [hbm4b:s1+s15], $0x80, s16, s15, $0xb8;
	[tilespmem:$0x1FC00] =	vst v63  }
0x72: {  	_ =	swait.ge [sflag:s25], $0x4000  }
0x73: {  	[sflag:s25] =	ssyncset.done $0x0  }
0x74: {  	s2 =	sadd.s32 $0x2880, s31;
	[sflag:s25] =	ssyncadd.s32 $0xFFFFC000  }
0x75: {  	[spmem:s3] =	stream.indirect.scatter.add.f32 [tilespmem:s23], [sflag:$0x3], $0x80, s2, s15, $0xb8;
	[tilespmem:$0x1FC00] =	vst v63  }
0x76: {  	_ =	swait.ge [sflag:s18], $0x4000  }
0x77: {  	[sflag:s18] =	ssyncset.done $0x0  }
0x78: {  	s4 =	simm.s32 $0x0;
	[sflag:s18] =	ssyncadd.s32 $0xFFFFC000  }
0x79: {  	[tilespmem:s22], [sflag:$0x3] =	stream.linear.gather [hbm4b:s12+s4], $0x1000, $0x38;
	[tilespmem:$0x1FC00] =	vst v63  }
0x7a: {  	_ =	swait.ge [sflag:s18], $0x1000  }
0x7b: {  	[sflag:s18] =	ssyncset.done $0x0  }
0x7c: {  	s16 =	simm.s32 $0x1880;
	[sflag:s18] =	ssyncadd.s32 $0xFFFFF000  }
0x7d: {  	[tilespmem:s23], [sflag:$0x2] =	stream.indirect.gather [hbm4b:s1+s15], $0x80, s16, s15, $0xb8;
	[tilespmem:$0x1FC00] =	vst v63  }
0x7e: {  	_ =	swait.ge [sflag:s24], $0x4000  }
0x7f: {  	[sflag:s24] =	ssyncset.done $0x0  }
0x80: {  	s2 =	simm.s32 $0x2800;
	[sflag:s24] =	ssyncadd.s32 $0xFFFFC000  }
0x81: {  	[spmem:s3] =	stream.indirect.scatter.add.f32 [tilespmem:s19], [sflag:$0x3], $0x80, s2, s15, $0xb8;
	[tilespmem:$0x1FC00] =	vst v63  }
0x82: {  	_ =	swait.ge [sflag:s18], $0x4000  }
0x83: {  	[sflag:s18] =	ssyncset.done $0x0  }
0x84: {  	s4 =	simm.s32 $0x1900;
	[sflag:s18] =	ssyncadd.s32 $0xFFFFC000  }
0x85: {  	[tilespmem:s19], [sflag:$0x1] =	stream.indirect.gather [hbm4b:s1+s15], $0x80, s4, s15, $0xb8;
	[tilespmem:$0x1FC00] =	vst v63  }
0x86: {  	_ =	swait.ge [sflag:s25], $0x4000  }
0x87: {  	[sflag:s25] =	ssyncset.done $0x0  }
0x88: {  	s16 =	simm.s32 $0x2880;
	[sflag:s25] =	ssyncadd.s32 $0xFFFFC000  }
0x89: {  	[spmem:s3] =	stream.indirect.scatter.add.f32 [tilespmem:s23], [sflag:$0x3], $0x80, s16, s15, $0xb8;
	[tilespmem:$0x1FC00] =	vst v63  }
0x8a: {  	_ =	swait.ge [sflag:s18], $0x4000  }
0x8b: {  	s31 =	simm.s32 $0x100;
	s2 =	simm.s32 $0x800;
	[sflag:s18] =	ssyncset.done $0x0  }
.LBB2_10:
0x8c: {  	s0 =	sadd.s32 $0x1880, s31  }
0x8d: {  	[sflag:s18] =	ssyncadd.s32 $0xFFFFC000;
	s4 =	smov.u32 s2;
	s16 =	sadd.s32 $0x400, s2  }
0x8e: {  	[tilespmem:s23], [sflag:$0x2] =	stream.indirect.gather [hbm4b:s1+s15], $0x80, s0, s15, $0xb8;
	[tilespmem:$0x1FC00] =	vst v63  }
0x8f: {  	p1 =	sne.s32 s2, $0x3800;
	_ =	swait.ge [sflag:s24], $0x4000  }
0x90: {  	[sflag:s24] =	ssyncset.done $0x0  }
0x91: {  	s0 =	sadd.s32 $0x2800, s31;
	[sflag:s24] =	ssyncadd.s32 $0xFFFFC000  }
0x92: {  	[spmem:s3] =	stream.indirect.scatter.add.f32 [tilespmem:s19], [sflag:$0x3], $0x80, s0, s15, $0xb8;
	[tilespmem:$0x1FC00] =	vst v63  }
0x93: {  	_ =	swait.ge [sflag:s18], $0x4000  }
0x94: {  	[sflag:s18] =	ssyncset.done $0x0  }
0x95: {  	s0 =	sadd.s32 $0x1900, s31;
	[sflag:s18] =	ssyncadd.s32 $0xFFFFC000  }
0x96: {  	[tilespmem:s19], [sflag:$0x1] =	stream.indirect.gather [hbm4b:s1+s15], $0x80, s0, s15, $0xb8;
	[tilespmem:$0x1FC00] =	vst v63  }
0x97: {  	_ =	swait.ge [sflag:s25], $0x4000  }
.Ltmp4:
0x98: {  	[sflag:s25] =	ssyncset.done $0x0;
	(pc) =	sbr.rel @p1 .LBB2_10-.Ltmp4, $4  }
0x99: {  	s0 =	sadd.s32 $0x2880, s31;
	[sflag:s25] =	ssyncadd.s32 $0xFFFFC000  }
0x9a: {  	[spmem:s3] =	stream.indirect.scatter.add.f32 [tilespmem:s23], [sflag:$0x3], $0x80, s0, s15, $0xb8;
	[tilespmem:$0x1FC00] =	vst v63  }
0x9b: {  	_ =	swait.ge [sflag:s18], $0x4000  }
0x9c: {  	s2 =	smov.u32 s16;
	s31 =	sshra.s32 s4, $0x2;
	[sflag:s18] =	ssyncset.done $0x0  }
.Ltmp5:
0x9d: {  	_ = 	snop;
	(pc) =	sbr.rel .LBB2_11-.Ltmp5, $1  }
0x9e: {  	_ =	sdelay $0x3  }
.LBB2_2:
0x9f: {  	[tilespmem:s19], [sflag:$0x1] =	stream.indirect.gather [hbm4b:s5+s15], $0x80, s0, s15, $0xb8;
	[tilespmem:$0x1FC00] =	vst v63  }
0xa0: {  	s31 =	sor.u32 $0x1C03, s17  }
0xa1: {  	[spmem:s21], [sflag:s31] =	dma.local [hbm:s10], $0x2780  }
0xa2: {  	_ =	swait.ge [sflag:s18], $0x2780  }
0xa3: {  	[sflag:s18] =	ssyncset.done $0x0  }
0xa4: {  	[sflag:s18] =	ssyncadd.s32 $0xFFFFD880  }
0xa5: {  	[bflag:$0x0] =	sbarrier.arrive $0xFFFF  }
0xa6: {  	[tilespmem:s22], [sflag:$0x3] =	stream.linear.gather [hbm4b:s11+s0], $0x1800, $0x38;
	[tilespmem:$0x1FC00] =	vst v63  }
0xa7: {  	_ =	swait.ge [sflag:s18], $0x1800  }
0xa8: {  	[sflag:s18] =	ssyncset.done $0x0  }
0xa9: {  	s2 =	simm.s32 $0x80;
	[sflag:s18] =	ssyncadd.s32 $0xFFFFE800  }
0xaa: {  	[tilespmem:s23], [sflag:$0x2] =	stream.indirect.gather [hbm4b:s5+s15], $0x80, s2, s15, $0xb8;
	[tilespmem:$0x1FC00] =	vst v63  }
0xab: {  	_ =	swait.ge [sflag:s24], $0x4000  }
0xac: {  	[sflag:s24] =	ssyncset.done $0x0  }
0xad: {  	s4 =	simm.s32 $0x2800;
	[sflag:s24] =	ssyncadd.s32 $0xFFFFC000  }
0xae: {  	[spmem:s3] =	stream.indirect.scatter.add.f32 [tilespmem:s19], [sflag:$0x3], $0x80, s4, s15, $0xb8;
	[tilespmem:$0x1FC00] =	vst v63  }
0xaf: {  	_ =	swait.ge [sflag:s18], $0x4000  }
0xb0: {  	[sflag:s18] =	ssyncset.done $0x0  }
0xb1: {  	s6 =	simm.s32 $0x100;
	[sflag:s18] =	ssyncadd.s32 $0xFFFFC000  }
0xb2: {  	[tilespmem:s19], [sflag:$0x1] =	stream.indirect.gather [hbm4b:s5+s15], $0x80, s6, s15, $0xb8;
	[tilespmem:$0x1FC00] =	vst v63  }
0xb3: {  	_ =	swait.ge [sflag:s25], $0x4000  }
0xb4: {  	[sflag:s25] =	ssyncset.done $0x0  }
0xb5: {  	s16 =	simm.s32 $0x2880;
	[sflag:s25] =	ssyncadd.s32 $0xFFFFC000  }
0xb6: {  	[spmem:s3] =	stream.indirect.scatter.add.f32 [tilespmem:s23], [sflag:$0x3], $0x80, s16, s15, $0xb8;
	[tilespmem:$0x1FC00] =	vst v63  }
0xb7: {  	_ =	swait.ge [sflag:s18], $0x4000  }
0xb8: {  	s0 =	simm.s32 $0x800;
	s2 =	simm.s32 $0x100;
	[sflag:s18] =	ssyncset.done $0x0  }
.LBB2_3:
0xb9: {  	s4 =	sadd.s32 $0x80, s2  }
0xba: {  	[sflag:s18] =	ssyncadd.s32 $0xFFFFC000;
	s16 =	smov.u32 s0;
	s6 =	sadd.s32 $0x400, s0  }
0xbb: {  	[tilespmem:s23], [sflag:$0x2] =	stream.indirect.gather [hbm4b:s5+s15], $0x80, s4, s15, $0xb8;
	[tilespmem:$0x1FC00] =	vst v63  }
0xbc: {  	p1 =	sne.s32 s0, $0x5C00;
	_ =	swait.ge [sflag:s24], $0x4000  }
0xbd: {  	[sflag:s24] =	ssyncset.done $0x0  }
0xbe: {  	s0 =	sadd.s32 $0x2800, s2;
	[sflag:s24] =	ssyncadd.s32 $0xFFFFC000  }
0xbf: {  	[spmem:s3] =	stream.indirect.scatter.add.f32 [tilespmem:s19], [sflag:$0x3], $0x80, s0, s15, $0xb8;
	[tilespmem:$0x1FC00] =	vst v63  }
0xc0: {  	_ =	swait.ge [sflag:s18], $0x4000  }
0xc1: {  	[sflag:s18] =	ssyncset.done $0x0  }
0xc2: {  	s0 =	sadd.s32 $0x100, s2;
	[sflag:s18] =	ssyncadd.s32 $0xFFFFC000  }
0xc3: {  	[tilespmem:s19], [sflag:$0x1] =	stream.indirect.gather [hbm4b:s5+s15], $0x80, s0, s15, $0xb8;
	[tilespmem:$0x1FC00] =	vst v63  }
0xc4: {  	_ =	swait.ge [sflag:s25], $0x4000  }
.Ltmp6:
0xc5: {  	[sflag:s25] =	ssyncset.done $0x0;
	(pc) =	sbr.rel @p1 .LBB2_3-.Ltmp6, $4  }
0xc6: {  	s0 =	sadd.s32 $0x2880, s2;
	[sflag:s25] =	ssyncadd.s32 $0xFFFFC000  }
0xc7: {  	[spmem:s3] =	stream.indirect.scatter.add.f32 [tilespmem:s23], [sflag:$0x3], $0x80, s0, s15, $0xb8;
	[tilespmem:$0x1FC00] =	vst v63  }
0xc8: {  	_ =	swait.ge [sflag:s18], $0x4000  }
0xc9: {  	s2 =	sshra.s32 s16, $0x2;
	s0 =	smov.u32 s6;
	[sflag:s18] =	ssyncset.done $0x0  }
0xca: {  	s0 =	sadd.s32 $0x80, s2;
	[sflag:s18] =	ssyncadd.s32 $0xFFFFC000  }
0xcb: {  	[tilespmem:s23], [sflag:$0x2] =	stream.indirect.gather [hbm4b:s5+s15], $0x80, s0, s15, $0xb8;
	[tilespmem:$0x1FC00] =	vst v63  }
0xcc: {  	_ =	swait.ge [sflag:s24], $0x4000  }
0xcd: {  	[sflag:s24] =	ssyncset.done $0x0  }
0xce: {  	s16 =	sadd.s32 $0x2800, s2;
	[sflag:s24] =	ssyncadd.s32 $0xFFFFC000  }
0xcf: {  	[spmem:s3] =	stream.indirect.scatter.add.f32 [tilespmem:s19], [sflag:$0x3], $0x80, s16, s15, $0xb8;
	[tilespmem:$0x1FC00] =	vst v63  }
0xd0: {  	_ =	swait.ge [sflag:s18], $0x4000  }
0xd1: {  	[sflag:s18] =	ssyncset.done $0x0  }
0xd2: {  	s4 =	sadd.s32 $0x100, s2;
	[sflag:s18] =	ssyncadd.s32 $0xFFFFC000  }
0xd3: {  	[tilespmem:s19], [sflag:$0x1] =	stream.indirect.gather [hbm4b:s5+s15], $0x80, s4, s15, $0xb8;
	[tilespmem:$0x1FC00] =	vst v63  }
0xd4: {  	_ =	swait.ge [sflag:s25], $0x4000  }
0xd5: {  	[sflag:s25] =	ssyncset.done $0x0  }
0xd6: {  	s6 =	sadd.s32 $0x2880, s2;
	[sflag:s25] =	ssyncadd.s32 $0xFFFFC000  }
0xd7: {  	[spmem:s3] =	stream.indirect.scatter.add.f32 [tilespmem:s23], [sflag:$0x3], $0x80, s6, s15, $0xb8;
	[tilespmem:$0x1FC00] =	vst v63  }
0xd8: {  	_ =	swait.ge [sflag:s18], $0x4000  }
0xd9: {  	[sflag:s18] =	ssyncset.done $0x0  }
0xda: {  	s16 =	simm.s32 $0x0;
	[sflag:s18] =	ssyncadd.s32 $0xFFFFC000  }
0xdb: {  	[tilespmem:s22], [sflag:$0x3] =	stream.linear.gather [hbm4b:s12+s16], $0x1000, $0x38;
	[tilespmem:$0x1FC00] =	vst v63  }
0xdc: {  	_ =	swait.ge [sflag:s18], $0x1000  }
0xdd: {  	[sflag:s18] =	ssyncset.done $0x0  }
0xde: {  	s2 =	simm.s32 $0x1880;
	[sflag:s18] =	ssyncadd.s32 $0xFFFFF000  }
0xdf: {  	[tilespmem:s23], [sflag:$0x2] =	stream.indirect.gather [hbm4b:s5+s15], $0x80, s2, s15, $0xb8;
	[tilespmem:$0x1FC00] =	vst v63  }
0xe0: {  	_ =	swait.ge [sflag:s24], $0x4000  }
0xe1: {  	[sflag:s24] =	ssyncset.done $0x0  }
0xe2: {  	s4 =	simm.s32 $0x2800;
	[sflag:s24] =	ssyncadd.s32 $0xFFFFC000  }
0xe3: {  	[spmem:s3] =	stream.indirect.scatter.add.f32 [tilespmem:s19], [sflag:$0x3], $0x80, s4, s15, $0xb8;
	[tilespmem:$0x1FC00] =	vst v63  }
0xe4: {  	_ =	swait.ge [sflag:s18], $0x4000  }
0xe5: {  	[sflag:s18] =	ssyncset.done $0x0  }
0xe6: {  	s6 =	simm.s32 $0x1900;
	[sflag:s18] =	ssyncadd.s32 $0xFFFFC000  }
0xe7: {  	[tilespmem:s19], [sflag:$0x1] =	stream.indirect.gather [hbm4b:s5+s15], $0x80, s6, s15, $0xb8;
	[tilespmem:$0x1FC00] =	vst v63  }
0xe8: {  	_ =	swait.ge [sflag:s25], $0x4000  }
0xe9: {  	[sflag:s25] =	ssyncset.done $0x0  }
0xea: {  	s16 =	simm.s32 $0x2880;
	[sflag:s25] =	ssyncadd.s32 $0xFFFFC000  }
0xeb: {  	[spmem:s3] =	stream.indirect.scatter.add.f32 [tilespmem:s23], [sflag:$0x3], $0x80, s16, s15, $0xb8;
	[tilespmem:$0x1FC00] =	vst v63  }
0xec: {  	_ =	swait.ge [sflag:s18], $0x4000  }
0xed: {  	s0 =	simm.s32 $0x800;
	s2 =	simm.s32 $0x100;
	[sflag:s18] =	ssyncset.done $0x0  }
.LBB2_5:
0xee: {  	s4 =	sadd.s32 $0x1880, s2  }
0xef: {  	[sflag:s18] =	ssyncadd.s32 $0xFFFFC000;
	s6 =	smov.u32 s0;
	s16 =	sadd.s32 $0x400, s0  }
0xf0: {  	[tilespmem:s23], [sflag:$0x2] =	stream.indirect.gather [hbm4b:s5+s15], $0x80, s4, s15, $0xb8;
	[tilespmem:$0x1FC00] =	vst v63  }
0xf1: {  	p1 =	sne.s32 s0, $0x3800;
	_ =	swait.ge [sflag:s24], $0x4000  }
0xf2: {  	[sflag:s24] =	ssyncset.done $0x0  }
0xf3: {  	s0 =	sadd.s32 $0x2800, s2;
	[sflag:s24] =	ssyncadd.s32 $0xFFFFC000  }
0xf4: {  	[spmem:s3] =	stream.indirect.scatter.add.f32 [tilespmem:s19], [sflag:$0x3], $0x80, s0, s15, $0xb8;
	[tilespmem:$0x1FC00] =	vst v63  }
0xf5: {  	_ =	swait.ge [sflag:s18], $0x4000  }
0xf6: {  	[sflag:s18] =	ssyncset.done $0x0  }
0xf7: {  	s0 =	sadd.s32 $0x1900, s2;
	[sflag:s18] =	ssyncadd.s32 $0xFFFFC000  }
0xf8: {  	[tilespmem:s19], [sflag:$0x1] =	stream.indirect.gather [hbm4b:s5+s15], $0x80, s0, s15, $0xb8;
	[tilespmem:$0x1FC00] =	vst v63  }
0xf9: {  	_ =	swait.ge [sflag:s25], $0x4000  }
.Ltmp7:
0xfa: {  	[sflag:s25] =	ssyncset.done $0x0;
	(pc) =	sbr.rel @p1 .LBB2_5-.Ltmp7, $4  }
0xfb: {  	s0 =	sadd.s32 $0x2880, s2;
	[sflag:s25] =	ssyncadd.s32 $0xFFFFC000  }
0xfc: {  	[spmem:s3] =	stream.indirect.scatter.add.f32 [tilespmem:s23], [sflag:$0x3], $0x80, s0, s15, $0xb8;
	[tilespmem:$0x1FC00] =	vst v63  }
0xfd: {  	_ =	swait.ge [sflag:s18], $0x4000  }
0xfe: {  	s2 =	sshra.s32 s6, $0x2;
	s0 =	smov.u32 s16;
	[sflag:s18] =	ssyncset.done $0x0  }
0xff: {  	s0 =	sadd.s32 $0x1880, s2;
	[sflag:s18] =	ssyncadd.s32 $0xFFFFC000  }
0x100: {  	[tilespmem:s23], [sflag:$0x2] =	stream.indirect.gather [hbm4b:s5+s15], $0x80, s0, s15, $0xb8;
	[tilespmem:$0x1FC00] =	vst v63  }
0x101: {  	_ =	swait.ge [sflag:s24], $0x4000  }
0x102: {  	[sflag:s24] =	ssyncset.done $0x0  }
0x103: {  	s4 =	sadd.s32 $0x2800, s2;
	[sflag:s24] =	ssyncadd.s32 $0xFFFFC000  }
0x104: {  	[spmem:s3] =	stream.indirect.scatter.add.f32 [tilespmem:s19], [sflag:$0x3], $0x80, s4, s15, $0xb8;
	[tilespmem:$0x1FC00] =	vst v63  }
0x105: {  	_ =	swait.ge [sflag:s18], $0x4000  }
0x106: {  	[sflag:s18] =	ssyncset.done $0x0  }
0x107: {  	s6 =	sadd.s32 $0x1900, s2;
	[sflag:s18] =	ssyncadd.s32 $0xFFFFC000  }
0x108: {  	[tilespmem:s19], [sflag:$0x1] =	stream.indirect.gather [hbm4b:s5+s15], $0x80, s6, s15, $0xb8;
	[tilespmem:$0x1FC00] =	vst v63  }
0x109: {  	_ =	swait.ge [sflag:s25], $0x4000  }
0x10a: {  	[sflag:s25] =	ssyncset.done $0x0  }
0x10b: {  	s16 =	sadd.s32 $0x2880, s2;
	[sflag:s25] =	ssyncadd.s32 $0xFFFFC000  }
0x10c: {  	[spmem:s3] =	stream.indirect.scatter.add.f32 [tilespmem:s23], [sflag:$0x3], $0x80, s16, s15, $0xb8;
	[tilespmem:$0x1FC00] =	vst v63  }
.Ltmp8:
0x10d: {  	_ = 	snop;
	(pc) =	sbr.rel .LBB2_12-.Ltmp8, $4  }
0x10e: {  	_ =	swait.ge [sflag:s18], $0x4000  }
0x10f: {  	[sflag:s18] =	ssyncset.done $0x0  }
0x110: {  	s2 =	smov.u32 s7;
	s6 =	simm.s32 $0x400;
	[sflag:s18] =	ssyncadd.s32 $0xFFFFC000  }
0x111: {  	[tilespmem:s23], [sflag:$0x2] =	stream.indirect.gather [hbm4b:s5+s15], $0x80, s26, s15, $0xb8;
	[tilespmem:$0x1FC00] =	vst v63  }
.LBB2_13:
0x112: {  	_ =	sfence.sel $0x180000  }
0x113: {  	[bflag:$0x0] =	sbarrier.arrive $0xFFFF  }
0x114: {  	_ =	strace $0x9000004D  }
0x115: {  	s0 =	stileid.u32;
	[bflag:$0x2] =	sbarrier.arrive $0xFFFF  }
0x116: {  	p0 =	sne.s32 s0, $0x0;
	s0 =	rddreg [dreg:$0x3]  }
0x117: {  	s0 =	sadd.s32 @!p0 $0x100000, s0  }
0x118: {  	[sflag:s0] =	ssyncadd.tile.s32 @!p0 $0x1;
	_ =	shalt  }
.Lfunc_end2:
_tile_overlayer_lowered:
.L_overlay_start_2:
0x119: {  	(tag) =	ssettag $0x2  }
0x11a: {  	s0 =	rddreg [dreg:$0x0];
	s2 =	stileid.u32  }
0x11b: {  	s1 =	rddreg [dreg:$0x1];
	p0 =	sne.s32 s2, $0x0  }
0x11c: {  	s3 =	rddreg [dreg:$0x2];
	[bflag:$0x3] =	sbarrier.arrive $0xFFFF;
	s2 =	simm.s32 @!p0 $0x1C03  }
0x11d: {  	[timem:s3], [sflag:s2] =	dma.local @!p0 [hbm:s0], s1  }
0x11e: {  	s0 =	simm.s32 @!p0 $0x3  }
0x11f: {  	_ =	swait.ge @!p0 [sflag:s0], s1  }
0x120: {  	s1 =	ssub.s32 @!p0 $0x0, s1;
	[sflag:s0] =	ssyncset.done @!p0 $0x0  }
0x121: {  	[sflag:s0] =	ssyncadd.s32 @!p0 s1  }
0x122: {  	[bflag:$0x3] =	sbarrier.arrive $0xFFFF  }
0x123: {  	_ =	shalt  }

// kernel: kernel.8.cloned.1.call-start
scs
__scs_entry_jumppad:
0x0: {  	(pc) =	sbr.rel $0x88, $3  }
0x1: {  	(tag) =	ssettag $0x0;
	lr =	simm.s32 $0x1  }
0x2: {  	[smem:$0x3F93] =	sst lr;
	_ =	strace $0xD0000000  }
0x3: {  	_ = 	snop  }
0x4: {  	_ = 	snop  }
0x5: {  	_ = 	snop  }
0x6: {  	_ = 	snop  }
0x7: {  	_ = 	snop  }
__scs_overlays_trampoline_lowered:
0x8: {  	[smem:$0x3FA2] =	sst s0  }
0x9: {  	[smem:$0x3FA3] =	sst s1  }
0xa: {  	[smem:$0x3FA4] =	sst s2  }
0xb: {  	[smem:$0x3FA5] =	sst s3  }
0xc: {  	[smem:$0x3FA6] =	sst s4  }
0xd: {  	[smem:$0x3FA7] =	sst s5  }
0xe: {  	[smem:$0x3FA8] =	sst s6  }
0xf: {  	[smem:$0x3FA9] =	sst s7  }
0x10: {  	[smem:$0x3FAA] =	sst s8  }
0x11: {  	[smem:$0x3FAB] =	sst s9;
	s0 =	simm.s32 @!p0 $0x0  }
0x12: {  	s1 =	sld [smem:$0x3F91];
	s0 =	simm.s32 @p0 $0x1  }
0x13: {  	[smem:$0x3FAC] =	sst s0;
	s0 =	simm.s32 @!p1 $0x0  }
0x14: {  	s2 =	sld [smem:$0x3F90];
	s0 =	simm.s32 @p1 $0x1  }
0x15: {  	[smem:$0x3FAD] =	sst s0;
	s0 =	simm.s32 @!p2 $0x0  }
0x16: {  	s3 =	sld [smem:$0x3FDB];
	s0 =	simm.s32 @p2 $0x1  }
0x17: {  	s4 =	simm.s32 $0x1BF5;
	[smem:$0x3FAF] =	sst s0  }
0x18: {  	s0 =	sld [smem:$0x3F92];
	_ =	swait.ge [sflag:s4], $0x0  }
0x19: {  	s7 =	sld [smem:$0x3F93]  }
0x1a: {  	s8 =	sadd.s32 $0xFFFFE003, lr  }
0x1b: {  	s9 =	sadd.s32 $0xFFFFFEF7, lr;
	s5 =	simm.s32 $0xFFFFFFFF;
	p2 =	slt.u32 s8, $0xFFFFF086  }
0x1c: {  	p1 =	slt.u32 s9, $0xF7A;
	s5 =	simm.s32 @!p2 $0x0  }
0x1d: {  	s5 =	simm.s32 @p1 $0x1;
	p0 =	seq.s32 s7, s2  }
0x1e: {  	s7 =	smul.u32 @!p0 $0xF7A, s2;
	p2 =	seq.s32 @!p0 s5, $0x0  }
0x1f: {  	s9 =	smul.u32 $0xF7A, s1;
	s8 =	simm.s32 @!p0 $0x1BF5;
	p2 =	por !p2, p0  }
0x20: {  	[sflag:s8] =	ssyncset.s32 @!p0 $0xFFFFF086;
	s6 =	sadd.s32 @!p0 s3, s7;
	s7 =	simm.s32 @!p0 $0x108  }
0x21: {  	s3 =	sadd.s32 s3, s9;
	s6 =	sadd.s32 @!p0 $0x88, s6;
	s7 =	simm.s32 @p2 $0x1082  }
0x22: {  	[simem:s7], [sflag:s8] =	dma.local @!p0 [hbm:s6], $0xF7A  }
0x23: {  	s9 =	sor.u32 $0xD0000000, s2;
	s6 =	simm.s32 $0x108;
	_ =	swait.ge @!p0 [sflag:s8], $0x0  }
0x24: {  	s3 =	sadd.s32 $0x88, s3;
	s6 =	simm.s32 @!p1 $0x1082;
	[sflag:s4] =	ssyncset.s32 $0xFFFFF086  }
0x25: {  	[simem:s6], [sflag:s4] =	dma.local [hbm:s3], $0xF7A  }
0x26: {  	[smem:$0x3F93] =	sst s1;
	(tag) =	ssettag s2;
	_ =	strace s9  }
0x27: {  	s1 =	sld [smem:$0x3FA3]  }
0x28: {  	s2 =	sld [smem:$0x3FA4]  }
0x29: {  	s4 =	sld [smem:$0x3FA6]  }
0x2a: {  	p0 =	seq.s32 s5, $0x0;
	s5 =	sld [smem:$0x3FA7]  }
0x2b: {  	s6 =	sld [smem:$0x3FA8]  }
0x2c: {  	s7 =	sld [smem:$0x3FA9]  }
0x2d: {  	s3 =	simm.s32 $0x108;
	s8 =	sld [smem:$0x3FAA]  }
0x2e: {  	s3 =	simm.s32 @!p0 $0x1082;
	s9 =	sld [smem:$0x3FAB]  }
0x2f: {  	lr =	sadd.s32 s0, s3;
	s0 =	sld [smem:$0x3FA2]  }
0x30: {  	s3 =	sld [smem:$0x3FA5]  }
0x31: {  	[smem:$0x3FAE] =	sst s10  }
0x32: {  	s10 =	sld [smem:$0x3FAC];
	_ =	sdelay $0x3  }
0x33: {  	p0 =	seq.s32 s10, $0x1;
	s10 =	sld [smem:$0x3FAE];
	_ =	sdelay $0x3  }
0x34: {  	[smem:$0x3FAE] =	sst s10  }
0x35: {  	s10 =	sld [smem:$0x3FAD];
	_ =	sdelay $0x3  }
0x36: {  	p1 =	seq.s32 s10, $0x1;
	s10 =	sld [smem:$0x3FAE];
	_ =	sdelay $0x3  }
0x37: {  	[smem:$0x3FAE] =	sst s10  }
0x38: {  	s10 =	sld [smem:$0x3FAF]  }
0x39: {  	_ = 	snop;
	(pc) =	sbr.ind lr, $3  }
0x3a: {  	_ = 	snop  }
0x3b: {  	_ = 	snop  }
0x3c: {  	p2 =	seq.s32 s10, $0x1;
	s10 =	sld [smem:$0x3FAE]  }
0x3d: {  	_ =	shalt  }
0x3e: {  	_ =	shalt  }
0x3f: {  	_ =	shalt  }
0x40: {  	_ =	shalt  }
0x41: {  	_ =	shalt  }
0x42: {  	_ =	shalt  }
0x43: {  	_ =	shalt  }
0x44: {  	_ =	shalt  }
0x45: {  	_ =	shalt  }
0x46: {  	_ =	shalt  }
0x47: {  	_ =	shalt  }
0x48: {  	_ =	shalt  }
0x49: {  	_ =	shalt  }
0x4a: {  	_ =	shalt  }
0x4b: {  	_ =	shalt  }
0x4c: {  	_ =	shalt  }
0x4d: {  	_ =	shalt  }
0x4e: {  	_ =	shalt  }
0x4f: {  	_ =	shalt  }
0x50: {  	_ =	shalt  }
0x51: {  	_ =	shalt  }
0x52: {  	_ =	shalt  }
0x53: {  	_ =	shalt  }
0x54: {  	_ =	shalt  }
0x55: {  	_ =	shalt  }
0x56: {  	_ =	shalt  }
0x57: {  	_ =	shalt  }
0x58: {  	_ =	shalt  }
0x59: {  	_ =	shalt  }
0x5a: {  	_ =	shalt  }
0x5b: {  	_ =	shalt  }
0x5c: {  	_ =	shalt  }
0x5d: {  	_ =	shalt  }
0x5e: {  	_ =	shalt  }
0x5f: {  	_ =	shalt  }
0x60: {  	_ =	shalt  }
0x61: {  	_ =	shalt  }
0x62: {  	_ =	shalt  }
0x63: {  	_ =	shalt  }
0x64: {  	_ =	shalt  }
0x65: {  	_ =	shalt  }
0x66: {  	_ =	shalt  }
0x67: {  	_ =	shalt  }
0x68: {  	_ =	shalt  }
0x69: {  	_ =	shalt  }
0x6a: {  	_ =	shalt  }
0x6b: {  	_ =	shalt  }
0x6c: {  	_ =	shalt  }
0x6d: {  	_ =	shalt  }
0x6e: {  	_ =	shalt  }
0x6f: {  	_ =	shalt  }
0x70: {  	_ =	shalt  }
0x71: {  	_ =	shalt  }
0x72: {  	_ =	shalt  }
0x73: {  	_ =	shalt  }
0x74: {  	_ =	shalt  }
0x75: {  	_ =	shalt  }
0x76: {  	_ =	shalt  }
0x77: {  	_ =	shalt  }
0x78: {  	_ =	shalt  }
0x79: {  	_ =	shalt  }
0x7a: {  	_ =	shalt  }
0x7b: {  	_ =	shalt  }
0x7c: {  	_ =	shalt  }
0x7d: {  	_ =	shalt  }
0x7e: {  	_ =	shalt  }
0x7f: {  	_ =	shalt  }
0x80: {  	_ =	shalt  }
0x81: {  	_ =	shalt  }
0x82: {  	_ =	shalt  }
0x83: {  	_ =	shalt  }
0x84: {  	_ =	shalt  }
0x85: {  	_ =	shalt  }
0x86: {  	_ =	shalt  }
0x87: {  	_ =	shalt  }
.Lfunc_end0:
.L_simem_size_0:
called_computation_lowered:
.L_overlay_start_0:
0x88: {  	s2 =	sld [smem:$0x3FD9]  }
0x89: {  	s3 =	sld [smem:$0x3FFE];
	_ =	sdelay $0x1  }
0x8a: {  	s1 =	srdreg.scid  }
0x8b: {  	s0 =	sand.u32 $0x1, s1  }
0x8c: {  	s17 =	sshll.u32 s0, $0xA;
	s2 =	sadd.s32 s3, s2  }
0x8d: {  	s2 =	sadd.s32 s2, s17  }
0x8e: {  	[smem:$0x3FBA] =	sst s2  }
0x8f: {  	_ = 	snop  }
0x90: {  	s2 =	sld [smem:$0x3FD0];
	(tm) =	ssettm $0x1  }
0x91: {  	s18 =	sld [smem:$0x3FFB];
	_ =	sdelay $0x3  }
0x92: {  	_ =	strace s18  }
0x93: {  	s3 =	sld [smem:$0x3FFC];
	_ =	sdelay $0x3  }
0x94: {  	_ =	strace s3  }
0x95: {  	s3 =	sld [smem:$0x3FFD];
	_ =	sdelay $0x3  }
0x96: {  	_ =	strace s3  }
0x97: {  	_ =	strace $0x8FFFFFFF  }
0x98: {  	s19 =	sld [smem:$0x3FDB];
	_ =	sdelay $0x1  }
0x99: {  	s4 =	simm.s32 $_scs_section_size  }
0x9a: {  	s5 =	simm.s32 $_size__tile_overlayer_lowered;
	s6 =	simm.s32 $_tile_overlayer_lowered  }
0x9b: {  	s22 =	simm.s32 $0x1BFF;
	s21 =	sshll.u32 s6, $0x1;
	s3 =	sadd.s32 s4, s19  }
0x9c: {  	s7 =	simm.s32 $0x0;
	s20 =	sshll.u32 s5, $0x1;
	s5 =	sadd.s32 s21, s3  }
0x9d: {  	[timem:s7], [sflag:s22] =	dma.local [hbm:s5], s20  }
0x9e: {  	_ =	swait.ge [sflag:s22], s20  }
0x9f: {  	s4 =	ssub.s32 $0x0, s20;
	[sflag:s22] =	ssyncset.done $0x0  }
0xa0: {  	[sflag:s22] =	ssyncadd.s32 s4;
	_ =	sdelay $0x1  }
0xa1: {  	s23 =	simm.s32 $0x1B8B  }
0xa2: {  	_ =	swait.ge [sflag:s23], $0x1  }
0xa3: {  	[sflag:s23] =	ssyncset.done $0x0  }
0xa4: {  	s25 =	simm.s32 $0x1B8E;
	s24 =	sld [smem:$0x3FFE];
	[sflag:s23] =	ssyncadd.s32 $0xFFFFFFFF  }
0xa5: {  	s26 =	simm.s32 $execute0_lowered;
	[smem:$0x3FD2] =	sst s25  }
0xa6: {  	s5 =	sshll.u32 s26, $0x1;
	_ =	strace $0x80000046;
	[dreg:$0x1] =	wrdreg $0xFFFFFFFF  }
0xa7: {  	s28 =	simm.s32 $_size_execute0_lowered;
	s3 =	sadd.s32 s3, s5;
	[dreg:$0x0] =	wrdreg $0x0  }
0xa8: {  	s5 =	sshll.u32 s28, $0x1;
	[dreg:$0x2] =	wrdreg s3  }
0xa9: {  	[dreg:$0x3] =	wrdreg s5  }
0xaa: {  	[dreg:$0x4] =	wrdreg $0xC0  }
0xab: {  	_ =	task [dreg:s7], $0x5FFFF  }
0xac: {  	[dreg:$0x1] =	wrdreg $0xFFFFFFFF  }
0xad: {  	[dreg:$0x0] =	wrdreg $0x60  }
0xae: {  	[dreg:$0x2] =	wrdreg s2  }
0xaf: {  	[dreg:$0x3] =	wrdreg s24  }
0xb0: {  	[dreg:$0x4] =	wrdreg $0xC0000  }
0xb1: {  	[dreg:$0x5] =	wrdreg $0x9  }
0xb2: {  	_ =	task.clear_ibuf [dreg:s7], $0x6FFFF;
	_ =	strace $0x90000046  }
0xb3: {  	s29 =	simm.s32 $0x9;
	_ =	strace $0x80000048  }
0xb4: {  	_ =	swait.ge [sflag:s29], $0x1  }
0xb5: {  	[sflag:s29] =	ssyncadd.s32 $0xFFFFFFFF  }
0xb6: {  	_ =	strace $0x90000048  }
0xb7: {  	_ =	sfence  }
0xb8: {  	s30 =	sld [smem:$0x0];
	_ =	sdelay $0x2  }
0xb9: {  	s31 =	sshll.u32 s1, $0xD;
	s1 =	sshrl.u32 s1, $0x2  }
0xba: {  	s3 =	sand.u32 $0x4000, s31;
	s1 =	sadd.s32 s1, s30  }
0xbb: {  	s0 =	sor.u32 s3, s0;
	s1 =	sshll.u32 s1, $0x11  }
0xbc: {  	s0 =	sor.u32 s1, s0  }
0xbd: {  	s0 =	sadd.s32 $0x8F2B, s0  }
0xbe: {  	[sflag:s0] =	ssyncadd.remote.s32 $0x1  }
0xbf: {  	_ =	sfence.sel $0xFFFF  }
0xc0: {  	[dreg:$0x0] =	wrdreg $0xFFFFFFFF;
	(pc) =	sbr.abs _section_cstart, $3  }
0xc1: {  	[dreg:$0x1] =	wrdreg $0xFFFFFFFF  }
0xc2: {  	_ =	task.clear_ibuf [dreg:s7], $0x2FFFF;
	_ =	strace $0x9FFFFFFF  }
0xc3: {  	(tm) =	ssettm $0x7FFFFFFF  }
tec
execute0_lowered:
.L_overlay_start_1:
0x0: {  	(tag) =	ssettag $0x1  }
0x1: {  	s1 =	rddreg [dreg:$0x0]  }
0x2: {  	s0 =	rddreg [dreg:$0x1]  }
0x3: {  	s4 =	stileid.u32;
	s3 =	rddreg [dreg:$0x2];
	s6 =	simm.s32 $0x0  }
0x4: {  	s7 =	srdreg.scid;
	s18 =	simm.s32 $0x3;
	s19 =	simm.s32 $0x4000  }
0x5: {  	s22 =	simm.s32 $0x2800;
	s23 =	simm.s32 $0x8000;
	s28 =	simm.s32 $0x3700  }
0x6: {  	s29 =	simm.s32 $0x3780;
	s30 =	simm.s32 $0x0;
	s2 =	sshrl.u32 s4, $0x3  }
0x7: {  	s5 =	sshll.u32 s4, $0x7;
	[smem:$0x7FF] =	sst s6;
	s24 =	smul.u32 $0x2800, s4  }
0x8: {  	s15 =	sand.u32 $0x1, s7;
	s8 =	smul.u32 $0x4F000, s4;
	s25 =	sadd.s32 $0x35A00, s0  }
0x9: {  	s7 =	sadd.s32 $0x5D200, s0;
	s17 =	sshll.u32 s4, $0x6;
	s2 =	smul.u32 $0x14000, s2  }
0xa: {  	s5 =	sand.u32 $0x380, s5;
	_ =	strace $0x80000047;
	[dreg:$0x4] =	wrdreg s25  }
0xb: {  	s26 =	ssub.s32 $0x2, s15;
	p0 =	seq.s32 s15, $0x0;
	s15 =	simm.s32 $0x80  }
0xc: {  	s20 =	sor.u32 $0x1C03, s17;
	s25 =	simm.s32 $0x2;
	s6 =	sshrl.u32 s24, $0x3  }
0xd: {  	s9 =	sshrl.u32 s26, $0x1;
	s10 =	sshrl.u32 s8, $0x2;
	s8 =	smul.u32 $0x2780, s4  }
0xe: {  	s24 =	simm.s32 $0x1;
	s2 =	sor.u32 s5, s2;
	s5 =	sadd.s32 $0x9200, s0  }
.Ltmp0:
0xf: {  	s12 =	sadd.s32 s6, s0;
	s31 =	sadd.s32 s10, s3;
	(pc) =	sbr.rel .LBB2_1-.Ltmp0, $4  }
0x10: {  	s6 =	simm.s32 $0x400;
	s2 =	sshrl.u32 s2, $0x3;
	s10 =	sadd.s32 s5, s8  }
0x11: {  	s11 =	sadd.s32 $0x30A00, s12;
	s12 =	sadd.s32 $0x30D00, s12;
	s13 =	sadd.s32 s1, s8  }
0x12: {  	s21 =	sshrl.u32 s31, $0x3;
	s2 =	sadd.s32 s2, s0;
	s0 =	ssub.s32 s26, s9  }
0x13: {  	s26 =	simm.s32 $0x2780;
	s9 =	sadd.s32 $0x4200, s2;
	s14 =	smax.u32 s0, $0x1  }
.LBB2_11:
0x14: {  	s0 =	sadd.s32 $0x1880, s31;
	[sflag:s18] =	ssyncadd.s32 $0xFFFFC000  }
0x15: {  	[tilespmem:s23], [sflag:$0x2] =	stream.indirect.gather [hbm4b:s1+s15], $0x80, s0, s15, $0xb8;
	[tilespmem:$0x1FC00] =	vst v63  }
0x16: {  	_ =	swait.ge [sflag:s24], $0x4000  }
0x17: {  	[sflag:s24] =	ssyncset.done $0x0  }
0x18: {  	s2 =	sadd.s32 $0x2800, s31;
	[sflag:s24] =	ssyncadd.s32 $0xFFFFC000  }
0x19: {  	[spmem:s3] =	stream.indirect.scatter.add.f32 [tilespmem:s19], [sflag:$0x3], $0x80, s2, s15, $0xb8;
	[tilespmem:$0x1FC00] =	vst v63  }
0x1a: {  	_ =	swait.ge [sflag:s18], $0x4000  }
0x1b: {  	[sflag:s18] =	ssyncset.done $0x0  }
0x1c: {  	s4 =	sadd.s32 $0x1900, s31;
	[sflag:s18] =	ssyncadd.s32 $0xFFFFC000  }
0x1d: {  	[tilespmem:s19], [sflag:$0x1] =	stream.indirect.gather [hbm4b:s1+s15], $0x80, s4, s15, $0xb8;
	[tilespmem:$0x1FC00] =	vst v63  }
0x1e: {  	_ =	swait.ge [sflag:s25], $0x4000  }
0x1f: {  	[sflag:s25] =	ssyncset.done $0x0  }
0x20: {  	s16 =	sadd.s32 $0x2880, s31;
	[sflag:s25] =	ssyncadd.s32 $0xFFFFC000  }
0x21: {  	[spmem:s3] =	stream.indirect.scatter.add.f32 [tilespmem:s23], [sflag:$0x3], $0x80, s16, s15, $0xb8;
	[tilespmem:$0x1FC00] =	vst v63  }
0x22: {  	_ =	swait.ge [sflag:s18], $0x4000  }
0x23: {  	[sflag:s18] =	ssyncset.done $0x0  }
0x24: {  	s31 =	smov.u32 s20;
	s2 =	rddreg [dreg:$0x4];
	[sflag:s18] =	ssyncadd.s32 $0xFFFFC000  }
0x25: {  	[tilespmem:s23], [sflag:$0x2] =	stream.indirect.gather [hbm4b:s1+s15], $0x80, s26, s15, $0xb8;
	[tilespmem:$0x1FC00] =	vst v63  }
.LBB2_12:
0x26: {  	_ =	swait.ge [sflag:s24], $0x4000  }
0x27: {  	[sflag:s24] =	ssyncset.done $0x0  }
0x28: {  	[sflag:s24] =	ssyncadd.s32 $0xFFFFC000  }
0x29: {  	[spmem:s3] =	stream.indirect.scatter.add.f32 [tilespmem:s19], [sflag:$0x3], $0x80, s28, s15, $0xb8;
	[tilespmem:$0x1FC00] =	vst v63  }
0x2a: {  	_ =	swait.ge [sflag:s18], $0x4000  }
0x2b: {  	[sflag:s18] =	ssyncset.done $0x0  }
0x2c: {  	[sflag:s18] =	ssyncadd.s32 $0xFFFFC000  }
0x2d: {  	_ =	swait.ge [sflag:s25], $0x4000  }
0x2e: {  	[sflag:s25] =	ssyncset.done $0x0  }
0x2f: {  	[sflag:s25] =	ssyncadd.s32 $0xFFFFC000  }
0x30: {  	[spmem:s3] =	stream.indirect.scatter.add.f32 [tilespmem:s23], [sflag:$0x3], $0x80, s29, s15, $0xb8;
	[tilespmem:$0x1FC00] =	vst v63  }
0x31: {  	_ =	swait.ge [sflag:s18], $0x4000  }
0x32: {  	s30 =	sadd.s32 $0x1, s30;
	[sflag:s18] =	ssyncset.done $0x0  }
0x33: {  	p1 =	sne.s32 s30, s14;
	[sflag:s18] =	ssyncadd.s32 $0xFFFFC000  }
.Ltmp1:
0x34: {  	s0 =	sadd.s32 s2, s8;
	[bflag:$0x0] =	sbarrier.arrive $0xFFFF;
	(pc) =	sbr.rel @!p1 .LBB2_13-.Ltmp1, $4  }
0x35: {  	[hbm:s0], [sflag:s31] =	dma.local [spmem:s21], $0x2780  }
0x36: {  	_ =	swait.ge [sflag:s18], $0x2780  }
0x37: {  	[sflag:s18] =	ssyncset.done $0x0  }
0x38: {  	[sflag:s18] =	ssyncadd.s32 $0xFFFFD880  }
.LBB2_1:
.Ltmp2:
0x39: {  	s0 =	simm.s32 $0x0;
	(pc) =	sbr.rel @!p0 .LBB2_2-.Ltmp2, $4  }
0x3a: {  	[tilespmem:s0], [sflag:$0x3] =	stream.strided.gather [hbm4b:s9+s15], $0x2800, s6, s15, $0x38;
	[tilespmem:$0x1FC00] =	vst v63  }
0x3b: {  	_ =	swait.ge [sflag:s18], $0x2800  }
0x3c: {  	[sflag:s18] =	ssyncset.done $0x0  }
0x3d: {  	s0 =	simm.s32 $0x0;
	[sflag:s18] =	ssyncadd.s32 $0xFFFFD800  }
0x3e: {  	[tilespmem:s19], [sflag:$0x1] =	stream.indirect.gather [hbm4b:s1+s15], $0x80, s0, s15, $0xb8;
	[tilespmem:$0x1FC00] =	vst v63  }
0x3f: {  	[spmem:s21], [sflag:s20] =	dma.local [hbm:s13], $0x2780  }
0x40: {  	_ =	swait.ge [sflag:s18], $0x2780  }
0x41: {  	[sflag:s18] =	ssyncset.done $0x0  }
0x42: {  	[sflag:s18] =	ssyncadd.s32 $0xFFFFD880  }
0x43: {  	[bflag:$0x0] =	sbarrier.arrive $0xFFFF  }
0x44: {  	[tilespmem:s22], [sflag:$0x3] =	stream.linear.gather [hbm4b:s11+s0], $0x1800, $0x38;
	[tilespmem:$0x1FC00] =	vst v63  }
0x45: {  	_ =	swait.ge [sflag:s18], $0x1800  }
0x46: {  	[sflag:s18] =	ssyncset.done $0x0  }
0x47: {  	s16 =	simm.s32 $0x80;
	[sflag:s18] =	ssyncadd.s32 $0xFFFFE800  }
0x48: {  	[tilespmem:s23], [sflag:$0x2] =	stream.indirect.gather [hbm4b:s1+s15], $0x80, s16, s15, $0xb8;
	[tilespmem:$0x1FC00] =	vst v63  }
0x49: {  	_ =	swait.ge [sflag:s24], $0x4000  }
0x4a: {  	[sflag:s24] =	ssyncset.done $0x0  }
0x4b: {  	s2 =	simm.s32 $0x2800;
	[sflag:s24] =	ssyncadd.s32 $0xFFFFC000  }
0x4c: {  	[spmem:s3] =	stream.indirect.scatter.add.f32 [tilespmem:s19], [sflag:$0x3], $0x80, s2, s15, $0xb8;
	[tilespmem:$0x1FC00] =	vst v63  }
0x4d: {  	_ =	swait.ge [sflag:s18], $0x4000  }
0x4e: {  	[sflag:s18] =	ssyncset.done $0x0  }
0x4f: {  	s4 =	simm.s32 $0x100;
	[sflag:s18] =	ssyncadd.s32 $0xFFFFC000  }
0x50: {  	[tilespmem:s19], [sflag:$0x1] =	stream.indirect.gather [hbm4b:s1+s15], $0x80, s4, s15, $0xb8;
	[tilespmem:$0x1FC00] =	vst v63  }
0x51: {  	_ =	swait.ge [sflag:s25], $0x4000  }
0x52: {  	[sflag:s25] =	ssyncset.done $0x0  }
0x53: {  	s16 =	simm.s32 $0x2880;
	[sflag:s25] =	ssyncadd.s32 $0xFFFFC000  }
0x54: {  	[spmem:s3] =	stream.indirect.scatter.add.f32 [tilespmem:s23], [sflag:$0x3], $0x80, s16, s15, $0xb8;
	[tilespmem:$0x1FC00] =	vst v63  }
0x55: {  	_ =	swait.ge [sflag:s18], $0x4000  }
0x56: {  	s31 =	simm.s32 $0x100;
	s2 =	simm.s32 $0x800;
	[sflag:s18] =	ssyncset.done $0x0  }
.LBB2_8:
0x57: {  	s0 =	sadd.s32 $0x80, s31  }
0x58: {  	[sflag:s18] =	ssyncadd.s32 $0xFFFFC000;
	s4 =	smov.u32 s2;
	s16 =	sadd.s32 $0x400, s2  }
0x59: {  	[tilespmem:s23], [sflag:$0x2] =	stream.indirect.gather [hbm4b:s1+s15], $0x80, s0, s15, $0xb8;
	[tilespmem:$0x1FC00] =	vst v63  }
0x5a: {  	p1 =	sne.s32 s2, $0x5C00;
	_ =	swait.ge [sflag:s24], $0x4000  }
0x5b: {  	[sflag:s24] =	ssyncset.done $0x0  }
0x5c: {  	s0 =	sadd.s32 $0x2800, s31;
	[sflag:s24] =	ssyncadd.s32 $0xFFFFC000  }
0x5d: {  	[spmem:s3] =	stream.indirect.scatter.add.f32 [tilespmem:s19], [sflag:$0x3], $0x80, s0, s15, $0xb8;
	[tilespmem:$0x1FC00] =	vst v63  }
0x5e: {  	_ =	swait.ge [sflag:s18], $0x4000  }
0x5f: {  	[sflag:s18] =	ssyncset.done $0x0  }
0x60: {  	s0 =	sadd.s32 $0x100, s31;
	[sflag:s18] =	ssyncadd.s32 $0xFFFFC000  }
0x61: {  	[tilespmem:s19], [sflag:$0x1] =	stream.indirect.gather [hbm4b:s1+s15], $0x80, s0, s15, $0xb8;
	[tilespmem:$0x1FC00] =	vst v63  }
0x62: {  	_ =	swait.ge [sflag:s25], $0x4000  }
.Ltmp3:
0x63: {  	[sflag:s25] =	ssyncset.done $0x0;
	(pc) =	sbr.rel @p1 .LBB2_8-.Ltmp3, $4  }
0x64: {  	s0 =	sadd.s32 $0x2880, s31;
	[sflag:s25] =	ssyncadd.s32 $0xFFFFC000  }
0x65: {  	[spmem:s3] =	stream.indirect.scatter.add.f32 [tilespmem:s23], [sflag:$0x3], $0x80, s0, s15, $0xb8;
	[tilespmem:$0x1FC00] =	vst v63  }
0x66: {  	_ =	swait.ge [sflag:s18], $0x4000  }
0x67: {  	s2 =	smov.u32 s16;
	s31 =	sshra.s32 s4, $0x2;
	[sflag:s18] =	ssyncset.done $0x0  }
0x68: {  	s0 =	sadd.s32 $0x80, s31;
	[sflag:s18] =	ssyncadd.s32 $0xFFFFC000  }
0x69: {  	[tilespmem:s23], [sflag:$0x2] =	stream.indirect.gather [hbm4b:s1+s15], $0x80, s0, s15, $0xb8;
	[tilespmem:$0x1FC00] =	vst v63  }
0x6a: {  	_ =	swait.ge [sflag:s24], $0x4000  }
0x6b: {  	[sflag:s24] =	ssyncset.done $0x0  }
0x6c: {  	s4 =	sadd.s32 $0x2800, s31;
	[sflag:s24] =	ssyncadd.s32 $0xFFFFC000  }
0x6d: {  	[spmem:s3] =	stream.indirect.scatter.add.f32 [tilespmem:s19], [sflag:$0x3], $0x80, s4, s15, $0xb8;
	[tilespmem:$0x1FC00] =	vst v63  }
0x6e: {  	_ =	swait.ge [sflag:s18], $0x4000  }
0x6f: {  	[sflag:s18] =	ssyncset.done $0x0  }
0x70: {  	s16 =	sadd.s32 $0x100, s31;
	[sflag:s18] =	ssyncadd.s32 $0xFFFFC000  }
0x71: {  	[tilespmem:s19], [sflag:$0x1] =	stream.indirect.gather [hbm4b:s1+s15], $0x80, s16, s15, $0xb8;
	[tilespmem:$0x1FC00] =	vst v63  }
0x72: {  	_ =	swait.ge [sflag:s25], $0x4000  }
0x73: {  	[sflag:s25] =	ssyncset.done $0x0  }
0x74: {  	s2 =	sadd.s32 $0x2880, s31;
	[sflag:s25] =	ssyncadd.s32 $0xFFFFC000  }
0x75: {  	[spmem:s3] =	stream.indirect.scatter.add.f32 [tilespmem:s23], [sflag:$0x3], $0x80, s2, s15, $0xb8;
	[tilespmem:$0x1FC00] =	vst v63  }
0x76: {  	_ =	swait.ge [sflag:s18], $0x4000  }
0x77: {  	[sflag:s18] =	ssyncset.done $0x0  }
0x78: {  	s4 =	simm.s32 $0x0;
	[sflag:s18] =	ssyncadd.s32 $0xFFFFC000  }
0x79: {  	[tilespmem:s22], [sflag:$0x3] =	stream.linear.gather [hbm4b:s12+s4], $0x1000, $0x38;
	[tilespmem:$0x1FC00] =	vst v63  }
0x7a: {  	_ =	swait.ge [sflag:s18], $0x1000  }
0x7b: {  	[sflag:s18] =	ssyncset.done $0x0  }
0x7c: {  	s16 =	simm.s32 $0x1880;
	[sflag:s18] =	ssyncadd.s32 $0xFFFFF000  }
0x7d: {  	[tilespmem:s23], [sflag:$0x2] =	stream.indirect.gather [hbm4b:s1+s15], $0x80, s16, s15, $0xb8;
	[tilespmem:$0x1FC00] =	vst v63  }
0x7e: {  	_ =	swait.ge [sflag:s24], $0x4000  }
0x7f: {  	[sflag:s24] =	ssyncset.done $0x0  }
0x80: {  	s2 =	simm.s32 $0x2800;
	[sflag:s24] =	ssyncadd.s32 $0xFFFFC000  }
0x81: {  	[spmem:s3] =	stream.indirect.scatter.add.f32 [tilespmem:s19], [sflag:$0x3], $0x80, s2, s15, $0xb8;
	[tilespmem:$0x1FC00] =	vst v63  }
0x82: {  	_ =	swait.ge [sflag:s18], $0x4000  }
0x83: {  	[sflag:s18] =	ssyncset.done $0x0  }
0x84: {  	s4 =	simm.s32 $0x1900;
	[sflag:s18] =	ssyncadd.s32 $0xFFFFC000  }
0x85: {  	[tilespmem:s19], [sflag:$0x1] =	stream.indirect.gather [hbm4b:s1+s15], $0x80, s4, s15, $0xb8;
	[tilespmem:$0x1FC00] =	vst v63  }
0x86: {  	_ =	swait.ge [sflag:s25], $0x4000  }
0x87: {  	[sflag:s25] =	ssyncset.done $0x0  }
0x88: {  	s16 =	simm.s32 $0x2880;
	[sflag:s25] =	ssyncadd.s32 $0xFFFFC000  }
0x89: {  	[spmem:s3] =	stream.indirect.scatter.add.f32 [tilespmem:s23], [sflag:$0x3], $0x80, s16, s15, $0xb8;
	[tilespmem:$0x1FC00] =	vst v63  }
0x8a: {  	_ =	swait.ge [sflag:s18], $0x4000  }
0x8b: {  	s31 =	simm.s32 $0x100;
	s2 =	simm.s32 $0x800;
	[sflag:s18] =	ssyncset.done $0x0  }
.LBB2_10:
0x8c: {  	s0 =	sadd.s32 $0x1880, s31  }
0x8d: {  	[sflag:s18] =	ssyncadd.s32 $0xFFFFC000;
	s4 =	smov.u32 s2;
	s16 =	sadd.s32 $0x400, s2  }
0x8e: {  	[tilespmem:s23], [sflag:$0x2] =	stream.indirect.gather [hbm4b:s1+s15], $0x80, s0, s15, $0xb8;
	[tilespmem:$0x1FC00] =	vst v63  }
0x8f: {  	p1 =	sne.s32 s2, $0x3800;
	_ =	swait.ge [sflag:s24], $0x4000  }
0x90: {  	[sflag:s24] =	ssyncset.done $0x0  }
0x91: {  	s0 =	sadd.s32 $0x2800, s31;
	[sflag:s24] =	ssyncadd.s32 $0xFFFFC000  }
0x92: {  	[spmem:s3] =	stream.indirect.scatter.add.f32 [tilespmem:s19], [sflag:$0x3], $0x80, s0, s15, $0xb8;
	[tilespmem:$0x1FC00] =	vst v63  }
0x93: {  	_ =	swait.ge [sflag:s18], $0x4000  }
0x94: {  	[sflag:s18] =	ssyncset.done $0x0  }
0x95: {  	s0 =	sadd.s32 $0x1900, s31;
	[sflag:s18] =	ssyncadd.s32 $0xFFFFC000  }
0x96: {  	[tilespmem:s19], [sflag:$0x1] =	stream.indirect.gather [hbm4b:s1+s15], $0x80, s0, s15, $0xb8;
	[tilespmem:$0x1FC00] =	vst v63  }
0x97: {  	_ =	swait.ge [sflag:s25], $0x4000  }
.Ltmp4:
0x98: {  	[sflag:s25] =	ssyncset.done $0x0;
	(pc) =	sbr.rel @p1 .LBB2_10-.Ltmp4, $4  }
0x99: {  	s0 =	sadd.s32 $0x2880, s31;
	[sflag:s25] =	ssyncadd.s32 $0xFFFFC000  }
0x9a: {  	[spmem:s3] =	stream.indirect.scatter.add.f32 [tilespmem:s23], [sflag:$0x3], $0x80, s0, s15, $0xb8;
	[tilespmem:$0x1FC00] =	vst v63  }
0x9b: {  	_ =	swait.ge [sflag:s18], $0x4000  }
0x9c: {  	s2 =	smov.u32 s16;
	s31 =	sshra.s32 s4, $0x2;
	[sflag:s18] =	ssyncset.done $0x0  }
.Ltmp5:
0x9d: {  	_ = 	snop;
	(pc) =	sbr.rel .LBB2_11-.Ltmp5, $1  }
0x9e: {  	_ =	sdelay $0x3  }
.LBB2_2:
0x9f: {  	[tilespmem:s19], [sflag:$0x1] =	stream.indirect.gather [hbm4b:s5+s15], $0x80, s0, s15, $0xb8;
	[tilespmem:$0x1FC00] =	vst v63  }
0xa0: {  	s31 =	sor.u32 $0x1C03, s17  }
0xa1: {  	[spmem:s21], [sflag:s31] =	dma.local [hbm:s10], $0x2780  }
0xa2: {  	_ =	swait.ge [sflag:s18], $0x2780  }
0xa3: {  	[sflag:s18] =	ssyncset.done $0x0  }
0xa4: {  	[sflag:s18] =	ssyncadd.s32 $0xFFFFD880  }
0xa5: {  	[bflag:$0x0] =	sbarrier.arrive $0xFFFF  }
0xa6: {  	[tilespmem:s22], [sflag:$0x3] =	stream.linear.gather [hbm4b:s11+s0], $0x1800, $0x38;
	[tilespmem:$0x1FC00] =	vst v63  }
0xa7: {  	_ =	swait.ge [sflag:s18], $0x1800  }
0xa8: {  	[sflag:s18] =	ssyncset.done $0x0  }
0xa9: {  	s2 =	simm.s32 $0x80;
	[sflag:s18] =	ssyncadd.s32 $0xFFFFE800  }
0xaa: {  	[tilespmem:s23], [sflag:$0x2] =	stream.indirect.gather [hbm4b:s5+s15], $0x80, s2, s15, $0xb8;
	[tilespmem:$0x1FC00] =	vst v63  }
0xab: {  	_ =	swait.ge [sflag:s24], $0x4000  }
0xac: {  	[sflag:s24] =	ssyncset.done $0x0  }
0xad: {  	s4 =	simm.s32 $0x2800;
	[sflag:s24] =	ssyncadd.s32 $0xFFFFC000  }
0xae: {  	[spmem:s3] =	stream.indirect.scatter.add.f32 [tilespmem:s19], [sflag:$0x3], $0x80, s4, s15, $0xb8;
	[tilespmem:$0x1FC00] =	vst v63  }
0xaf: {  	_ =	swait.ge [sflag:s18], $0x4000  }
0xb0: {  	[sflag:s18] =	ssyncset.done $0x0  }
0xb1: {  	s6 =	simm.s32 $0x100;
	[sflag:s18] =	ssyncadd.s32 $0xFFFFC000  }
0xb2: {  	[tilespmem:s19], [sflag:$0x1] =	stream.indirect.gather [hbm4b:s5+s15], $0x80, s6, s15, $0xb8;
	[tilespmem:$0x1FC00] =	vst v63  }
0xb3: {  	_ =	swait.ge [sflag:s25], $0x4000  }
0xb4: {  	[sflag:s25] =	ssyncset.done $0x0  }
0xb5: {  	s16 =	simm.s32 $0x2880;
	[sflag:s25] =	ssyncadd.s32 $0xFFFFC000  }
0xb6: {  	[spmem:s3] =	stream.indirect.scatter.add.f32 [tilespmem:s23], [sflag:$0x3], $0x80, s16, s15, $0xb8;
	[tilespmem:$0x1FC00] =	vst v63  }
0xb7: {  	_ =	swait.ge [sflag:s18], $0x4000  }
0xb8: {  	s0 =	simm.s32 $0x800;
	s2 =	simm.s32 $0x100;
	[sflag:s18] =	ssyncset.done $0x0  }
.LBB2_3:
0xb9: {  	s4 =	sadd.s32 $0x80, s2  }
0xba: {  	[sflag:s18] =	ssyncadd.s32 $0xFFFFC000;
	s16 =	smov.u32 s0;
	s6 =	sadd.s32 $0x400, s0  }
0xbb: {  	[tilespmem:s23], [sflag:$0x2] =	stream.indirect.gather [hbm4b:s5+s15], $0x80, s4, s15, $0xb8;
	[tilespmem:$0x1FC00] =	vst v63  }
0xbc: {  	p1 =	sne.s32 s0, $0x5C00;
	_ =	swait.ge [sflag:s24], $0x4000  }
0xbd: {  	[sflag:s24] =	ssyncset.done $0x0  }
0xbe: {  	s0 =	sadd.s32 $0x2800, s2;
	[sflag:s24] =	ssyncadd.s32 $0xFFFFC000  }
0xbf: {  	[spmem:s3] =	stream.indirect.scatter.add.f32 [tilespmem:s19], [sflag:$0x3], $0x80, s0, s15, $0xb8;
	[tilespmem:$0x1FC00] =	vst v63  }
0xc0: {  	_ =	swait.ge [sflag:s18], $0x4000  }
0xc1: {  	[sflag:s18] =	ssyncset.done $0x0  }
0xc2: {  	s0 =	sadd.s32 $0x100, s2;
	[sflag:s18] =	ssyncadd.s32 $0xFFFFC000  }
0xc3: {  	[tilespmem:s19], [sflag:$0x1] =	stream.indirect.gather [hbm4b:s5+s15], $0x80, s0, s15, $0xb8;
	[tilespmem:$0x1FC00] =	vst v63  }
0xc4: {  	_ =	swait.ge [sflag:s25], $0x4000  }
.Ltmp6:
0xc5: {  	[sflag:s25] =	ssyncset.done $0x0;
	(pc) =	sbr.rel @p1 .LBB2_3-.Ltmp6, $4  }
0xc6: {  	s0 =	sadd.s32 $0x2880, s2;
	[sflag:s25] =	ssyncadd.s32 $0xFFFFC000  }
0xc7: {  	[spmem:s3] =	stream.indirect.scatter.add.f32 [tilespmem:s23], [sflag:$0x3], $0x80, s0, s15, $0xb8;
	[tilespmem:$0x1FC00] =	vst v63  }
0xc8: {  	_ =	swait.ge [sflag:s18], $0x4000  }
0xc9: {  	s2 =	sshra.s32 s16, $0x2;
	s0 =	smov.u32 s6;
	[sflag:s18] =	ssyncset.done $0x0  }
0xca: {  	s0 =	sadd.s32 $0x80, s2;
	[sflag:s18] =	ssyncadd.s32 $0xFFFFC000  }
0xcb: {  	[tilespmem:s23], [sflag:$0x2] =	stream.indirect.gather [hbm4b:s5+s15], $0x80, s0, s15, $0xb8;
	[tilespmem:$0x1FC00] =	vst v63  }
0xcc: {  	_ =	swait.ge [sflag:s24], $0x4000  }
0xcd: {  	[sflag:s24] =	ssyncset.done $0x0  }
0xce: {  	s16 =	sadd.s32 $0x2800, s2;
	[sflag:s24] =	ssyncadd.s32 $0xFFFFC000  }
0xcf: {  	[spmem:s3] =	stream.indirect.scatter.add.f32 [tilespmem:s19], [sflag:$0x3], $0x80, s16, s15, $0xb8;
	[tilespmem:$0x1FC00] =	vst v63  }
0xd0: {  	_ =	swait.ge [sflag:s18], $0x4000  }
0xd1: {  	[sflag:s18] =	ssyncset.done $0x0  }
0xd2: {  	s4 =	sadd.s32 $0x100, s2;
	[sflag:s18] =	ssyncadd.s32 $0xFFFFC000  }
0xd3: {  	[tilespmem:s19], [sflag:$0x1] =	stream.indirect.gather [hbm4b:s5+s15], $0x80, s4, s15, $0xb8;
	[tilespmem:$0x1FC00] =	vst v63  }
0xd4: {  	_ =	swait.ge [sflag:s25], $0x4000  }
0xd5: {  	[sflag:s25] =	ssyncset.done $0x0  }
0xd6: {  	s6 =	sadd.s32 $0x2880, s2;
	[sflag:s25] =	ssyncadd.s32 $0xFFFFC000  }
0xd7: {  	[spmem:s3] =	stream.indirect.scatter.add.f32 [tilespmem:s23], [sflag:$0x3], $0x80, s6, s15, $0xb8;
	[tilespmem:$0x1FC00] =	vst v63  }
0xd8: {  	_ =	swait.ge [sflag:s18], $0x4000  }
0xd9: {  	[sflag:s18] =	ssyncset.done $0x0  }
0xda: {  	s16 =	simm.s32 $0x0;
	[sflag:s18] =	ssyncadd.s32 $0xFFFFC000  }
0xdb: {  	[tilespmem:s22], [sflag:$0x3] =	stream.linear.gather [hbm4b:s12+s16], $0x1000, $0x38;
	[tilespmem:$0x1FC00] =	vst v63  }
0xdc: {  	_ =	swait.ge [sflag:s18], $0x1000  }
0xdd: {  	[sflag:s18] =	ssyncset.done $0x0  }
0xde: {  	s2 =	simm.s32 $0x1880;
	[sflag:s18] =	ssyncadd.s32 $0xFFFFF000  }
0xdf: {  	[tilespmem:s23], [sflag:$0x2] =	stream.indirect.gather [hbm4b:s5+s15], $0x80, s2, s15, $0xb8;
	[tilespmem:$0x1FC00] =	vst v63  }
0xe0: {  	_ =	swait.ge [sflag:s24], $0x4000  }
0xe1: {  	[sflag:s24] =	ssyncset.done $0x0  }
0xe2: {  	s4 =	simm.s32 $0x2800;
	[sflag:s24] =	ssyncadd.s32 $0xFFFFC000  }
0xe3: {  	[spmem:s3] =	stream.indirect.scatter.add.f32 [tilespmem:s19], [sflag:$0x3], $0x80, s4, s15, $0xb8;
	[tilespmem:$0x1FC00] =	vst v63  }
0xe4: {  	_ =	swait.ge [sflag:s18], $0x4000  }
0xe5: {  	[sflag:s18] =	ssyncset.done $0x0  }
0xe6: {  	s6 =	simm.s32 $0x1900;
	[sflag:s18] =	ssyncadd.s32 $0xFFFFC000  }
0xe7: {  	[tilespmem:s19], [sflag:$0x1] =	stream.indirect.gather [hbm4b:s5+s15], $0x80, s6, s15, $0xb8;
	[tilespmem:$0x1FC00] =	vst v63  }
0xe8: {  	_ =	swait.ge [sflag:s25], $0x4000  }
0xe9: {  	[sflag:s25] =	ssyncset.done $0x0  }
0xea: {  	s16 =	simm.s32 $0x2880;
	[sflag:s25] =	ssyncadd.s32 $0xFFFFC000  }
0xeb: {  	[spmem:s3] =	stream.indirect.scatter.add.f32 [tilespmem:s23], [sflag:$0x3], $0x80, s16, s15, $0xb8;
	[tilespmem:$0x1FC00] =	vst v63  }
0xec: {  	_ =	swait.ge [sflag:s18], $0x4000  }
0xed: {  	s0 =	simm.s32 $0x800;
	s2 =	simm.s32 $0x100;
	[sflag:s18] =	ssyncset.done $0x0  }
.LBB2_5:
0xee: {  	s4 =	sadd.s32 $0x1880, s2  }
0xef: {  	[sflag:s18] =	ssyncadd.s32 $0xFFFFC000;
	s6 =	smov.u32 s0;
	s16 =	sadd.s32 $0x400, s0  }
0xf0: {  	[tilespmem:s23], [sflag:$0x2] =	stream.indirect.gather [hbm4b:s5+s15], $0x80, s4, s15, $0xb8;
	[tilespmem:$0x1FC00] =	vst v63  }
0xf1: {  	p1 =	sne.s32 s0, $0x3800;
	_ =	swait.ge [sflag:s24], $0x4000  }
0xf2: {  	[sflag:s24] =	ssyncset.done $0x0  }
0xf3: {  	s0 =	sadd.s32 $0x2800, s2;
	[sflag:s24] =	ssyncadd.s32 $0xFFFFC000  }
0xf4: {  	[spmem:s3] =	stream.indirect.scatter.add.f32 [tilespmem:s19], [sflag:$0x3], $0x80, s0, s15, $0xb8;
	[tilespmem:$0x1FC00] =	vst v63  }
0xf5: {  	_ =	swait.ge [sflag:s18], $0x4000  }
0xf6: {  	[sflag:s18] =	ssyncset.done $0x0  }
0xf7: {  	s0 =	sadd.s32 $0x1900, s2;
	[sflag:s18] =	ssyncadd.s32 $0xFFFFC000  }
0xf8: {  	[tilespmem:s19], [sflag:$0x1] =	stream.indirect.gather [hbm4b:s5+s15], $0x80, s0, s15, $0xb8;
	[tilespmem:$0x1FC00] =	vst v63  }
0xf9: {  	_ =	swait.ge [sflag:s25], $0x4000  }
.Ltmp7:
0xfa: {  	[sflag:s25] =	ssyncset.done $0x0;
	(pc) =	sbr.rel @p1 .LBB2_5-.Ltmp7, $4  }
0xfb: {  	s0 =	sadd.s32 $0x2880, s2;
	[sflag:s25] =	ssyncadd.s32 $0xFFFFC000  }
0xfc: {  	[spmem:s3] =	stream.indirect.scatter.add.f32 [tilespmem:s23], [sflag:$0x3], $0x80, s0, s15, $0xb8;
	[tilespmem:$0x1FC00] =	vst v63  }
0xfd: {  	_ =	swait.ge [sflag:s18], $0x4000  }
0xfe: {  	s2 =	sshra.s32 s6, $0x2;
	s0 =	smov.u32 s16;
	[sflag:s18] =	ssyncset.done $0x0  }
0xff: {  	s0 =	sadd.s32 $0x1880, s2;
	[sflag:s18] =	ssyncadd.s32 $0xFFFFC000  }
0x100: {  	[tilespmem:s23], [sflag:$0x2] =	stream.indirect.gather [hbm4b:s5+s15], $0x80, s0, s15, $0xb8;
	[tilespmem:$0x1FC00] =	vst v63  }
0x101: {  	_ =	swait.ge [sflag:s24], $0x4000  }
0x102: {  	[sflag:s24] =	ssyncset.done $0x0  }
0x103: {  	s4 =	sadd.s32 $0x2800, s2;
	[sflag:s24] =	ssyncadd.s32 $0xFFFFC000  }
0x104: {  	[spmem:s3] =	stream.indirect.scatter.add.f32 [tilespmem:s19], [sflag:$0x3], $0x80, s4, s15, $0xb8;
	[tilespmem:$0x1FC00] =	vst v63  }
0x105: {  	_ =	swait.ge [sflag:s18], $0x4000  }
0x106: {  	[sflag:s18] =	ssyncset.done $0x0  }
0x107: {  	s6 =	sadd.s32 $0x1900, s2;
	[sflag:s18] =	ssyncadd.s32 $0xFFFFC000  }
0x108: {  	[tilespmem:s19], [sflag:$0x1] =	stream.indirect.gather [hbm4b:s5+s15], $0x80, s6, s15, $0xb8;
	[tilespmem:$0x1FC00] =	vst v63  }
0x109: {  	_ =	swait.ge [sflag:s25], $0x4000  }
0x10a: {  	[sflag:s25] =	ssyncset.done $0x0  }
0x10b: {  	s16 =	sadd.s32 $0x2880, s2;
	[sflag:s25] =	ssyncadd.s32 $0xFFFFC000  }
0x10c: {  	[spmem:s3] =	stream.indirect.scatter.add.f32 [tilespmem:s23], [sflag:$0x3], $0x80, s16, s15, $0xb8;
	[tilespmem:$0x1FC00] =	vst v63  }
.Ltmp8:
0x10d: {  	_ = 	snop;
	(pc) =	sbr.rel .LBB2_12-.Ltmp8, $4  }
0x10e: {  	_ =	swait.ge [sflag:s18], $0x4000  }
0x10f: {  	[sflag:s18] =	ssyncset.done $0x0  }
0x110: {  	s2 =	smov.u32 s7;
	s6 =	simm.s32 $0x400;
	[sflag:s18] =	ssyncadd.s32 $0xFFFFC000  }
0x111: {  	[tilespmem:s23], [sflag:$0x2] =	stream.indirect.gather [hbm4b:s5+s15], $0x80, s26, s15, $0xb8;
	[tilespmem:$0x1FC00] =	vst v63  }
.LBB2_13:
0x112: {  	_ =	sfence.sel $0x180000  }
0x113: {  	[bflag:$0x0] =	sbarrier.arrive $0xFFFF  }
0x114: {  	_ =	strace $0x90000047  }
0x115: {  	s0 =	stileid.u32;
	[bflag:$0x2] =	sbarrier.arrive $0xFFFF  }
0x116: {  	p0 =	sne.s32 s0, $0x0;
	s0 =	rddreg [dreg:$0x3]  }
0x117: {  	s0 =	sadd.s32 @!p0 $0x100000, s0  }
0x118: {  	[sflag:s0] =	ssyncadd.tile.s32 @!p0 $0x1;
	_ =	shalt  }
.Lfunc_end2:
_tile_overlayer_lowered:
.L_overlay_start_2:
0x119: {  	(tag) =	ssettag $0x2  }
0x11a: {  	s0 =	rddreg [dreg:$0x0];
	s2 =	stileid.u32  }
0x11b: {  	s1 =	rddreg [dreg:$0x1];
	p0 =	sne.s32 s2, $0x0  }
0x11c: {  	s3 =	rddreg [dreg:$0x2];
	[bflag:$0x3] =	sbarrier.arrive $0xFFFF;
	s2 =	simm.s32 @!p0 $0x1C03  }
0x11d: {  	[timem:s3], [sflag:s2] =	dma.local @!p0 [hbm:s0], s1  }
0x11e: {  	s0 =	simm.s32 @!p0 $0x3  }
0x11f: {  	_ =	swait.ge @!p0 [sflag:s0], s1  }
0x120: {  	s1 =	ssub.s32 @!p0 $0x0, s1;
	[sflag:s0] =	ssyncset.done @!p0 $0x0  }
0x121: {  	[sflag:s0] =	ssyncadd.s32 @!p0 s1  }
0x122: {  	[bflag:$0x3] =	sbarrier.arrive $0xFFFF  }
0x123: {  	_ =	shalt  }

</sc_bundles>
